<compile_context>
chip_gen: v7x
topology: tpu7x:2x2x1
jax: 0.10.2.dev20260603
libtpu: 0.0.44.dev20260713+nightly
codegen_flags: <defaults>
</compile_context>

<pallas_src>
import jax
import jax.numpy as jnp
from jax import lax
from jax.experimental import pallas as pl
from jax.experimental.pallas import tpu as pltpu
from jax.experimental.pallas import tpu_sc as plsc

B, H, W, C = 8, 224, 224, 96
CP = 128
HW = H * W
N = B * HW
ROW_BLOCK = 32
TILES_PER_BATCH = 4
ROWS_PER_TILE = H // TILES_PER_BATCH
CHUNK = 32
CPR = W // CHUNK
OCT_CHUNKS = 8 * CPR
CGROUPS = C // 16



def _mean_pad_body(x_ref, mean_ref, xpad_ref):
    j = pl.program_id(1)
    x = x_ref[...]
    part = jnp.sum(jnp.sum(x[0], axis=0), axis=0) * (1.0 / HW)
    part = part.reshape(1, 1, C)

    @pl.when(j == 0)
    def _():
        mean_ref[...] = part

    @pl.when(j > 0)
    def _():
        mean_ref[...] = mean_ref[...] + part

    xpad_ref[...] = jnp.concatenate(
        [x, jnp.zeros((1, ROW_BLOCK, W, CP - C), dtype=jnp.float32)],
        axis=3).reshape(ROW_BLOCK * W, CP)


def _mean_pad(inputs):
    return pl.pallas_call(
        _mean_pad_body,
        grid=(B, H // ROW_BLOCK),
        in_specs=[pl.BlockSpec((1, ROW_BLOCK, W, C), lambda b, j: (b, j, 0, 0))],
        out_specs=[
            pl.BlockSpec((1, 1, C), lambda b, j: (b, 0, 0)),
            pl.BlockSpec((ROW_BLOCK * W, CP),
                         lambda b, j: (b * (H // ROW_BLOCK) + j, 0)),
        ],
        out_shape=[
            jax.ShapeDtypeStruct((B, 1, C), jnp.float32),
            jax.ShapeDtypeStruct((N, CP), jnp.float32),
        ],
    )(inputs)



def _theta_body(mean_ref, wk_ref, bk_ref, grid_ref,
                theta_ref, rowy_ref, rowx_ref, coly_ref, colx_ref):
    th = jnp.dot(mean_ref[...], wk_ref[...],
                 preferred_element_type=jnp.float32) + bk_ref[...]
    theta_ref[...] = jnp.concatenate(
        [th, jnp.zeros((B, 10), dtype=jnp.float32)], axis=1)
    tb = th.astype(jnp.bfloat16).astype(jnp.float32)
    g = grid_ref[...]
    rowy_ref[...] = (tb[:, 0:1] * g + (tb[:, 2:3] + 1.0)) * 111.5
    rowx_ref[...] = (tb[:, 3:4] * g + (tb[:, 5:6] + 1.0)) * 111.5
    coly_ref[...] = (tb[:, 1:2] * g) * 111.5
    colx_ref[...] = (tb[:, 4:5] * g) * 111.5


def _theta_head(mean, Wk, bk2, gridb):
    return pl.pallas_call(
        _theta_body,
        out_shape=[
            jax.ShapeDtypeStruct((B, 16), jnp.float32),
            jax.ShapeDtypeStruct((B, W), jnp.float32),
            jax.ShapeDtypeStruct((B, W), jnp.float32),
            jax.ShapeDtypeStruct((B, W), jnp.float32),
            jax.ShapeDtypeStruct((B, W), jnp.float32),
        ],
    )(mean, Wk, bk2, gridb)



def _sample_body(table_hbm, rowy_hbm, rowx_hbm, coly_hbm, colx_hbm, out_hbm,
                 ry_v, rx_v, cy_v, cx_v, ys_v, xs_v,
                 idx0a_v, idx1a_v, idx2a_v, idx3a_v,
                 idx0b_v, idx1b_v, idx2b_v, idx3b_v,
                 w0a_v, w1a_v, w2a_v, w3a_v,
                 w0b_v, w1b_v, w2b_v, w3b_v,
                 r0a_v, r1a_v, r2a_v, r3a_v,
                 r0b_v, r1b_v, r2b_v, r3b_v,
                 outc_v, sema, semb):
    nc = 2
    wid = lax.axis_index("s") * nc + lax.axis_index("c")
    b = wid // TILES_PER_BATCH
    quarter = wid % TILES_PER_BATCH

    tbase = b * HW
    row0 = quarter * ROWS_PER_TILE

    pltpu.sync_copy(rowy_hbm.at[pl.ds(b * W + row0, 64)], ry_v)
    pltpu.sync_copy(rowx_hbm.at[pl.ds(b * W + row0, 64)], rx_v)
    pltpu.sync_copy(coly_hbm.at[pl.ds(b * W, W)], cy_v)
    pltpu.sync_copy(colx_hbm.at[pl.ds(b * W, W)], cx_v)

    idx_sets = ((idx0a_v, idx1a_v, idx2a_v, idx3a_v),
                (idx0b_v, idx1b_v, idx2b_v, idx3b_v))
    w_sets = ((w0a_v, w1a_v, w2a_v, w3a_v),
              (w0b_v, w1b_v, w2b_v, w3b_v))
    row_sets = ((r0a_v, r1a_v, r2a_v, r3a_v),
                (r0b_v, r1b_v, r2b_v, r3b_v))
    sems = (sema, semb)

    def fill_ys(base8):
        ryg = ry_v[pl.ds(base8, 16)]
        rxg = rx_v[pl.ds(base8, 16)]
        for r8 in range(8):
            yrow = ryg[r8]
            xrow = rxg[r8]

            def fgrp(g, acc, yrow=yrow, xrow=xrow, r8=r8):
                jsl = pl.ds(g * 16, 16)
                ys_v[r8, jsl] = yrow + cy_v[jsl]
                xs_v[r8, jsl] = xrow + cx_v[jsl]
                return acc

            lax.fori_loop(0, W // 16, fgrp, 0)

    def gen_chunk(t, p):
        rr = t // CPR
        jb = (t % CPR) * CHUNK
        idxs = idx_sets[p]
        ws = w_sets[p]

        def gen_group(g, acc_carry):
            jsl = pl.ds(jb + g * 16, 16)
            ys = ys_v[rr, jsl]
            xs = xs_v[rr, jsl]
            ty = ys.astype(jnp.int32)
            y0 = jnp.where(ty.astype(jnp.float32) > ys, ty - 1, ty)
            tx = xs.astype(jnp.int32)
            x0 = jnp.where(tx.astype(jnp.float32) > xs, tx - 1, tx)
            y1 = y0 + 1
            x1 = x0 + 1
            y0c = jnp.clip(y0, 0, H - 1)
            y1c = jnp.clip(y1, 0, H - 1)
            x0c = jnp.clip(x0, 0, W - 1)
            x1c = jnp.clip(x1, 0, W - 1)
            y0f = y0c.astype(jnp.float32)
            y1f = y1c.astype(jnp.float32)
            x0f = x0c.astype(jnp.float32)
            x1f = x1c.astype(jnp.float32)
            sl = pl.ds(g * 16, 16)
            ws[0][sl] = (y1f - ys) * (x1f - xs)
            ws[1][sl] = (y1f - ys) * (xs - x0f)
            ws[2][sl] = (ys - y0f) * (x1f - xs)
            ws[3][sl] = (ys - y0f) * (xs - x0f)
            rb0 = tbase + y0c * W
            rb1 = tbase + y1c * W
            idxs[0][sl] = rb0 + x0c
            idxs[1][sl] = rb0 + x1c
            idxs[2][sl] = rb1 + x0c
            idxs[3][sl] = rb1 + x1c
            return acc_carry

        lax.fori_loop(0, CHUNK // 16, gen_group, 0)

    def fire_chunk(p):
        idxs = idx_sets[p]
        rows = row_sets[p]
        for q in range(4):
            pltpu.async_copy(table_hbm.at[idxs[q]], rows[q], sems[p])

    def wait_chunk(p):
        rows = row_sets[p]
        for q in range(4):
            pltpu.make_async_copy(table_hbm.at[idx_sets[p][q]], rows[q],
                                  sems[p]).wait()

    def px_chunk(t, base8, p):
        ws = w_sets[p]
        rows = row_sets[p]
        gi = row0 + base8 + t // CPR
        jb0 = (t % CPR) * CHUNK

        def px_group(g, acc_carry):
            gsl = pl.ds(g * 16, 16)
            w0g = ws[0][gsl]
            w1g = ws[1][gsl]
            w2g = ws[2][gsl]
            w3g = ws[3][gsl]

            def ch_group(cg, inner_carry):
                cs = pl.ds(cg * 16, 16)
                for kk in range(16):
                    k = g * 16 + kk
                    outc_v[k, cs] = (w0g[kk] * rows[0][k, cs]
                                     + w1g[kk] * rows[1][k, cs]
                                     + w2g[kk] * rows[2][k, cs]
                                     + w3g[kk] * rows[3][k, cs])
                return inner_carry

            lax.fori_loop(0, CGROUPS, ch_group, 0)
            return acc_carry

        lax.fori_loop(0, CHUNK // 16, px_group, 0)
        pltpu.sync_copy(outc_v, out_hbm.at[b, gi, pl.ds(jb0, CHUNK)])

    def oct_body(oc, carry):
        base8 = oc * 8
        fill_ys(base8)
        gen_chunk(0, 0)
        fire_chunk(0)

        def step(t, acc_carry):
            p = lax.rem(t, 2)
            more = t + 1 < OCT_CHUNKS

            @pl.when(more & (p == 0))
            def _():
                gen_chunk(t + 1, 1)
                fire_chunk(1)

            @pl.when(more & (p == 1))
            def _():
                gen_chunk(t + 1, 0)
                fire_chunk(0)

            @pl.when(p == 0)
            def _():
                wait_chunk(0)
                px_chunk(t, base8, 0)

            @pl.when(p == 1)
            def _():
                wait_chunk(1)
                px_chunk(t, base8, 1)

            return acc_carry

        lax.fori_loop(0, OCT_CHUNKS, step, 0)
        return carry

    lax.fori_loop(0, ROWS_PER_TILE // 8, oct_body, 0)


def _sample_sc(table, rowy, rowx, coly, colx):
    mesh = plsc.VectorSubcoreMesh(
        core_axis_name="c", subcore_axis_name="s",
        num_cores=2, num_subcores=16)
    fn = pl.kernel(
        _sample_body,
        out_type=jax.ShapeDtypeStruct((B, H, W, C), jnp.float32),
        mesh=mesh,
        scratch_types=(
            [pltpu.VMEM((64,), jnp.float32)] * 2
            + [pltpu.VMEM((W,), jnp.float32)] * 2
            + [pltpu.VMEM((8, W), jnp.float32)] * 2
            + [pltpu.VMEM((CHUNK,), jnp.int32)] * 8
            + [pltpu.VMEM((CHUNK,), jnp.float32)] * 8
            + [pltpu.VMEM((CHUNK, CP), jnp.float32)] * 8
            + [pltpu.VMEM((CHUNK, C), jnp.float32)]
            + [pltpu.SemaphoreType.DMA, pltpu.SemaphoreType.DMA]
        ),
    )
    return fn(table, rowy, rowx, coly, colx)


def kernel(inputs, Wk, bk):
    mean3, xpad = _mean_pad(inputs)
    gridb = (jnp.linspace(-1.0, 1.0, W, dtype=jnp.float32)
             .astype(jnp.bfloat16).astype(jnp.float32).reshape(1, W))
    theta_pad, rowy, rowx, coly, colx = _theta_head(
        mean3.reshape(B, C), Wk, bk.reshape(1, 6), gridb)
    table = xpad
    zpad = jnp.zeros((64,), jnp.float32)
    out = _sample_sc(
        table,
        jnp.concatenate([rowy.reshape(B * W), zpad]),
        jnp.concatenate([rowx.reshape(B * W), zpad]),
        coly.reshape(B * W), colx.reshape(B * W))
    theta = theta_pad[:, :6].reshape(B, 2, 3)
    return (out, theta)

# --- scband reference (transcript-rebuilt; emitter-appended) ---
"""Pipeline reference for scband-spatial-transformer-layer-65953517797885 (READ-ONLY COPY).

The authoritative reference and input builder live on the scoring server;
editing this copy changes nothing except your own understanding.
"""

import jax, jax.numpy as jnp
import numpy as np

B, H, W, C = 8, 224, 224, 96
U_H, U_W = 224, 224

def setup_inputs(seed: int = 0):
    key = jax.random.key(seed)
    k1, k2 = jax.random.split(key)
    inputs = jax.random.normal(k1, (B, H, W, C), dtype=jnp.float32)
    Wk = jax.random.normal(k2, (C, 6), dtype=jnp.float32) * 0.01
    bk = jnp.array([1.0, 0.0, 0.0, 0.0, 1.0, 0.0], dtype=jnp.float32)
    return {"inputs": inputs, "Wk": Wk, "bk": bk}

def _regular_grid(h, w):
    y = jnp.reshape(jnp.tile(jnp.linspace(-1.0, 1.0, h)[:, None], (1, w)), (-1,))
    x = jnp.tile(jnp.linspace(-1.0, 1.0, w), (h,))
    one = jnp.ones((h * w,), dtype=jnp.float32)
    return jnp.stack([y, x, one]).astype(jnp.float32)

def _bilinear(inputs, trans_grid):
    b, v_h, v_w, c = inputs.shape
    y_s = trans_grid[:, 0, :, :]
    x_s = trans_grid[:, 1, :, :]
    y_s = (y_s + 1.0) * 0.5 * (v_h - 1)
    x_s = (x_s + 1.0) * 0.5 * (v_w - 1)
    y0 = jnp.floor(y_s).astype(jnp.int32)
    y1 = y0 + 1
    x0 = jnp.floor(x_s).astype(jnp.int32)
    x1 = x0 + 1
    y0 = jnp.clip(y0, 0, v_h - 1)
    y1 = jnp.clip(y1, 0, v_h - 1)
    x0 = jnp.clip(x0, 0, v_w - 1)
    x1 = jnp.clip(x1, 0, v_w - 1)
    bidx = jnp.arange(b)[:, None, None]
    v0 = inputs[bidx, y0, x0]
    v1 = inputs[bidx, y0, x1]
    v2 = inputs[bidx, y1, x0]
    v3 = inputs[bidx, y1, x1]
    y0f = y0.astype(jnp.float32); y1f = y1.astype(jnp.float32)
    x0f = x0.astype(jnp.float32); x1f = x1.astype(jnp.float32)
    w0 = (y1f - y_s) * (x1f - x_s)
    w1 = (y1f - y_s) * (x_s - x0f)
    w2 = (y_s - y0f) * (x1f - x_s)
    w3 = (y_s - y0f) * (x_s - x0f)
    w0 = w0[..., None]; w1 = w1[..., None]; w2 = w2[..., None]; w3 = w3[..., None]
    return w0 * v0 + w1 * v1 + w2 * v2 + w3 * v3

def reference(inputs, Wk, bk):
    # loc_net: global average pooling over spatial dims, then flatten (already [B, C])
    loc = jnp.mean(inputs, axis=(1, 2))
    theta = loc @ Wk + bk
    theta = jnp.reshape(theta, (-1, 2, 3))
    grid = _regular_grid(U_H, U_W)
    trans = jnp.einsum('bij,jk->bik', theta, grid)
    trans = jnp.reshape(trans, (-1, 2, U_H, U_W))
    out = _bilinear(inputs, trans)
    return (out, theta)

if __name__ == "__main__":
    import jax
    _d = setup_inputs()
    print(jax.jit(kernel)(*tuple(_d.values())))

</pallas_src>

<mosaic_0001>
#map = affine_map<(d0, d1) -> (0, 0)>
#map1 = affine_map<(d0, d1) -> (0)>
#map2 = affine_map<(d0, d1) -> (0, 0, 0, 0)>
module attributes {stable_mosaic.version = 14 : i64} {
  func.func @_sample_body(%arg0: i32, %arg1: i32, %arg2: memref<401408x128xf32, #tpu.memory_space<hbm>>, %arg3: memref<1856xf32, #tpu.memory_space<hbm>>, %arg4: memref<1856xf32, #tpu.memory_space<hbm>>, %arg5: memref<1792xf32, #tpu.memory_space<hbm>>, %arg6: memref<1792xf32, #tpu.memory_space<hbm>>, %arg7: memref<8x224x224x96xf32, #tpu.memory_space<hbm>>, %arg8: memref<64xf32, #tpu.memory_space<vmem>>, %arg9: memref<64xf32, #tpu.memory_space<vmem>>, %arg10: memref<224xf32, #tpu.memory_space<vmem>>, %arg11: memref<224xf32, #tpu.memory_space<vmem>>, %arg12: memref<8x224xf32, #tpu.memory_space<vmem>>, %arg13: memref<8x224xf32, #tpu.memory_space<vmem>>, %arg14: memref<32xi32, #tpu.memory_space<vmem>>, %arg15: memref<32xi32, #tpu.memory_space<vmem>>, %arg16: memref<32xi32, #tpu.memory_space<vmem>>, %arg17: memref<32xi32, #tpu.memory_space<vmem>>, %arg18: memref<32xi32, #tpu.memory_space<vmem>>, %arg19: memref<32xi32, #tpu.memory_space<vmem>>, %arg20: memref<32xi32, #tpu.memory_space<vmem>>, %arg21: memref<32xi32, #tpu.memory_space<vmem>>, %arg22: memref<32xf32, #tpu.memory_space<vmem>>, %arg23: memref<32xf32, #tpu.memory_space<vmem>>, %arg24: memref<32xf32, #tpu.memory_space<vmem>>, %arg25: memref<32xf32, #tpu.memory_space<vmem>>, %arg26: memref<32xf32, #tpu.memory_space<vmem>>, %arg27: memref<32xf32, #tpu.memory_space<vmem>>, %arg28: memref<32xf32, #tpu.memory_space<vmem>>, %arg29: memref<32xf32, #tpu.memory_space<vmem>>, %arg30: memref<32x128xf32, #tpu.memory_space<vmem>>, %arg31: memref<32x128xf32, #tpu.memory_space<vmem>>, %arg32: memref<32x128xf32, #tpu.memory_space<vmem>>, %arg33: memref<32x128xf32, #tpu.memory_space<vmem>>, %arg34: memref<32x128xf32, #tpu.memory_space<vmem>>, %arg35: memref<32x128xf32, #tpu.memory_space<vmem>>, %arg36: memref<32x128xf32, #tpu.memory_space<vmem>>, %arg37: memref<32x128xf32, #tpu.memory_space<vmem>>, %arg38: memref<32x96xf32, #tpu.memory_space<vmem>>, %arg39: memref<!tpu.dma_semaphore, #tpu.memory_space<semaphore_mem>>, %arg40: memref<!tpu.dma_semaphore, #tpu.memory_space<semaphore_mem>>) attributes {dimension_semantics = [#tpu.dimension_semantics<core_parallel>, #tpu.dimension_semantics<subcore_parallel>], iteration_bounds = array<i64: 2, 16>, scalar_prefetch = 0 : i64, scratch_operands = 33 : i64, tpu.core_type = #tpu.core_type<sc_vector_subcore>, window_params = [{transform_indices = #map}, {transform_indices = #map1}, {transform_indices = #map1}, {transform_indices = #map1}, {transform_indices = #map1}, {transform_indices = #map2}]} {
    %mul3A = arith.constant 2 : i32
    %mul3A_0 = arith.muli %arg1, %mul3A : i32
    %add3A = arith.addi %mul3A_0, %arg0 : i32
    %jit3A = arith.constant 4 : i32
    %div3A = arith.divsi %add3A, %jit3A : i32
    %sign3A = arith.constant 0 : i32
    %sign3A_1 = arith.cmpi sgt, %add3A, %sign3A : i32
    %sign3A_2 = arith.extui %sign3A_1 : i1 to i32
    %sign3A_3 = arith.constant 0 : i32
    %sign3A_4 = arith.cmpi slt, %add3A, %sign3A_3 : i32
    %sign3A_5 = arith.extui %sign3A_4 : i1 to i32
    %sign3A_6 = arith.subi %sign3A_2, %sign3A_5 : i32
    %sign3A_7 = arith.constant 0 : i32
    %sign3A_8 = arith.cmpi sgt, %jit3A, %sign3A_7 : i32
    %sign3A_9 = arith.extui %sign3A_8 : i1 to i32
    %sign3A_10 = arith.constant 0 : i32
    %sign3A_11 = arith.cmpi slt, %jit3A, %sign3A_10 : i32
    %sign3A_12 = arith.extui %sign3A_11 : i1 to i32
    %sign3A_13 = arith.subi %sign3A_9, %sign3A_12 : i32
    %ne3A = arith.cmpi ne, %sign3A_6, %sign3A_13 : i32
    %rem3A = arith.remsi %add3A, %jit3A : i32
    %ne3A_14 = arith.constant 0 : i32
    %ne3A_15 = arith.cmpi ne, %rem3A, %ne3A_14 : i32
    %and3A = arith.andi %ne3A, %ne3A_15 : i1
    %sub3A = arith.constant 1 : i32
    %sub3A_16 = arith.subi %div3A, %sub3A : i32
    %select_n3A = arith.select %and3A, %sub3A_16, %div3A : i32
    %jit3A_17 = arith.constant 4 : i32
    %eq3A = arith.constant 0 : i32
    %eq3A_18 = arith.cmpi eq, %jit3A_17, %eq3A : i32
    %jit3A_19 = arith.constant 1 : i32
    %select_n3A_20 = arith.select %eq3A_18, %jit3A_19, %jit3A_17 : i32
    %rem3A_21 = arith.remsi %add3A, %select_n3A_20 : i32
    %ne3A_22 = arith.constant 0 : i32
    %ne3A_23 = arith.cmpi ne, %rem3A_21, %ne3A_22 : i32
    %lt3A = arith.constant 0 : i32
    %lt3A_24 = arith.cmpi slt, %rem3A_21, %lt3A : i32
    %lt3A_25 = arith.constant 0 : i32
    %lt3A_26 = arith.cmpi slt, %select_n3A_20, %lt3A_25 : i32
    %ne3A_27 = arith.xori %lt3A_24, %lt3A_26 : i1
    %and3A_28 = arith.andi %ne3A_27, %ne3A_23 : i1
    %add3A_29 = arith.addi %rem3A_21, %select_n3A_20 : i32
    %select_n3A_30 = arith.select %and3A_28, %add3A_29, %rem3A_21 : i32
    %mul3A_31 = arith.constant 50176 : i32
    %mul3A_32 = arith.muli %select_n3A, %mul3A_31 : i32
    %mul3A_33 = arith.constant 56 : i32
    %mul3A_34 = arith.muli %select_n3A_30, %mul3A_33 : i32
    %mul3A_35 = arith.constant 224 : i32
    %mul3A_36 = arith.muli %select_n3A, %mul3A_35 : i32
    %add3A_37 = arith.addi %mul3A_36, %mul3A_34 : i32
    "tpu.region"() ({
      %run_scoped3A = tpu.sem_alloc : memref<!tpu.dma_semaphore, #tpu.memory_space<semaphore_mem>>
      %dma_start3A = tpu.memref_slice %arg3[%add3A_37] : memref<1856xf32, #tpu.memory_space<hbm>> -> memref<64xf32, #tpu.memory_space<hbm>>
      %dma_start3A_50 = tpu.memref_slice %arg3[%add3A_37] : memref<1856xf32, #tpu.memory_space<hbm>> -> memref<64xf32, #tpu.memory_space<hbm>>
      tpu.enqueue_dma source(%dma_start3A_50 : memref<64xf32, #tpu.memory_space<hbm>>) target(%arg8 : memref<64xf32, #tpu.memory_space<vmem>>) target_semaphore(%run_scoped3A : memref<!tpu.dma_semaphore, #tpu.memory_space<semaphore_mem>>)
      %dma_wait3A = tpu.memref_slice %arg3[%add3A_37] : memref<1856xf32, #tpu.memory_space<hbm>> -> memref<64xf32, #tpu.memory_space<hbm>>
      %dma_wait3A_51 = tpu.memref_slice %arg3[%add3A_37] : memref<1856xf32, #tpu.memory_space<hbm>> -> memref<64xf32, #tpu.memory_space<hbm>>
      tpu.wait_dma2 semaphore(%run_scoped3A : memref<!tpu.dma_semaphore, #tpu.memory_space<semaphore_mem>>) src(%dma_wait3A_51 : memref<64xf32, #tpu.memory_space<hbm>>) dst(%arg8 : memref<64xf32, #tpu.memory_space<vmem>>)
      tpu.yield
    }) : () -> ()
    %mul3A_38 = arith.constant 224 : i32
    %mul3A_39 = arith.muli %select_n3A, %mul3A_38 : i32
    %add3A_40 = arith.addi %mul3A_39, %mul3A_34 : i32
    "tpu.region"() ({
      %run_scoped3A = tpu.sem_alloc : memref<!tpu.dma_semaphore, #tpu.memory_space<semaphore_mem>>
      %dma_start3A = tpu.memref_slice %arg4[%add3A_40] : memref<1856xf32, #tpu.memory_space<hbm>> -> memref<64xf32, #tpu.memory_space<hbm>>
      %dma_start3A_50 = tpu.memref_slice %arg4[%add3A_40] : memref<1856xf32, #tpu.memory_space<hbm>> -> memref<64xf32, #tpu.memory_space<hbm>>
      tpu.enqueue_dma source(%dma_start3A_50 : memref<64xf32, #tpu.memory_space<hbm>>) target(%arg9 : memref<64xf32, #tpu.memory_space<vmem>>) target_semaphore(%run_scoped3A : memref<!tpu.dma_semaphore, #tpu.memory_space<semaphore_mem>>)
      %dma_wait3A = tpu.memref_slice %arg4[%add3A_40] : memref<1856xf32, #tpu.memory_space<hbm>> -> memref<64xf32, #tpu.memory_space<hbm>>
      %dma_wait3A_51 = tpu.memref_slice %arg4[%add3A_40] : memref<1856xf32, #tpu.memory_space<hbm>> -> memref<64xf32, #tpu.memory_space<hbm>>
      tpu.wait_dma2 semaphore(%run_scoped3A : memref<!tpu.dma_semaphore, #tpu.memory_space<semaphore_mem>>) src(%dma_wait3A_51 : memref<64xf32, #tpu.memory_space<hbm>>) dst(%arg9 : memref<64xf32, #tpu.memory_space<vmem>>)
      tpu.yield
    }) : () -> ()
    %mul3A_41 = arith.constant 224 : i32
    %mul3A_42 = arith.muli %select_n3A, %mul3A_41 : i32
    "tpu.region"() ({
      %run_scoped3A = tpu.sem_alloc : memref<!tpu.dma_semaphore, #tpu.memory_space<semaphore_mem>>
      %dma_start3A = tpu.memref_slice %arg5[%mul3A_42] : memref<1792xf32, #tpu.memory_space<hbm>> -> memref<224xf32, #tpu.memory_space<hbm>>
      %dma_start3A_50 = tpu.memref_slice %arg5[%mul3A_42] : memref<1792xf32, #tpu.memory_space<hbm>> -> memref<224xf32, #tpu.memory_space<hbm>>
      tpu.enqueue_dma source(%dma_start3A_50 : memref<224xf32, #tpu.memory_space<hbm>>) target(%arg10 : memref<224xf32, #tpu.memory_space<vmem>>) target_semaphore(%run_scoped3A : memref<!tpu.dma_semaphore, #tpu.memory_space<semaphore_mem>>)
      %dma_wait3A = tpu.memref_slice %arg5[%mul3A_42] : memref<1792xf32, #tpu.memory_space<hbm>> -> memref<224xf32, #tpu.memory_space<hbm>>
      %dma_wait3A_51 = tpu.memref_slice %arg5[%mul3A_42] : memref<1792xf32, #tpu.memory_space<hbm>> -> memref<224xf32, #tpu.memory_space<hbm>>
      tpu.wait_dma2 semaphore(%run_scoped3A : memref<!tpu.dma_semaphore, #tpu.memory_space<semaphore_mem>>) src(%dma_wait3A_51 : memref<224xf32, #tpu.memory_space<hbm>>) dst(%arg10 : memref<224xf32, #tpu.memory_space<vmem>>)
      tpu.yield
    }) : () -> ()
    %mul3A_43 = arith.constant 224 : i32
    %mul3A_44 = arith.muli %select_n3A, %mul3A_43 : i32
    "tpu.region"() ({
      %run_scoped3A = tpu.sem_alloc : memref<!tpu.dma_semaphore, #tpu.memory_space<semaphore_mem>>
      %dma_start3A = tpu.memref_slice %arg6[%mul3A_44] : memref<1792xf32, #tpu.memory_space<hbm>> -> memref<224xf32, #tpu.memory_space<hbm>>
      %dma_start3A_50 = tpu.memref_slice %arg6[%mul3A_44] : memref<1792xf32, #tpu.memory_space<hbm>> -> memref<224xf32, #tpu.memory_space<hbm>>
      tpu.enqueue_dma source(%dma_start3A_50 : memref<224xf32, #tpu.memory_space<hbm>>) target(%arg11 : memref<224xf32, #tpu.memory_space<vmem>>) target_semaphore(%run_scoped3A : memref<!tpu.dma_semaphore, #tpu.memory_space<semaphore_mem>>)
      %dma_wait3A = tpu.memref_slice %arg6[%mul3A_44] : memref<1792xf32, #tpu.memory_space<hbm>> -> memref<224xf32, #tpu.memory_space<hbm>>
      %dma_wait3A_51 = tpu.memref_slice %arg6[%mul3A_44] : memref<1792xf32, #tpu.memory_space<hbm>> -> memref<224xf32, #tpu.memory_space<hbm>>
      tpu.wait_dma2 semaphore(%run_scoped3A : memref<!tpu.dma_semaphore, #tpu.memory_space<semaphore_mem>>) src(%dma_wait3A_51 : memref<224xf32, #tpu.memory_space<hbm>>) dst(%arg11 : memref<224xf32, #tpu.memory_space<vmem>>)
      tpu.yield
    }) : () -> ()
    %scan3A = arith.constant 0 : i32
    %scan3A_45 = arith.constant 0 : i32
    %scan3A_46 = arith.constant 7 : i32
    %scan3A_47 = arith.addi %scan3A_45, %scan3A_46 : i32
    %scan3A_48 = arith.constant 1 : i32
    scf.for %scan3A_50 = %scan3A_45 to %scan3A_47 step %scan3A_48  : i32 {
      %mul3A_51 = arith.constant 8 : i32
      %mul3A_52 = arith.muli %scan3A_50, %mul3A_51 : i32
      %get3A = arith.index_cast %mul3A_52 : i32 to index
      %get3A_53 = tpu.vector_load %arg8[%get3A] {strides = array<i32>} : memref<64xf32, #tpu.memory_space<vmem>>, vector<16xf32>,
      %get3A_54 = vector.shape_cast %get3A_53 : vector<16xf32> to vector<16xf32>
      %get3A_55 = arith.index_cast %mul3A_52 : i32 to index
      %get3A_56 = tpu.vector_load %arg9[%get3A_55] {strides = array<i32>} : memref<64xf32, #tpu.memory_space<vmem>>, vector<16xf32>,
      %get3A_57 = vector.shape_cast %get3A_56 : vector<16xf32> to vector<16xf32>
      %slice3A = vector.extract_strided_slice %get3A_54 {offsets = [0], sizes = [1], strides = [1]} : vector<16xf32> to vector<1xf32>
      %squeeze3A = vector.extract %slice3A[0] : f32 from vector<1xf32>
      %slice3A_58 = vector.extract_strided_slice %get3A_57 {offsets = [0], sizes = [1], strides = [1]} : vector<16xf32> to vector<1xf32>
      %squeeze3A_59 = vector.extract %slice3A_58[0] : f32 from vector<1xf32>
      %scan3A_60 = arith.constant 0 : i32
      %scan3A_61 = arith.constant 0 : i32
      %scan3A_62 = arith.constant 14 : i32
      %scan3A_63 = arith.addi %scan3A_61, %scan3A_62 : i32
      %scan3A_64 = arith.constant 1 : i32
      scf.for %scan3A_159 = %scan3A_61 to %scan3A_63 step %scan3A_64  : i32 {
        %mul3A_160 = arith.constant 16 : i32
        %mul3A_161 = arith.muli %scan3A_159, %mul3A_160 : i32
        %get3A_162 = arith.index_cast %mul3A_161 : i32 to index
        %get3A_163 = tpu.vector_load %arg10[%get3A_162] {strides = array<i32>} : memref<224xf32, #tpu.memory_space<vmem>>, vector<16xf32>,
        %get3A_164 = vector.shape_cast %get3A_163 : vector<16xf32> to vector<16xf32>
        %add3A_165 = vector.broadcast %squeeze3A : f32 to vector<16xf32>
        %add3A_166 = arith.addf %add3A_165, %get3A_164 : vector<16xf32>
        %swap3A = arith.constant 0 : i32
        %swap3A_167 = arith.index_cast %swap3A : i32 to index
        %swap3A_168 = arith.index_cast %mul3A_161 : i32 to index
        %swap3A_169 = tpu.vector_load %arg12[%swap3A_167, %swap3A_168] {strides = array<i32>} : memref<8x224xf32, #tpu.memory_space<vmem>>, vector<1x16xf32>,
        %swap3A_170 = vector.shape_cast %swap3A_169 : vector<1x16xf32> to vector<16xf32>
        %swap3A_171 = vector.shape_cast %add3A_166 : vector<16xf32> to vector<1x16xf32>
        tpu.vector_store %arg12[%swap3A_167, %swap3A_168], %swap3A_171 {strides = array<i32>} : memref<8x224xf32, #tpu.memory_space<vmem>>, vector<1x16xf32>,
        %get3A_172 = arith.index_cast %mul3A_161 : i32 to index
        %get3A_173 = tpu.vector_load %arg11[%get3A_172] {strides = array<i32>} : memref<224xf32, #tpu.memory_space<vmem>>, vector<16xf32>,
        %get3A_174 = vector.shape_cast %get3A_173 : vector<16xf32> to vector<16xf32>
        %add3A_175 = vector.broadcast %squeeze3A_59 : f32 to vector<16xf32>
        %add3A_176 = arith.addf %add3A_175, %get3A_174 : vector<16xf32>
        %swap3A_177 = arith.constant 0 : i32
        %swap3A_178 = arith.index_cast %swap3A_177 : i32 to index
        %swap3A_179 = arith.index_cast %mul3A_161 : i32 to index
        %swap3A_180 = tpu.vector_load %arg13[%swap3A_178, %swap3A_179] {strides = array<i32>} : memref<8x224xf32, #tpu.memory_space<vmem>>, vector<1x16xf32>,
        %swap3A_181 = vector.shape_cast %swap3A_180 : vector<1x16xf32> to vector<16xf32>
        %swap3A_182 = vector.shape_cast %add3A_176 : vector<16xf32> to vector<1x16xf32>
        tpu.vector_store %arg13[%swap3A_178, %swap3A_179], %swap3A_182 {strides = array<i32>} : memref<8x224xf32, #tpu.memory_space<vmem>>, vector<1x16xf32>,
      }
      %scan3A_65 = arith.constant 14 : i32
      %slice3A_66 = vector.extract_strided_slice %get3A_54 {offsets = [1], sizes = [1], strides = [1]} : vector<16xf32> to vector<1xf32>
      %squeeze3A_67 = vector.extract %slice3A_66[0] : f32 from vector<1xf32>
      %slice3A_68 = vector.extract_strided_slice %get3A_57 {offsets = [1], sizes = [1], strides = [1]} : vector<16xf32> to vector<1xf32>
      %squeeze3A_69 = vector.extract %slice3A_68[0] : f32 from vector<1xf32>
      %scan3A_70 = arith.constant 0 : i32
      %scan3A_71 = arith.constant 0 : i32
      %scan3A_72 = arith.constant 14 : i32
      %scan3A_73 = arith.addi %scan3A_71, %scan3A_72 : i32
      %scan3A_74 = arith.constant 1 : i32
      scf.for %scan3A_159 = %scan3A_71 to %scan3A_73 step %scan3A_74  : i32 {
        %mul3A_160 = arith.constant 16 : i32
        %mul3A_161 = arith.muli %scan3A_159, %mul3A_160 : i32
        %get3A_162 = arith.index_cast %mul3A_161 : i32 to index
        %get3A_163 = tpu.vector_load %arg10[%get3A_162] {strides = array<i32>} : memref<224xf32, #tpu.memory_space<vmem>>, vector<16xf32>,
        %get3A_164 = vector.shape_cast %get3A_163 : vector<16xf32> to vector<16xf32>
        %add3A_165 = vector.broadcast %squeeze3A_67 : f32 to vector<16xf32>
        %add3A_166 = arith.addf %add3A_165, %get3A_164 : vector<16xf32>
        %swap3A = arith.constant 1 : i32
        %swap3A_167 = arith.index_cast %swap3A : i32 to index
        %swap3A_168 = arith.index_cast %mul3A_161 : i32 to index
        %swap3A_169 = tpu.vector_load %arg12[%swap3A_167, %swap3A_168] {strides = array<i32>} : memref<8x224xf32, #tpu.memory_space<vmem>>, vector<1x16xf32>,
        %swap3A_170 = vector.shape_cast %swap3A_169 : vector<1x16xf32> to vector<16xf32>
        %swap3A_171 = vector.shape_cast %add3A_166 : vector<16xf32> to vector<1x16xf32>
        tpu.vector_store %arg12[%swap3A_167, %swap3A_168], %swap3A_171 {strides = array<i32>} : memref<8x224xf32, #tpu.memory_space<vmem>>, vector<1x16xf32>,
        %get3A_172 = arith.index_cast %mul3A_161 : i32 to index
        %get3A_173 = tpu.vector_load %arg11[%get3A_172] {strides = array<i32>} : memref<224xf32, #tpu.memory_space<vmem>>, vector<16xf32>,
        %get3A_174 = vector.shape_cast %get3A_173 : vector<16xf32> to vector<16xf32>
        %add3A_175 = vector.broadcast %squeeze3A_69 : f32 to vector<16xf32>
        %add3A_176 = arith.addf %add3A_175, %get3A_174 : vector<16xf32>
        %swap3A_177 = arith.constant 1 : i32
        %swap3A_178 = arith.index_cast %swap3A_177 : i32 to index
        %swap3A_179 = arith.index_cast %mul3A_161 : i32 to index
        %swap3A_180 = tpu.vector_load %arg13[%swap3A_178, %swap3A_179] {strides = array<i32>} : memref<8x224xf32, #tpu.memory_space<vmem>>, vector<1x16xf32>,
        %swap3A_181 = vector.shape_cast %swap3A_180 : vector<1x16xf32> to vector<16xf32>
        %swap3A_182 = vector.shape_cast %add3A_176 : vector<16xf32> to vector<1x16xf32>
        tpu.vector_store %arg13[%swap3A_178, %swap3A_179], %swap3A_182 {strides = array<i32>} : memref<8x224xf32, #tpu.memory_space<vmem>>, vector<1x16xf32>,
      }
      %scan3A_75 = arith.constant 14 : i32
      %slice3A_76 = vector.extract_strided_slice %get3A_54 {offsets = [2], sizes = [1], strides = [1]} : vector<16xf32> to vector<1xf32>
      %squeeze3A_77 = vector.extract %slice3A_76[0] : f32 from vector<1xf32>
      %slice3A_78 = vector.extract_strided_slice %get3A_57 {offsets = [2], sizes = [1], strides = [1]} : vector<16xf32> to vector<1xf32>
      %squeeze3A_79 = vector.extract %slice3A_78[0] : f32 from vector<1xf32>
      %scan3A_80 = arith.constant 0 : i32
      %scan3A_81 = arith.constant 0 : i32
      %scan3A_82 = arith.constant 14 : i32
      %scan3A_83 = arith.addi %scan3A_81, %scan3A_82 : i32
      %scan3A_84 = arith.constant 1 : i32
      scf.for %scan3A_159 = %scan3A_81 to %scan3A_83 step %scan3A_84  : i32 {
        %mul3A_160 = arith.constant 16 : i32
        %mul3A_161 = arith.muli %scan3A_159, %mul3A_160 : i32
        %get3A_162 = arith.index_cast %mul3A_161 : i32 to index
        %get3A_163 = tpu.vector_load %arg10[%get3A_162] {strides = array<i32>} : memref<224xf32, #tpu.memory_space<vmem>>, vector<16xf32>,
        %get3A_164 = vector.shape_cast %get3A_163 : vector<16xf32> to vector<16xf32>
        %add3A_165 = vector.broadcast %squeeze3A_77 : f32 to vector<16xf32>
        %add3A_166 = arith.addf %add3A_165, %get3A_164 : vector<16xf32>
        %swap3A = arith.constant 2 : i32
        %swap3A_167 = arith.index_cast %swap3A : i32 to index
        %swap3A_168 = arith.index_cast %mul3A_161 : i32 to index
        %swap3A_169 = tpu.vector_load %arg12[%swap3A_167, %swap3A_168] {strides = array<i32>} : memref<8x224xf32, #tpu.memory_space<vmem>>, vector<1x16xf32>,
        %swap3A_170 = vector.shape_cast %swap3A_169 : vector<1x16xf32> to vector<16xf32>
        %swap3A_171 = vector.shape_cast %add3A_166 : vector<16xf32> to vector<1x16xf32>
        tpu.vector_store %arg12[%swap3A_167, %swap3A_168], %swap3A_171 {strides = array<i32>} : memref<8x224xf32, #tpu.memory_space<vmem>>, vector<1x16xf32>,
        %get3A_172 = arith.index_cast %mul3A_161 : i32 to index
        %get3A_173 = tpu.vector_load %arg11[%get3A_172] {strides = array<i32>} : memref<224xf32, #tpu.memory_space<vmem>>, vector<16xf32>,
        %get3A_174 = vector.shape_cast %get3A_173 : vector<16xf32> to vector<16xf32>
        %add3A_175 = vector.broadcast %squeeze3A_79 : f32 to vector<16xf32>
        %add3A_176 = arith.addf %add3A_175, %get3A_174 : vector<16xf32>
        %swap3A_177 = arith.constant 2 : i32
        %swap3A_178 = arith.index_cast %swap3A_177 : i32 to index
        %swap3A_179 = arith.index_cast %mul3A_161 : i32 to index
        %swap3A_180 = tpu.vector_load %arg13[%swap3A_178, %swap3A_179] {strides = array<i32>} : memref<8x224xf32, #tpu.memory_space<vmem>>, vector<1x16xf32>,
        %swap3A_181 = vector.shape_cast %swap3A_180 : vector<1x16xf32> to vector<16xf32>
        %swap3A_182 = vector.shape_cast %add3A_176 : vector<16xf32> to vector<1x16xf32>
        tpu.vector_store %arg13[%swap3A_178, %swap3A_179], %swap3A_182 {strides = array<i32>} : memref<8x224xf32, #tpu.memory_space<vmem>>, vector<1x16xf32>,
      }
      %scan3A_85 = arith.constant 14 : i32
      %slice3A_86 = vector.extract_strided_slice %get3A_54 {offsets = [3], sizes = [1], strides = [1]} : vector<16xf32> to vector<1xf32>
      %squeeze3A_87 = vector.extract %slice3A_86[0] : f32 from vector<1xf32>
      %slice3A_88 = vector.extract_strided_slice %get3A_57 {offsets = [3], sizes = [1], strides = [1]} : vector<16xf32> to vector<1xf32>
      %squeeze3A_89 = vector.extract %slice3A_88[0] : f32 from vector<1xf32>
      %scan3A_90 = arith.constant 0 : i32
      %scan3A_91 = arith.constant 0 : i32
      %scan3A_92 = arith.constant 14 : i32
      %scan3A_93 = arith.addi %scan3A_91, %scan3A_92 : i32
      %scan3A_94 = arith.constant 1 : i32
      scf.for %scan3A_159 = %scan3A_91 to %scan3A_93 step %scan3A_94  : i32 {
        %mul3A_160 = arith.constant 16 : i32
        %mul3A_161 = arith.muli %scan3A_159, %mul3A_160 : i32
        %get3A_162 = arith.index_cast %mul3A_161 : i32 to index
        %get3A_163 = tpu.vector_load %arg10[%get3A_162] {strides = array<i32>} : memref<224xf32, #tpu.memory_space<vmem>>, vector<16xf32>,
        %get3A_164 = vector.shape_cast %get3A_163 : vector<16xf32> to vector<16xf32>
        %add3A_165 = vector.broadcast %squeeze3A_87 : f32 to vector<16xf32>
        %add3A_166 = arith.addf %add3A_165, %get3A_164 : vector<16xf32>
        %swap3A = arith.constant 3 : i32
        %swap3A_167 = arith.index_cast %swap3A : i32 to index
        %swap3A_168 = arith.index_cast %mul3A_161 : i32 to index
        %swap3A_169 = tpu.vector_load %arg12[%swap3A_167, %swap3A_168] {strides = array<i32>} : memref<8x224xf32, #tpu.memory_space<vmem>>, vector<1x16xf32>,
        %swap3A_170 = vector.shape_cast %swap3A_169 : vector<1x16xf32> to vector<16xf32>
        %swap3A_171 = vector.shape_cast %add3A_166 : vector<16xf32> to vector<1x16xf32>
        tpu.vector_store %arg12[%swap3A_167, %swap3A_168], %swap3A_171 {strides = array<i32>} : memref<8x224xf32, #tpu.memory_space<vmem>>, vector<1x16xf32>,
        %get3A_172 = arith.index_cast %mul3A_161 : i32 to index
        %get3A_173 = tpu.vector_load %arg11[%get3A_172] {strides = array<i32>} : memref<224xf32, #tpu.memory_space<vmem>>, vector<16xf32>,
        %get3A_174 = vector.shape_cast %get3A_173 : vector<16xf32> to vector<16xf32>
        %add3A_175 = vector.broadcast %squeeze3A_89 : f32 to vector<16xf32>
        %add3A_176 = arith.addf %add3A_175, %get3A_174 : vector<16xf32>
        %swap3A_177 = arith.constant 3 : i32
        %swap3A_178 = arith.index_cast %swap3A_177 : i32 to index
        %swap3A_179 = arith.index_cast %mul3A_161 : i32 to index
        %swap3A_180 = tpu.vector_load %arg13[%swap3A_178, %swap3A_179] {strides = array<i32>} : memref<8x224xf32, #tpu.memory_space<vmem>>, vector<1x16xf32>,
        %swap3A_181 = vector.shape_cast %swap3A_180 : vector<1x16xf32> to vector<16xf32>
        %swap3A_182 = vector.shape_cast %add3A_176 : vector<16xf32> to vector<1x16xf32>
        tpu.vector_store %arg13[%swap3A_178, %swap3A_179], %swap3A_182 {strides = array<i32>} : memref<8x224xf32, #tpu.memory_space<vmem>>, vector<1x16xf32>,
      }
      %scan3A_95 = arith.constant 14 : i32
      %slice3A_96 = vector.extract_strided_slice %get3A_54 {offsets = [4], sizes = [1], strides = [1]} : vector<16xf32> to vector<1xf32>
      %squeeze3A_97 = vector.extract %slice3A_96[0] : f32 from vector<1xf32>
      %slice3A_98 = vector.extract_strided_slice %get3A_57 {offsets = [4], sizes = [1], strides = [1]} : vector<16xf32> to vector<1xf32>
      %squeeze3A_99 = vector.extract %slice3A_98[0] : f32 from vector<1xf32>
      %scan3A_100 = arith.constant 0 : i32
      %scan3A_101 = arith.constant 0 : i32
      %scan3A_102 = arith.constant 14 : i32
      %scan3A_103 = arith.addi %scan3A_101, %scan3A_102 : i32
      %scan3A_104 = arith.constant 1 : i32
      scf.for %scan3A_159 = %scan3A_101 to %scan3A_103 step %scan3A_104  : i32 {
        %mul3A_160 = arith.constant 16 : i32
        %mul3A_161 = arith.muli %scan3A_159, %mul3A_160 : i32
        %get3A_162 = arith.index_cast %mul3A_161 : i32 to index
        %get3A_163 = tpu.vector_load %arg10[%get3A_162] {strides = array<i32>} : memref<224xf32, #tpu.memory_space<vmem>>, vector<16xf32>,
        %get3A_164 = vector.shape_cast %get3A_163 : vector<16xf32> to vector<16xf32>
        %add3A_165 = vector.broadcast %squeeze3A_97 : f32 to vector<16xf32>
        %add3A_166 = arith.addf %add3A_165, %get3A_164 : vector<16xf32>
        %swap3A = arith.constant 4 : i32
        %swap3A_167 = arith.index_cast %swap3A : i32 to index
        %swap3A_168 = arith.index_cast %mul3A_161 : i32 to index
        %swap3A_169 = tpu.vector_load %arg12[%swap3A_167, %swap3A_168] {strides = array<i32>} : memref<8x224xf32, #tpu.memory_space<vmem>>, vector<1x16xf32>,
        %swap3A_170 = vector.shape_cast %swap3A_169 : vector<1x16xf32> to vector<16xf32>
        %swap3A_171 = vector.shape_cast %add3A_166 : vector<16xf32> to vector<1x16xf32>
        tpu.vector_store %arg12[%swap3A_167, %swap3A_168], %swap3A_171 {strides = array<i32>} : memref<8x224xf32, #tpu.memory_space<vmem>>, vector<1x16xf32>,
        %get3A_172 = arith.index_cast %mul3A_161 : i32 to index
        %get3A_173 = tpu.vector_load %arg11[%get3A_172] {strides = array<i32>} : memref<224xf32, #tpu.memory_space<vmem>>, vector<16xf32>,
        %get3A_174 = vector.shape_cast %get3A_173 : vector<16xf32> to vector<16xf32>
        %add3A_175 = vector.broadcast %squeeze3A_99 : f32 to vector<16xf32>
        %add3A_176 = arith.addf %add3A_175, %get3A_174 : vector<16xf32>
        %swap3A_177 = arith.constant 4 : i32
        %swap3A_178 = arith.index_cast %swap3A_177 : i32 to index
        %swap3A_179 = arith.index_cast %mul3A_161 : i32 to index
        %swap3A_180 = tpu.vector_load %arg13[%swap3A_178, %swap3A_179] {strides = array<i32>} : memref<8x224xf32, #tpu.memory_space<vmem>>, vector<1x16xf32>,
        %swap3A_181 = vector.shape_cast %swap3A_180 : vector<1x16xf32> to vector<16xf32>
        %swap3A_182 = vector.shape_cast %add3A_176 : vector<16xf32> to vector<1x16xf32>
        tpu.vector_store %arg13[%swap3A_178, %swap3A_179], %swap3A_182 {strides = array<i32>} : memref<8x224xf32, #tpu.memory_space<vmem>>, vector<1x16xf32>,
      }
      %scan3A_105 = arith.constant 14 : i32
      %slice3A_106 = vector.extract_strided_slice %get3A_54 {offsets = [5], sizes = [1], strides = [1]} : vector<16xf32> to vector<1xf32>
      %squeeze3A_107 = vector.extract %slice3A_106[0] : f32 from vector<1xf32>
      %slice3A_108 = vector.extract_strided_slice %get3A_57 {offsets = [5], sizes = [1], strides = [1]} : vector<16xf32> to vector<1xf32>
      %squeeze3A_109 = vector.extract %slice3A_108[0] : f32 from vector<1xf32>
      %scan3A_110 = arith.constant 0 : i32
      %scan3A_111 = arith.constant 0 : i32
      %scan3A_112 = arith.constant 14 : i32
      %scan3A_113 = arith.addi %scan3A_111, %scan3A_112 : i32
      %scan3A_114 = arith.constant 1 : i32
      scf.for %scan3A_159 = %scan3A_111 to %scan3A_113 step %scan3A_114  : i32 {
        %mul3A_160 = arith.constant 16 : i32
        %mul3A_161 = arith.muli %scan3A_159, %mul3A_160 : i32
        %get3A_162 = arith.index_cast %mul3A_161 : i32 to index
        %get3A_163 = tpu.vector_load %arg10[%get3A_162] {strides = array<i32>} : memref<224xf32, #tpu.memory_space<vmem>>, vector<16xf32>,
        %get3A_164 = vector.shape_cast %get3A_163 : vector<16xf32> to vector<16xf32>
        %add3A_165 = vector.broadcast %squeeze3A_107 : f32 to vector<16xf32>
        %add3A_166 = arith.addf %add3A_165, %get3A_164 : vector<16xf32>
        %swap3A = arith.constant 5 : i32
        %swap3A_167 = arith.index_cast %swap3A : i32 to index
        %swap3A_168 = arith.index_cast %mul3A_161 : i32 to index
        %swap3A_169 = tpu.vector_load %arg12[%swap3A_167, %swap3A_168] {strides = array<i32>} : memref<8x224xf32, #tpu.memory_space<vmem>>, vector<1x16xf32>,
        %swap3A_170 = vector.shape_cast %swap3A_169 : vector<1x16xf32> to vector<16xf32>
        %swap3A_171 = vector.shape_cast %add3A_166 : vector<16xf32> to vector<1x16xf32>
        tpu.vector_store %arg12[%swap3A_167, %swap3A_168], %swap3A_171 {strides = array<i32>} : memref<8x224xf32, #tpu.memory_space<vmem>>, vector<1x16xf32>,
        %get3A_172 = arith.index_cast %mul3A_161 : i32 to index
        %get3A_173 = tpu.vector_load %arg11[%get3A_172] {strides = array<i32>} : memref<224xf32, #tpu.memory_space<vmem>>, vector<16xf32>,
        %get3A_174 = vector.shape_cast %get3A_173 : vector<16xf32> to vector<16xf32>
        %add3A_175 = vector.broadcast %squeeze3A_109 : f32 to vector<16xf32>
        %add3A_176 = arith.addf %add3A_175, %get3A_174 : vector<16xf32>
        %swap3A_177 = arith.constant 5 : i32
        %swap3A_178 = arith.index_cast %swap3A_177 : i32 to index
        %swap3A_179 = arith.index_cast %mul3A_161 : i32 to index
        %swap3A_180 = tpu.vector_load %arg13[%swap3A_178, %swap3A_179] {strides = array<i32>} : memref<8x224xf32, #tpu.memory_space<vmem>>, vector<1x16xf32>,
        %swap3A_181 = vector.shape_cast %swap3A_180 : vector<1x16xf32> to vector<16xf32>
        %swap3A_182 = vector.shape_cast %add3A_176 : vector<16xf32> to vector<1x16xf32>
        tpu.vector_store %arg13[%swap3A_178, %swap3A_179], %swap3A_182 {strides = array<i32>} : memref<8x224xf32, #tpu.memory_space<vmem>>, vector<1x16xf32>,
      }
      %scan3A_115 = arith.constant 14 : i32
      %slice3A_116 = vector.extract_strided_slice %get3A_54 {offsets = [6], sizes = [1], strides = [1]} : vector<16xf32> to vector<1xf32>
      %squeeze3A_117 = vector.extract %slice3A_116[0] : f32 from vector<1xf32>
      %slice3A_118 = vector.extract_strided_slice %get3A_57 {offsets = [6], sizes = [1], strides = [1]} : vector<16xf32> to vector<1xf32>
      %squeeze3A_119 = vector.extract %slice3A_118[0] : f32 from vector<1xf32>
      %scan3A_120 = arith.constant 0 : i32
      %scan3A_121 = arith.constant 0 : i32
      %scan3A_122 = arith.constant 14 : i32
      %scan3A_123 = arith.addi %scan3A_121, %scan3A_122 : i32
      %scan3A_124 = arith.constant 1 : i32
      scf.for %scan3A_159 = %scan3A_121 to %scan3A_123 step %scan3A_124  : i32 {
        %mul3A_160 = arith.constant 16 : i32
        %mul3A_161 = arith.muli %scan3A_159, %mul3A_160 : i32
        %get3A_162 = arith.index_cast %mul3A_161 : i32 to index
        %get3A_163 = tpu.vector_load %arg10[%get3A_162] {strides = array<i32>} : memref<224xf32, #tpu.memory_space<vmem>>, vector<16xf32>,
        %get3A_164 = vector.shape_cast %get3A_163 : vector<16xf32> to vector<16xf32>
        %add3A_165 = vector.broadcast %squeeze3A_117 : f32 to vector<16xf32>
        %add3A_166 = arith.addf %add3A_165, %get3A_164 : vector<16xf32>
        %swap3A = arith.constant 6 : i32
        %swap3A_167 = arith.index_cast %swap3A : i32 to index
        %swap3A_168 = arith.index_cast %mul3A_161 : i32 to index
        %swap3A_169 = tpu.vector_load %arg12[%swap3A_167, %swap3A_168] {strides = array<i32>} : memref<8x224xf32, #tpu.memory_space<vmem>>, vector<1x16xf32>,
        %swap3A_170 = vector.shape_cast %swap3A_169 : vector<1x16xf32> to vector<16xf32>
        %swap3A_171 = vector.shape_cast %add3A_166 : vector<16xf32> to vector<1x16xf32>
        tpu.vector_store %arg12[%swap3A_167, %swap3A_168], %swap3A_171 {strides = array<i32>} : memref<8x224xf32, #tpu.memory_space<vmem>>, vector<1x16xf32>,
        %get3A_172 = arith.index_cast %mul3A_161 : i32 to index
        %get3A_173 = tpu.vector_load %arg11[%get3A_172] {strides = array<i32>} : memref<224xf32, #tpu.memory_space<vmem>>, vector<16xf32>,
        %get3A_174 = vector.shape_cast %get3A_173 : vector<16xf32> to vector<16xf32>
        %add3A_175 = vector.broadcast %squeeze3A_119 : f32 to vector<16xf32>
        %add3A_176 = arith.addf %add3A_175, %get3A_174 : vector<16xf32>
        %swap3A_177 = arith.constant 6 : i32
        %swap3A_178 = arith.index_cast %swap3A_177 : i32 to index
        %swap3A_179 = arith.index_cast %mul3A_161 : i32 to index
        %swap3A_180 = tpu.vector_load %arg13[%swap3A_178, %swap3A_179] {strides = array<i32>} : memref<8x224xf32, #tpu.memory_space<vmem>>, vector<1x16xf32>,
        %swap3A_181 = vector.shape_cast %swap3A_180 : vector<1x16xf32> to vector<16xf32>
        %swap3A_182 = vector.shape_cast %add3A_176 : vector<16xf32> to vector<1x16xf32>
        tpu.vector_store %arg13[%swap3A_178, %swap3A_179], %swap3A_182 {strides = array<i32>} : memref<8x224xf32, #tpu.memory_space<vmem>>, vector<1x16xf32>,
      }
      %scan3A_125 = arith.constant 14 : i32
      %slice3A_126 = vector.extract_strided_slice %get3A_54 {offsets = [7], sizes = [1], strides = [1]} : vector<16xf32> to vector<1xf32>
      %squeeze3A_127 = vector.extract %slice3A_126[0] : f32 from vector<1xf32>
      %slice3A_128 = vector.extract_strided_slice %get3A_57 {offsets = [7], sizes = [1], strides = [1]} : vector<16xf32> to vector<1xf32>
      %squeeze3A_129 = vector.extract %slice3A_128[0] : f32 from vector<1xf32>
      %scan3A_130 = arith.constant 0 : i32
      %scan3A_131 = arith.constant 0 : i32
      %scan3A_132 = arith.constant 14 : i32
      %scan3A_133 = arith.addi %scan3A_131, %scan3A_132 : i32
      %scan3A_134 = arith.constant 1 : i32
      scf.for %scan3A_159 = %scan3A_131 to %scan3A_133 step %scan3A_134  : i32 {
        %mul3A_160 = arith.constant 16 : i32
        %mul3A_161 = arith.muli %scan3A_159, %mul3A_160 : i32
        %get3A_162 = arith.index_cast %mul3A_161 : i32 to index
        %get3A_163 = tpu.vector_load %arg10[%get3A_162] {strides = array<i32>} : memref<224xf32, #tpu.memory_space<vmem>>, vector<16xf32>,
        %get3A_164 = vector.shape_cast %get3A_163 : vector<16xf32> to vector<16xf32>
        %add3A_165 = vector.broadcast %squeeze3A_127 : f32 to vector<16xf32>
        %add3A_166 = arith.addf %add3A_165, %get3A_164 : vector<16xf32>
        %swap3A = arith.constant 7 : i32
        %swap3A_167 = arith.index_cast %swap3A : i32 to index
        %swap3A_168 = arith.index_cast %mul3A_161 : i32 to index
        %swap3A_169 = tpu.vector_load %arg12[%swap3A_167, %swap3A_168] {strides = array<i32>} : memref<8x224xf32, #tpu.memory_space<vmem>>, vector<1x16xf32>,
        %swap3A_170 = vector.shape_cast %swap3A_169 : vector<1x16xf32> to vector<16xf32>
        %swap3A_171 = vector.shape_cast %add3A_166 : vector<16xf32> to vector<1x16xf32>
        tpu.vector_store %arg12[%swap3A_167, %swap3A_168], %swap3A_171 {strides = array<i32>} : memref<8x224xf32, #tpu.memory_space<vmem>>, vector<1x16xf32>,
        %get3A_172 = arith.index_cast %mul3A_161 : i32 to index
        %get3A_173 = tpu.vector_load %arg11[%get3A_172] {strides = array<i32>} : memref<224xf32, #tpu.memory_space<vmem>>, vector<16xf32>,
        %get3A_174 = vector.shape_cast %get3A_173 : vector<16xf32> to vector<16xf32>
        %add3A_175 = vector.broadcast %squeeze3A_129 : f32 to vector<16xf32>
        %add3A_176 = arith.addf %add3A_175, %get3A_174 : vector<16xf32>
        %swap3A_177 = arith.constant 7 : i32
        %swap3A_178 = arith.index_cast %swap3A_177 : i32 to index
        %swap3A_179 = arith.index_cast %mul3A_161 : i32 to index
        %swap3A_180 = tpu.vector_load %arg13[%swap3A_178, %swap3A_179] {strides = array<i32>} : memref<8x224xf32, #tpu.memory_space<vmem>>, vector<1x16xf32>,
        %swap3A_181 = vector.shape_cast %swap3A_180 : vector<1x16xf32> to vector<16xf32>
        %swap3A_182 = vector.shape_cast %add3A_176 : vector<16xf32> to vector<1x16xf32>
        tpu.vector_store %arg13[%swap3A_178, %swap3A_179], %swap3A_182 {strides = array<i32>} : memref<8x224xf32, #tpu.memory_space<vmem>>, vector<1x16xf32>,
      }
      %scan3A_135 = arith.constant 14 : i32
      %scan3A_136 = arith.constant 0 : i32
      %scan3A_137 = arith.constant 0 : i32
      %scan3A_138 = arith.constant 2 : i32
      %scan3A_139 = arith.addi %scan3A_137, %scan3A_138 : i32
      %scan3A_140 = arith.constant 1 : i32
      scf.for %scan3A_159 = %scan3A_137 to %scan3A_139 step %scan3A_140  : i32 {
        %mul3A_160 = arith.constant 16 : i32
        %mul3A_161 = arith.muli %scan3A_159, %mul3A_160 : i32
        %add3A_162 = arith.constant 0 : i32
        %add3A_163 = arith.addi %add3A_162, %mul3A_161 : i32
        %get3A_164 = arith.constant 0 : i32
        %get3A_165 = arith.index_cast %get3A_164 : i32 to index
        %get3A_166 = arith.index_cast %add3A_163 : i32 to index
        %get3A_167 = tpu.vector_load %arg12[%get3A_165, %get3A_166] {strides = array<i32>} : memref<8x224xf32, #tpu.memory_space<vmem>>, vector<1x16xf32>,
        %get3A_168 = vector.shape_cast %get3A_167 : vector<1x16xf32> to vector<16xf32>
        %get3A_169 = arith.constant 0 : i32
        %get3A_170 = arith.index_cast %get3A_169 : i32 to index
        %get3A_171 = arith.index_cast %add3A_163 : i32 to index
        %get3A_172 = tpu.vector_load %arg13[%get3A_170, %get3A_171] {strides = array<i32>} : memref<8x224xf32, #tpu.memory_space<vmem>>, vector<1x16xf32>,
        %get3A_173 = vector.shape_cast %get3A_172 : vector<1x16xf32> to vector<16xf32>
        %convert_element_type3A = arith.fptosi %get3A_168 : vector<16xf32> to vector<16xi32>
        %convert_element_type3A_174 = arith.sitofp %convert_element_type3A : vector<16xi32> to vector<16xf32>
        %gt3A = arith.cmpf ogt, %convert_element_type3A_174, %get3A_168 : vector<16xf32>
        %sub3A_175 = arith.constant 1 : i32
        %sub3A_176 = vector.broadcast %sub3A_175 : i32 to vector<16xi32>
        %sub3A_177 = arith.subi %convert_element_type3A, %sub3A_176 : vector<16xi32>
        %select_n3A_178 = arith.select %gt3A, %sub3A_177, %convert_element_type3A : vector<16xi1>, vector<16xi32>
        %convert_element_type3A_179 = arith.fptosi %get3A_173 : vector<16xf32> to vector<16xi32>
        %convert_element_type3A_180 = arith.sitofp %convert_element_type3A_179 : vector<16xi32> to vector<16xf32>
        %gt3A_181 = arith.cmpf ogt, %convert_element_type3A_180, %get3A_173 : vector<16xf32>
        %sub3A_182 = arith.constant 1 : i32
        %sub3A_183 = vector.broadcast %sub3A_182 : i32 to vector<16xi32>
        %sub3A_184 = arith.subi %convert_element_type3A_179, %sub3A_183 : vector<16xi32>
        %select_n3A_185 = arith.select %gt3A_181, %sub3A_184, %convert_element_type3A_179 : vector<16xi1>, vector<16xi32>
        %add3A_186 = arith.constant 1 : i32
        %add3A_187 = vector.broadcast %add3A_186 : i32 to vector<16xi32>
        %add3A_188 = arith.addi %select_n3A_178, %add3A_187 : vector<16xi32>
        %add3A_189 = arith.constant 1 : i32
        %add3A_190 = vector.broadcast %add3A_189 : i32 to vector<16xi32>
        %add3A_191 = arith.addi %select_n3A_185, %add3A_190 : vector<16xi32>
        %jit3A_192 = arith.constant 0 : i32
        %jit3A_193 = arith.constant 223 : i32
        %max3A = vector.broadcast %jit3A_192 : i32 to vector<16xi32>
        %max3A_194 = arith.maxsi %max3A, %select_n3A_178 : vector<16xi32>
        %min3A = vector.broadcast %jit3A_193 : i32 to vector<16xi32>
        %min3A_195 = arith.minsi %min3A, %max3A_194 : vector<16xi32>
        %jit3A_196 = arith.constant 0 : i32
        %jit3A_197 = arith.constant 223 : i32
        %max3A_198 = vector.broadcast %jit3A_196 : i32 to vector<16xi32>
        %max3A_199 = arith.maxsi %max3A_198, %add3A_188 : vector<16xi32>
        %min3A_200 = vector.broadcast %jit3A_197 : i32 to vector<16xi32>
        %min3A_201 = arith.minsi %min3A_200, %max3A_199 : vector<16xi32>
        %jit3A_202 = arith.constant 0 : i32
        %jit3A_203 = arith.constant 223 : i32
        %max3A_204 = vector.broadcast %jit3A_202 : i32 to vector<16xi32>
        %max3A_205 = arith.maxsi %max3A_204, %select_n3A_185 : vector<16xi32>
        %min3A_206 = vector.broadcast %jit3A_203 : i32 to vector<16xi32>
        %min3A_207 = arith.minsi %min3A_206, %max3A_205 : vector<16xi32>
        %jit3A_208 = arith.constant 0 : i32
        %jit3A_209 = arith.constant 223 : i32
        %max3A_210 = vector.broadcast %jit3A_208 : i32 to vector<16xi32>
        %max3A_211 = arith.maxsi %max3A_210, %add3A_191 : vector<16xi32>
        %min3A_212 = vector.broadcast %jit3A_209 : i32 to vector<16xi32>
        %min3A_213 = arith.minsi %min3A_212, %max3A_211 : vector<16xi32>
        %convert_element_type3A_214 = arith.sitofp %min3A_195 : vector<16xi32> to vector<16xf32>
        %convert_element_type3A_215 = arith.sitofp %min3A_201 : vector<16xi32> to vector<16xf32>
        %convert_element_type3A_216 = arith.sitofp %min3A_207 : vector<16xi32> to vector<16xf32>
        %convert_element_type3A_217 = arith.sitofp %min3A_213 : vector<16xi32> to vector<16xf32>
        %mul3A_218 = arith.constant 16 : i32
        %mul3A_219 = arith.muli %scan3A_159, %mul3A_218 : i32
        %sub3A_220 = arith.subf %convert_element_type3A_215, %get3A_168 : vector<16xf32>
        %sub3A_221 = arith.subf %convert_element_type3A_217, %get3A_173 : vector<16xf32>
        %mul3A_222 = arith.mulf %sub3A_220, %sub3A_221 : vector<16xf32>
        %swap3A = arith.index_cast %mul3A_219 : i32 to index
        %swap3A_223 = tpu.vector_load %arg22[%swap3A] {strides = array<i32>} : memref<32xf32, #tpu.memory_space<vmem>>, vector<16xf32>,
        %swap3A_224 = vector.shape_cast %swap3A_223 : vector<16xf32> to vector<16xf32>
        %swap3A_225 = vector.shape_cast %mul3A_222 : vector<16xf32> to vector<16xf32>
        tpu.vector_store %arg22[%swap3A], %swap3A_225 {strides = array<i32>} : memref<32xf32, #tpu.memory_space<vmem>>, vector<16xf32>,
        %sub3A_226 = arith.subf %convert_element_type3A_215, %get3A_168 : vector<16xf32>
        %sub3A_227 = arith.subf %get3A_173, %convert_element_type3A_216 : vector<16xf32>
        %mul3A_228 = arith.mulf %sub3A_226, %sub3A_227 : vector<16xf32>
        %swap3A_229 = arith.index_cast %mul3A_219 : i32 to index
        %swap3A_230 = tpu.vector_load %arg23[%swap3A_229] {strides = array<i32>} : memref<32xf32, #tpu.memory_space<vmem>>, vector<16xf32>,
        %swap3A_231 = vector.shape_cast %swap3A_230 : vector<16xf32> to vector<16xf32>
        %swap3A_232 = vector.shape_cast %mul3A_228 : vector<16xf32> to vector<16xf32>
        tpu.vector_store %arg23[%swap3A_229], %swap3A_232 {strides = array<i32>} : memref<32xf32, #tpu.memory_space<vmem>>, vector<16xf32>,
        %sub3A_233 = arith.subf %get3A_168, %convert_element_type3A_214 : vector<16xf32>
        %sub3A_234 = arith.subf %convert_element_type3A_217, %get3A_173 : vector<16xf32>
        %mul3A_235 = arith.mulf %sub3A_233, %sub3A_234 : vector<16xf32>
        %swap3A_236 = arith.index_cast %mul3A_219 : i32 to index
        %swap3A_237 = tpu.vector_load %arg24[%swap3A_236] {strides = array<i32>} : memref<32xf32, #tpu.memory_space<vmem>>, vector<16xf32>,
        %swap3A_238 = vector.shape_cast %swap3A_237 : vector<16xf32> to vector<16xf32>
        %swap3A_239 = vector.shape_cast %mul3A_235 : vector<16xf32> to vector<16xf32>
        tpu.vector_store %arg24[%swap3A_236], %swap3A_239 {strides = array<i32>} : memref<32xf32, #tpu.memory_space<vmem>>, vector<16xf32>,
        %sub3A_240 = arith.subf %get3A_168, %convert_element_type3A_214 : vector<16xf32>
        %sub3A_241 = arith.subf %get3A_173, %convert_element_type3A_216 : vector<16xf32>
        %mul3A_242 = arith.mulf %sub3A_240, %sub3A_241 : vector<16xf32>
        %swap3A_243 = arith.index_cast %mul3A_219 : i32 to index
        %swap3A_244 = tpu.vector_load %arg25[%swap3A_243] {strides = array<i32>} : memref<32xf32, #tpu.memory_space<vmem>>, vector<16xf32>,
        %swap3A_245 = vector.shape_cast %swap3A_244 : vector<16xf32> to vector<16xf32>
        %swap3A_246 = vector.shape_cast %mul3A_242 : vector<16xf32> to vector<16xf32>
        tpu.vector_store %arg25[%swap3A_243], %swap3A_246 {strides = array<i32>} : memref<32xf32, #tpu.memory_space<vmem>>, vector<16xf32>,
        %mul3A_247 = arith.constant 224 : i32
        %mul3A_248 = vector.broadcast %mul3A_247 : i32 to vector<16xi32>
        %mul3A_249 = arith.muli %min3A_195, %mul3A_248 : vector<16xi32>
        %add3A_250 = vector.broadcast %mul3A_32 : i32 to vector<16xi32>
        %add3A_251 = arith.addi %add3A_250, %mul3A_249 : vector<16xi32>
        %mul3A_252 = arith.constant 224 : i32
        %mul3A_253 = vector.broadcast %mul3A_252 : i32 to vector<16xi32>
        %mul3A_254 = arith.muli %min3A_201, %mul3A_253 : vector<16xi32>
        %add3A_255 = vector.broadcast %mul3A_32 : i32 to vector<16xi32>
        %add3A_256 = arith.addi %add3A_255, %mul3A_254 : vector<16xi32>
        %add3A_257 = arith.addi %add3A_251, %min3A_207 : vector<16xi32>
        %swap3A_258 = arith.index_cast %mul3A_219 : i32 to index
        %swap3A_259 = tpu.vector_load %arg14[%swap3A_258] {strides = array<i32>} : memref<32xi32, #tpu.memory_space<vmem>>, vector<16xi32>,
        %swap3A_260 = vector.shape_cast %swap3A_259 : vector<16xi32> to vector<16xi32>
        %swap3A_261 = vector.shape_cast %add3A_257 : vector<16xi32> to vector<16xi32>
        tpu.vector_store %arg14[%swap3A_258], %swap3A_261 {strides = array<i32>} : memref<32xi32, #tpu.memory_space<vmem>>, vector<16xi32>,
        %add3A_262 = arith.addi %add3A_251, %min3A_213 : vector<16xi32>
        %swap3A_263 = arith.index_cast %mul3A_219 : i32 to index
        %swap3A_264 = tpu.vector_load %arg15[%swap3A_263] {strides = array<i32>} : memref<32xi32, #tpu.memory_space<vmem>>, vector<16xi32>,
        %swap3A_265 = vector.shape_cast %swap3A_264 : vector<16xi32> to vector<16xi32>
        %swap3A_266 = vector.shape_cast %add3A_262 : vector<16xi32> to vector<16xi32>
        tpu.vector_store %arg15[%swap3A_263], %swap3A_266 {strides = array<i32>} : memref<32xi32, #tpu.memory_space<vmem>>, vector<16xi32>,
        %add3A_267 = arith.addi %add3A_256, %min3A_207 : vector<16xi32>
        %swap3A_268 = arith.index_cast %mul3A_219 : i32 to index
        %swap3A_269 = tpu.vector_load %arg16[%swap3A_268] {strides = array<i32>} : memref<32xi32, #tpu.memory_space<vmem>>, vector<16xi32>,
        %swap3A_270 = vector.shape_cast %swap3A_269 : vector<16xi32> to vector<16xi32>
        %swap3A_271 = vector.shape_cast %add3A_267 : vector<16xi32> to vector<16xi32>
        tpu.vector_store %arg16[%swap3A_268], %swap3A_271 {strides = array<i32>} : memref<32xi32, #tpu.memory_space<vmem>>, vector<16xi32>,
        %add3A_272 = arith.addi %add3A_256, %min3A_213 : vector<16xi32>
        %swap3A_273 = arith.index_cast %mul3A_219 : i32 to index
        %swap3A_274 = tpu.vector_load %arg17[%swap3A_273] {strides = array<i32>} : memref<32xi32, #tpu.memory_space<vmem>>, vector<16xi32>,
        %swap3A_275 = vector.shape_cast %swap3A_274 : vector<16xi32> to vector<16xi32>
        %swap3A_276 = vector.shape_cast %add3A_272 : vector<16xi32> to vector<16xi32>
        tpu.vector_store %arg17[%swap3A_273], %swap3A_276 {strides = array<i32>} : memref<32xi32, #tpu.memory_space<vmem>>, vector<16xi32>,
      }
      %scan3A_141 = arith.constant 2 : i32
      %dma_start3A = arith.constant 0 : i32
      %dma_start3A_142 = arith.constant 0 : i32
      %dma_start3A_143 = tpu.memref_slice %arg2[%dma_start3A, %dma_start3A_142] : memref<401408x128xf32, #tpu.memory_space<hbm>> -> memref<401408x128xf32, #tpu.memory_space<hbm>>
      tpu.enqueue_indirect_dma source(%dma_start3A_143 : memref<401408x128xf32, #tpu.memory_space<hbm>>) target(%arg30 : memref<32x128xf32, #tpu.memory_space<vmem>>) offsets(%arg14 : memref<32xi32, #tpu.memory_space<vmem>>) semaphore(%arg39 : memref<!tpu.dma_semaphore, #tpu.memory_space<semaphore_mem>>)
      %dma_start3A_144 = arith.constant 0 : i32
      %dma_start3A_145 = arith.constant 0 : i32
      %dma_start3A_146 = tpu.memref_slice %arg2[%dma_start3A_144, %dma_start3A_145] : memref<401408x128xf32, #tpu.memory_space<hbm>> -> memref<401408x128xf32, #tpu.memory_space<hbm>>
      tpu.enqueue_indirect_dma source(%dma_start3A_146 : memref<401408x128xf32, #tpu.memory_space<hbm>>) target(%arg31 : memref<32x128xf32, #tpu.memory_space<vmem>>) offsets(%arg15 : memref<32xi32, #tpu.memory_space<vmem>>) semaphore(%arg39 : memref<!tpu.dma_semaphore, #tpu.memory_space<semaphore_mem>>)
      %dma_start3A_147 = arith.constant 0 : i32
      %dma_start3A_148 = arith.constant 0 : i32
      %dma_start3A_149 = tpu.memref_slice %arg2[%dma_start3A_147, %dma_start3A_148] : memref<401408x128xf32, #tpu.memory_space<hbm>> -> memref<401408x128xf32, #tpu.memory_space<hbm>>
      tpu.enqueue_indirect_dma source(%dma_start3A_149 : memref<401408x128xf32, #tpu.memory_space<hbm>>) target(%arg32 : memref<32x128xf32, #tpu.memory_space<vmem>>) offsets(%arg16 : memref<32xi32, #tpu.memory_space<vmem>>) semaphore(%arg39 : memref<!tpu.dma_semaphore, #tpu.memory_space<semaphore_mem>>)
      %dma_start3A_150 = arith.constant 0 : i32
      %dma_start3A_151 = arith.constant 0 : i32
      %dma_start3A_152 = tpu.memref_slice %arg2[%dma_start3A_150, %dma_start3A_151] : memref<401408x128xf32, #tpu.memory_space<hbm>> -> memref<401408x128xf32, #tpu.memory_space<hbm>>
      tpu.enqueue_indirect_dma source(%dma_start3A_152 : memref<401408x128xf32, #tpu.memory_space<hbm>>) target(%arg33 : memref<32x128xf32, #tpu.memory_space<vmem>>) offsets(%arg17 : memref<32xi32, #tpu.memory_space<vmem>>) semaphore(%arg39 : memref<!tpu.dma_semaphore, #tpu.memory_space<semaphore_mem>>)
      %scan3A_153 = arith.constant 0 : i32
      %scan3A_154 = arith.constant 0 : i32
      %scan3A_155 = arith.constant 56 : i32
      %scan3A_156 = arith.addi %scan3A_154, %scan3A_155 : i32
      %scan3A_157 = arith.constant 1 : i32
      scf.for %scan3A_159 = %scan3A_154 to %scan3A_156 step %scan3A_157  : i32 {
        %rem3A_160 = arith.constant 2 : i32
        %rem3A_161 = arith.remsi %scan3A_159, %rem3A_160 : i32
        %add3A_162 = arith.constant 1 : i32
        %add3A_163 = arith.addi %scan3A_159, %add3A_162 : i32
        %lt3A_164 = arith.constant 56 : i32
        %lt3A_165 = arith.cmpi slt, %add3A_163, %lt3A_164 : i32
        %eq3A_166 = arith.constant 0 : i32
        %eq3A_167 = arith.cmpi eq, %rem3A_161, %eq3A_166 : i32
        %and3A_168 = arith.andi %lt3A_165, %eq3A_167 : i1
        %convert_element_type3A = arith.extui %and3A_168 : i1 to i32
        %cond3A = arith.constant 0 : i32
        %cond3A_169 = arith.cmpi ne, %convert_element_type3A, %cond3A : i32
        scf.if %cond3A_169 {
          %add3A_186 = arith.constant 1 : i32
          %add3A_187 = arith.addi %scan3A_159, %add3A_186 : i32
          %jit3A_188 = arith.constant 7 : i32
          %div3A_189 = arith.divsi %add3A_187, %jit3A_188 : i32
          %sign3A_190 = arith.constant 0 : i32
          %sign3A_191 = arith.cmpi sgt, %add3A_187, %sign3A_190 : i32
          %sign3A_192 = arith.extui %sign3A_191 : i1 to i32
          %sign3A_193 = arith.constant 0 : i32
          %sign3A_194 = arith.cmpi slt, %add3A_187, %sign3A_193 : i32
          %sign3A_195 = arith.extui %sign3A_194 : i1 to i32
          %sign3A_196 = arith.subi %sign3A_192, %sign3A_195 : i32
          %sign3A_197 = arith.constant 0 : i32
          %sign3A_198 = arith.cmpi sgt, %jit3A_188, %sign3A_197 : i32
          %sign3A_199 = arith.extui %sign3A_198 : i1 to i32
          %sign3A_200 = arith.constant 0 : i32
          %sign3A_201 = arith.cmpi slt, %jit3A_188, %sign3A_200 : i32
          %sign3A_202 = arith.extui %sign3A_201 : i1 to i32
          %sign3A_203 = arith.subi %sign3A_199, %sign3A_202 : i32
          %ne3A_204 = arith.cmpi ne, %sign3A_196, %sign3A_203 : i32
          %rem3A_205 = arith.remsi %add3A_187, %jit3A_188 : i32
          %ne3A_206 = arith.constant 0 : i32
          %ne3A_207 = arith.cmpi ne, %rem3A_205, %ne3A_206 : i32
          %and3A_208 = arith.andi %ne3A_204, %ne3A_207 : i1
          %sub3A_209 = arith.constant 1 : i32
          %sub3A_210 = arith.subi %div3A_189, %sub3A_209 : i32
          %select_n3A_211 = arith.select %and3A_208, %sub3A_210, %div3A_189 : i32
          %jit3A_212 = arith.constant 7 : i32
          %eq3A_213 = arith.constant 0 : i32
          %eq3A_214 = arith.cmpi eq, %jit3A_212, %eq3A_213 : i32
          %jit3A_215 = arith.constant 1 : i32
          %select_n3A_216 = arith.select %eq3A_214, %jit3A_215, %jit3A_212 : i32
          %rem3A_217 = arith.remsi %add3A_187, %select_n3A_216 : i32
          %ne3A_218 = arith.constant 0 : i32
          %ne3A_219 = arith.cmpi ne, %rem3A_217, %ne3A_218 : i32
          %lt3A_220 = arith.constant 0 : i32
          %lt3A_221 = arith.cmpi slt, %rem3A_217, %lt3A_220 : i32
          %lt3A_222 = arith.constant 0 : i32
          %lt3A_223 = arith.cmpi slt, %select_n3A_216, %lt3A_222 : i32
          %ne3A_224 = arith.xori %lt3A_221, %lt3A_223 : i1
          %and3A_225 = arith.andi %ne3A_224, %ne3A_219 : i1
          %add3A_226 = arith.addi %rem3A_217, %select_n3A_216 : i32
          %select_n3A_227 = arith.select %and3A_225, %add3A_226, %rem3A_217 : i32
          %mul3A_228 = arith.constant 32 : i32
          %mul3A_229 = arith.muli %select_n3A_227, %mul3A_228 : i32
          %scan3A_230 = arith.constant 0 : i32
          %scan3A_231 = arith.constant 0 : i32
          %scan3A_232 = arith.constant 2 : i32
          %scan3A_233 = arith.addi %scan3A_231, %scan3A_232 : i32
          %scan3A_234 = arith.constant 1 : i32
          scf.for %scan3A_248 = %scan3A_231 to %scan3A_233 step %scan3A_234  : i32 {
            %mul3A_249 = arith.constant 16 : i32
            %mul3A_250 = arith.muli %scan3A_248, %mul3A_249 : i32
            %add3A_251 = arith.addi %mul3A_229, %mul3A_250 : i32
            %get3A_252 = arith.index_cast %select_n3A_211 : i32 to index
            %get3A_253 = arith.index_cast %add3A_251 : i32 to index
            %get3A_254 = tpu.vector_load %arg12[%get3A_252, %get3A_253] {strides = array<i32>} : memref<8x224xf32, #tpu.memory_space<vmem>>, vector<1x16xf32>,
            %get3A_255 = vector.shape_cast %get3A_254 : vector<1x16xf32> to vector<16xf32>
            %get3A_256 = arith.index_cast %select_n3A_211 : i32 to index
            %get3A_257 = arith.index_cast %add3A_251 : i32 to index
            %get3A_258 = tpu.vector_load %arg13[%get3A_256, %get3A_257] {strides = array<i32>} : memref<8x224xf32, #tpu.memory_space<vmem>>, vector<1x16xf32>,
            %get3A_259 = vector.shape_cast %get3A_258 : vector<1x16xf32> to vector<16xf32>
            %convert_element_type3A_260 = arith.fptosi %get3A_255 : vector<16xf32> to vector<16xi32>
            %convert_element_type3A_261 = arith.sitofp %convert_element_type3A_260 : vector<16xi32> to vector<16xf32>
            %gt3A = arith.cmpf ogt, %convert_element_type3A_261, %get3A_255 : vector<16xf32>
            %sub3A_262 = arith.constant 1 : i32
            %sub3A_263 = vector.broadcast %sub3A_262 : i32 to vector<16xi32>
            %sub3A_264 = arith.subi %convert_element_type3A_260, %sub3A_263 : vector<16xi32>
            %select_n3A_265 = arith.select %gt3A, %sub3A_264, %convert_element_type3A_260 : vector<16xi1>, vector<16xi32>
            %convert_element_type3A_266 = arith.fptosi %get3A_259 : vector<16xf32> to vector<16xi32>
            %convert_element_type3A_267 = arith.sitofp %convert_element_type3A_266 : vector<16xi32> to vector<16xf32>
            %gt3A_268 = arith.cmpf ogt, %convert_element_type3A_267, %get3A_259 : vector<16xf32>
            %sub3A_269 = arith.constant 1 : i32
            %sub3A_270 = vector.broadcast %sub3A_269 : i32 to vector<16xi32>
            %sub3A_271 = arith.subi %convert_element_type3A_266, %sub3A_270 : vector<16xi32>
            %select_n3A_272 = arith.select %gt3A_268, %sub3A_271, %convert_element_type3A_266 : vector<16xi1>, vector<16xi32>
            %add3A_273 = arith.constant 1 : i32
            %add3A_274 = vector.broadcast %add3A_273 : i32 to vector<16xi32>
            %add3A_275 = arith.addi %select_n3A_265, %add3A_274 : vector<16xi32>
            %add3A_276 = arith.constant 1 : i32
            %add3A_277 = vector.broadcast %add3A_276 : i32 to vector<16xi32>
            %add3A_278 = arith.addi %select_n3A_272, %add3A_277 : vector<16xi32>
            %jit3A_279 = arith.constant 0 : i32
            %jit3A_280 = arith.constant 223 : i32
            %max3A = vector.broadcast %jit3A_279 : i32 to vector<16xi32>
            %max3A_281 = arith.maxsi %max3A, %select_n3A_265 : vector<16xi32>
            %min3A = vector.broadcast %jit3A_280 : i32 to vector<16xi32>
            %min3A_282 = arith.minsi %min3A, %max3A_281 : vector<16xi32>
            %jit3A_283 = arith.constant 0 : i32
            %jit3A_284 = arith.constant 223 : i32
            %max3A_285 = vector.broadcast %jit3A_283 : i32 to vector<16xi32>
            %max3A_286 = arith.maxsi %max3A_285, %add3A_275 : vector<16xi32>
            %min3A_287 = vector.broadcast %jit3A_284 : i32 to vector<16xi32>
            %min3A_288 = arith.minsi %min3A_287, %max3A_286 : vector<16xi32>
            %jit3A_289 = arith.constant 0 : i32
            %jit3A_290 = arith.constant 223 : i32
            %max3A_291 = vector.broadcast %jit3A_289 : i32 to vector<16xi32>
            %max3A_292 = arith.maxsi %max3A_291, %select_n3A_272 : vector<16xi32>
            %min3A_293 = vector.broadcast %jit3A_290 : i32 to vector<16xi32>
            %min3A_294 = arith.minsi %min3A_293, %max3A_292 : vector<16xi32>
            %jit3A_295 = arith.constant 0 : i32
            %jit3A_296 = arith.constant 223 : i32
            %max3A_297 = vector.broadcast %jit3A_295 : i32 to vector<16xi32>
            %max3A_298 = arith.maxsi %max3A_297, %add3A_278 : vector<16xi32>
            %min3A_299 = vector.broadcast %jit3A_296 : i32 to vector<16xi32>
            %min3A_300 = arith.minsi %min3A_299, %max3A_298 : vector<16xi32>
            %convert_element_type3A_301 = arith.sitofp %min3A_282 : vector<16xi32> to vector<16xf32>
            %convert_element_type3A_302 = arith.sitofp %min3A_288 : vector<16xi32> to vector<16xf32>
            %convert_element_type3A_303 = arith.sitofp %min3A_294 : vector<16xi32> to vector<16xf32>
            %convert_element_type3A_304 = arith.sitofp %min3A_300 : vector<16xi32> to vector<16xf32>
            %mul3A_305 = arith.constant 16 : i32
            %mul3A_306 = arith.muli %scan3A_248, %mul3A_305 : i32
            %sub3A_307 = arith.subf %convert_element_type3A_302, %get3A_255 : vector<16xf32>
            %sub3A_308 = arith.subf %convert_element_type3A_304, %get3A_259 : vector<16xf32>
            %mul3A_309 = arith.mulf %sub3A_307, %sub3A_308 : vector<16xf32>
            %swap3A = arith.index_cast %mul3A_306 : i32 to index
            %swap3A_310 = tpu.vector_load %arg26[%swap3A] {strides = array<i32>} : memref<32xf32, #tpu.memory_space<vmem>>, vector<16xf32>,
            %swap3A_311 = vector.shape_cast %swap3A_310 : vector<16xf32> to vector<16xf32>
            %swap3A_312 = vector.shape_cast %mul3A_309 : vector<16xf32> to vector<16xf32>
            tpu.vector_store %arg26[%swap3A], %swap3A_312 {strides = array<i32>} : memref<32xf32, #tpu.memory_space<vmem>>, vector<16xf32>,
            %sub3A_313 = arith.subf %convert_element_type3A_302, %get3A_255 : vector<16xf32>
            %sub3A_314 = arith.subf %get3A_259, %convert_element_type3A_303 : vector<16xf32>
            %mul3A_315 = arith.mulf %sub3A_313, %sub3A_314 : vector<16xf32>
            %swap3A_316 = arith.index_cast %mul3A_306 : i32 to index
            %swap3A_317 = tpu.vector_load %arg27[%swap3A_316] {strides = array<i32>} : memref<32xf32, #tpu.memory_space<vmem>>, vector<16xf32>,
            %swap3A_318 = vector.shape_cast %swap3A_317 : vector<16xf32> to vector<16xf32>
            %swap3A_319 = vector.shape_cast %mul3A_315 : vector<16xf32> to vector<16xf32>
            tpu.vector_store %arg27[%swap3A_316], %swap3A_319 {strides = array<i32>} : memref<32xf32, #tpu.memory_space<vmem>>, vector<16xf32>,
            %sub3A_320 = arith.subf %get3A_255, %convert_element_type3A_301 : vector<16xf32>
            %sub3A_321 = arith.subf %convert_element_type3A_304, %get3A_259 : vector<16xf32>
            %mul3A_322 = arith.mulf %sub3A_320, %sub3A_321 : vector<16xf32>
            %swap3A_323 = arith.index_cast %mul3A_306 : i32 to index
            %swap3A_324 = tpu.vector_load %arg28[%swap3A_323] {strides = array<i32>} : memref<32xf32, #tpu.memory_space<vmem>>, vector<16xf32>,
            %swap3A_325 = vector.shape_cast %swap3A_324 : vector<16xf32> to vector<16xf32>
            %swap3A_326 = vector.shape_cast %mul3A_322 : vector<16xf32> to vector<16xf32>
            tpu.vector_store %arg28[%swap3A_323], %swap3A_326 {strides = array<i32>} : memref<32xf32, #tpu.memory_space<vmem>>, vector<16xf32>,
            %sub3A_327 = arith.subf %get3A_255, %convert_element_type3A_301 : vector<16xf32>
            %sub3A_328 = arith.subf %get3A_259, %convert_element_type3A_303 : vector<16xf32>
            %mul3A_329 = arith.mulf %sub3A_327, %sub3A_328 : vector<16xf32>
            %swap3A_330 = arith.index_cast %mul3A_306 : i32 to index
            %swap3A_331 = tpu.vector_load %arg29[%swap3A_330] {strides = array<i32>} : memref<32xf32, #tpu.memory_space<vmem>>, vector<16xf32>,
            %swap3A_332 = vector.shape_cast %swap3A_331 : vector<16xf32> to vector<16xf32>
            %swap3A_333 = vector.shape_cast %mul3A_329 : vector<16xf32> to vector<16xf32>
            tpu.vector_store %arg29[%swap3A_330], %swap3A_333 {strides = array<i32>} : memref<32xf32, #tpu.memory_space<vmem>>, vector<16xf32>,
            %mul3A_334 = arith.constant 224 : i32
            %mul3A_335 = vector.broadcast %mul3A_334 : i32 to vector<16xi32>
            %mul3A_336 = arith.muli %min3A_282, %mul3A_335 : vector<16xi32>
            %add3A_337 = vector.broadcast %mul3A_32 : i32 to vector<16xi32>
            %add3A_338 = arith.addi %add3A_337, %mul3A_336 : vector<16xi32>
            %mul3A_339 = arith.constant 224 : i32
            %mul3A_340 = vector.broadcast %mul3A_339 : i32 to vector<16xi32>
            %mul3A_341 = arith.muli %min3A_288, %mul3A_340 : vector<16xi32>
            %add3A_342 = vector.broadcast %mul3A_32 : i32 to vector<16xi32>
            %add3A_343 = arith.addi %add3A_342, %mul3A_341 : vector<16xi32>
            %add3A_344 = arith.addi %add3A_338, %min3A_294 : vector<16xi32>
            %swap3A_345 = arith.index_cast %mul3A_306 : i32 to index
            %swap3A_346 = tpu.vector_load %arg18[%swap3A_345] {strides = array<i32>} : memref<32xi32, #tpu.memory_space<vmem>>, vector<16xi32>,
            %swap3A_347 = vector.shape_cast %swap3A_346 : vector<16xi32> to vector<16xi32>
            %swap3A_348 = vector.shape_cast %add3A_344 : vector<16xi32> to vector<16xi32>
            tpu.vector_store %arg18[%swap3A_345], %swap3A_348 {strides = array<i32>} : memref<32xi32, #tpu.memory_space<vmem>>, vector<16xi32>,
            %add3A_349 = arith.addi %add3A_338, %min3A_300 : vector<16xi32>
            %swap3A_350 = arith.index_cast %mul3A_306 : i32 to index
            %swap3A_351 = tpu.vector_load %arg19[%swap3A_350] {strides = array<i32>} : memref<32xi32, #tpu.memory_space<vmem>>, vector<16xi32>,
            %swap3A_352 = vector.shape_cast %swap3A_351 : vector<16xi32> to vector<16xi32>
            %swap3A_353 = vector.shape_cast %add3A_349 : vector<16xi32> to vector<16xi32>
            tpu.vector_store %arg19[%swap3A_350], %swap3A_353 {strides = array<i32>} : memref<32xi32, #tpu.memory_space<vmem>>, vector<16xi32>,
            %add3A_354 = arith.addi %add3A_343, %min3A_294 : vector<16xi32>
            %swap3A_355 = arith.index_cast %mul3A_306 : i32 to index
            %swap3A_356 = tpu.vector_load %arg20[%swap3A_355] {strides = array<i32>} : memref<32xi32, #tpu.memory_space<vmem>>, vector<16xi32>,
            %swap3A_357 = vector.shape_cast %swap3A_356 : vector<16xi32> to vector<16xi32>
            %swap3A_358 = vector.shape_cast %add3A_354 : vector<16xi32> to vector<16xi32>
            tpu.vector_store %arg20[%swap3A_355], %swap3A_358 {strides = array<i32>} : memref<32xi32, #tpu.memory_space<vmem>>, vector<16xi32>,
            %add3A_359 = arith.addi %add3A_343, %min3A_300 : vector<16xi32>
            %swap3A_360 = arith.index_cast %mul3A_306 : i32 to index
            %swap3A_361 = tpu.vector_load %arg21[%swap3A_360] {strides = array<i32>} : memref<32xi32, #tpu.memory_space<vmem>>, vector<16xi32>,
            %swap3A_362 = vector.shape_cast %swap3A_361 : vector<16xi32> to vector<16xi32>
            %swap3A_363 = vector.shape_cast %add3A_359 : vector<16xi32> to vector<16xi32>
            tpu.vector_store %arg21[%swap3A_360], %swap3A_363 {strides = array<i32>} : memref<32xi32, #tpu.memory_space<vmem>>, vector<16xi32>,
          }
          %scan3A_235 = arith.constant 2 : i32
          %dma_start3A_236 = arith.constant 0 : i32
          %dma_start3A_237 = arith.constant 0 : i32
          %dma_start3A_238 = tpu.memref_slice %arg2[%dma_start3A_236, %dma_start3A_237] : memref<401408x128xf32, #tpu.memory_space<hbm>> -> memref<401408x128xf32, #tpu.memory_space<hbm>>
          tpu.enqueue_indirect_dma source(%dma_start3A_238 : memref<401408x128xf32, #tpu.memory_space<hbm>>) target(%arg34 : memref<32x128xf32, #tpu.memory_space<vmem>>) offsets(%arg18 : memref<32xi32, #tpu.memory_space<vmem>>) semaphore(%arg40 : memref<!tpu.dma_semaphore, #tpu.memory_space<semaphore_mem>>)
          %dma_start3A_239 = arith.constant 0 : i32
          %dma_start3A_240 = arith.constant 0 : i32
          %dma_start3A_241 = tpu.memref_slice %arg2[%dma_start3A_239, %dma_start3A_240] : memref<401408x128xf32, #tpu.memory_space<hbm>> -> memref<401408x128xf32, #tpu.memory_space<hbm>>
          tpu.enqueue_indirect_dma source(%dma_start3A_241 : memref<401408x128xf32, #tpu.memory_space<hbm>>) target(%arg35 : memref<32x128xf32, #tpu.memory_space<vmem>>) offsets(%arg19 : memref<32xi32, #tpu.memory_space<vmem>>) semaphore(%arg40 : memref<!tpu.dma_semaphore, #tpu.memory_space<semaphore_mem>>)
          %dma_start3A_242 = arith.constant 0 : i32
          %dma_start3A_243 = arith.constant 0 : i32
          %dma_start3A_244 = tpu.memref_slice %arg2[%dma_start3A_242, %dma_start3A_243] : memref<401408x128xf32, #tpu.memory_space<hbm>> -> memref<401408x128xf32, #tpu.memory_space<hbm>>
          tpu.enqueue_indirect_dma source(%dma_start3A_244 : memref<401408x128xf32, #tpu.memory_space<hbm>>) target(%arg36 : memref<32x128xf32, #tpu.memory_space<vmem>>) offsets(%arg20 : memref<32xi32, #tpu.memory_space<vmem>>) semaphore(%arg40 : memref<!tpu.dma_semaphore, #tpu.memory_space<semaphore_mem>>)
          %dma_start3A_245 = arith.constant 0 : i32
          %dma_start3A_246 = arith.constant 0 : i32
          %dma_start3A_247 = tpu.memref_slice %arg2[%dma_start3A_245, %dma_start3A_246] : memref<401408x128xf32, #tpu.memory_space<hbm>> -> memref<401408x128xf32, #tpu.memory_space<hbm>>
          tpu.enqueue_indirect_dma source(%dma_start3A_247 : memref<401408x128xf32, #tpu.memory_space<hbm>>) target(%arg37 : memref<32x128xf32, #tpu.memory_space<vmem>>) offsets(%arg21 : memref<32xi32, #tpu.memory_space<vmem>>) semaphore(%arg40 : memref<!tpu.dma_semaphore, #tpu.memory_space<semaphore_mem>>)
        } else {
        }
        %eq3A_170 = arith.constant 1 : i32
        %eq3A_171 = arith.cmpi eq, %rem3A_161, %eq3A_170 : i32
        %and3A_172 = arith.andi %lt3A_165, %eq3A_171 : i1
        %convert_element_type3A_173 = arith.extui %and3A_172 : i1 to i32
        %cond3A_174 = arith.constant 0 : i32
        %cond3A_175 = arith.cmpi ne, %convert_element_type3A_173, %cond3A_174 : i32
        scf.if %cond3A_175 {
          %add3A_186 = arith.constant 1 : i32
          %add3A_187 = arith.addi %scan3A_159, %add3A_186 : i32
          %jit3A_188 = arith.constant 7 : i32
          %div3A_189 = arith.divsi %add3A_187, %jit3A_188 : i32
          %sign3A_190 = arith.constant 0 : i32
          %sign3A_191 = arith.cmpi sgt, %add3A_187, %sign3A_190 : i32
          %sign3A_192 = arith.extui %sign3A_191 : i1 to i32
          %sign3A_193 = arith.constant 0 : i32
          %sign3A_194 = arith.cmpi slt, %add3A_187, %sign3A_193 : i32
          %sign3A_195 = arith.extui %sign3A_194 : i1 to i32
          %sign3A_196 = arith.subi %sign3A_192, %sign3A_195 : i32
          %sign3A_197 = arith.constant 0 : i32
          %sign3A_198 = arith.cmpi sgt, %jit3A_188, %sign3A_197 : i32
          %sign3A_199 = arith.extui %sign3A_198 : i1 to i32
          %sign3A_200 = arith.constant 0 : i32
          %sign3A_201 = arith.cmpi slt, %jit3A_188, %sign3A_200 : i32
          %sign3A_202 = arith.extui %sign3A_201 : i1 to i32
          %sign3A_203 = arith.subi %sign3A_199, %sign3A_202 : i32
          %ne3A_204 = arith.cmpi ne, %sign3A_196, %sign3A_203 : i32
          %rem3A_205 = arith.remsi %add3A_187, %jit3A_188 : i32
          %ne3A_206 = arith.constant 0 : i32
          %ne3A_207 = arith.cmpi ne, %rem3A_205, %ne3A_206 : i32
          %and3A_208 = arith.andi %ne3A_204, %ne3A_207 : i1
          %sub3A_209 = arith.constant 1 : i32
          %sub3A_210 = arith.subi %div3A_189, %sub3A_209 : i32
          %select_n3A_211 = arith.select %and3A_208, %sub3A_210, %div3A_189 : i32
          %jit3A_212 = arith.constant 7 : i32
          %eq3A_213 = arith.constant 0 : i32
          %eq3A_214 = arith.cmpi eq, %jit3A_212, %eq3A_213 : i32
          %jit3A_215 = arith.constant 1 : i32
          %select_n3A_216 = arith.select %eq3A_214, %jit3A_215, %jit3A_212 : i32
          %rem3A_217 = arith.remsi %add3A_187, %select_n3A_216 : i32
          %ne3A_218 = arith.constant 0 : i32
          %ne3A_219 = arith.cmpi ne, %rem3A_217, %ne3A_218 : i32
          %lt3A_220 = arith.constant 0 : i32
          %lt3A_221 = arith.cmpi slt, %rem3A_217, %lt3A_220 : i32
          %lt3A_222 = arith.constant 0 : i32
          %lt3A_223 = arith.cmpi slt, %select_n3A_216, %lt3A_222 : i32
          %ne3A_224 = arith.xori %lt3A_221, %lt3A_223 : i1
          %and3A_225 = arith.andi %ne3A_224, %ne3A_219 : i1
          %add3A_226 = arith.addi %rem3A_217, %select_n3A_216 : i32
          %select_n3A_227 = arith.select %and3A_225, %add3A_226, %rem3A_217 : i32
          %mul3A_228 = arith.constant 32 : i32
          %mul3A_229 = arith.muli %select_n3A_227, %mul3A_228 : i32
          %scan3A_230 = arith.constant 0 : i32
          %scan3A_231 = arith.constant 0 : i32
          %scan3A_232 = arith.constant 2 : i32
          %scan3A_233 = arith.addi %scan3A_231, %scan3A_232 : i32
          %scan3A_234 = arith.constant 1 : i32
          scf.for %scan3A_248 = %scan3A_231 to %scan3A_233 step %scan3A_234  : i32 {
            %mul3A_249 = arith.constant 16 : i32
            %mul3A_250 = arith.muli %scan3A_248, %mul3A_249 : i32
            %add3A_251 = arith.addi %mul3A_229, %mul3A_250 : i32
            %get3A_252 = arith.index_cast %select_n3A_211 : i32 to index
            %get3A_253 = arith.index_cast %add3A_251 : i32 to index
            %get3A_254 = tpu.vector_load %arg12[%get3A_252, %get3A_253] {strides = array<i32>} : memref<8x224xf32, #tpu.memory_space<vmem>>, vector<1x16xf32>,
            %get3A_255 = vector.shape_cast %get3A_254 : vector<1x16xf32> to vector<16xf32>
            %get3A_256 = arith.index_cast %select_n3A_211 : i32 to index
            %get3A_257 = arith.index_cast %add3A_251 : i32 to index
            %get3A_258 = tpu.vector_load %arg13[%get3A_256, %get3A_257] {strides = array<i32>} : memref<8x224xf32, #tpu.memory_space<vmem>>, vector<1x16xf32>,
            %get3A_259 = vector.shape_cast %get3A_258 : vector<1x16xf32> to vector<16xf32>
            %convert_element_type3A_260 = arith.fptosi %get3A_255 : vector<16xf32> to vector<16xi32>
            %convert_element_type3A_261 = arith.sitofp %convert_element_type3A_260 : vector<16xi32> to vector<16xf32>
            %gt3A = arith.cmpf ogt, %convert_element_type3A_261, %get3A_255 : vector<16xf32>
            %sub3A_262 = arith.constant 1 : i32
            %sub3A_263 = vector.broadcast %sub3A_262 : i32 to vector<16xi32>
            %sub3A_264 = arith.subi %convert_element_type3A_260, %sub3A_263 : vector<16xi32>
            %select_n3A_265 = arith.select %gt3A, %sub3A_264, %convert_element_type3A_260 : vector<16xi1>, vector<16xi32>
            %convert_element_type3A_266 = arith.fptosi %get3A_259 : vector<16xf32> to vector<16xi32>
            %convert_element_type3A_267 = arith.sitofp %convert_element_type3A_266 : vector<16xi32> to vector<16xf32>
            %gt3A_268 = arith.cmpf ogt, %convert_element_type3A_267, %get3A_259 : vector<16xf32>
            %sub3A_269 = arith.constant 1 : i32
            %sub3A_270 = vector.broadcast %sub3A_269 : i32 to vector<16xi32>
            %sub3A_271 = arith.subi %convert_element_type3A_266, %sub3A_270 : vector<16xi32>
            %select_n3A_272 = arith.select %gt3A_268, %sub3A_271, %convert_element_type3A_266 : vector<16xi1>, vector<16xi32>
            %add3A_273 = arith.constant 1 : i32
            %add3A_274 = vector.broadcast %add3A_273 : i32 to vector<16xi32>
            %add3A_275 = arith.addi %select_n3A_265, %add3A_274 : vector<16xi32>
            %add3A_276 = arith.constant 1 : i32
            %add3A_277 = vector.broadcast %add3A_276 : i32 to vector<16xi32>
            %add3A_278 = arith.addi %select_n3A_272, %add3A_277 : vector<16xi32>
            %jit3A_279 = arith.constant 0 : i32
            %jit3A_280 = arith.constant 223 : i32
            %max3A = vector.broadcast %jit3A_279 : i32 to vector<16xi32>
            %max3A_281 = arith.maxsi %max3A, %select_n3A_265 : vector<16xi32>
            %min3A = vector.broadcast %jit3A_280 : i32 to vector<16xi32>
            %min3A_282 = arith.minsi %min3A, %max3A_281 : vector<16xi32>
            %jit3A_283 = arith.constant 0 : i32
            %jit3A_284 = arith.constant 223 : i32
            %max3A_285 = vector.broadcast %jit3A_283 : i32 to vector<16xi32>
            %max3A_286 = arith.maxsi %max3A_285, %add3A_275 : vector<16xi32>
            %min3A_287 = vector.broadcast %jit3A_284 : i32 to vector<16xi32>
            %min3A_288 = arith.minsi %min3A_287, %max3A_286 : vector<16xi32>
            %jit3A_289 = arith.constant 0 : i32
            %jit3A_290 = arith.constant 223 : i32
            %max3A_291 = vector.broadcast %jit3A_289 : i32 to vector<16xi32>
            %max3A_292 = arith.maxsi %max3A_291, %select_n3A_272 : vector<16xi32>
            %min3A_293 = vector.broadcast %jit3A_290 : i32 to vector<16xi32>
            %min3A_294 = arith.minsi %min3A_293, %max3A_292 : vector<16xi32>
            %jit3A_295 = arith.constant 0 : i32
            %jit3A_296 = arith.constant 223 : i32
            %max3A_297 = vector.broadcast %jit3A_295 : i32 to vector<16xi32>
            %max3A_298 = arith.maxsi %max3A_297, %add3A_278 : vector<16xi32>
            %min3A_299 = vector.broadcast %jit3A_296 : i32 to vector<16xi32>
            %min3A_300 = arith.minsi %min3A_299, %max3A_298 : vector<16xi32>
            %convert_element_type3A_301 = arith.sitofp %min3A_282 : vector<16xi32> to vector<16xf32>
            %convert_element_type3A_302 = arith.sitofp %min3A_288 : vector<16xi32> to vector<16xf32>
            %convert_element_type3A_303 = arith.sitofp %min3A_294 : vector<16xi32> to vector<16xf32>
            %convert_element_type3A_304 = arith.sitofp %min3A_300 : vector<16xi32> to vector<16xf32>
            %mul3A_305 = arith.constant 16 : i32
            %mul3A_306 = arith.muli %scan3A_248, %mul3A_305 : i32
            %sub3A_307 = arith.subf %convert_element_type3A_302, %get3A_255 : vector<16xf32>
            %sub3A_308 = arith.subf %convert_element_type3A_304, %get3A_259 : vector<16xf32>
            %mul3A_309 = arith.mulf %sub3A_307, %sub3A_308 : vector<16xf32>
            %swap3A = arith.index_cast %mul3A_306 : i32 to index
            %swap3A_310 = tpu.vector_load %arg22[%swap3A] {strides = array<i32>} : memref<32xf32, #tpu.memory_space<vmem>>, vector<16xf32>,
            %swap3A_311 = vector.shape_cast %swap3A_310 : vector<16xf32> to vector<16xf32>
            %swap3A_312 = vector.shape_cast %mul3A_309 : vector<16xf32> to vector<16xf32>
            tpu.vector_store %arg22[%swap3A], %swap3A_312 {strides = array<i32>} : memref<32xf32, #tpu.memory_space<vmem>>, vector<16xf32>,
            %sub3A_313 = arith.subf %convert_element_type3A_302, %get3A_255 : vector<16xf32>
            %sub3A_314 = arith.subf %get3A_259, %convert_element_type3A_303 : vector<16xf32>
            %mul3A_315 = arith.mulf %sub3A_313, %sub3A_314 : vector<16xf32>
            %swap3A_316 = arith.index_cast %mul3A_306 : i32 to index
            %swap3A_317 = tpu.vector_load %arg23[%swap3A_316] {strides = array<i32>} : memref<32xf32, #tpu.memory_space<vmem>>, vector<16xf32>,
            %swap3A_318 = vector.shape_cast %swap3A_317 : vector<16xf32> to vector<16xf32>
            %swap3A_319 = vector.shape_cast %mul3A_315 : vector<16xf32> to vector<16xf32>
            tpu.vector_store %arg23[%swap3A_316], %swap3A_319 {strides = array<i32>} : memref<32xf32, #tpu.memory_space<vmem>>, vector<16xf32>,
            %sub3A_320 = arith.subf %get3A_255, %convert_element_type3A_301 : vector<16xf32>
            %sub3A_321 = arith.subf %convert_element_type3A_304, %get3A_259 : vector<16xf32>
            %mul3A_322 = arith.mulf %sub3A_320, %sub3A_321 : vector<16xf32>
            %swap3A_323 = arith.index_cast %mul3A_306 : i32 to index
            %swap3A_324 = tpu.vector_load %arg24[%swap3A_323] {strides = array<i32>} : memref<32xf32, #tpu.memory_space<vmem>>, vector<16xf32>,
            %swap3A_325 = vector.shape_cast %swap3A_324 : vector<16xf32> to vector<16xf32>
            %swap3A_326 = vector.shape_cast %mul3A_322 : vector<16xf32> to vector<16xf32>
            tpu.vector_store %arg24[%swap3A_323], %swap3A_326 {strides = array<i32>} : memref<32xf32, #tpu.memory_space<vmem>>, vector<16xf32>,
            %sub3A_327 = arith.subf %get3A_255, %convert_element_type3A_301 : vector<16xf32>
            %sub3A_328 = arith.subf %get3A_259, %convert_element_type3A_303 : vector<16xf32>
            %mul3A_329 = arith.mulf %sub3A_327, %sub3A_328 : vector<16xf32>
            %swap3A_330 = arith.index_cast %mul3A_306 : i32 to index
            %swap3A_331 = tpu.vector_load %arg25[%swap3A_330] {strides = array<i32>} : memref<32xf32, #tpu.memory_space<vmem>>, vector<16xf32>,
            %swap3A_332 = vector.shape_cast %swap3A_331 : vector<16xf32> to vector<16xf32>
            %swap3A_333 = vector.shape_cast %mul3A_329 : vector<16xf32> to vector<16xf32>
            tpu.vector_store %arg25[%swap3A_330], %swap3A_333 {strides = array<i32>} : memref<32xf32, #tpu.memory_space<vmem>>, vector<16xf32>,
            %mul3A_334 = arith.constant 224 : i32
            %mul3A_335 = vector.broadcast %mul3A_334 : i32 to vector<16xi32>
            %mul3A_336 = arith.muli %min3A_282, %mul3A_335 : vector<16xi32>
            %add3A_337 = vector.broadcast %mul3A_32 : i32 to vector<16xi32>
            %add3A_338 = arith.addi %add3A_337, %mul3A_336 : vector<16xi32>
            %mul3A_339 = arith.constant 224 : i32
            %mul3A_340 = vector.broadcast %mul3A_339 : i32 to vector<16xi32>
            %mul3A_341 = arith.muli %min3A_288, %mul3A_340 : vector<16xi32>
            %add3A_342 = vector.broadcast %mul3A_32 : i32 to vector<16xi32>
            %add3A_343 = arith.addi %add3A_342, %mul3A_341 : vector<16xi32>
            %add3A_344 = arith.addi %add3A_338, %min3A_294 : vector<16xi32>
            %swap3A_345 = arith.index_cast %mul3A_306 : i32 to index
            %swap3A_346 = tpu.vector_load %arg14[%swap3A_345] {strides = array<i32>} : memref<32xi32, #tpu.memory_space<vmem>>, vector<16xi32>,
            %swap3A_347 = vector.shape_cast %swap3A_346 : vector<16xi32> to vector<16xi32>
            %swap3A_348 = vector.shape_cast %add3A_344 : vector<16xi32> to vector<16xi32>
            tpu.vector_store %arg14[%swap3A_345], %swap3A_348 {strides = array<i32>} : memref<32xi32, #tpu.memory_space<vmem>>, vector<16xi32>,
            %add3A_349 = arith.addi %add3A_338, %min3A_300 : vector<16xi32>
            %swap3A_350 = arith.index_cast %mul3A_306 : i32 to index
            %swap3A_351 = tpu.vector_load %arg15[%swap3A_350] {strides = array<i32>} : memref<32xi32, #tpu.memory_space<vmem>>, vector<16xi32>,
            %swap3A_352 = vector.shape_cast %swap3A_351 : vector<16xi32> to vector<16xi32>
            %swap3A_353 = vector.shape_cast %add3A_349 : vector<16xi32> to vector<16xi32>
            tpu.vector_store %arg15[%swap3A_350], %swap3A_353 {strides = array<i32>} : memref<32xi32, #tpu.memory_space<vmem>>, vector<16xi32>,
            %add3A_354 = arith.addi %add3A_343, %min3A_294 : vector<16xi32>
            %swap3A_355 = arith.index_cast %mul3A_306 : i32 to index
            %swap3A_356 = tpu.vector_load %arg16[%swap3A_355] {strides = array<i32>} : memref<32xi32, #tpu.memory_space<vmem>>, vector<16xi32>,
            %swap3A_357 = vector.shape_cast %swap3A_356 : vector<16xi32> to vector<16xi32>
            %swap3A_358 = vector.shape_cast %add3A_354 : vector<16xi32> to vector<16xi32>
            tpu.vector_store %arg16[%swap3A_355], %swap3A_358 {strides = array<i32>} : memref<32xi32, #tpu.memory_space<vmem>>, vector<16xi32>,
            %add3A_359 = arith.addi %add3A_343, %min3A_300 : vector<16xi32>
            %swap3A_360 = arith.index_cast %mul3A_306 : i32 to index
            %swap3A_361 = tpu.vector_load %arg17[%swap3A_360] {strides = array<i32>} : memref<32xi32, #tpu.memory_space<vmem>>, vector<16xi32>,
            %swap3A_362 = vector.shape_cast %swap3A_361 : vector<16xi32> to vector<16xi32>
            %swap3A_363 = vector.shape_cast %add3A_359 : vector<16xi32> to vector<16xi32>
            tpu.vector_store %arg17[%swap3A_360], %swap3A_363 {strides = array<i32>} : memref<32xi32, #tpu.memory_space<vmem>>, vector<16xi32>,
          }
          %scan3A_235 = arith.constant 2 : i32
          %dma_start3A_236 = arith.constant 0 : i32
          %dma_start3A_237 = arith.constant 0 : i32
          %dma_start3A_238 = tpu.memref_slice %arg2[%dma_start3A_236, %dma_start3A_237] : memref<401408x128xf32, #tpu.memory_space<hbm>> -> memref<401408x128xf32, #tpu.memory_space<hbm>>
          tpu.enqueue_indirect_dma source(%dma_start3A_238 : memref<401408x128xf32, #tpu.memory_space<hbm>>) target(%arg30 : memref<32x128xf32, #tpu.memory_space<vmem>>) offsets(%arg14 : memref<32xi32, #tpu.memory_space<vmem>>) semaphore(%arg39 : memref<!tpu.dma_semaphore, #tpu.memory_space<semaphore_mem>>)
          %dma_start3A_239 = arith.constant 0 : i32
          %dma_start3A_240 = arith.constant 0 : i32
          %dma_start3A_241 = tpu.memref_slice %arg2[%dma_start3A_239, %dma_start3A_240] : memref<401408x128xf32, #tpu.memory_space<hbm>> -> memref<401408x128xf32, #tpu.memory_space<hbm>>
          tpu.enqueue_indirect_dma source(%dma_start3A_241 : memref<401408x128xf32, #tpu.memory_space<hbm>>) target(%arg31 : memref<32x128xf32, #tpu.memory_space<vmem>>) offsets(%arg15 : memref<32xi32, #tpu.memory_space<vmem>>) semaphore(%arg39 : memref<!tpu.dma_semaphore, #tpu.memory_space<semaphore_mem>>)
          %dma_start3A_242 = arith.constant 0 : i32
          %dma_start3A_243 = arith.constant 0 : i32
          %dma_start3A_244 = tpu.memref_slice %arg2[%dma_start3A_242, %dma_start3A_243] : memref<401408x128xf32, #tpu.memory_space<hbm>> -> memref<401408x128xf32, #tpu.memory_space<hbm>>
          tpu.enqueue_indirect_dma source(%dma_start3A_244 : memref<401408x128xf32, #tpu.memory_space<hbm>>) target(%arg32 : memref<32x128xf32, #tpu.memory_space<vmem>>) offsets(%arg16 : memref<32xi32, #tpu.memory_space<vmem>>) semaphore(%arg39 : memref<!tpu.dma_semaphore, #tpu.memory_space<semaphore_mem>>)
          %dma_start3A_245 = arith.constant 0 : i32
          %dma_start3A_246 = arith.constant 0 : i32
          %dma_start3A_247 = tpu.memref_slice %arg2[%dma_start3A_245, %dma_start3A_246] : memref<401408x128xf32, #tpu.memory_space<hbm>> -> memref<401408x128xf32, #tpu.memory_space<hbm>>
          tpu.enqueue_indirect_dma source(%dma_start3A_247 : memref<401408x128xf32, #tpu.memory_space<hbm>>) target(%arg33 : memref<32x128xf32, #tpu.memory_space<vmem>>) offsets(%arg17 : memref<32xi32, #tpu.memory_space<vmem>>) semaphore(%arg39 : memref<!tpu.dma_semaphore, #tpu.memory_space<semaphore_mem>>)
        } else {
        }
        %eq3A_176 = arith.constant 0 : i32
        %eq3A_177 = arith.cmpi eq, %rem3A_161, %eq3A_176 : i32
        %convert_element_type3A_178 = arith.extui %eq3A_177 : i1 to i32
        %cond3A_179 = arith.constant 0 : i32
        %cond3A_180 = arith.cmpi ne, %convert_element_type3A_178, %cond3A_179 : i32
        scf.if %cond3A_180 {
          %dma_wait3A = arith.constant 0 : i32
          %dma_wait3A_186 = arith.constant 0 : i32
          %dma_wait3A_187 = tpu.memref_slice %arg2[%dma_wait3A, %dma_wait3A_186] : memref<401408x128xf32, #tpu.memory_space<hbm>> -> memref<401408x128xf32, #tpu.memory_space<hbm>>
          tpu.wait_indirect_dma semaphore(%arg39 : memref<!tpu.dma_semaphore, #tpu.memory_space<semaphore_mem>>) src(%dma_wait3A_187 : memref<401408x128xf32, #tpu.memory_space<hbm>>) dst(%arg30 : memref<32x128xf32, #tpu.memory_space<vmem>>)
          %dma_wait3A_188 = arith.constant 0 : i32
          %dma_wait3A_189 = arith.constant 0 : i32
          %dma_wait3A_190 = tpu.memref_slice %arg2[%dma_wait3A_188, %dma_wait3A_189] : memref<401408x128xf32, #tpu.memory_space<hbm>> -> memref<401408x128xf32, #tpu.memory_space<hbm>>
          tpu.wait_indirect_dma semaphore(%arg39 : memref<!tpu.dma_semaphore, #tpu.memory_space<semaphore_mem>>) src(%dma_wait3A_190 : memref<401408x128xf32, #tpu.memory_space<hbm>>) dst(%arg31 : memref<32x128xf32, #tpu.memory_space<vmem>>)
          %dma_wait3A_191 = arith.constant 0 : i32
          %dma_wait3A_192 = arith.constant 0 : i32
          %dma_wait3A_193 = tpu.memref_slice %arg2[%dma_wait3A_191, %dma_wait3A_192] : memref<401408x128xf32, #tpu.memory_space<hbm>> -> memref<401408x128xf32, #tpu.memory_space<hbm>>
          tpu.wait_indirect_dma semaphore(%arg39 : memref<!tpu.dma_semaphore, #tpu.memory_space<semaphore_mem>>) src(%dma_wait3A_193 : memref<401408x128xf32, #tpu.memory_space<hbm>>) dst(%arg32 : memref<32x128xf32, #tpu.memory_space<vmem>>)
          %dma_wait3A_194 = arith.constant 0 : i32
          %dma_wait3A_195 = arith.constant 0 : i32
          %dma_wait3A_196 = tpu.memref_slice %arg2[%dma_wait3A_194, %dma_wait3A_195] : memref<401408x128xf32, #tpu.memory_space<hbm>> -> memref<401408x128xf32, #tpu.memory_space<hbm>>
          tpu.wait_indirect_dma semaphore(%arg39 : memref<!tpu.dma_semaphore, #tpu.memory_space<semaphore_mem>>) src(%dma_wait3A_196 : memref<401408x128xf32, #tpu.memory_space<hbm>>) dst(%arg33 : memref<32x128xf32, #tpu.memory_space<vmem>>)
          %add3A_197 = arith.addi %mul3A_34, %mul3A_52 : i32
          %jit3A_198 = arith.constant 7 : i32
          %div3A_199 = arith.divsi %scan3A_159, %jit3A_198 : i32
          %sign3A_200 = arith.constant 0 : i32
          %sign3A_201 = arith.cmpi sgt, %scan3A_159, %sign3A_200 : i32
          %sign3A_202 = arith.extui %sign3A_201 : i1 to i32
          %sign3A_203 = arith.constant 0 : i32
          %sign3A_204 = arith.cmpi slt, %scan3A_159, %sign3A_203 : i32
          %sign3A_205 = arith.extui %sign3A_204 : i1 to i32
          %sign3A_206 = arith.subi %sign3A_202, %sign3A_205 : i32
          %sign3A_207 = arith.constant 0 : i32
          %sign3A_208 = arith.cmpi sgt, %jit3A_198, %sign3A_207 : i32
          %sign3A_209 = arith.extui %sign3A_208 : i1 to i32
          %sign3A_210 = arith.constant 0 : i32
          %sign3A_211 = arith.cmpi slt, %jit3A_198, %sign3A_210 : i32
          %sign3A_212 = arith.extui %sign3A_211 : i1 to i32
          %sign3A_213 = arith.subi %sign3A_209, %sign3A_212 : i32
          %ne3A_214 = arith.cmpi ne, %sign3A_206, %sign3A_213 : i32
          %rem3A_215 = arith.remsi %scan3A_159, %jit3A_198 : i32
          %ne3A_216 = arith.constant 0 : i32
          %ne3A_217 = arith.cmpi ne, %rem3A_215, %ne3A_216 : i32
          %and3A_218 = arith.andi %ne3A_214, %ne3A_217 : i1
          %sub3A_219 = arith.constant 1 : i32
          %sub3A_220 = arith.subi %div3A_199, %sub3A_219 : i32
          %select_n3A_221 = arith.select %and3A_218, %sub3A_220, %div3A_199 : i32
          %add3A_222 = arith.addi %add3A_197, %select_n3A_221 : i32
          %jit3A_223 = arith.constant 7 : i32
          %eq3A_224 = arith.constant 0 : i32
          %eq3A_225 = arith.cmpi eq, %jit3A_223, %eq3A_224 : i32
          %jit3A_226 = arith.constant 1 : i32
          %select_n3A_227 = arith.select %eq3A_225, %jit3A_226, %jit3A_223 : i32
          %rem3A_228 = arith.remsi %scan3A_159, %select_n3A_227 : i32
          %ne3A_229 = arith.constant 0 : i32
          %ne3A_230 = arith.cmpi ne, %rem3A_228, %ne3A_229 : i32
          %lt3A_231 = arith.constant 0 : i32
          %lt3A_232 = arith.cmpi slt, %rem3A_228, %lt3A_231 : i32
          %lt3A_233 = arith.constant 0 : i32
          %lt3A_234 = arith.cmpi slt, %select_n3A_227, %lt3A_233 : i32
          %ne3A_235 = arith.xori %lt3A_232, %lt3A_234 : i1
          %and3A_236 = arith.andi %ne3A_235, %ne3A_230 : i1
          %add3A_237 = arith.addi %rem3A_228, %select_n3A_227 : i32
          %select_n3A_238 = arith.select %and3A_236, %add3A_237, %rem3A_228 : i32
          %mul3A_239 = arith.constant 32 : i32
          %mul3A_240 = arith.muli %select_n3A_238, %mul3A_239 : i32
          %scan3A_241 = arith.constant 0 : i32
          %scan3A_242 = arith.constant 0 : i32
          %scan3A_243 = arith.constant 2 : i32
          %scan3A_244 = arith.addi %scan3A_242, %scan3A_243 : i32
          %scan3A_245 = arith.constant 1 : i32
          scf.for %scan3A_247 = %scan3A_242 to %scan3A_244 step %scan3A_245  : i32 {
            %mul3A_248 = arith.constant 16 : i32
            %mul3A_249 = arith.muli %scan3A_247, %mul3A_248 : i32
            %get3A_250 = arith.index_cast %mul3A_249 : i32 to index
            %get3A_251 = tpu.vector_load %arg22[%get3A_250] {strides = array<i32>} : memref<32xf32, #tpu.memory_space<vmem>>, vector<16xf32>,
            %get3A_252 = vector.shape_cast %get3A_251 : vector<16xf32> to vector<16xf32>
            %get3A_253 = arith.index_cast %mul3A_249 : i32 to index
            %get3A_254 = tpu.vector_load %arg23[%get3A_253] {strides = array<i32>} : memref<32xf32, #tpu.memory_space<vmem>>, vector<16xf32>,
            %get3A_255 = vector.shape_cast %get3A_254 : vector<16xf32> to vector<16xf32>
            %get3A_256 = arith.index_cast %mul3A_249 : i32 to index
            %get3A_257 = tpu.vector_load %arg24[%get3A_256] {strides = array<i32>} : memref<32xf32, #tpu.memory_space<vmem>>, vector<16xf32>,
            %get3A_258 = vector.shape_cast %get3A_257 : vector<16xf32> to vector<16xf32>
            %get3A_259 = arith.index_cast %mul3A_249 : i32 to index
            %get3A_260 = tpu.vector_load %arg25[%get3A_259] {strides = array<i32>} : memref<32xf32, #tpu.memory_space<vmem>>, vector<16xf32>,
            %get3A_261 = vector.shape_cast %get3A_260 : vector<16xf32> to vector<16xf32>
            %scan3A_262 = arith.constant 0 : i32
            %scan3A_263 = arith.constant 0 : i32
            %scan3A_264 = arith.constant 6 : i32
            %scan3A_265 = arith.addi %scan3A_263, %scan3A_264 : i32
            %scan3A_266 = arith.constant 1 : i32
            scf.for %scan3A_268 = %scan3A_263 to %scan3A_265 step %scan3A_266  : i32 {
              %mul3A_269 = arith.constant 16 : i32
              %mul3A_270 = arith.muli %scan3A_268, %mul3A_269 : i32
              %mul3A_271 = arith.constant 16 : i32
              %mul3A_272 = arith.muli %scan3A_247, %mul3A_271 : i32
              %add3A_273 = arith.constant 0 : i32
              %add3A_274 = arith.addi %mul3A_272, %add3A_273 : i32
              %slice3A_275 = vector.extract_strided_slice %get3A_252 {offsets = [0], sizes = [1], strides = [1]} : vector<16xf32> to vector<1xf32>
              %squeeze3A_276 = vector.extract %slice3A_275[0] : f32 from vector<1xf32>
              %get3A_277 = arith.index_cast %add3A_274 : i32 to index
              %get3A_278 = arith.index_cast %mul3A_270 : i32 to index
              %get3A_279 = tpu.vector_load %arg30[%get3A_277, %get3A_278] {strides = array<i32>} : memref<32x128xf32, #tpu.memory_space<vmem>>, vector<1x16xf32>,
              %get3A_280 = vector.shape_cast %get3A_279 : vector<1x16xf32> to vector<16xf32>
              %mul3A_281 = vector.broadcast %squeeze3A_276 : f32 to vector<16xf32>
              %mul3A_282 = arith.mulf %mul3A_281, %get3A_280 : vector<16xf32>
              %slice3A_283 = vector.extract_strided_slice %get3A_255 {offsets = [0], sizes = [1], strides = [1]} : vector<16xf32> to vector<1xf32>
              %squeeze3A_284 = vector.extract %slice3A_283[0] : f32 from vector<1xf32>
              %get3A_285 = arith.index_cast %add3A_274 : i32 to index
              %get3A_286 = arith.index_cast %mul3A_270 : i32 to index
              %get3A_287 = tpu.vector_load %arg31[%get3A_285, %get3A_286] {strides = array<i32>} : memref<32x128xf32, #tpu.memory_space<vmem>>, vector<1x16xf32>,
              %get3A_288 = vector.shape_cast %get3A_287 : vector<1x16xf32> to vector<16xf32>
              %mul3A_289 = vector.broadcast %squeeze3A_284 : f32 to vector<16xf32>
              %mul3A_290 = arith.mulf %mul3A_289, %get3A_288 : vector<16xf32>
              %add3A_291 = arith.addf %mul3A_282, %mul3A_290 : vector<16xf32>
              %slice3A_292 = vector.extract_strided_slice %get3A_258 {offsets = [0], sizes = [1], strides = [1]} : vector<16xf32> to vector<1xf32>
              %squeeze3A_293 = vector.extract %slice3A_292[0] : f32 from vector<1xf32>
              %get3A_294 = arith.index_cast %add3A_274 : i32 to index
              %get3A_295 = arith.index_cast %mul3A_270 : i32 to index
              %get3A_296 = tpu.vector_load %arg32[%get3A_294, %get3A_295] {strides = array<i32>} : memref<32x128xf32, #tpu.memory_space<vmem>>, vector<1x16xf32>,
              %get3A_297 = vector.shape_cast %get3A_296 : vector<1x16xf32> to vector<16xf32>
              %mul3A_298 = vector.broadcast %squeeze3A_293 : f32 to vector<16xf32>
              %mul3A_299 = arith.mulf %mul3A_298, %get3A_297 : vector<16xf32>
              %add3A_300 = arith.addf %add3A_291, %mul3A_299 : vector<16xf32>
              %slice3A_301 = vector.extract_strided_slice %get3A_261 {offsets = [0], sizes = [1], strides = [1]} : vector<16xf32> to vector<1xf32>
              %squeeze3A_302 = vector.extract %slice3A_301[0] : f32 from vector<1xf32>
              %get3A_303 = arith.index_cast %add3A_274 : i32 to index
              %get3A_304 = arith.index_cast %mul3A_270 : i32 to index
              %get3A_305 = tpu.vector_load %arg33[%get3A_303, %get3A_304] {strides = array<i32>} : memref<32x128xf32, #tpu.memory_space<vmem>>, vector<1x16xf32>,
              %get3A_306 = vector.shape_cast %get3A_305 : vector<1x16xf32> to vector<16xf32>
              %mul3A_307 = vector.broadcast %squeeze3A_302 : f32 to vector<16xf32>
              %mul3A_308 = arith.mulf %mul3A_307, %get3A_306 : vector<16xf32>
              %add3A_309 = arith.addf %add3A_300, %mul3A_308 : vector<16xf32>
              %swap3A = arith.index_cast %add3A_274 : i32 to index
              %swap3A_310 = arith.index_cast %mul3A_270 : i32 to index
              %swap3A_311 = tpu.vector_load %arg38[%swap3A, %swap3A_310] {strides = array<i32>} : memref<32x96xf32, #tpu.memory_space<vmem>>, vector<1x16xf32>,
              %swap3A_312 = vector.shape_cast %swap3A_311 : vector<1x16xf32> to vector<16xf32>
              %swap3A_313 = vector.shape_cast %add3A_309 : vector<16xf32> to vector<1x16xf32>
              tpu.vector_store %arg38[%swap3A, %swap3A_310], %swap3A_313 {strides = array<i32>} : memref<32x96xf32, #tpu.memory_space<vmem>>, vector<1x16xf32>,
              %mul3A_314 = arith.constant 16 : i32
              %mul3A_315 = arith.muli %scan3A_247, %mul3A_314 : i32
              %add3A_316 = arith.constant 1 : i32
              %add3A_317 = arith.addi %mul3A_315, %add3A_316 : i32
              %slice3A_318 = vector.extract_strided_slice %get3A_252 {offsets = [1], sizes = [1], strides = [1]} : vector<16xf32> to vector<1xf32>
              %squeeze3A_319 = vector.extract %slice3A_318[0] : f32 from vector<1xf32>
              %get3A_320 = arith.index_cast %add3A_317 : i32 to index
              %get3A_321 = arith.index_cast %mul3A_270 : i32 to index
              %get3A_322 = tpu.vector_load %arg30[%get3A_320, %get3A_321] {strides = array<i32>} : memref<32x128xf32, #tpu.memory_space<vmem>>, vector<1x16xf32>,
              %get3A_323 = vector.shape_cast %get3A_322 : vector<1x16xf32> to vector<16xf32>
              %mul3A_324 = vector.broadcast %squeeze3A_319 : f32 to vector<16xf32>
              %mul3A_325 = arith.mulf %mul3A_324, %get3A_323 : vector<16xf32>
              %slice3A_326 = vector.extract_strided_slice %get3A_255 {offsets = [1], sizes = [1], strides = [1]} : vector<16xf32> to vector<1xf32>
              %squeeze3A_327 = vector.extract %slice3A_326[0] : f32 from vector<1xf32>
              %get3A_328 = arith.index_cast %add3A_317 : i32 to index
              %get3A_329 = arith.index_cast %mul3A_270 : i32 to index
              %get3A_330 = tpu.vector_load %arg31[%get3A_328, %get3A_329] {strides = array<i32>} : memref<32x128xf32, #tpu.memory_space<vmem>>, vector<1x16xf32>,
              %get3A_331 = vector.shape_cast %get3A_330 : vector<1x16xf32> to vector<16xf32>
              %mul3A_332 = vector.broadcast %squeeze3A_327 : f32 to vector<16xf32>
              %mul3A_333 = arith.mulf %mul3A_332, %get3A_331 : vector<16xf32>
              %add3A_334 = arith.addf %mul3A_325, %mul3A_333 : vector<16xf32>
              %slice3A_335 = vector.extract_strided_slice %get3A_258 {offsets = [1], sizes = [1], strides = [1]} : vector<16xf32> to vector<1xf32>
              %squeeze3A_336 = vector.extract %slice3A_335[0] : f32 from vector<1xf32>
              %get3A_337 = arith.index_cast %add3A_317 : i32 to index
              %get3A_338 = arith.index_cast %mul3A_270 : i32 to index
              %get3A_339 = tpu.vector_load %arg32[%get3A_337, %get3A_338] {strides = array<i32>} : memref<32x128xf32, #tpu.memory_space<vmem>>, vector<1x16xf32>,
              %get3A_340 = vector.shape_cast %get3A_339 : vector<1x16xf32> to vector<16xf32>
              %mul3A_341 = vector.broadcast %squeeze3A_336 : f32 to vector<16xf32>
              %mul3A_342 = arith.mulf %mul3A_341, %get3A_340 : vector<16xf32>
              %add3A_343 = arith.addf %add3A_334, %mul3A_342 : vector<16xf32>
              %slice3A_344 = vector.extract_strided_slice %get3A_261 {offsets = [1], sizes = [1], strides = [1]} : vector<16xf32> to vector<1xf32>
              %squeeze3A_345 = vector.extract %slice3A_344[0] : f32 from vector<1xf32>
              %get3A_346 = arith.index_cast %add3A_317 : i32 to index
              %get3A_347 = arith.index_cast %mul3A_270 : i32 to index
              %get3A_348 = tpu.vector_load %arg33[%get3A_346, %get3A_347] {strides = array<i32>} : memref<32x128xf32, #tpu.memory_space<vmem>>, vector<1x16xf32>,
              %get3A_349 = vector.shape_cast %get3A_348 : vector<1x16xf32> to vector<16xf32>
              %mul3A_350 = vector.broadcast %squeeze3A_345 : f32 to vector<16xf32>
              %mul3A_351 = arith.mulf %mul3A_350, %get3A_349 : vector<16xf32>
              %add3A_352 = arith.addf %add3A_343, %mul3A_351 : vector<16xf32>
              %swap3A_353 = arith.index_cast %add3A_317 : i32 to index
              %swap3A_354 = arith.index_cast %mul3A_270 : i32 to index
              %swap3A_355 = tpu.vector_load %arg38[%swap3A_353, %swap3A_354] {strides = array<i32>} : memref<32x96xf32, #tpu.memory_space<vmem>>, vector<1x16xf32>,
              %swap3A_356 = vector.shape_cast %swap3A_355 : vector<1x16xf32> to vector<16xf32>
              %swap3A_357 = vector.shape_cast %add3A_352 : vector<16xf32> to vector<1x16xf32>
              tpu.vector_store %arg38[%swap3A_353, %swap3A_354], %swap3A_357 {strides = array<i32>} : memref<32x96xf32, #tpu.memory_space<vmem>>, vector<1x16xf32>,
              %mul3A_358 = arith.constant 16 : i32
              %mul3A_359 = arith.muli %scan3A_247, %mul3A_358 : i32
              %add3A_360 = arith.constant 2 : i32
              %add3A_361 = arith.addi %mul3A_359, %add3A_360 : i32
              %slice3A_362 = vector.extract_strided_slice %get3A_252 {offsets = [2], sizes = [1], strides = [1]} : vector<16xf32> to vector<1xf32>
              %squeeze3A_363 = vector.extract %slice3A_362[0] : f32 from vector<1xf32>
              %get3A_364 = arith.index_cast %add3A_361 : i32 to index
              %get3A_365 = arith.index_cast %mul3A_270 : i32 to index
              %get3A_366 = tpu.vector_load %arg30[%get3A_364, %get3A_365] {strides = array<i32>} : memref<32x128xf32, #tpu.memory_space<vmem>>, vector<1x16xf32>,
              %get3A_367 = vector.shape_cast %get3A_366 : vector<1x16xf32> to vector<16xf32>
              %mul3A_368 = vector.broadcast %squeeze3A_363 : f32 to vector<16xf32>
              %mul3A_369 = arith.mulf %mul3A_368, %get3A_367 : vector<16xf32>
              %slice3A_370 = vector.extract_strided_slice %get3A_255 {offsets = [2], sizes = [1], strides = [1]} : vector<16xf32> to vector<1xf32>
              %squeeze3A_371 = vector.extract %slice3A_370[0] : f32 from vector<1xf32>
              %get3A_372 = arith.index_cast %add3A_361 : i32 to index
              %get3A_373 = arith.index_cast %mul3A_270 : i32 to index
              %get3A_374 = tpu.vector_load %arg31[%get3A_372, %get3A_373] {strides = array<i32>} : memref<32x128xf32, #tpu.memory_space<vmem>>, vector<1x16xf32>,
              %get3A_375 = vector.shape_cast %get3A_374 : vector<1x16xf32> to vector<16xf32>
              %mul3A_376 = vector.broadcast %squeeze3A_371 : f32 to vector<16xf32>
              %mul3A_377 = arith.mulf %mul3A_376, %get3A_375 : vector<16xf32>
              %add3A_378 = arith.addf %mul3A_369, %mul3A_377 : vector<16xf32>
              %slice3A_379 = vector.extract_strided_slice %get3A_258 {offsets = [2], sizes = [1], strides = [1]} : vector<16xf32> to vector<1xf32>
              %squeeze3A_380 = vector.extract %slice3A_379[0] : f32 from vector<1xf32>
              %get3A_381 = arith.index_cast %add3A_361 : i32 to index
              %get3A_382 = arith.index_cast %mul3A_270 : i32 to index
              %get3A_383 = tpu.vector_load %arg32[%get3A_381, %get3A_382] {strides = array<i32>} : memref<32x128xf32, #tpu.memory_space<vmem>>, vector<1x16xf32>,
              %get3A_384 = vector.shape_cast %get3A_383 : vector<1x16xf32> to vector<16xf32>
              %mul3A_385 = vector.broadcast %squeeze3A_380 : f32 to vector<16xf32>
              %mul3A_386 = arith.mulf %mul3A_385, %get3A_384 : vector<16xf32>
              %add3A_387 = arith.addf %add3A_378, %mul3A_386 : vector<16xf32>
              %slice3A_388 = vector.extract_strided_slice %get3A_261 {offsets = [2], sizes = [1], strides = [1]} : vector<16xf32> to vector<1xf32>
              %squeeze3A_389 = vector.extract %slice3A_388[0] : f32 from vector<1xf32>
              %get3A_390 = arith.index_cast %add3A_361 : i32 to index
              %get3A_391 = arith.index_cast %mul3A_270 : i32 to index
              %get3A_392 = tpu.vector_load %arg33[%get3A_390, %get3A_391] {strides = array<i32>} : memref<32x128xf32, #tpu.memory_space<vmem>>, vector<1x16xf32>,
              %get3A_393 = vector.shape_cast %get3A_392 : vector<1x16xf32> to vector<16xf32>
              %mul3A_394 = vector.broadcast %squeeze3A_389 : f32 to vector<16xf32>
              %mul3A_395 = arith.mulf %mul3A_394, %get3A_393 : vector<16xf32>
              %add3A_396 = arith.addf %add3A_387, %mul3A_395 : vector<16xf32>
              %swap3A_397 = arith.index_cast %add3A_361 : i32 to index
              %swap3A_398 = arith.index_cast %mul3A_270 : i32 to index
              %swap3A_399 = tpu.vector_load %arg38[%swap3A_397, %swap3A_398] {strides = array<i32>} : memref<32x96xf32, #tpu.memory_space<vmem>>, vector<1x16xf32>,
              %swap3A_400 = vector.shape_cast %swap3A_399 : vector<1x16xf32> to vector<16xf32>
              %swap3A_401 = vector.shape_cast %add3A_396 : vector<16xf32> to vector<1x16xf32>
              tpu.vector_store %arg38[%swap3A_397, %swap3A_398], %swap3A_401 {strides = array<i32>} : memref<32x96xf32, #tpu.memory_space<vmem>>, vector<1x16xf32>,
              %mul3A_402 = arith.constant 16 : i32
              %mul3A_403 = arith.muli %scan3A_247, %mul3A_402 : i32
              %add3A_404 = arith.constant 3 : i32
              %add3A_405 = arith.addi %mul3A_403, %add3A_404 : i32
              %slice3A_406 = vector.extract_strided_slice %get3A_252 {offsets = [3], sizes = [1], strides = [1]} : vector<16xf32> to vector<1xf32>
              %squeeze3A_407 = vector.extract %slice3A_406[0] : f32 from vector<1xf32>
              %get3A_408 = arith.index_cast %add3A_405 : i32 to index
              %get3A_409 = arith.index_cast %mul3A_270 : i32 to index
              %get3A_410 = tpu.vector_load %arg30[%get3A_408, %get3A_409] {strides = array<i32>} : memref<32x128xf32, #tpu.memory_space<vmem>>, vector<1x16xf32>,
              %get3A_411 = vector.shape_cast %get3A_410 : vector<1x16xf32> to vector<16xf32>
              %mul3A_412 = vector.broadcast %squeeze3A_407 : f32 to vector<16xf32>
              %mul3A_413 = arith.mulf %mul3A_412, %get3A_411 : vector<16xf32>
              %slice3A_414 = vector.extract_strided_slice %get3A_255 {offsets = [3], sizes = [1], strides = [1]} : vector<16xf32> to vector<1xf32>
              %squeeze3A_415 = vector.extract %slice3A_414[0] : f32 from vector<1xf32>
              %get3A_416 = arith.index_cast %add3A_405 : i32 to index
              %get3A_417 = arith.index_cast %mul3A_270 : i32 to index
              %get3A_418 = tpu.vector_load %arg31[%get3A_416, %get3A_417] {strides = array<i32>} : memref<32x128xf32, #tpu.memory_space<vmem>>, vector<1x16xf32>,
              %get3A_419 = vector.shape_cast %get3A_418 : vector<1x16xf32> to vector<16xf32>
              %mul3A_420 = vector.broadcast %squeeze3A_415 : f32 to vector<16xf32>
              %mul3A_421 = arith.mulf %mul3A_420, %get3A_419 : vector<16xf32>
              %add3A_422 = arith.addf %mul3A_413, %mul3A_421 : vector<16xf32>
              %slice3A_423 = vector.extract_strided_slice %get3A_258 {offsets = [3], sizes = [1], strides = [1]} : vector<16xf32> to vector<1xf32>
              %squeeze3A_424 = vector.extract %slice3A_423[0] : f32 from vector<1xf32>
              %get3A_425 = arith.index_cast %add3A_405 : i32 to index
              %get3A_426 = arith.index_cast %mul3A_270 : i32 to index
              %get3A_427 = tpu.vector_load %arg32[%get3A_425, %get3A_426] {strides = array<i32>} : memref<32x128xf32, #tpu.memory_space<vmem>>, vector<1x16xf32>,
              %get3A_428 = vector.shape_cast %get3A_427 : vector<1x16xf32> to vector<16xf32>
              %mul3A_429 = vector.broadcast %squeeze3A_424 : f32 to vector<16xf32>
              %mul3A_430 = arith.mulf %mul3A_429, %get3A_428 : vector<16xf32>
              %add3A_431 = arith.addf %add3A_422, %mul3A_430 : vector<16xf32>
              %slice3A_432 = vector.extract_strided_slice %get3A_261 {offsets = [3], sizes = [1], strides = [1]} : vector<16xf32> to vector<1xf32>
              %squeeze3A_433 = vector.extract %slice3A_432[0] : f32 from vector<1xf32>
              %get3A_434 = arith.index_cast %add3A_405 : i32 to index
              %get3A_435 = arith.index_cast %mul3A_270 : i32 to index
              %get3A_436 = tpu.vector_load %arg33[%get3A_434, %get3A_435] {strides = array<i32>} : memref<32x128xf32, #tpu.memory_space<vmem>>, vector<1x16xf32>,
              %get3A_437 = vector.shape_cast %get3A_436 : vector<1x16xf32> to vector<16xf32>
              %mul3A_438 = vector.broadcast %squeeze3A_433 : f32 to vector<16xf32>
              %mul3A_439 = arith.mulf %mul3A_438, %get3A_437 : vector<16xf32>
              %add3A_440 = arith.addf %add3A_431, %mul3A_439 : vector<16xf32>
              %swap3A_441 = arith.index_cast %add3A_405 : i32 to index
              %swap3A_442 = arith.index_cast %mul3A_270 : i32 to index
              %swap3A_443 = tpu.vector_load %arg38[%swap3A_441, %swap3A_442] {strides = array<i32>} : memref<32x96xf32, #tpu.memory_space<vmem>>, vector<1x16xf32>,
              %swap3A_444 = vector.shape_cast %swap3A_443 : vector<1x16xf32> to vector<16xf32>
              %swap3A_445 = vector.shape_cast %add3A_440 : vector<16xf32> to vector<1x16xf32>
              tpu.vector_store %arg38[%swap3A_441, %swap3A_442], %swap3A_445 {strides = array<i32>} : memref<32x96xf32, #tpu.memory_space<vmem>>, vector<1x16xf32>,
              %mul3A_446 = arith.constant 16 : i32
              %mul3A_447 = arith.muli %scan3A_247, %mul3A_446 : i32
              %add3A_448 = arith.constant 4 : i32
              %add3A_449 = arith.addi %mul3A_447, %add3A_448 : i32
              %slice3A_450 = vector.extract_strided_slice %get3A_252 {offsets = [4], sizes = [1], strides = [1]} : vector<16xf32> to vector<1xf32>
              %squeeze3A_451 = vector.extract %slice3A_450[0] : f32 from vector<1xf32>
              %get3A_452 = arith.index_cast %add3A_449 : i32 to index
              %get3A_453 = arith.index_cast %mul3A_270 : i32 to index
              %get3A_454 = tpu.vector_load %arg30[%get3A_452, %get3A_453] {strides = array<i32>} : memref<32x128xf32, #tpu.memory_space<vmem>>, vector<1x16xf32>,
              %get3A_455 = vector.shape_cast %get3A_454 : vector<1x16xf32> to vector<16xf32>
              %mul3A_456 = vector.broadcast %squeeze3A_451 : f32 to vector<16xf32>
              %mul3A_457 = arith.mulf %mul3A_456, %get3A_455 : vector<16xf32>
              %slice3A_458 = vector.extract_strided_slice %get3A_255 {offsets = [4], sizes = [1], strides = [1]} : vector<16xf32> to vector<1xf32>
              %squeeze3A_459 = vector.extract %slice3A_458[0] : f32 from vector<1xf32>
              %get3A_460 = arith.index_cast %add3A_449 : i32 to index
              %get3A_461 = arith.index_cast %mul3A_270 : i32 to index
              %get3A_462 = tpu.vector_load %arg31[%get3A_460, %get3A_461] {strides = array<i32>} : memref<32x128xf32, #tpu.memory_space<vmem>>, vector<1x16xf32>,
              %get3A_463 = vector.shape_cast %get3A_462 : vector<1x16xf32> to vector<16xf32>
              %mul3A_464 = vector.broadcast %squeeze3A_459 : f32 to vector<16xf32>
              %mul3A_465 = arith.mulf %mul3A_464, %get3A_463 : vector<16xf32>
              %add3A_466 = arith.addf %mul3A_457, %mul3A_465 : vector<16xf32>
              %slice3A_467 = vector.extract_strided_slice %get3A_258 {offsets = [4], sizes = [1], strides = [1]} : vector<16xf32> to vector<1xf32>
              %squeeze3A_468 = vector.extract %slice3A_467[0] : f32 from vector<1xf32>
              %get3A_469 = arith.index_cast %add3A_449 : i32 to index
              %get3A_470 = arith.index_cast %mul3A_270 : i32 to index
              %get3A_471 = tpu.vector_load %arg32[%get3A_469, %get3A_470] {strides = array<i32>} : memref<32x128xf32, #tpu.memory_space<vmem>>, vector<1x16xf32>,
              %get3A_472 = vector.shape_cast %get3A_471 : vector<1x16xf32> to vector<16xf32>
              %mul3A_473 = vector.broadcast %squeeze3A_468 : f32 to vector<16xf32>
              %mul3A_474 = arith.mulf %mul3A_473, %get3A_472 : vector<16xf32>
              %add3A_475 = arith.addf %add3A_466, %mul3A_474 : vector<16xf32>
              %slice3A_476 = vector.extract_strided_slice %get3A_261 {offsets = [4], sizes = [1], strides = [1]} : vector<16xf32> to vector<1xf32>
              %squeeze3A_477 = vector.extract %slice3A_476[0] : f32 from vector<1xf32>
              %get3A_478 = arith.index_cast %add3A_449 : i32 to index
              %get3A_479 = arith.index_cast %mul3A_270 : i32 to index
              %get3A_480 = tpu.vector_load %arg33[%get3A_478, %get3A_479] {strides = array<i32>} : memref<32x128xf32, #tpu.memory_space<vmem>>, vector<1x16xf32>,
              %get3A_481 = vector.shape_cast %get3A_480 : vector<1x16xf32> to vector<16xf32>
              %mul3A_482 = vector.broadcast %squeeze3A_477 : f32 to vector<16xf32>
              %mul3A_483 = arith.mulf %mul3A_482, %get3A_481 : vector<16xf32>
              %add3A_484 = arith.addf %add3A_475, %mul3A_483 : vector<16xf32>
              %swap3A_485 = arith.index_cast %add3A_449 : i32 to index
              %swap3A_486 = arith.index_cast %mul3A_270 : i32 to index
              %swap3A_487 = tpu.vector_load %arg38[%swap3A_485, %swap3A_486] {strides = array<i32>} : memref<32x96xf32, #tpu.memory_space<vmem>>, vector<1x16xf32>,
              %swap3A_488 = vector.shape_cast %swap3A_487 : vector<1x16xf32> to vector<16xf32>
              %swap3A_489 = vector.shape_cast %add3A_484 : vector<16xf32> to vector<1x16xf32>
              tpu.vector_store %arg38[%swap3A_485, %swap3A_486], %swap3A_489 {strides = array<i32>} : memref<32x96xf32, #tpu.memory_space<vmem>>, vector<1x16xf32>,
              %mul3A_490 = arith.constant 16 : i32
              %mul3A_491 = arith.muli %scan3A_247, %mul3A_490 : i32
              %add3A_492 = arith.constant 5 : i32
              %add3A_493 = arith.addi %mul3A_491, %add3A_492 : i32
              %slice3A_494 = vector.extract_strided_slice %get3A_252 {offsets = [5], sizes = [1], strides = [1]} : vector<16xf32> to vector<1xf32>
              %squeeze3A_495 = vector.extract %slice3A_494[0] : f32 from vector<1xf32>
              %get3A_496 = arith.index_cast %add3A_493 : i32 to index
              %get3A_497 = arith.index_cast %mul3A_270 : i32 to index
              %get3A_498 = tpu.vector_load %arg30[%get3A_496, %get3A_497] {strides = array<i32>} : memref<32x128xf32, #tpu.memory_space<vmem>>, vector<1x16xf32>,
              %get3A_499 = vector.shape_cast %get3A_498 : vector<1x16xf32> to vector<16xf32>
              %mul3A_500 = vector.broadcast %squeeze3A_495 : f32 to vector<16xf32>
              %mul3A_501 = arith.mulf %mul3A_500, %get3A_499 : vector<16xf32>
              %slice3A_502 = vector.extract_strided_slice %get3A_255 {offsets = [5], sizes = [1], strides = [1]} : vector<16xf32> to vector<1xf32>
              %squeeze3A_503 = vector.extract %slice3A_502[0] : f32 from vector<1xf32>
              %get3A_504 = arith.index_cast %add3A_493 : i32 to index
              %get3A_505 = arith.index_cast %mul3A_270 : i32 to index
              %get3A_506 = tpu.vector_load %arg31[%get3A_504, %get3A_505] {strides = array<i32>} : memref<32x128xf32, #tpu.memory_space<vmem>>, vector<1x16xf32>,
              %get3A_507 = vector.shape_cast %get3A_506 : vector<1x16xf32> to vector<16xf32>
              %mul3A_508 = vector.broadcast %squeeze3A_503 : f32 to vector<16xf32>
              %mul3A_509 = arith.mulf %mul3A_508, %get3A_507 : vector<16xf32>
              %add3A_510 = arith.addf %mul3A_501, %mul3A_509 : vector<16xf32>
              %slice3A_511 = vector.extract_strided_slice %get3A_258 {offsets = [5], sizes = [1], strides = [1]} : vector<16xf32> to vector<1xf32>
              %squeeze3A_512 = vector.extract %slice3A_511[0] : f32 from vector<1xf32>
              %get3A_513 = arith.index_cast %add3A_493 : i32 to index
              %get3A_514 = arith.index_cast %mul3A_270 : i32 to index
              %get3A_515 = tpu.vector_load %arg32[%get3A_513, %get3A_514] {strides = array<i32>} : memref<32x128xf32, #tpu.memory_space<vmem>>, vector<1x16xf32>,
              %get3A_516 = vector.shape_cast %get3A_515 : vector<1x16xf32> to vector<16xf32>
              %mul3A_517 = vector.broadcast %squeeze3A_512 : f32 to vector<16xf32>
              %mul3A_518 = arith.mulf %mul3A_517, %get3A_516 : vector<16xf32>
              %add3A_519 = arith.addf %add3A_510, %mul3A_518 : vector<16xf32>
              %slice3A_520 = vector.extract_strided_slice %get3A_261 {offsets = [5], sizes = [1], strides = [1]} : vector<16xf32> to vector<1xf32>
              %squeeze3A_521 = vector.extract %slice3A_520[0] : f32 from vector<1xf32>
              %get3A_522 = arith.index_cast %add3A_493 : i32 to index
              %get3A_523 = arith.index_cast %mul3A_270 : i32 to index
              %get3A_524 = tpu.vector_load %arg33[%get3A_522, %get3A_523] {strides = array<i32>} : memref<32x128xf32, #tpu.memory_space<vmem>>, vector<1x16xf32>,
              %get3A_525 = vector.shape_cast %get3A_524 : vector<1x16xf32> to vector<16xf32>
              %mul3A_526 = vector.broadcast %squeeze3A_521 : f32 to vector<16xf32>
              %mul3A_527 = arith.mulf %mul3A_526, %get3A_525 : vector<16xf32>
              %add3A_528 = arith.addf %add3A_519, %mul3A_527 : vector<16xf32>
              %swap3A_529 = arith.index_cast %add3A_493 : i32 to index
              %swap3A_530 = arith.index_cast %mul3A_270 : i32 to index
              %swap3A_531 = tpu.vector_load %arg38[%swap3A_529, %swap3A_530] {strides = array<i32>} : memref<32x96xf32, #tpu.memory_space<vmem>>, vector<1x16xf32>,
              %swap3A_532 = vector.shape_cast %swap3A_531 : vector<1x16xf32> to vector<16xf32>
              %swap3A_533 = vector.shape_cast %add3A_528 : vector<16xf32> to vector<1x16xf32>
              tpu.vector_store %arg38[%swap3A_529, %swap3A_530], %swap3A_533 {strides = array<i32>} : memref<32x96xf32, #tpu.memory_space<vmem>>, vector<1x16xf32>,
              %mul3A_534 = arith.constant 16 : i32
              %mul3A_535 = arith.muli %scan3A_247, %mul3A_534 : i32
              %add3A_536 = arith.constant 6 : i32
              %add3A_537 = arith.addi %mul3A_535, %add3A_536 : i32
              %slice3A_538 = vector.extract_strided_slice %get3A_252 {offsets = [6], sizes = [1], strides = [1]} : vector<16xf32> to vector<1xf32>
              %squeeze3A_539 = vector.extract %slice3A_538[0] : f32 from vector<1xf32>
              %get3A_540 = arith.index_cast %add3A_537 : i32 to index
              %get3A_541 = arith.index_cast %mul3A_270 : i32 to index
              %get3A_542 = tpu.vector_load %arg30[%get3A_540, %get3A_541] {strides = array<i32>} : memref<32x128xf32, #tpu.memory_space<vmem>>, vector<1x16xf32>,
              %get3A_543 = vector.shape_cast %get3A_542 : vector<1x16xf32> to vector<16xf32>
              %mul3A_544 = vector.broadcast %squeeze3A_539 : f32 to vector<16xf32>
              %mul3A_545 = arith.mulf %mul3A_544, %get3A_543 : vector<16xf32>
              %slice3A_546 = vector.extract_strided_slice %get3A_255 {offsets = [6], sizes = [1], strides = [1]} : vector<16xf32> to vector<1xf32>
              %squeeze3A_547 = vector.extract %slice3A_546[0] : f32 from vector<1xf32>
              %get3A_548 = arith.index_cast %add3A_537 : i32 to index
              %get3A_549 = arith.index_cast %mul3A_270 : i32 to index
              %get3A_550 = tpu.vector_load %arg31[%get3A_548, %get3A_549] {strides = array<i32>} : memref<32x128xf32, #tpu.memory_space<vmem>>, vector<1x16xf32>,
              %get3A_551 = vector.shape_cast %get3A_550 : vector<1x16xf32> to vector<16xf32>
              %mul3A_552 = vector.broadcast %squeeze3A_547 : f32 to vector<16xf32>
              %mul3A_553 = arith.mulf %mul3A_552, %get3A_551 : vector<16xf32>
              %add3A_554 = arith.addf %mul3A_545, %mul3A_553 : vector<16xf32>
              %slice3A_555 = vector.extract_strided_slice %get3A_258 {offsets = [6], sizes = [1], strides = [1]} : vector<16xf32> to vector<1xf32>
              %squeeze3A_556 = vector.extract %slice3A_555[0] : f32 from vector<1xf32>
              %get3A_557 = arith.index_cast %add3A_537 : i32 to index
              %get3A_558 = arith.index_cast %mul3A_270 : i32 to index
              %get3A_559 = tpu.vector_load %arg32[%get3A_557, %get3A_558] {strides = array<i32>} : memref<32x128xf32, #tpu.memory_space<vmem>>, vector<1x16xf32>,
              %get3A_560 = vector.shape_cast %get3A_559 : vector<1x16xf32> to vector<16xf32>
              %mul3A_561 = vector.broadcast %squeeze3A_556 : f32 to vector<16xf32>
              %mul3A_562 = arith.mulf %mul3A_561, %get3A_560 : vector<16xf32>
              %add3A_563 = arith.addf %add3A_554, %mul3A_562 : vector<16xf32>
              %slice3A_564 = vector.extract_strided_slice %get3A_261 {offsets = [6], sizes = [1], strides = [1]} : vector<16xf32> to vector<1xf32>
              %squeeze3A_565 = vector.extract %slice3A_564[0] : f32 from vector<1xf32>
              %get3A_566 = arith.index_cast %add3A_537 : i32 to index
              %get3A_567 = arith.index_cast %mul3A_270 : i32 to index
              %get3A_568 = tpu.vector_load %arg33[%get3A_566, %get3A_567] {strides = array<i32>} : memref<32x128xf32, #tpu.memory_space<vmem>>, vector<1x16xf32>,
              %get3A_569 = vector.shape_cast %get3A_568 : vector<1x16xf32> to vector<16xf32>
              %mul3A_570 = vector.broadcast %squeeze3A_565 : f32 to vector<16xf32>
              %mul3A_571 = arith.mulf %mul3A_570, %get3A_569 : vector<16xf32>
              %add3A_572 = arith.addf %add3A_563, %mul3A_571 : vector<16xf32>
              %swap3A_573 = arith.index_cast %add3A_537 : i32 to index
              %swap3A_574 = arith.index_cast %mul3A_270 : i32 to index
              %swap3A_575 = tpu.vector_load %arg38[%swap3A_573, %swap3A_574] {strides = array<i32>} : memref<32x96xf32, #tpu.memory_space<vmem>>, vector<1x16xf32>,
              %swap3A_576 = vector.shape_cast %swap3A_575 : vector<1x16xf32> to vector<16xf32>
              %swap3A_577 = vector.shape_cast %add3A_572 : vector<16xf32> to vector<1x16xf32>
              tpu.vector_store %arg38[%swap3A_573, %swap3A_574], %swap3A_577 {strides = array<i32>} : memref<32x96xf32, #tpu.memory_space<vmem>>, vector<1x16xf32>,
              %mul3A_578 = arith.constant 16 : i32
              %mul3A_579 = arith.muli %scan3A_247, %mul3A_578 : i32
              %add3A_580 = arith.constant 7 : i32
              %add3A_581 = arith.addi %mul3A_579, %add3A_580 : i32
              %slice3A_582 = vector.extract_strided_slice %get3A_252 {offsets = [7], sizes = [1], strides = [1]} : vector<16xf32> to vector<1xf32>
              %squeeze3A_583 = vector.extract %slice3A_582[0] : f32 from vector<1xf32>
              %get3A_584 = arith.index_cast %add3A_581 : i32 to index
              %get3A_585 = arith.index_cast %mul3A_270 : i32 to index
              %get3A_586 = tpu.vector_load %arg30[%get3A_584, %get3A_585] {strides = array<i32>} : memref<32x128xf32, #tpu.memory_space<vmem>>, vector<1x16xf32>,
              %get3A_587 = vector.shape_cast %get3A_586 : vector<1x16xf32> to vector<16xf32>
              %mul3A_588 = vector.broadcast %squeeze3A_583 : f32 to vector<16xf32>
              %mul3A_589 = arith.mulf %mul3A_588, %get3A_587 : vector<16xf32>
              %slice3A_590 = vector.extract_strided_slice %get3A_255 {offsets = [7], sizes = [1], strides = [1]} : vector<16xf32> to vector<1xf32>
              %squeeze3A_591 = vector.extract %slice3A_590[0] : f32 from vector<1xf32>
              %get3A_592 = arith.index_cast %add3A_581 : i32 to index
              %get3A_593 = arith.index_cast %mul3A_270 : i32 to index
              %get3A_594 = tpu.vector_load %arg31[%get3A_592, %get3A_593] {strides = array<i32>} : memref<32x128xf32, #tpu.memory_space<vmem>>, vector<1x16xf32>,
              %get3A_595 = vector.shape_cast %get3A_594 : vector<1x16xf32> to vector<16xf32>
              %mul3A_596 = vector.broadcast %squeeze3A_591 : f32 to vector<16xf32>
              %mul3A_597 = arith.mulf %mul3A_596, %get3A_595 : vector<16xf32>
              %add3A_598 = arith.addf %mul3A_589, %mul3A_597 : vector<16xf32>
              %slice3A_599 = vector.extract_strided_slice %get3A_258 {offsets = [7], sizes = [1], strides = [1]} : vector<16xf32> to vector<1xf32>
              %squeeze3A_600 = vector.extract %slice3A_599[0] : f32 from vector<1xf32>
              %get3A_601 = arith.index_cast %add3A_581 : i32 to index
              %get3A_602 = arith.index_cast %mul3A_270 : i32 to index
              %get3A_603 = tpu.vector_load %arg32[%get3A_601, %get3A_602] {strides = array<i32>} : memref<32x128xf32, #tpu.memory_space<vmem>>, vector<1x16xf32>,
              %get3A_604 = vector.shape_cast %get3A_603 : vector<1x16xf32> to vector<16xf32>
              %mul3A_605 = vector.broadcast %squeeze3A_600 : f32 to vector<16xf32>
              %mul3A_606 = arith.mulf %mul3A_605, %get3A_604 : vector<16xf32>
              %add3A_607 = arith.addf %add3A_598, %mul3A_606 : vector<16xf32>
              %slice3A_608 = vector.extract_strided_slice %get3A_261 {offsets = [7], sizes = [1], strides = [1]} : vector<16xf32> to vector<1xf32>
              %squeeze3A_609 = vector.extract %slice3A_608[0] : f32 from vector<1xf32>
              %get3A_610 = arith.index_cast %add3A_581 : i32 to index
              %get3A_611 = arith.index_cast %mul3A_270 : i32 to index
              %get3A_612 = tpu.vector_load %arg33[%get3A_610, %get3A_611] {strides = array<i32>} : memref<32x128xf32, #tpu.memory_space<vmem>>, vector<1x16xf32>,
              %get3A_613 = vector.shape_cast %get3A_612 : vector<1x16xf32> to vector<16xf32>
              %mul3A_614 = vector.broadcast %squeeze3A_609 : f32 to vector<16xf32>
              %mul3A_615 = arith.mulf %mul3A_614, %get3A_613 : vector<16xf32>
              %add3A_616 = arith.addf %add3A_607, %mul3A_615 : vector<16xf32>
              %swap3A_617 = arith.index_cast %add3A_581 : i32 to index
              %swap3A_618 = arith.index_cast %mul3A_270 : i32 to index
              %swap3A_619 = tpu.vector_load %arg38[%swap3A_617, %swap3A_618] {strides = array<i32>} : memref<32x96xf32, #tpu.memory_space<vmem>>, vector<1x16xf32>,
              %swap3A_620 = vector.shape_cast %swap3A_619 : vector<1x16xf32> to vector<16xf32>
              %swap3A_621 = vector.shape_cast %add3A_616 : vector<16xf32> to vector<1x16xf32>
              tpu.vector_store %arg38[%swap3A_617, %swap3A_618], %swap3A_621 {strides = array<i32>} : memref<32x96xf32, #tpu.memory_space<vmem>>, vector<1x16xf32>,
              %mul3A_622 = arith.constant 16 : i32
              %mul3A_623 = arith.muli %scan3A_247, %mul3A_622 : i32
              %add3A_624 = arith.constant 8 : i32
              %add3A_625 = arith.addi %mul3A_623, %add3A_624 : i32
              %slice3A_626 = vector.extract_strided_slice %get3A_252 {offsets = [8], sizes = [1], strides = [1]} : vector<16xf32> to vector<1xf32>
              %squeeze3A_627 = vector.extract %slice3A_626[0] : f32 from vector<1xf32>
              %get3A_628 = arith.index_cast %add3A_625 : i32 to index
              %get3A_629 = arith.index_cast %mul3A_270 : i32 to index
              %get3A_630 = tpu.vector_load %arg30[%get3A_628, %get3A_629] {strides = array<i32>} : memref<32x128xf32, #tpu.memory_space<vmem>>, vector<1x16xf32>,
              %get3A_631 = vector.shape_cast %get3A_630 : vector<1x16xf32> to vector<16xf32>
              %mul3A_632 = vector.broadcast %squeeze3A_627 : f32 to vector<16xf32>
              %mul3A_633 = arith.mulf %mul3A_632, %get3A_631 : vector<16xf32>
              %slice3A_634 = vector.extract_strided_slice %get3A_255 {offsets = [8], sizes = [1], strides = [1]} : vector<16xf32> to vector<1xf32>
              %squeeze3A_635 = vector.extract %slice3A_634[0] : f32 from vector<1xf32>
              %get3A_636 = arith.index_cast %add3A_625 : i32 to index
              %get3A_637 = arith.index_cast %mul3A_270 : i32 to index
              %get3A_638 = tpu.vector_load %arg31[%get3A_636, %get3A_637] {strides = array<i32>} : memref<32x128xf32, #tpu.memory_space<vmem>>, vector<1x16xf32>,
              %get3A_639 = vector.shape_cast %get3A_638 : vector<1x16xf32> to vector<16xf32>
              %mul3A_640 = vector.broadcast %squeeze3A_635 : f32 to vector<16xf32>
              %mul3A_641 = arith.mulf %mul3A_640, %get3A_639 : vector<16xf32>
              %add3A_642 = arith.addf %mul3A_633, %mul3A_641 : vector<16xf32>
              %slice3A_643 = vector.extract_strided_slice %get3A_258 {offsets = [8], sizes = [1], strides = [1]} : vector<16xf32> to vector<1xf32>
              %squeeze3A_644 = vector.extract %slice3A_643[0] : f32 from vector<1xf32>
              %get3A_645 = arith.index_cast %add3A_625 : i32 to index
              %get3A_646 = arith.index_cast %mul3A_270 : i32 to index
              %get3A_647 = tpu.vector_load %arg32[%get3A_645, %get3A_646] {strides = array<i32>} : memref<32x128xf32, #tpu.memory_space<vmem>>, vector<1x16xf32>,
              %get3A_648 = vector.shape_cast %get3A_647 : vector<1x16xf32> to vector<16xf32>
              %mul3A_649 = vector.broadcast %squeeze3A_644 : f32 to vector<16xf32>
              %mul3A_650 = arith.mulf %mul3A_649, %get3A_648 : vector<16xf32>
              %add3A_651 = arith.addf %add3A_642, %mul3A_650 : vector<16xf32>
              %slice3A_652 = vector.extract_strided_slice %get3A_261 {offsets = [8], sizes = [1], strides = [1]} : vector<16xf32> to vector<1xf32>
              %squeeze3A_653 = vector.extract %slice3A_652[0] : f32 from vector<1xf32>
              %get3A_654 = arith.index_cast %add3A_625 : i32 to index
              %get3A_655 = arith.index_cast %mul3A_270 : i32 to index
              %get3A_656 = tpu.vector_load %arg33[%get3A_654, %get3A_655] {strides = array<i32>} : memref<32x128xf32, #tpu.memory_space<vmem>>, vector<1x16xf32>,
              %get3A_657 = vector.shape_cast %get3A_656 : vector<1x16xf32> to vector<16xf32>
              %mul3A_658 = vector.broadcast %squeeze3A_653 : f32 to vector<16xf32>
              %mul3A_659 = arith.mulf %mul3A_658, %get3A_657 : vector<16xf32>
              %add3A_660 = arith.addf %add3A_651, %mul3A_659 : vector<16xf32>
              %swap3A_661 = arith.index_cast %add3A_625 : i32 to index
              %swap3A_662 = arith.index_cast %mul3A_270 : i32 to index
              %swap3A_663 = tpu.vector_load %arg38[%swap3A_661, %swap3A_662] {strides = array<i32>} : memref<32x96xf32, #tpu.memory_space<vmem>>, vector<1x16xf32>,
              %swap3A_664 = vector.shape_cast %swap3A_663 : vector<1x16xf32> to vector<16xf32>
              %swap3A_665 = vector.shape_cast %add3A_660 : vector<16xf32> to vector<1x16xf32>
              tpu.vector_store %arg38[%swap3A_661, %swap3A_662], %swap3A_665 {strides = array<i32>} : memref<32x96xf32, #tpu.memory_space<vmem>>, vector<1x16xf32>,
              %mul3A_666 = arith.constant 16 : i32
              %mul3A_667 = arith.muli %scan3A_247, %mul3A_666 : i32
              %add3A_668 = arith.constant 9 : i32
              %add3A_669 = arith.addi %mul3A_667, %add3A_668 : i32
              %slice3A_670 = vector.extract_strided_slice %get3A_252 {offsets = [9], sizes = [1], strides = [1]} : vector<16xf32> to vector<1xf32>
              %squeeze3A_671 = vector.extract %slice3A_670[0] : f32 from vector<1xf32>
              %get3A_672 = arith.index_cast %add3A_669 : i32 to index
              %get3A_673 = arith.index_cast %mul3A_270 : i32 to index
              %get3A_674 = tpu.vector_load %arg30[%get3A_672, %get3A_673] {strides = array<i32>} : memref<32x128xf32, #tpu.memory_space<vmem>>, vector<1x16xf32>,
              %get3A_675 = vector.shape_cast %get3A_674 : vector<1x16xf32> to vector<16xf32>
              %mul3A_676 = vector.broadcast %squeeze3A_671 : f32 to vector<16xf32>
              %mul3A_677 = arith.mulf %mul3A_676, %get3A_675 : vector<16xf32>
              %slice3A_678 = vector.extract_strided_slice %get3A_255 {offsets = [9], sizes = [1], strides = [1]} : vector<16xf32> to vector<1xf32>
              %squeeze3A_679 = vector.extract %slice3A_678[0] : f32 from vector<1xf32>
              %get3A_680 = arith.index_cast %add3A_669 : i32 to index
              %get3A_681 = arith.index_cast %mul3A_270 : i32 to index
              %get3A_682 = tpu.vector_load %arg31[%get3A_680, %get3A_681] {strides = array<i32>} : memref<32x128xf32, #tpu.memory_space<vmem>>, vector<1x16xf32>,
              %get3A_683 = vector.shape_cast %get3A_682 : vector<1x16xf32> to vector<16xf32>
              %mul3A_684 = vector.broadcast %squeeze3A_679 : f32 to vector<16xf32>
              %mul3A_685 = arith.mulf %mul3A_684, %get3A_683 : vector<16xf32>
              %add3A_686 = arith.addf %mul3A_677, %mul3A_685 : vector<16xf32>
              %slice3A_687 = vector.extract_strided_slice %get3A_258 {offsets = [9], sizes = [1], strides = [1]} : vector<16xf32> to vector<1xf32>
              %squeeze3A_688 = vector.extract %slice3A_687[0] : f32 from vector<1xf32>
              %get3A_689 = arith.index_cast %add3A_669 : i32 to index
              %get3A_690 = arith.index_cast %mul3A_270 : i32 to index
              %get3A_691 = tpu.vector_load %arg32[%get3A_689, %get3A_690] {strides = array<i32>} : memref<32x128xf32, #tpu.memory_space<vmem>>, vector<1x16xf32>,
              %get3A_692 = vector.shape_cast %get3A_691 : vector<1x16xf32> to vector<16xf32>
              %mul3A_693 = vector.broadcast %squeeze3A_688 : f32 to vector<16xf32>
              %mul3A_694 = arith.mulf %mul3A_693, %get3A_692 : vector<16xf32>
              %add3A_695 = arith.addf %add3A_686, %mul3A_694 : vector<16xf32>
              %slice3A_696 = vector.extract_strided_slice %get3A_261 {offsets = [9], sizes = [1], strides = [1]} : vector<16xf32> to vector<1xf32>
              %squeeze3A_697 = vector.extract %slice3A_696[0] : f32 from vector<1xf32>
              %get3A_698 = arith.index_cast %add3A_669 : i32 to index
              %get3A_699 = arith.index_cast %mul3A_270 : i32 to index
              %get3A_700 = tpu.vector_load %arg33[%get3A_698, %get3A_699] {strides = array<i32>} : memref<32x128xf32, #tpu.memory_space<vmem>>, vector<1x16xf32>,
              %get3A_701 = vector.shape_cast %get3A_700 : vector<1x16xf32> to vector<16xf32>
              %mul3A_702 = vector.broadcast %squeeze3A_697 : f32 to vector<16xf32>
              %mul3A_703 = arith.mulf %mul3A_702, %get3A_701 : vector<16xf32>
              %add3A_704 = arith.addf %add3A_695, %mul3A_703 : vector<16xf32>
              %swap3A_705 = arith.index_cast %add3A_669 : i32 to index
              %swap3A_706 = arith.index_cast %mul3A_270 : i32 to index
              %swap3A_707 = tpu.vector_load %arg38[%swap3A_705, %swap3A_706] {strides = array<i32>} : memref<32x96xf32, #tpu.memory_space<vmem>>, vector<1x16xf32>,
              %swap3A_708 = vector.shape_cast %swap3A_707 : vector<1x16xf32> to vector<16xf32>
              %swap3A_709 = vector.shape_cast %add3A_704 : vector<16xf32> to vector<1x16xf32>
              tpu.vector_store %arg38[%swap3A_705, %swap3A_706], %swap3A_709 {strides = array<i32>} : memref<32x96xf32, #tpu.memory_space<vmem>>, vector<1x16xf32>,
              %mul3A_710 = arith.constant 16 : i32
              %mul3A_711 = arith.muli %scan3A_247, %mul3A_710 : i32
              %add3A_712 = arith.constant 10 : i32
              %add3A_713 = arith.addi %mul3A_711, %add3A_712 : i32
              %slice3A_714 = vector.extract_strided_slice %get3A_252 {offsets = [10], sizes = [1], strides = [1]} : vector<16xf32> to vector<1xf32>
              %squeeze3A_715 = vector.extract %slice3A_714[0] : f32 from vector<1xf32>
              %get3A_716 = arith.index_cast %add3A_713 : i32 to index
              %get3A_717 = arith.index_cast %mul3A_270 : i32 to index
              %get3A_718 = tpu.vector_load %arg30[%get3A_716, %get3A_717] {strides = array<i32>} : memref<32x128xf32, #tpu.memory_space<vmem>>, vector<1x16xf32>,
              %get3A_719 = vector.shape_cast %get3A_718 : vector<1x16xf32> to vector<16xf32>
              %mul3A_720 = vector.broadcast %squeeze3A_715 : f32 to vector<16xf32>
              %mul3A_721 = arith.mulf %mul3A_720, %get3A_719 : vector<16xf32>
              %slice3A_722 = vector.extract_strided_slice %get3A_255 {offsets = [10], sizes = [1], strides = [1]} : vector<16xf32> to vector<1xf32>
              %squeeze3A_723 = vector.extract %slice3A_722[0] : f32 from vector<1xf32>
              %get3A_724 = arith.index_cast %add3A_713 : i32 to index
              %get3A_725 = arith.index_cast %mul3A_270 : i32 to index
              %get3A_726 = tpu.vector_load %arg31[%get3A_724, %get3A_725] {strides = array<i32>} : memref<32x128xf32, #tpu.memory_space<vmem>>, vector<1x16xf32>,
              %get3A_727 = vector.shape_cast %get3A_726 : vector<1x16xf32> to vector<16xf32>
              %mul3A_728 = vector.broadcast %squeeze3A_723 : f32 to vector<16xf32>
              %mul3A_729 = arith.mulf %mul3A_728, %get3A_727 : vector<16xf32>
              %add3A_730 = arith.addf %mul3A_721, %mul3A_729 : vector<16xf32>
              %slice3A_731 = vector.extract_strided_slice %get3A_258 {offsets = [10], sizes = [1], strides = [1]} : vector<16xf32> to vector<1xf32>
              %squeeze3A_732 = vector.extract %slice3A_731[0] : f32 from vector<1xf32>
              %get3A_733 = arith.index_cast %add3A_713 : i32 to index
              %get3A_734 = arith.index_cast %mul3A_270 : i32 to index
              %get3A_735 = tpu.vector_load %arg32[%get3A_733, %get3A_734] {strides = array<i32>} : memref<32x128xf32, #tpu.memory_space<vmem>>, vector<1x16xf32>,
              %get3A_736 = vector.shape_cast %get3A_735 : vector<1x16xf32> to vector<16xf32>
              %mul3A_737 = vector.broadcast %squeeze3A_732 : f32 to vector<16xf32>
              %mul3A_738 = arith.mulf %mul3A_737, %get3A_736 : vector<16xf32>
              %add3A_739 = arith.addf %add3A_730, %mul3A_738 : vector<16xf32>
              %slice3A_740 = vector.extract_strided_slice %get3A_261 {offsets = [10], sizes = [1], strides = [1]} : vector<16xf32> to vector<1xf32>
              %squeeze3A_741 = vector.extract %slice3A_740[0] : f32 from vector<1xf32>
              %get3A_742 = arith.index_cast %add3A_713 : i32 to index
              %get3A_743 = arith.index_cast %mul3A_270 : i32 to index
              %get3A_744 = tpu.vector_load %arg33[%get3A_742, %get3A_743] {strides = array<i32>} : memref<32x128xf32, #tpu.memory_space<vmem>>, vector<1x16xf32>,
              %get3A_745 = vector.shape_cast %get3A_744 : vector<1x16xf32> to vector<16xf32>
              %mul3A_746 = vector.broadcast %squeeze3A_741 : f32 to vector<16xf32>
              %mul3A_747 = arith.mulf %mul3A_746, %get3A_745 : vector<16xf32>
              %add3A_748 = arith.addf %add3A_739, %mul3A_747 : vector<16xf32>
              %swap3A_749 = arith.index_cast %add3A_713 : i32 to index
              %swap3A_750 = arith.index_cast %mul3A_270 : i32 to index
              %swap3A_751 = tpu.vector_load %arg38[%swap3A_749, %swap3A_750] {strides = array<i32>} : memref<32x96xf32, #tpu.memory_space<vmem>>, vector<1x16xf32>,
              %swap3A_752 = vector.shape_cast %swap3A_751 : vector<1x16xf32> to vector<16xf32>
              %swap3A_753 = vector.shape_cast %add3A_748 : vector<16xf32> to vector<1x16xf32>
              tpu.vector_store %arg38[%swap3A_749, %swap3A_750], %swap3A_753 {strides = array<i32>} : memref<32x96xf32, #tpu.memory_space<vmem>>, vector<1x16xf32>,
              %mul3A_754 = arith.constant 16 : i32
              %mul3A_755 = arith.muli %scan3A_247, %mul3A_754 : i32
              %add3A_756 = arith.constant 11 : i32
              %add3A_757 = arith.addi %mul3A_755, %add3A_756 : i32
              %slice3A_758 = vector.extract_strided_slice %get3A_252 {offsets = [11], sizes = [1], strides = [1]} : vector<16xf32> to vector<1xf32>
              %squeeze3A_759 = vector.extract %slice3A_758[0] : f32 from vector<1xf32>
              %get3A_760 = arith.index_cast %add3A_757 : i32 to index
              %get3A_761 = arith.index_cast %mul3A_270 : i32 to index
              %get3A_762 = tpu.vector_load %arg30[%get3A_760, %get3A_761] {strides = array<i32>} : memref<32x128xf32, #tpu.memory_space<vmem>>, vector<1x16xf32>,
              %get3A_763 = vector.shape_cast %get3A_762 : vector<1x16xf32> to vector<16xf32>
              %mul3A_764 = vector.broadcast %squeeze3A_759 : f32 to vector<16xf32>
              %mul3A_765 = arith.mulf %mul3A_764, %get3A_763 : vector<16xf32>
              %slice3A_766 = vector.extract_strided_slice %get3A_255 {offsets = [11], sizes = [1], strides = [1]} : vector<16xf32> to vector<1xf32>
              %squeeze3A_767 = vector.extract %slice3A_766[0] : f32 from vector<1xf32>
              %get3A_768 = arith.index_cast %add3A_757 : i32 to index
              %get3A_769 = arith.index_cast %mul3A_270 : i32 to index
              %get3A_770 = tpu.vector_load %arg31[%get3A_768, %get3A_769] {strides = array<i32>} : memref<32x128xf32, #tpu.memory_space<vmem>>, vector<1x16xf32>,
              %get3A_771 = vector.shape_cast %get3A_770 : vector<1x16xf32> to vector<16xf32>
              %mul3A_772 = vector.broadcast %squeeze3A_767 : f32 to vector<16xf32>
              %mul3A_773 = arith.mulf %mul3A_772, %get3A_771 : vector<16xf32>
              %add3A_774 = arith.addf %mul3A_765, %mul3A_773 : vector<16xf32>
              %slice3A_775 = vector.extract_strided_slice %get3A_258 {offsets = [11], sizes = [1], strides = [1]} : vector<16xf32> to vector<1xf32>
              %squeeze3A_776 = vector.extract %slice3A_775[0] : f32 from vector<1xf32>
              %get3A_777 = arith.index_cast %add3A_757 : i32 to index
              %get3A_778 = arith.index_cast %mul3A_270 : i32 to index
              %get3A_779 = tpu.vector_load %arg32[%get3A_777, %get3A_778] {strides = array<i32>} : memref<32x128xf32, #tpu.memory_space<vmem>>, vector<1x16xf32>,
              %get3A_780 = vector.shape_cast %get3A_779 : vector<1x16xf32> to vector<16xf32>
              %mul3A_781 = vector.broadcast %squeeze3A_776 : f32 to vector<16xf32>
              %mul3A_782 = arith.mulf %mul3A_781, %get3A_780 : vector<16xf32>
              %add3A_783 = arith.addf %add3A_774, %mul3A_782 : vector<16xf32>
              %slice3A_784 = vector.extract_strided_slice %get3A_261 {offsets = [11], sizes = [1], strides = [1]} : vector<16xf32> to vector<1xf32>
              %squeeze3A_785 = vector.extract %slice3A_784[0] : f32 from vector<1xf32>
              %get3A_786 = arith.index_cast %add3A_757 : i32 to index
              %get3A_787 = arith.index_cast %mul3A_270 : i32 to index
              %get3A_788 = tpu.vector_load %arg33[%get3A_786, %get3A_787] {strides = array<i32>} : memref<32x128xf32, #tpu.memory_space<vmem>>, vector<1x16xf32>,
              %get3A_789 = vector.shape_cast %get3A_788 : vector<1x16xf32> to vector<16xf32>
              %mul3A_790 = vector.broadcast %squeeze3A_785 : f32 to vector<16xf32>
              %mul3A_791 = arith.mulf %mul3A_790, %get3A_789 : vector<16xf32>
              %add3A_792 = arith.addf %add3A_783, %mul3A_791 : vector<16xf32>
              %swap3A_793 = arith.index_cast %add3A_757 : i32 to index
              %swap3A_794 = arith.index_cast %mul3A_270 : i32 to index
              %swap3A_795 = tpu.vector_load %arg38[%swap3A_793, %swap3A_794] {strides = array<i32>} : memref<32x96xf32, #tpu.memory_space<vmem>>, vector<1x16xf32>,
              %swap3A_796 = vector.shape_cast %swap3A_795 : vector<1x16xf32> to vector<16xf32>
              %swap3A_797 = vector.shape_cast %add3A_792 : vector<16xf32> to vector<1x16xf32>
              tpu.vector_store %arg38[%swap3A_793, %swap3A_794], %swap3A_797 {strides = array<i32>} : memref<32x96xf32, #tpu.memory_space<vmem>>, vector<1x16xf32>,
              %mul3A_798 = arith.constant 16 : i32
              %mul3A_799 = arith.muli %scan3A_247, %mul3A_798 : i32
              %add3A_800 = arith.constant 12 : i32
              %add3A_801 = arith.addi %mul3A_799, %add3A_800 : i32
              %slice3A_802 = vector.extract_strided_slice %get3A_252 {offsets = [12], sizes = [1], strides = [1]} : vector<16xf32> to vector<1xf32>
              %squeeze3A_803 = vector.extract %slice3A_802[0] : f32 from vector<1xf32>
              %get3A_804 = arith.index_cast %add3A_801 : i32 to index
              %get3A_805 = arith.index_cast %mul3A_270 : i32 to index
              %get3A_806 = tpu.vector_load %arg30[%get3A_804, %get3A_805] {strides = array<i32>} : memref<32x128xf32, #tpu.memory_space<vmem>>, vector<1x16xf32>,
              %get3A_807 = vector.shape_cast %get3A_806 : vector<1x16xf32> to vector<16xf32>
              %mul3A_808 = vector.broadcast %squeeze3A_803 : f32 to vector<16xf32>
              %mul3A_809 = arith.mulf %mul3A_808, %get3A_807 : vector<16xf32>
              %slice3A_810 = vector.extract_strided_slice %get3A_255 {offsets = [12], sizes = [1], strides = [1]} : vector<16xf32> to vector<1xf32>
              %squeeze3A_811 = vector.extract %slice3A_810[0] : f32 from vector<1xf32>
              %get3A_812 = arith.index_cast %add3A_801 : i32 to index
              %get3A_813 = arith.index_cast %mul3A_270 : i32 to index
              %get3A_814 = tpu.vector_load %arg31[%get3A_812, %get3A_813] {strides = array<i32>} : memref<32x128xf32, #tpu.memory_space<vmem>>, vector<1x16xf32>,
              %get3A_815 = vector.shape_cast %get3A_814 : vector<1x16xf32> to vector<16xf32>
              %mul3A_816 = vector.broadcast %squeeze3A_811 : f32 to vector<16xf32>
              %mul3A_817 = arith.mulf %mul3A_816, %get3A_815 : vector<16xf32>
              %add3A_818 = arith.addf %mul3A_809, %mul3A_817 : vector<16xf32>
              %slice3A_819 = vector.extract_strided_slice %get3A_258 {offsets = [12], sizes = [1], strides = [1]} : vector<16xf32> to vector<1xf32>
              %squeeze3A_820 = vector.extract %slice3A_819[0] : f32 from vector<1xf32>
              %get3A_821 = arith.index_cast %add3A_801 : i32 to index
              %get3A_822 = arith.index_cast %mul3A_270 : i32 to index
              %get3A_823 = tpu.vector_load %arg32[%get3A_821, %get3A_822] {strides = array<i32>} : memref<32x128xf32, #tpu.memory_space<vmem>>, vector<1x16xf32>,
              %get3A_824 = vector.shape_cast %get3A_823 : vector<1x16xf32> to vector<16xf32>
              %mul3A_825 = vector.broadcast %squeeze3A_820 : f32 to vector<16xf32>
              %mul3A_826 = arith.mulf %mul3A_825, %get3A_824 : vector<16xf32>
              %add3A_827 = arith.addf %add3A_818, %mul3A_826 : vector<16xf32>
              %slice3A_828 = vector.extract_strided_slice %get3A_261 {offsets = [12], sizes = [1], strides = [1]} : vector<16xf32> to vector<1xf32>
              %squeeze3A_829 = vector.extract %slice3A_828[0] : f32 from vector<1xf32>
              %get3A_830 = arith.index_cast %add3A_801 : i32 to index
              %get3A_831 = arith.index_cast %mul3A_270 : i32 to index
              %get3A_832 = tpu.vector_load %arg33[%get3A_830, %get3A_831] {strides = array<i32>} : memref<32x128xf32, #tpu.memory_space<vmem>>, vector<1x16xf32>,
              %get3A_833 = vector.shape_cast %get3A_832 : vector<1x16xf32> to vector<16xf32>
              %mul3A_834 = vector.broadcast %squeeze3A_829 : f32 to vector<16xf32>
              %mul3A_835 = arith.mulf %mul3A_834, %get3A_833 : vector<16xf32>
              %add3A_836 = arith.addf %add3A_827, %mul3A_835 : vector<16xf32>
              %swap3A_837 = arith.index_cast %add3A_801 : i32 to index
              %swap3A_838 = arith.index_cast %mul3A_270 : i32 to index
              %swap3A_839 = tpu.vector_load %arg38[%swap3A_837, %swap3A_838] {strides = array<i32>} : memref<32x96xf32, #tpu.memory_space<vmem>>, vector<1x16xf32>,
              %swap3A_840 = vector.shape_cast %swap3A_839 : vector<1x16xf32> to vector<16xf32>
              %swap3A_841 = vector.shape_cast %add3A_836 : vector<16xf32> to vector<1x16xf32>
              tpu.vector_store %arg38[%swap3A_837, %swap3A_838], %swap3A_841 {strides = array<i32>} : memref<32x96xf32, #tpu.memory_space<vmem>>, vector<1x16xf32>,
              %mul3A_842 = arith.constant 16 : i32
              %mul3A_843 = arith.muli %scan3A_247, %mul3A_842 : i32
              %add3A_844 = arith.constant 13 : i32
              %add3A_845 = arith.addi %mul3A_843, %add3A_844 : i32
              %slice3A_846 = vector.extract_strided_slice %get3A_252 {offsets = [13], sizes = [1], strides = [1]} : vector<16xf32> to vector<1xf32>
              %squeeze3A_847 = vector.extract %slice3A_846[0] : f32 from vector<1xf32>
              %get3A_848 = arith.index_cast %add3A_845 : i32 to index
              %get3A_849 = arith.index_cast %mul3A_270 : i32 to index
              %get3A_850 = tpu.vector_load %arg30[%get3A_848, %get3A_849] {strides = array<i32>} : memref<32x128xf32, #tpu.memory_space<vmem>>, vector<1x16xf32>,
              %get3A_851 = vector.shape_cast %get3A_850 : vector<1x16xf32> to vector<16xf32>
              %mul3A_852 = vector.broadcast %squeeze3A_847 : f32 to vector<16xf32>
              %mul3A_853 = arith.mulf %mul3A_852, %get3A_851 : vector<16xf32>
              %slice3A_854 = vector.extract_strided_slice %get3A_255 {offsets = [13], sizes = [1], strides = [1]} : vector<16xf32> to vector<1xf32>
              %squeeze3A_855 = vector.extract %slice3A_854[0] : f32 from vector<1xf32>
              %get3A_856 = arith.index_cast %add3A_845 : i32 to index
              %get3A_857 = arith.index_cast %mul3A_270 : i32 to index
              %get3A_858 = tpu.vector_load %arg31[%get3A_856, %get3A_857] {strides = array<i32>} : memref<32x128xf32, #tpu.memory_space<vmem>>, vector<1x16xf32>,
              %get3A_859 = vector.shape_cast %get3A_858 : vector<1x16xf32> to vector<16xf32>
              %mul3A_860 = vector.broadcast %squeeze3A_855 : f32 to vector<16xf32>
              %mul3A_861 = arith.mulf %mul3A_860, %get3A_859 : vector<16xf32>
              %add3A_862 = arith.addf %mul3A_853, %mul3A_861 : vector<16xf32>
              %slice3A_863 = vector.extract_strided_slice %get3A_258 {offsets = [13], sizes = [1], strides = [1]} : vector<16xf32> to vector<1xf32>
              %squeeze3A_864 = vector.extract %slice3A_863[0] : f32 from vector<1xf32>
              %get3A_865 = arith.index_cast %add3A_845 : i32 to index
              %get3A_866 = arith.index_cast %mul3A_270 : i32 to index
              %get3A_867 = tpu.vector_load %arg32[%get3A_865, %get3A_866] {strides = array<i32>} : memref<32x128xf32, #tpu.memory_space<vmem>>, vector<1x16xf32>,
              %get3A_868 = vector.shape_cast %get3A_867 : vector<1x16xf32> to vector<16xf32>
              %mul3A_869 = vector.broadcast %squeeze3A_864 : f32 to vector<16xf32>
              %mul3A_870 = arith.mulf %mul3A_869, %get3A_868 : vector<16xf32>
              %add3A_871 = arith.addf %add3A_862, %mul3A_870 : vector<16xf32>
              %slice3A_872 = vector.extract_strided_slice %get3A_261 {offsets = [13], sizes = [1], strides = [1]} : vector<16xf32> to vector<1xf32>
              %squeeze3A_873 = vector.extract %slice3A_872[0] : f32 from vector<1xf32>
              %get3A_874 = arith.index_cast %add3A_845 : i32 to index
              %get3A_875 = arith.index_cast %mul3A_270 : i32 to index
              %get3A_876 = tpu.vector_load %arg33[%get3A_874, %get3A_875] {strides = array<i32>} : memref<32x128xf32, #tpu.memory_space<vmem>>, vector<1x16xf32>,
              %get3A_877 = vector.shape_cast %get3A_876 : vector<1x16xf32> to vector<16xf32>
              %mul3A_878 = vector.broadcast %squeeze3A_873 : f32 to vector<16xf32>
              %mul3A_879 = arith.mulf %mul3A_878, %get3A_877 : vector<16xf32>
              %add3A_880 = arith.addf %add3A_871, %mul3A_879 : vector<16xf32>
              %swap3A_881 = arith.index_cast %add3A_845 : i32 to index
              %swap3A_882 = arith.index_cast %mul3A_270 : i32 to index
              %swap3A_883 = tpu.vector_load %arg38[%swap3A_881, %swap3A_882] {strides = array<i32>} : memref<32x96xf32, #tpu.memory_space<vmem>>, vector<1x16xf32>,
              %swap3A_884 = vector.shape_cast %swap3A_883 : vector<1x16xf32> to vector<16xf32>
              %swap3A_885 = vector.shape_cast %add3A_880 : vector<16xf32> to vector<1x16xf32>
              tpu.vector_store %arg38[%swap3A_881, %swap3A_882], %swap3A_885 {strides = array<i32>} : memref<32x96xf32, #tpu.memory_space<vmem>>, vector<1x16xf32>,
              %mul3A_886 = arith.constant 16 : i32
              %mul3A_887 = arith.muli %scan3A_247, %mul3A_886 : i32
              %add3A_888 = arith.constant 14 : i32
              %add3A_889 = arith.addi %mul3A_887, %add3A_888 : i32
              %slice3A_890 = vector.extract_strided_slice %get3A_252 {offsets = [14], sizes = [1], strides = [1]} : vector<16xf32> to vector<1xf32>
              %squeeze3A_891 = vector.extract %slice3A_890[0] : f32 from vector<1xf32>
              %get3A_892 = arith.index_cast %add3A_889 : i32 to index
              %get3A_893 = arith.index_cast %mul3A_270 : i32 to index
              %get3A_894 = tpu.vector_load %arg30[%get3A_892, %get3A_893] {strides = array<i32>} : memref<32x128xf32, #tpu.memory_space<vmem>>, vector<1x16xf32>,
              %get3A_895 = vector.shape_cast %get3A_894 : vector<1x16xf32> to vector<16xf32>
              %mul3A_896 = vector.broadcast %squeeze3A_891 : f32 to vector<16xf32>
              %mul3A_897 = arith.mulf %mul3A_896, %get3A_895 : vector<16xf32>
              %slice3A_898 = vector.extract_strided_slice %get3A_255 {offsets = [14], sizes = [1], strides = [1]} : vector<16xf32> to vector<1xf32>
              %squeeze3A_899 = vector.extract %slice3A_898[0] : f32 from vector<1xf32>
              %get3A_900 = arith.index_cast %add3A_889 : i32 to index
              %get3A_901 = arith.index_cast %mul3A_270 : i32 to index
              %get3A_902 = tpu.vector_load %arg31[%get3A_900, %get3A_901] {strides = array<i32>} : memref<32x128xf32, #tpu.memory_space<vmem>>, vector<1x16xf32>,
              %get3A_903 = vector.shape_cast %get3A_902 : vector<1x16xf32> to vector<16xf32>
              %mul3A_904 = vector.broadcast %squeeze3A_899 : f32 to vector<16xf32>
              %mul3A_905 = arith.mulf %mul3A_904, %get3A_903 : vector<16xf32>
              %add3A_906 = arith.addf %mul3A_897, %mul3A_905 : vector<16xf32>
              %slice3A_907 = vector.extract_strided_slice %get3A_258 {offsets = [14], sizes = [1], strides = [1]} : vector<16xf32> to vector<1xf32>
              %squeeze3A_908 = vector.extract %slice3A_907[0] : f32 from vector<1xf32>
              %get3A_909 = arith.index_cast %add3A_889 : i32 to index
              %get3A_910 = arith.index_cast %mul3A_270 : i32 to index
              %get3A_911 = tpu.vector_load %arg32[%get3A_909, %get3A_910] {strides = array<i32>} : memref<32x128xf32, #tpu.memory_space<vmem>>, vector<1x16xf32>,
              %get3A_912 = vector.shape_cast %get3A_911 : vector<1x16xf32> to vector<16xf32>
              %mul3A_913 = vector.broadcast %squeeze3A_908 : f32 to vector<16xf32>
              %mul3A_914 = arith.mulf %mul3A_913, %get3A_912 : vector<16xf32>
              %add3A_915 = arith.addf %add3A_906, %mul3A_914 : vector<16xf32>
              %slice3A_916 = vector.extract_strided_slice %get3A_261 {offsets = [14], sizes = [1], strides = [1]} : vector<16xf32> to vector<1xf32>
              %squeeze3A_917 = vector.extract %slice3A_916[0] : f32 from vector<1xf32>
              %get3A_918 = arith.index_cast %add3A_889 : i32 to index
              %get3A_919 = arith.index_cast %mul3A_270 : i32 to index
              %get3A_920 = tpu.vector_load %arg33[%get3A_918, %get3A_919] {strides = array<i32>} : memref<32x128xf32, #tpu.memory_space<vmem>>, vector<1x16xf32>,
              %get3A_921 = vector.shape_cast %get3A_920 : vector<1x16xf32> to vector<16xf32>
              %mul3A_922 = vector.broadcast %squeeze3A_917 : f32 to vector<16xf32>
              %mul3A_923 = arith.mulf %mul3A_922, %get3A_921 : vector<16xf32>
              %add3A_924 = arith.addf %add3A_915, %mul3A_923 : vector<16xf32>
              %swap3A_925 = arith.index_cast %add3A_889 : i32 to index
              %swap3A_926 = arith.index_cast %mul3A_270 : i32 to index
              %swap3A_927 = tpu.vector_load %arg38[%swap3A_925, %swap3A_926] {strides = array<i32>} : memref<32x96xf32, #tpu.memory_space<vmem>>, vector<1x16xf32>,
              %swap3A_928 = vector.shape_cast %swap3A_927 : vector<1x16xf32> to vector<16xf32>
              %swap3A_929 = vector.shape_cast %add3A_924 : vector<16xf32> to vector<1x16xf32>
              tpu.vector_store %arg38[%swap3A_925, %swap3A_926], %swap3A_929 {strides = array<i32>} : memref<32x96xf32, #tpu.memory_space<vmem>>, vector<1x16xf32>,
              %mul3A_930 = arith.constant 16 : i32
              %mul3A_931 = arith.muli %scan3A_247, %mul3A_930 : i32
              %add3A_932 = arith.constant 15 : i32
              %add3A_933 = arith.addi %mul3A_931, %add3A_932 : i32
              %slice3A_934 = vector.extract_strided_slice %get3A_252 {offsets = [15], sizes = [1], strides = [1]} : vector<16xf32> to vector<1xf32>
              %squeeze3A_935 = vector.extract %slice3A_934[0] : f32 from vector<1xf32>
              %get3A_936 = arith.index_cast %add3A_933 : i32 to index
              %get3A_937 = arith.index_cast %mul3A_270 : i32 to index
              %get3A_938 = tpu.vector_load %arg30[%get3A_936, %get3A_937] {strides = array<i32>} : memref<32x128xf32, #tpu.memory_space<vmem>>, vector<1x16xf32>,
              %get3A_939 = vector.shape_cast %get3A_938 : vector<1x16xf32> to vector<16xf32>
              %mul3A_940 = vector.broadcast %squeeze3A_935 : f32 to vector<16xf32>
              %mul3A_941 = arith.mulf %mul3A_940, %get3A_939 : vector<16xf32>
              %slice3A_942 = vector.extract_strided_slice %get3A_255 {offsets = [15], sizes = [1], strides = [1]} : vector<16xf32> to vector<1xf32>
              %squeeze3A_943 = vector.extract %slice3A_942[0] : f32 from vector<1xf32>
              %get3A_944 = arith.index_cast %add3A_933 : i32 to index
              %get3A_945 = arith.index_cast %mul3A_270 : i32 to index
              %get3A_946 = tpu.vector_load %arg31[%get3A_944, %get3A_945] {strides = array<i32>} : memref<32x128xf32, #tpu.memory_space<vmem>>, vector<1x16xf32>,
              %get3A_947 = vector.shape_cast %get3A_946 : vector<1x16xf32> to vector<16xf32>
              %mul3A_948 = vector.broadcast %squeeze3A_943 : f32 to vector<16xf32>
              %mul3A_949 = arith.mulf %mul3A_948, %get3A_947 : vector<16xf32>
              %add3A_950 = arith.addf %mul3A_941, %mul3A_949 : vector<16xf32>
              %slice3A_951 = vector.extract_strided_slice %get3A_258 {offsets = [15], sizes = [1], strides = [1]} : vector<16xf32> to vector<1xf32>
              %squeeze3A_952 = vector.extract %slice3A_951[0] : f32 from vector<1xf32>
              %get3A_953 = arith.index_cast %add3A_933 : i32 to index
              %get3A_954 = arith.index_cast %mul3A_270 : i32 to index
              %get3A_955 = tpu.vector_load %arg32[%get3A_953, %get3A_954] {strides = array<i32>} : memref<32x128xf32, #tpu.memory_space<vmem>>, vector<1x16xf32>,
              %get3A_956 = vector.shape_cast %get3A_955 : vector<1x16xf32> to vector<16xf32>
              %mul3A_957 = vector.broadcast %squeeze3A_952 : f32 to vector<16xf32>
              %mul3A_958 = arith.mulf %mul3A_957, %get3A_956 : vector<16xf32>
              %add3A_959 = arith.addf %add3A_950, %mul3A_958 : vector<16xf32>
              %slice3A_960 = vector.extract_strided_slice %get3A_261 {offsets = [15], sizes = [1], strides = [1]} : vector<16xf32> to vector<1xf32>
              %squeeze3A_961 = vector.extract %slice3A_960[0] : f32 from vector<1xf32>
              %get3A_962 = arith.index_cast %add3A_933 : i32 to index
              %get3A_963 = arith.index_cast %mul3A_270 : i32 to index
              %get3A_964 = tpu.vector_load %arg33[%get3A_962, %get3A_963] {strides = array<i32>} : memref<32x128xf32, #tpu.memory_space<vmem>>, vector<1x16xf32>,
              %get3A_965 = vector.shape_cast %get3A_964 : vector<1x16xf32> to vector<16xf32>
              %mul3A_966 = vector.broadcast %squeeze3A_961 : f32 to vector<16xf32>
              %mul3A_967 = arith.mulf %mul3A_966, %get3A_965 : vector<16xf32>
              %add3A_968 = arith.addf %add3A_959, %mul3A_967 : vector<16xf32>
              %swap3A_969 = arith.index_cast %add3A_933 : i32 to index
              %swap3A_970 = arith.index_cast %mul3A_270 : i32 to index
              %swap3A_971 = tpu.vector_load %arg38[%swap3A_969, %swap3A_970] {strides = array<i32>} : memref<32x96xf32, #tpu.memory_space<vmem>>, vector<1x16xf32>,
              %swap3A_972 = vector.shape_cast %swap3A_971 : vector<1x16xf32> to vector<16xf32>
              %swap3A_973 = vector.shape_cast %add3A_968 : vector<16xf32> to vector<1x16xf32>
              tpu.vector_store %arg38[%swap3A_969, %swap3A_970], %swap3A_973 {strides = array<i32>} : memref<32x96xf32, #tpu.memory_space<vmem>>, vector<1x16xf32>,
            }
            %scan3A_267 = arith.constant 6 : i32
          }
          %scan3A_246 = arith.constant 2 : i32
          "tpu.region"() ({
            %run_scoped3A = tpu.sem_alloc : memref<!tpu.dma_semaphore, #tpu.memory_space<semaphore_mem>>
            %dma_start3A_247 = arith.constant 0 : i32
            %dma_start3A_248 = tpu.memref_slice %arg7[%select_n3A, %add3A_222, %mul3A_240, %dma_start3A_247] : memref<8x224x224x96xf32, #tpu.memory_space<hbm>> -> memref<1x1x32x96xf32, #tpu.memory_space<hbm>>
            %dma_start3A_249 = tpu.memref_squeeze %dma_start3A_248 : memref<1x1x32x96xf32, #tpu.memory_space<hbm>> -> memref<32x96xf32, #tpu.memory_space<hbm>>
            %dma_start3A_250 = arith.constant 0 : i32
            %dma_start3A_251 = tpu.memref_slice %arg7[%select_n3A, %add3A_222, %mul3A_240, %dma_start3A_250] : memref<8x224x224x96xf32, #tpu.memory_space<hbm>> -> memref<1x1x32x96xf32, #tpu.memory_space<hbm>>
            %dma_start3A_252 = tpu.memref_squeeze %dma_start3A_251 : memref<1x1x32x96xf32, #tpu.memory_space<hbm>> -> memref<32x96xf32, #tpu.memory_space<hbm>>
            tpu.enqueue_dma source(%arg38 : memref<32x96xf32, #tpu.memory_space<vmem>>) target(%dma_start3A_252 : memref<32x96xf32, #tpu.memory_space<hbm>>) target_semaphore(%run_scoped3A : memref<!tpu.dma_semaphore, #tpu.memory_space<semaphore_mem>>)
            %dma_wait3A_253 = arith.constant 0 : i32
            %dma_wait3A_254 = tpu.memref_slice %arg7[%select_n3A, %add3A_222, %mul3A_240, %dma_wait3A_253] : memref<8x224x224x96xf32, #tpu.memory_space<hbm>> -> memref<1x1x32x96xf32, #tpu.memory_space<hbm>>
            %dma_wait3A_255 = tpu.memref_squeeze %dma_wait3A_254 : memref<1x1x32x96xf32, #tpu.memory_space<hbm>> -> memref<32x96xf32, #tpu.memory_space<hbm>>
            %dma_wait3A_256 = arith.constant 0 : i32
            %dma_wait3A_257 = tpu.memref_slice %arg7[%select_n3A, %add3A_222, %mul3A_240, %dma_wait3A_256] : memref<8x224x224x96xf32, #tpu.memory_space<hbm>> -> memref<1x1x32x96xf32, #tpu.memory_space<hbm>>
            %dma_wait3A_258 = tpu.memref_squeeze %dma_wait3A_257 : memref<1x1x32x96xf32, #tpu.memory_space<hbm>> -> memref<32x96xf32, #tpu.memory_space<hbm>>
            tpu.wait_dma2 semaphore(%run_scoped3A : memref<!tpu.dma_semaphore, #tpu.memory_space<semaphore_mem>>) src(%arg38 : memref<32x96xf32, #tpu.memory_space<vmem>>) dst(%dma_wait3A_258 : memref<32x96xf32, #tpu.memory_space<hbm>>)
            tpu.yield
          }) : () -> ()
        } else {
        }
        %eq3A_181 = arith.constant 1 : i32
        %eq3A_182 = arith.cmpi eq, %rem3A_161, %eq3A_181 : i32
        %convert_element_type3A_183 = arith.extui %eq3A_182 : i1 to i32
        %cond3A_184 = arith.constant 0 : i32
        %cond3A_185 = arith.cmpi ne, %convert_element_type3A_183, %cond3A_184 : i32
        scf.if %cond3A_185 {
          %dma_wait3A = arith.constant 0 : i32
          %dma_wait3A_186 = arith.constant 0 : i32
          %dma_wait3A_187 = tpu.memref_slice %arg2[%dma_wait3A, %dma_wait3A_186] : memref<401408x128xf32, #tpu.memory_space<hbm>> -> memref<401408x128xf32, #tpu.memory_space<hbm>>
          tpu.wait_indirect_dma semaphore(%arg40 : memref<!tpu.dma_semaphore, #tpu.memory_space<semaphore_mem>>) src(%dma_wait3A_187 : memref<401408x128xf32, #tpu.memory_space<hbm>>) dst(%arg34 : memref<32x128xf32, #tpu.memory_space<vmem>>)
          %dma_wait3A_188 = arith.constant 0 : i32
          %dma_wait3A_189 = arith.constant 0 : i32
          %dma_wait3A_190 = tpu.memref_slice %arg2[%dma_wait3A_188, %dma_wait3A_189] : memref<401408x128xf32, #tpu.memory_space<hbm>> -> memref<401408x128xf32, #tpu.memory_space<hbm>>
          tpu.wait_indirect_dma semaphore(%arg40 : memref<!tpu.dma_semaphore, #tpu.memory_space<semaphore_mem>>) src(%dma_wait3A_190 : memref<401408x128xf32, #tpu.memory_space<hbm>>) dst(%arg35 : memref<32x128xf32, #tpu.memory_space<vmem>>)
          %dma_wait3A_191 = arith.constant 0 : i32
          %dma_wait3A_192 = arith.constant 0 : i32
          %dma_wait3A_193 = tpu.memref_slice %arg2[%dma_wait3A_191, %dma_wait3A_192] : memref<401408x128xf32, #tpu.memory_space<hbm>> -> memref<401408x128xf32, #tpu.memory_space<hbm>>
          tpu.wait_indirect_dma semaphore(%arg40 : memref<!tpu.dma_semaphore, #tpu.memory_space<semaphore_mem>>) src(%dma_wait3A_193 : memref<401408x128xf32, #tpu.memory_space<hbm>>) dst(%arg36 : memref<32x128xf32, #tpu.memory_space<vmem>>)
          %dma_wait3A_194 = arith.constant 0 : i32
          %dma_wait3A_195 = arith.constant 0 : i32
          %dma_wait3A_196 = tpu.memref_slice %arg2[%dma_wait3A_194, %dma_wait3A_195] : memref<401408x128xf32, #tpu.memory_space<hbm>> -> memref<401408x128xf32, #tpu.memory_space<hbm>>
          tpu.wait_indirect_dma semaphore(%arg40 : memref<!tpu.dma_semaphore, #tpu.memory_space<semaphore_mem>>) src(%dma_wait3A_196 : memref<401408x128xf32, #tpu.memory_space<hbm>>) dst(%arg37 : memref<32x128xf32, #tpu.memory_space<vmem>>)
          %add3A_197 = arith.addi %mul3A_34, %mul3A_52 : i32
          %jit3A_198 = arith.constant 7 : i32
          %div3A_199 = arith.divsi %scan3A_159, %jit3A_198 : i32
          %sign3A_200 = arith.constant 0 : i32
          %sign3A_201 = arith.cmpi sgt, %scan3A_159, %sign3A_200 : i32
          %sign3A_202 = arith.extui %sign3A_201 : i1 to i32
          %sign3A_203 = arith.constant 0 : i32
          %sign3A_204 = arith.cmpi slt, %scan3A_159, %sign3A_203 : i32
          %sign3A_205 = arith.extui %sign3A_204 : i1 to i32
          %sign3A_206 = arith.subi %sign3A_202, %sign3A_205 : i32
          %sign3A_207 = arith.constant 0 : i32
          %sign3A_208 = arith.cmpi sgt, %jit3A_198, %sign3A_207 : i32
          %sign3A_209 = arith.extui %sign3A_208 : i1 to i32
          %sign3A_210 = arith.constant 0 : i32
          %sign3A_211 = arith.cmpi slt, %jit3A_198, %sign3A_210 : i32
          %sign3A_212 = arith.extui %sign3A_211 : i1 to i32
          %sign3A_213 = arith.subi %sign3A_209, %sign3A_212 : i32
          %ne3A_214 = arith.cmpi ne, %sign3A_206, %sign3A_213 : i32
          %rem3A_215 = arith.remsi %scan3A_159, %jit3A_198 : i32
          %ne3A_216 = arith.constant 0 : i32
          %ne3A_217 = arith.cmpi ne, %rem3A_215, %ne3A_216 : i32
          %and3A_218 = arith.andi %ne3A_214, %ne3A_217 : i1
          %sub3A_219 = arith.constant 1 : i32
          %sub3A_220 = arith.subi %div3A_199, %sub3A_219 : i32
          %select_n3A_221 = arith.select %and3A_218, %sub3A_220, %div3A_199 : i32
          %add3A_222 = arith.addi %add3A_197, %select_n3A_221 : i32
          %jit3A_223 = arith.constant 7 : i32
          %eq3A_224 = arith.constant 0 : i32
          %eq3A_225 = arith.cmpi eq, %jit3A_223, %eq3A_224 : i32
          %jit3A_226 = arith.constant 1 : i32
          %select_n3A_227 = arith.select %eq3A_225, %jit3A_226, %jit3A_223 : i32
          %rem3A_228 = arith.remsi %scan3A_159, %select_n3A_227 : i32
          %ne3A_229 = arith.constant 0 : i32
          %ne3A_230 = arith.cmpi ne, %rem3A_228, %ne3A_229 : i32
          %lt3A_231 = arith.constant 0 : i32
          %lt3A_232 = arith.cmpi slt, %rem3A_228, %lt3A_231 : i32
          %lt3A_233 = arith.constant 0 : i32
          %lt3A_234 = arith.cmpi slt, %select_n3A_227, %lt3A_233 : i32
          %ne3A_235 = arith.xori %lt3A_232, %lt3A_234 : i1
          %and3A_236 = arith.andi %ne3A_235, %ne3A_230 : i1
          %add3A_237 = arith.addi %rem3A_228, %select_n3A_227 : i32
          %select_n3A_238 = arith.select %and3A_236, %add3A_237, %rem3A_228 : i32
          %mul3A_239 = arith.constant 32 : i32
          %mul3A_240 = arith.muli %select_n3A_238, %mul3A_239 : i32
          %scan3A_241 = arith.constant 0 : i32
          %scan3A_242 = arith.constant 0 : i32
          %scan3A_243 = arith.constant 2 : i32
          %scan3A_244 = arith.addi %scan3A_242, %scan3A_243 : i32
          %scan3A_245 = arith.constant 1 : i32
          scf.for %scan3A_247 = %scan3A_242 to %scan3A_244 step %scan3A_245  : i32 {
            %mul3A_248 = arith.constant 16 : i32
            %mul3A_249 = arith.muli %scan3A_247, %mul3A_248 : i32
            %get3A_250 = arith.index_cast %mul3A_249 : i32 to index
            %get3A_251 = tpu.vector_load %arg26[%get3A_250] {strides = array<i32>} : memref<32xf32, #tpu.memory_space<vmem>>, vector<16xf32>,
            %get3A_252 = vector.shape_cast %get3A_251 : vector<16xf32> to vector<16xf32>
            %get3A_253 = arith.index_cast %mul3A_249 : i32 to index
            %get3A_254 = tpu.vector_load %arg27[%get3A_253] {strides = array<i32>} : memref<32xf32, #tpu.memory_space<vmem>>, vector<16xf32>,
            %get3A_255 = vector.shape_cast %get3A_254 : vector<16xf32> to vector<16xf32>
            %get3A_256 = arith.index_cast %mul3A_249 : i32 to index
            %get3A_257 = tpu.vector_load %arg28[%get3A_256] {strides = array<i32>} : memref<32xf32, #tpu.memory_space<vmem>>, vector<16xf32>,
            %get3A_258 = vector.shape_cast %get3A_257 : vector<16xf32> to vector<16xf32>
            %get3A_259 = arith.index_cast %mul3A_249 : i32 to index
            %get3A_260 = tpu.vector_load %arg29[%get3A_259] {strides = array<i32>} : memref<32xf32, #tpu.memory_space<vmem>>, vector<16xf32>,
            %get3A_261 = vector.shape_cast %get3A_260 : vector<16xf32> to vector<16xf32>
            %scan3A_262 = arith.constant 0 : i32
            %scan3A_263 = arith.constant 0 : i32
            %scan3A_264 = arith.constant 6 : i32
            %scan3A_265 = arith.addi %scan3A_263, %scan3A_264 : i32
            %scan3A_266 = arith.constant 1 : i32
            scf.for %scan3A_268 = %scan3A_263 to %scan3A_265 step %scan3A_266  : i32 {
              %mul3A_269 = arith.constant 16 : i32
              %mul3A_270 = arith.muli %scan3A_268, %mul3A_269 : i32
              %mul3A_271 = arith.constant 16 : i32
              %mul3A_272 = arith.muli %scan3A_247, %mul3A_271 : i32
              %add3A_273 = arith.constant 0 : i32
              %add3A_274 = arith.addi %mul3A_272, %add3A_273 : i32
              %slice3A_275 = vector.extract_strided_slice %get3A_252 {offsets = [0], sizes = [1], strides = [1]} : vector<16xf32> to vector<1xf32>
              %squeeze3A_276 = vector.extract %slice3A_275[0] : f32 from vector<1xf32>
              %get3A_277 = arith.index_cast %add3A_274 : i32 to index
              %get3A_278 = arith.index_cast %mul3A_270 : i32 to index
              %get3A_279 = tpu.vector_load %arg34[%get3A_277, %get3A_278] {strides = array<i32>} : memref<32x128xf32, #tpu.memory_space<vmem>>, vector<1x16xf32>,
              %get3A_280 = vector.shape_cast %get3A_279 : vector<1x16xf32> to vector<16xf32>
              %mul3A_281 = vector.broadcast %squeeze3A_276 : f32 to vector<16xf32>
              %mul3A_282 = arith.mulf %mul3A_281, %get3A_280 : vector<16xf32>
              %slice3A_283 = vector.extract_strided_slice %get3A_255 {offsets = [0], sizes = [1], strides = [1]} : vector<16xf32> to vector<1xf32>
              %squeeze3A_284 = vector.extract %slice3A_283[0] : f32 from vector<1xf32>
              %get3A_285 = arith.index_cast %add3A_274 : i32 to index
              %get3A_286 = arith.index_cast %mul3A_270 : i32 to index
              %get3A_287 = tpu.vector_load %arg35[%get3A_285, %get3A_286] {strides = array<i32>} : memref<32x128xf32, #tpu.memory_space<vmem>>, vector<1x16xf32>,
              %get3A_288 = vector.shape_cast %get3A_287 : vector<1x16xf32> to vector<16xf32>
              %mul3A_289 = vector.broadcast %squeeze3A_284 : f32 to vector<16xf32>
              %mul3A_290 = arith.mulf %mul3A_289, %get3A_288 : vector<16xf32>
              %add3A_291 = arith.addf %mul3A_282, %mul3A_290 : vector<16xf32>
              %slice3A_292 = vector.extract_strided_slice %get3A_258 {offsets = [0], sizes = [1], strides = [1]} : vector<16xf32> to vector<1xf32>
              %squeeze3A_293 = vector.extract %slice3A_292[0] : f32 from vector<1xf32>
              %get3A_294 = arith.index_cast %add3A_274 : i32 to index
              %get3A_295 = arith.index_cast %mul3A_270 : i32 to index
              %get3A_296 = tpu.vector_load %arg36[%get3A_294, %get3A_295] {strides = array<i32>} : memref<32x128xf32, #tpu.memory_space<vmem>>, vector<1x16xf32>,
              %get3A_297 = vector.shape_cast %get3A_296 : vector<1x16xf32> to vector<16xf32>
              %mul3A_298 = vector.broadcast %squeeze3A_293 : f32 to vector<16xf32>
              %mul3A_299 = arith.mulf %mul3A_298, %get3A_297 : vector<16xf32>
              %add3A_300 = arith.addf %add3A_291, %mul3A_299 : vector<16xf32>
              %slice3A_301 = vector.extract_strided_slice %get3A_261 {offsets = [0], sizes = [1], strides = [1]} : vector<16xf32> to vector<1xf32>
              %squeeze3A_302 = vector.extract %slice3A_301[0] : f32 from vector<1xf32>
              %get3A_303 = arith.index_cast %add3A_274 : i32 to index
              %get3A_304 = arith.index_cast %mul3A_270 : i32 to index
              %get3A_305 = tpu.vector_load %arg37[%get3A_303, %get3A_304] {strides = array<i32>} : memref<32x128xf32, #tpu.memory_space<vmem>>, vector<1x16xf32>,
              %get3A_306 = vector.shape_cast %get3A_305 : vector<1x16xf32> to vector<16xf32>
              %mul3A_307 = vector.broadcast %squeeze3A_302 : f32 to vector<16xf32>
              %mul3A_308 = arith.mulf %mul3A_307, %get3A_306 : vector<16xf32>
              %add3A_309 = arith.addf %add3A_300, %mul3A_308 : vector<16xf32>
              %swap3A = arith.index_cast %add3A_274 : i32 to index
              %swap3A_310 = arith.index_cast %mul3A_270 : i32 to index
              %swap3A_311 = tpu.vector_load %arg38[%swap3A, %swap3A_310] {strides = array<i32>} : memref<32x96xf32, #tpu.memory_space<vmem>>, vector<1x16xf32>,
              %swap3A_312 = vector.shape_cast %swap3A_311 : vector<1x16xf32> to vector<16xf32>
              %swap3A_313 = vector.shape_cast %add3A_309 : vector<16xf32> to vector<1x16xf32>
              tpu.vector_store %arg38[%swap3A, %swap3A_310], %swap3A_313 {strides = array<i32>} : memref<32x96xf32, #tpu.memory_space<vmem>>, vector<1x16xf32>,
              %mul3A_314 = arith.constant 16 : i32
              %mul3A_315 = arith.muli %scan3A_247, %mul3A_314 : i32
              %add3A_316 = arith.constant 1 : i32
              %add3A_317 = arith.addi %mul3A_315, %add3A_316 : i32
              %slice3A_318 = vector.extract_strided_slice %get3A_252 {offsets = [1], sizes = [1], strides = [1]} : vector<16xf32> to vector<1xf32>
              %squeeze3A_319 = vector.extract %slice3A_318[0] : f32 from vector<1xf32>
              %get3A_320 = arith.index_cast %add3A_317 : i32 to index
              %get3A_321 = arith.index_cast %mul3A_270 : i32 to index
              %get3A_322 = tpu.vector_load %arg34[%get3A_320, %get3A_321] {strides = array<i32>} : memref<32x128xf32, #tpu.memory_space<vmem>>, vector<1x16xf32>,
              %get3A_323 = vector.shape_cast %get3A_322 : vector<1x16xf32> to vector<16xf32>
              %mul3A_324 = vector.broadcast %squeeze3A_319 : f32 to vector<16xf32>
              %mul3A_325 = arith.mulf %mul3A_324, %get3A_323 : vector<16xf32>
              %slice3A_326 = vector.extract_strided_slice %get3A_255 {offsets = [1], sizes = [1], strides = [1]} : vector<16xf32> to vector<1xf32>
              %squeeze3A_327 = vector.extract %slice3A_326[0] : f32 from vector<1xf32>
              %get3A_328 = arith.index_cast %add3A_317 : i32 to index
              %get3A_329 = arith.index_cast %mul3A_270 : i32 to index
              %get3A_330 = tpu.vector_load %arg35[%get3A_328, %get3A_329] {strides = array<i32>} : memref<32x128xf32, #tpu.memory_space<vmem>>, vector<1x16xf32>,
              %get3A_331 = vector.shape_cast %get3A_330 : vector<1x16xf32> to vector<16xf32>
              %mul3A_332 = vector.broadcast %squeeze3A_327 : f32 to vector<16xf32>
              %mul3A_333 = arith.mulf %mul3A_332, %get3A_331 : vector<16xf32>
              %add3A_334 = arith.addf %mul3A_325, %mul3A_333 : vector<16xf32>
              %slice3A_335 = vector.extract_strided_slice %get3A_258 {offsets = [1], sizes = [1], strides = [1]} : vector<16xf32> to vector<1xf32>
              %squeeze3A_336 = vector.extract %slice3A_335[0] : f32 from vector<1xf32>
              %get3A_337 = arith.index_cast %add3A_317 : i32 to index
              %get3A_338 = arith.index_cast %mul3A_270 : i32 to index
              %get3A_339 = tpu.vector_load %arg36[%get3A_337, %get3A_338] {strides = array<i32>} : memref<32x128xf32, #tpu.memory_space<vmem>>, vector<1x16xf32>,
              %get3A_340 = vector.shape_cast %get3A_339 : vector<1x16xf32> to vector<16xf32>
              %mul3A_341 = vector.broadcast %squeeze3A_336 : f32 to vector<16xf32>
              %mul3A_342 = arith.mulf %mul3A_341, %get3A_340 : vector<16xf32>
              %add3A_343 = arith.addf %add3A_334, %mul3A_342 : vector<16xf32>
              %slice3A_344 = vector.extract_strided_slice %get3A_261 {offsets = [1], sizes = [1], strides = [1]} : vector<16xf32> to vector<1xf32>
              %squeeze3A_345 = vector.extract %slice3A_344[0] : f32 from vector<1xf32>
              %get3A_346 = arith.index_cast %add3A_317 : i32 to index
              %get3A_347 = arith.index_cast %mul3A_270 : i32 to index
              %get3A_348 = tpu.vector_load %arg37[%get3A_346, %get3A_347] {strides = array<i32>} : memref<32x128xf32, #tpu.memory_space<vmem>>, vector<1x16xf32>,
              %get3A_349 = vector.shape_cast %get3A_348 : vector<1x16xf32> to vector<16xf32>
              %mul3A_350 = vector.broadcast %squeeze3A_345 : f32 to vector<16xf32>
              %mul3A_351 = arith.mulf %mul3A_350, %get3A_349 : vector<16xf32>
              %add3A_352 = arith.addf %add3A_343, %mul3A_351 : vector<16xf32>
              %swap3A_353 = arith.index_cast %add3A_317 : i32 to index
              %swap3A_354 = arith.index_cast %mul3A_270 : i32 to index
              %swap3A_355 = tpu.vector_load %arg38[%swap3A_353, %swap3A_354] {strides = array<i32>} : memref<32x96xf32, #tpu.memory_space<vmem>>, vector<1x16xf32>,
              %swap3A_356 = vector.shape_cast %swap3A_355 : vector<1x16xf32> to vector<16xf32>
              %swap3A_357 = vector.shape_cast %add3A_352 : vector<16xf32> to vector<1x16xf32>
              tpu.vector_store %arg38[%swap3A_353, %swap3A_354], %swap3A_357 {strides = array<i32>} : memref<32x96xf32, #tpu.memory_space<vmem>>, vector<1x16xf32>,
              %mul3A_358 = arith.constant 16 : i32
              %mul3A_359 = arith.muli %scan3A_247, %mul3A_358 : i32
              %add3A_360 = arith.constant 2 : i32
              %add3A_361 = arith.addi %mul3A_359, %add3A_360 : i32
              %slice3A_362 = vector.extract_strided_slice %get3A_252 {offsets = [2], sizes = [1], strides = [1]} : vector<16xf32> to vector<1xf32>
              %squeeze3A_363 = vector.extract %slice3A_362[0] : f32 from vector<1xf32>
              %get3A_364 = arith.index_cast %add3A_361 : i32 to index
              %get3A_365 = arith.index_cast %mul3A_270 : i32 to index
              %get3A_366 = tpu.vector_load %arg34[%get3A_364, %get3A_365] {strides = array<i32>} : memref<32x128xf32, #tpu.memory_space<vmem>>, vector<1x16xf32>,
              %get3A_367 = vector.shape_cast %get3A_366 : vector<1x16xf32> to vector<16xf32>
              %mul3A_368 = vector.broadcast %squeeze3A_363 : f32 to vector<16xf32>
              %mul3A_369 = arith.mulf %mul3A_368, %get3A_367 : vector<16xf32>
              %slice3A_370 = vector.extract_strided_slice %get3A_255 {offsets = [2], sizes = [1], strides = [1]} : vector<16xf32> to vector<1xf32>
              %squeeze3A_371 = vector.extract %slice3A_370[0] : f32 from vector<1xf32>
              %get3A_372 = arith.index_cast %add3A_361 : i32 to index
              %get3A_373 = arith.index_cast %mul3A_270 : i32 to index
              %get3A_374 = tpu.vector_load %arg35[%get3A_372, %get3A_373] {strides = array<i32>} : memref<32x128xf32, #tpu.memory_space<vmem>>, vector<1x16xf32>,
              %get3A_375 = vector.shape_cast %get3A_374 : vector<1x16xf32> to vector<16xf32>
              %mul3A_376 = vector.broadcast %squeeze3A_371 : f32 to vector<16xf32>
              %mul3A_377 = arith.mulf %mul3A_376, %get3A_375 : vector<16xf32>
              %add3A_378 = arith.addf %mul3A_369, %mul3A_377 : vector<16xf32>
              %slice3A_379 = vector.extract_strided_slice %get3A_258 {offsets = [2], sizes = [1], strides = [1]} : vector<16xf32> to vector<1xf32>
              %squeeze3A_380 = vector.extract %slice3A_379[0] : f32 from vector<1xf32>
              %get3A_381 = arith.index_cast %add3A_361 : i32 to index
              %get3A_382 = arith.index_cast %mul3A_270 : i32 to index
              %get3A_383 = tpu.vector_load %arg36[%get3A_381, %get3A_382] {strides = array<i32>} : memref<32x128xf32, #tpu.memory_space<vmem>>, vector<1x16xf32>,
              %get3A_384 = vector.shape_cast %get3A_383 : vector<1x16xf32> to vector<16xf32>
              %mul3A_385 = vector.broadcast %squeeze3A_380 : f32 to vector<16xf32>
              %mul3A_386 = arith.mulf %mul3A_385, %get3A_384 : vector<16xf32>
              %add3A_387 = arith.addf %add3A_378, %mul3A_386 : vector<16xf32>
              %slice3A_388 = vector.extract_strided_slice %get3A_261 {offsets = [2], sizes = [1], strides = [1]} : vector<16xf32> to vector<1xf32>
              %squeeze3A_389 = vector.extract %slice3A_388[0] : f32 from vector<1xf32>
              %get3A_390 = arith.index_cast %add3A_361 : i32 to index
              %get3A_391 = arith.index_cast %mul3A_270 : i32 to index
              %get3A_392 = tpu.vector_load %arg37[%get3A_390, %get3A_391] {strides = array<i32>} : memref<32x128xf32, #tpu.memory_space<vmem>>, vector<1x16xf32>,
              %get3A_393 = vector.shape_cast %get3A_392 : vector<1x16xf32> to vector<16xf32>
              %mul3A_394 = vector.broadcast %squeeze3A_389 : f32 to vector<16xf32>
              %mul3A_395 = arith.mulf %mul3A_394, %get3A_393 : vector<16xf32>
              %add3A_396 = arith.addf %add3A_387, %mul3A_395 : vector<16xf32>
              %swap3A_397 = arith.index_cast %add3A_361 : i32 to index
              %swap3A_398 = arith.index_cast %mul3A_270 : i32 to index
              %swap3A_399 = tpu.vector_load %arg38[%swap3A_397, %swap3A_398] {strides = array<i32>} : memref<32x96xf32, #tpu.memory_space<vmem>>, vector<1x16xf32>,
              %swap3A_400 = vector.shape_cast %swap3A_399 : vector<1x16xf32> to vector<16xf32>
              %swap3A_401 = vector.shape_cast %add3A_396 : vector<16xf32> to vector<1x16xf32>
              tpu.vector_store %arg38[%swap3A_397, %swap3A_398], %swap3A_401 {strides = array<i32>} : memref<32x96xf32, #tpu.memory_space<vmem>>, vector<1x16xf32>,
              %mul3A_402 = arith.constant 16 : i32
              %mul3A_403 = arith.muli %scan3A_247, %mul3A_402 : i32
              %add3A_404 = arith.constant 3 : i32
              %add3A_405 = arith.addi %mul3A_403, %add3A_404 : i32
              %slice3A_406 = vector.extract_strided_slice %get3A_252 {offsets = [3], sizes = [1], strides = [1]} : vector<16xf32> to vector<1xf32>
              %squeeze3A_407 = vector.extract %slice3A_406[0] : f32 from vector<1xf32>
              %get3A_408 = arith.index_cast %add3A_405 : i32 to index
              %get3A_409 = arith.index_cast %mul3A_270 : i32 to index
              %get3A_410 = tpu.vector_load %arg34[%get3A_408, %get3A_409] {strides = array<i32>} : memref<32x128xf32, #tpu.memory_space<vmem>>, vector<1x16xf32>,
              %get3A_411 = vector.shape_cast %get3A_410 : vector<1x16xf32> to vector<16xf32>
              %mul3A_412 = vector.broadcast %squeeze3A_407 : f32 to vector<16xf32>
              %mul3A_413 = arith.mulf %mul3A_412, %get3A_411 : vector<16xf32>
              %slice3A_414 = vector.extract_strided_slice %get3A_255 {offsets = [3], sizes = [1], strides = [1]} : vector<16xf32> to vector<1xf32>
              %squeeze3A_415 = vector.extract %slice3A_414[0] : f32 from vector<1xf32>
              %get3A_416 = arith.index_cast %add3A_405 : i32 to index
              %get3A_417 = arith.index_cast %mul3A_270 : i32 to index
              %get3A_418 = tpu.vector_load %arg35[%get3A_416, %get3A_417] {strides = array<i32>} : memref<32x128xf32, #tpu.memory_space<vmem>>, vector<1x16xf32>,
              %get3A_419 = vector.shape_cast %get3A_418 : vector<1x16xf32> to vector<16xf32>
              %mul3A_420 = vector.broadcast %squeeze3A_415 : f32 to vector<16xf32>
              %mul3A_421 = arith.mulf %mul3A_420, %get3A_419 : vector<16xf32>
              %add3A_422 = arith.addf %mul3A_413, %mul3A_421 : vector<16xf32>
              %slice3A_423 = vector.extract_strided_slice %get3A_258 {offsets = [3], sizes = [1], strides = [1]} : vector<16xf32> to vector<1xf32>
              %squeeze3A_424 = vector.extract %slice3A_423[0] : f32 from vector<1xf32>
              %get3A_425 = arith.index_cast %add3A_405 : i32 to index
              %get3A_426 = arith.index_cast %mul3A_270 : i32 to index
              %get3A_427 = tpu.vector_load %arg36[%get3A_425, %get3A_426] {strides = array<i32>} : memref<32x128xf32, #tpu.memory_space<vmem>>, vector<1x16xf32>,
              %get3A_428 = vector.shape_cast %get3A_427 : vector<1x16xf32> to vector<16xf32>
              %mul3A_429 = vector.broadcast %squeeze3A_424 : f32 to vector<16xf32>
              %mul3A_430 = arith.mulf %mul3A_429, %get3A_428 : vector<16xf32>
              %add3A_431 = arith.addf %add3A_422, %mul3A_430 : vector<16xf32>
              %slice3A_432 = vector.extract_strided_slice %get3A_261 {offsets = [3], sizes = [1], strides = [1]} : vector<16xf32> to vector<1xf32>
              %squeeze3A_433 = vector.extract %slice3A_432[0] : f32 from vector<1xf32>
              %get3A_434 = arith.index_cast %add3A_405 : i32 to index
              %get3A_435 = arith.index_cast %mul3A_270 : i32 to index
              %get3A_436 = tpu.vector_load %arg37[%get3A_434, %get3A_435] {strides = array<i32>} : memref<32x128xf32, #tpu.memory_space<vmem>>, vector<1x16xf32>,
              %get3A_437 = vector.shape_cast %get3A_436 : vector<1x16xf32> to vector<16xf32>
              %mul3A_438 = vector.broadcast %squeeze3A_433 : f32 to vector<16xf32>
              %mul3A_439 = arith.mulf %mul3A_438, %get3A_437 : vector<16xf32>
              %add3A_440 = arith.addf %add3A_431, %mul3A_439 : vector<16xf32>
              %swap3A_441 = arith.index_cast %add3A_405 : i32 to index
              %swap3A_442 = arith.index_cast %mul3A_270 : i32 to index
              %swap3A_443 = tpu.vector_load %arg38[%swap3A_441, %swap3A_442] {strides = array<i32>} : memref<32x96xf32, #tpu.memory_space<vmem>>, vector<1x16xf32>,
              %swap3A_444 = vector.shape_cast %swap3A_443 : vector<1x16xf32> to vector<16xf32>
              %swap3A_445 = vector.shape_cast %add3A_440 : vector<16xf32> to vector<1x16xf32>
              tpu.vector_store %arg38[%swap3A_441, %swap3A_442], %swap3A_445 {strides = array<i32>} : memref<32x96xf32, #tpu.memory_space<vmem>>, vector<1x16xf32>,
              %mul3A_446 = arith.constant 16 : i32
              %mul3A_447 = arith.muli %scan3A_247, %mul3A_446 : i32
              %add3A_448 = arith.constant 4 : i32
              %add3A_449 = arith.addi %mul3A_447, %add3A_448 : i32
              %slice3A_450 = vector.extract_strided_slice %get3A_252 {offsets = [4], sizes = [1], strides = [1]} : vector<16xf32> to vector<1xf32>
              %squeeze3A_451 = vector.extract %slice3A_450[0] : f32 from vector<1xf32>
              %get3A_452 = arith.index_cast %add3A_449 : i32 to index
              %get3A_453 = arith.index_cast %mul3A_270 : i32 to index
              %get3A_454 = tpu.vector_load %arg34[%get3A_452, %get3A_453] {strides = array<i32>} : memref<32x128xf32, #tpu.memory_space<vmem>>, vector<1x16xf32>,
              %get3A_455 = vector.shape_cast %get3A_454 : vector<1x16xf32> to vector<16xf32>
              %mul3A_456 = vector.broadcast %squeeze3A_451 : f32 to vector<16xf32>
              %mul3A_457 = arith.mulf %mul3A_456, %get3A_455 : vector<16xf32>
              %slice3A_458 = vector.extract_strided_slice %get3A_255 {offsets = [4], sizes = [1], strides = [1]} : vector<16xf32> to vector<1xf32>
              %squeeze3A_459 = vector.extract %slice3A_458[0] : f32 from vector<1xf32>
              %get3A_460 = arith.index_cast %add3A_449 : i32 to index
              %get3A_461 = arith.index_cast %mul3A_270 : i32 to index
              %get3A_462 = tpu.vector_load %arg35[%get3A_460, %get3A_461] {strides = array<i32>} : memref<32x128xf32, #tpu.memory_space<vmem>>, vector<1x16xf32>,
              %get3A_463 = vector.shape_cast %get3A_462 : vector<1x16xf32> to vector<16xf32>
              %mul3A_464 = vector.broadcast %squeeze3A_459 : f32 to vector<16xf32>
              %mul3A_465 = arith.mulf %mul3A_464, %get3A_463 : vector<16xf32>
              %add3A_466 = arith.addf %mul3A_457, %mul3A_465 : vector<16xf32>
              %slice3A_467 = vector.extract_strided_slice %get3A_258 {offsets = [4], sizes = [1], strides = [1]} : vector<16xf32> to vector<1xf32>
              %squeeze3A_468 = vector.extract %slice3A_467[0] : f32 from vector<1xf32>
              %get3A_469 = arith.index_cast %add3A_449 : i32 to index
              %get3A_470 = arith.index_cast %mul3A_270 : i32 to index
              %get3A_471 = tpu.vector_load %arg36[%get3A_469, %get3A_470] {strides = array<i32>} : memref<32x128xf32, #tpu.memory_space<vmem>>, vector<1x16xf32>,
              %get3A_472 = vector.shape_cast %get3A_471 : vector<1x16xf32> to vector<16xf32>
              %mul3A_473 = vector.broadcast %squeeze3A_468 : f32 to vector<16xf32>
              %mul3A_474 = arith.mulf %mul3A_473, %get3A_472 : vector<16xf32>
              %add3A_475 = arith.addf %add3A_466, %mul3A_474 : vector<16xf32>
              %slice3A_476 = vector.extract_strided_slice %get3A_261 {offsets = [4], sizes = [1], strides = [1]} : vector<16xf32> to vector<1xf32>
              %squeeze3A_477 = vector.extract %slice3A_476[0] : f32 from vector<1xf32>
              %get3A_478 = arith.index_cast %add3A_449 : i32 to index
              %get3A_479 = arith.index_cast %mul3A_270 : i32 to index
              %get3A_480 = tpu.vector_load %arg37[%get3A_478, %get3A_479] {strides = array<i32>} : memref<32x128xf32, #tpu.memory_space<vmem>>, vector<1x16xf32>,
              %get3A_481 = vector.shape_cast %get3A_480 : vector<1x16xf32> to vector<16xf32>
              %mul3A_482 = vector.broadcast %squeeze3A_477 : f32 to vector<16xf32>
              %mul3A_483 = arith.mulf %mul3A_482, %get3A_481 : vector<16xf32>
              %add3A_484 = arith.addf %add3A_475, %mul3A_483 : vector<16xf32>
              %swap3A_485 = arith.index_cast %add3A_449 : i32 to index
              %swap3A_486 = arith.index_cast %mul3A_270 : i32 to index
              %swap3A_487 = tpu.vector_load %arg38[%swap3A_485, %swap3A_486] {strides = array<i32>} : memref<32x96xf32, #tpu.memory_space<vmem>>, vector<1x16xf32>,
              %swap3A_488 = vector.shape_cast %swap3A_487 : vector<1x16xf32> to vector<16xf32>
              %swap3A_489 = vector.shape_cast %add3A_484 : vector<16xf32> to vector<1x16xf32>
              tpu.vector_store %arg38[%swap3A_485, %swap3A_486], %swap3A_489 {strides = array<i32>} : memref<32x96xf32, #tpu.memory_space<vmem>>, vector<1x16xf32>,
              %mul3A_490 = arith.constant 16 : i32
              %mul3A_491 = arith.muli %scan3A_247, %mul3A_490 : i32
              %add3A_492 = arith.constant 5 : i32
              %add3A_493 = arith.addi %mul3A_491, %add3A_492 : i32
              %slice3A_494 = vector.extract_strided_slice %get3A_252 {offsets = [5], sizes = [1], strides = [1]} : vector<16xf32> to vector<1xf32>
              %squeeze3A_495 = vector.extract %slice3A_494[0] : f32 from vector<1xf32>
              %get3A_496 = arith.index_cast %add3A_493 : i32 to index
              %get3A_497 = arith.index_cast %mul3A_270 : i32 to index
              %get3A_498 = tpu.vector_load %arg34[%get3A_496, %get3A_497] {strides = array<i32>} : memref<32x128xf32, #tpu.memory_space<vmem>>, vector<1x16xf32>,
              %get3A_499 = vector.shape_cast %get3A_498 : vector<1x16xf32> to vector<16xf32>
              %mul3A_500 = vector.broadcast %squeeze3A_495 : f32 to vector<16xf32>
              %mul3A_501 = arith.mulf %mul3A_500, %get3A_499 : vector<16xf32>
              %slice3A_502 = vector.extract_strided_slice %get3A_255 {offsets = [5], sizes = [1], strides = [1]} : vector<16xf32> to vector<1xf32>
              %squeeze3A_503 = vector.extract %slice3A_502[0] : f32 from vector<1xf32>
              %get3A_504 = arith.index_cast %add3A_493 : i32 to index
              %get3A_505 = arith.index_cast %mul3A_270 : i32 to index
              %get3A_506 = tpu.vector_load %arg35[%get3A_504, %get3A_505] {strides = array<i32>} : memref<32x128xf32, #tpu.memory_space<vmem>>, vector<1x16xf32>,
              %get3A_507 = vector.shape_cast %get3A_506 : vector<1x16xf32> to vector<16xf32>
              %mul3A_508 = vector.broadcast %squeeze3A_503 : f32 to vector<16xf32>
              %mul3A_509 = arith.mulf %mul3A_508, %get3A_507 : vector<16xf32>
              %add3A_510 = arith.addf %mul3A_501, %mul3A_509 : vector<16xf32>
              %slice3A_511 = vector.extract_strided_slice %get3A_258 {offsets = [5], sizes = [1], strides = [1]} : vector<16xf32> to vector<1xf32>
              %squeeze3A_512 = vector.extract %slice3A_511[0] : f32 from vector<1xf32>
              %get3A_513 = arith.index_cast %add3A_493 : i32 to index
              %get3A_514 = arith.index_cast %mul3A_270 : i32 to index
              %get3A_515 = tpu.vector_load %arg36[%get3A_513, %get3A_514] {strides = array<i32>} : memref<32x128xf32, #tpu.memory_space<vmem>>, vector<1x16xf32>,
              %get3A_516 = vector.shape_cast %get3A_515 : vector<1x16xf32> to vector<16xf32>
              %mul3A_517 = vector.broadcast %squeeze3A_512 : f32 to vector<16xf32>
              %mul3A_518 = arith.mulf %mul3A_517, %get3A_516 : vector<16xf32>
              %add3A_519 = arith.addf %add3A_510, %mul3A_518 : vector<16xf32>
              %slice3A_520 = vector.extract_strided_slice %get3A_261 {offsets = [5], sizes = [1], strides = [1]} : vector<16xf32> to vector<1xf32>
              %squeeze3A_521 = vector.extract %slice3A_520[0] : f32 from vector<1xf32>
              %get3A_522 = arith.index_cast %add3A_493 : i32 to index
              %get3A_523 = arith.index_cast %mul3A_270 : i32 to index
              %get3A_524 = tpu.vector_load %arg37[%get3A_522, %get3A_523] {strides = array<i32>} : memref<32x128xf32, #tpu.memory_space<vmem>>, vector<1x16xf32>,
              %get3A_525 = vector.shape_cast %get3A_524 : vector<1x16xf32> to vector<16xf32>
              %mul3A_526 = vector.broadcast %squeeze3A_521 : f32 to vector<16xf32>
              %mul3A_527 = arith.mulf %mul3A_526, %get3A_525 : vector<16xf32>
              %add3A_528 = arith.addf %add3A_519, %mul3A_527 : vector<16xf32>
              %swap3A_529 = arith.index_cast %add3A_493 : i32 to index
              %swap3A_530 = arith.index_cast %mul3A_270 : i32 to index
              %swap3A_531 = tpu.vector_load %arg38[%swap3A_529, %swap3A_530] {strides = array<i32>} : memref<32x96xf32, #tpu.memory_space<vmem>>, vector<1x16xf32>,
              %swap3A_532 = vector.shape_cast %swap3A_531 : vector<1x16xf32> to vector<16xf32>
              %swap3A_533 = vector.shape_cast %add3A_528 : vector<16xf32> to vector<1x16xf32>
              tpu.vector_store %arg38[%swap3A_529, %swap3A_530], %swap3A_533 {strides = array<i32>} : memref<32x96xf32, #tpu.memory_space<vmem>>, vector<1x16xf32>,
              %mul3A_534 = arith.constant 16 : i32
              %mul3A_535 = arith.muli %scan3A_247, %mul3A_534 : i32
              %add3A_536 = arith.constant 6 : i32
              %add3A_537 = arith.addi %mul3A_535, %add3A_536 : i32
              %slice3A_538 = vector.extract_strided_slice %get3A_252 {offsets = [6], sizes = [1], strides = [1]} : vector<16xf32> to vector<1xf32>
              %squeeze3A_539 = vector.extract %slice3A_538[0] : f32 from vector<1xf32>
              %get3A_540 = arith.index_cast %add3A_537 : i32 to index
              %get3A_541 = arith.index_cast %mul3A_270 : i32 to index
              %get3A_542 = tpu.vector_load %arg34[%get3A_540, %get3A_541] {strides = array<i32>} : memref<32x128xf32, #tpu.memory_space<vmem>>, vector<1x16xf32>,
              %get3A_543 = vector.shape_cast %get3A_542 : vector<1x16xf32> to vector<16xf32>
              %mul3A_544 = vector.broadcast %squeeze3A_539 : f32 to vector<16xf32>
              %mul3A_545 = arith.mulf %mul3A_544, %get3A_543 : vector<16xf32>
              %slice3A_546 = vector.extract_strided_slice %get3A_255 {offsets = [6], sizes = [1], strides = [1]} : vector<16xf32> to vector<1xf32>
              %squeeze3A_547 = vector.extract %slice3A_546[0] : f32 from vector<1xf32>
              %get3A_548 = arith.index_cast %add3A_537 : i32 to index
              %get3A_549 = arith.index_cast %mul3A_270 : i32 to index
              %get3A_550 = tpu.vector_load %arg35[%get3A_548, %get3A_549] {strides = array<i32>} : memref<32x128xf32, #tpu.memory_space<vmem>>, vector<1x16xf32>,
              %get3A_551 = vector.shape_cast %get3A_550 : vector<1x16xf32> to vector<16xf32>
              %mul3A_552 = vector.broadcast %squeeze3A_547 : f32 to vector<16xf32>
              %mul3A_553 = arith.mulf %mul3A_552, %get3A_551 : vector<16xf32>
              %add3A_554 = arith.addf %mul3A_545, %mul3A_553 : vector<16xf32>
              %slice3A_555 = vector.extract_strided_slice %get3A_258 {offsets = [6], sizes = [1], strides = [1]} : vector<16xf32> to vector<1xf32>
              %squeeze3A_556 = vector.extract %slice3A_555[0] : f32 from vector<1xf32>
              %get3A_557 = arith.index_cast %add3A_537 : i32 to index
              %get3A_558 = arith.index_cast %mul3A_270 : i32 to index
              %get3A_559 = tpu.vector_load %arg36[%get3A_557, %get3A_558] {strides = array<i32>} : memref<32x128xf32, #tpu.memory_space<vmem>>, vector<1x16xf32>,
              %get3A_560 = vector.shape_cast %get3A_559 : vector<1x16xf32> to vector<16xf32>
              %mul3A_561 = vector.broadcast %squeeze3A_556 : f32 to vector<16xf32>
              %mul3A_562 = arith.mulf %mul3A_561, %get3A_560 : vector<16xf32>
              %add3A_563 = arith.addf %add3A_554, %mul3A_562 : vector<16xf32>
              %slice3A_564 = vector.extract_strided_slice %get3A_261 {offsets = [6], sizes = [1], strides = [1]} : vector<16xf32> to vector<1xf32>
              %squeeze3A_565 = vector.extract %slice3A_564[0] : f32 from vector<1xf32>
              %get3A_566 = arith.index_cast %add3A_537 : i32 to index
              %get3A_567 = arith.index_cast %mul3A_270 : i32 to index
              %get3A_568 = tpu.vector_load %arg37[%get3A_566, %get3A_567] {strides = array<i32>} : memref<32x128xf32, #tpu.memory_space<vmem>>, vector<1x16xf32>,
              %get3A_569 = vector.shape_cast %get3A_568 : vector<1x16xf32> to vector<16xf32>
              %mul3A_570 = vector.broadcast %squeeze3A_565 : f32 to vector<16xf32>
              %mul3A_571 = arith.mulf %mul3A_570, %get3A_569 : vector<16xf32>
              %add3A_572 = arith.addf %add3A_563, %mul3A_571 : vector<16xf32>
              %swap3A_573 = arith.index_cast %add3A_537 : i32 to index
              %swap3A_574 = arith.index_cast %mul3A_270 : i32 to index
              %swap3A_575 = tpu.vector_load %arg38[%swap3A_573, %swap3A_574] {strides = array<i32>} : memref<32x96xf32, #tpu.memory_space<vmem>>, vector<1x16xf32>,
              %swap3A_576 = vector.shape_cast %swap3A_575 : vector<1x16xf32> to vector<16xf32>
              %swap3A_577 = vector.shape_cast %add3A_572 : vector<16xf32> to vector<1x16xf32>
              tpu.vector_store %arg38[%swap3A_573, %swap3A_574], %swap3A_577 {strides = array<i32>} : memref<32x96xf32, #tpu.memory_space<vmem>>, vector<1x16xf32>,
              %mul3A_578 = arith.constant 16 : i32
              %mul3A_579 = arith.muli %scan3A_247, %mul3A_578 : i32
              %add3A_580 = arith.constant 7 : i32
              %add3A_581 = arith.addi %mul3A_579, %add3A_580 : i32
              %slice3A_582 = vector.extract_strided_slice %get3A_252 {offsets = [7], sizes = [1], strides = [1]} : vector<16xf32> to vector<1xf32>
              %squeeze3A_583 = vector.extract %slice3A_582[0] : f32 from vector<1xf32>
              %get3A_584 = arith.index_cast %add3A_581 : i32 to index
              %get3A_585 = arith.index_cast %mul3A_270 : i32 to index
              %get3A_586 = tpu.vector_load %arg34[%get3A_584, %get3A_585] {strides = array<i32>} : memref<32x128xf32, #tpu.memory_space<vmem>>, vector<1x16xf32>,
              %get3A_587 = vector.shape_cast %get3A_586 : vector<1x16xf32> to vector<16xf32>
              %mul3A_588 = vector.broadcast %squeeze3A_583 : f32 to vector<16xf32>
              %mul3A_589 = arith.mulf %mul3A_588, %get3A_587 : vector<16xf32>
              %slice3A_590 = vector.extract_strided_slice %get3A_255 {offsets = [7], sizes = [1], strides = [1]} : vector<16xf32> to vector<1xf32>
              %squeeze3A_591 = vector.extract %slice3A_590[0] : f32 from vector<1xf32>
              %get3A_592 = arith.index_cast %add3A_581 : i32 to index
              %get3A_593 = arith.index_cast %mul3A_270 : i32 to index
              %get3A_594 = tpu.vector_load %arg35[%get3A_592, %get3A_593] {strides = array<i32>} : memref<32x128xf32, #tpu.memory_space<vmem>>, vector<1x16xf32>,
              %get3A_595 = vector.shape_cast %get3A_594 : vector<1x16xf32> to vector<16xf32>
              %mul3A_596 = vector.broadcast %squeeze3A_591 : f32 to vector<16xf32>
              %mul3A_597 = arith.mulf %mul3A_596, %get3A_595 : vector<16xf32>
              %add3A_598 = arith.addf %mul3A_589, %mul3A_597 : vector<16xf32>
              %slice3A_599 = vector.extract_strided_slice %get3A_258 {offsets = [7], sizes = [1], strides = [1]} : vector<16xf32> to vector<1xf32>
              %squeeze3A_600 = vector.extract %slice3A_599[0] : f32 from vector<1xf32>
              %get3A_601 = arith.index_cast %add3A_581 : i32 to index
              %get3A_602 = arith.index_cast %mul3A_270 : i32 to index
              %get3A_603 = tpu.vector_load %arg36[%get3A_601, %get3A_602] {strides = array<i32>} : memref<32x128xf32, #tpu.memory_space<vmem>>, vector<1x16xf32>,
              %get3A_604 = vector.shape_cast %get3A_603 : vector<1x16xf32> to vector<16xf32>
              %mul3A_605 = vector.broadcast %squeeze3A_600 : f32 to vector<16xf32>
              %mul3A_606 = arith.mulf %mul3A_605, %get3A_604 : vector<16xf32>
              %add3A_607 = arith.addf %add3A_598, %mul3A_606 : vector<16xf32>
              %slice3A_608 = vector.extract_strided_slice %get3A_261 {offsets = [7], sizes = [1], strides = [1]} : vector<16xf32> to vector<1xf32>
              %squeeze3A_609 = vector.extract %slice3A_608[0] : f32 from vector<1xf32>
              %get3A_610 = arith.index_cast %add3A_581 : i32 to index
              %get3A_611 = arith.index_cast %mul3A_270 : i32 to index
              %get3A_612 = tpu.vector_load %arg37[%get3A_610, %get3A_611] {strides = array<i32>} : memref<32x128xf32, #tpu.memory_space<vmem>>, vector<1x16xf32>,
              %get3A_613 = vector.shape_cast %get3A_612 : vector<1x16xf32> to vector<16xf32>
              %mul3A_614 = vector.broadcast %squeeze3A_609 : f32 to vector<16xf32>
              %mul3A_615 = arith.mulf %mul3A_614, %get3A_613 : vector<16xf32>
              %add3A_616 = arith.addf %add3A_607, %mul3A_615 : vector<16xf32>
              %swap3A_617 = arith.index_cast %add3A_581 : i32 to index
              %swap3A_618 = arith.index_cast %mul3A_270 : i32 to index
              %swap3A_619 = tpu.vector_load %arg38[%swap3A_617, %swap3A_618] {strides = array<i32>} : memref<32x96xf32, #tpu.memory_space<vmem>>, vector<1x16xf32>,
              %swap3A_620 = vector.shape_cast %swap3A_619 : vector<1x16xf32> to vector<16xf32>
              %swap3A_621 = vector.shape_cast %add3A_616 : vector<16xf32> to vector<1x16xf32>
              tpu.vector_store %arg38[%swap3A_617, %swap3A_618], %swap3A_621 {strides = array<i32>} : memref<32x96xf32, #tpu.memory_space<vmem>>, vector<1x16xf32>,
              %mul3A_622 = arith.constant 16 : i32
              %mul3A_623 = arith.muli %scan3A_247, %mul3A_622 : i32
              %add3A_624 = arith.constant 8 : i32
              %add3A_625 = arith.addi %mul3A_623, %add3A_624 : i32
              %slice3A_626 = vector.extract_strided_slice %get3A_252 {offsets = [8], sizes = [1], strides = [1]} : vector<16xf32> to vector<1xf32>
              %squeeze3A_627 = vector.extract %slice3A_626[0] : f32 from vector<1xf32>
              %get3A_628 = arith.index_cast %add3A_625 : i32 to index
              %get3A_629 = arith.index_cast %mul3A_270 : i32 to index
              %get3A_630 = tpu.vector_load %arg34[%get3A_628, %get3A_629] {strides = array<i32>} : memref<32x128xf32, #tpu.memory_space<vmem>>, vector<1x16xf32>,
              %get3A_631 = vector.shape_cast %get3A_630 : vector<1x16xf32> to vector<16xf32>
              %mul3A_632 = vector.broadcast %squeeze3A_627 : f32 to vector<16xf32>
              %mul3A_633 = arith.mulf %mul3A_632, %get3A_631 : vector<16xf32>
              %slice3A_634 = vector.extract_strided_slice %get3A_255 {offsets = [8], sizes = [1], strides = [1]} : vector<16xf32> to vector<1xf32>
              %squeeze3A_635 = vector.extract %slice3A_634[0] : f32 from vector<1xf32>
              %get3A_636 = arith.index_cast %add3A_625 : i32 to index
              %get3A_637 = arith.index_cast %mul3A_270 : i32 to index
              %get3A_638 = tpu.vector_load %arg35[%get3A_636, %get3A_637] {strides = array<i32>} : memref<32x128xf32, #tpu.memory_space<vmem>>, vector<1x16xf32>,
              %get3A_639 = vector.shape_cast %get3A_638 : vector<1x16xf32> to vector<16xf32>
              %mul3A_640 = vector.broadcast %squeeze3A_635 : f32 to vector<16xf32>
              %mul3A_641 = arith.mulf %mul3A_640, %get3A_639 : vector<16xf32>
              %add3A_642 = arith.addf %mul3A_633, %mul3A_641 : vector<16xf32>
              %slice3A_643 = vector.extract_strided_slice %get3A_258 {offsets = [8], sizes = [1], strides = [1]} : vector<16xf32> to vector<1xf32>
              %squeeze3A_644 = vector.extract %slice3A_643[0] : f32 from vector<1xf32>
              %get3A_645 = arith.index_cast %add3A_625 : i32 to index
              %get3A_646 = arith.index_cast %mul3A_270 : i32 to index
              %get3A_647 = tpu.vector_load %arg36[%get3A_645, %get3A_646] {strides = array<i32>} : memref<32x128xf32, #tpu.memory_space<vmem>>, vector<1x16xf32>,
              %get3A_648 = vector.shape_cast %get3A_647 : vector<1x16xf32> to vector<16xf32>
              %mul3A_649 = vector.broadcast %squeeze3A_644 : f32 to vector<16xf32>
              %mul3A_650 = arith.mulf %mul3A_649, %get3A_648 : vector<16xf32>
              %add3A_651 = arith.addf %add3A_642, %mul3A_650 : vector<16xf32>
              %slice3A_652 = vector.extract_strided_slice %get3A_261 {offsets = [8], sizes = [1], strides = [1]} : vector<16xf32> to vector<1xf32>
              %squeeze3A_653 = vector.extract %slice3A_652[0] : f32 from vector<1xf32>
              %get3A_654 = arith.index_cast %add3A_625 : i32 to index
              %get3A_655 = arith.index_cast %mul3A_270 : i32 to index
              %get3A_656 = tpu.vector_load %arg37[%get3A_654, %get3A_655] {strides = array<i32>} : memref<32x128xf32, #tpu.memory_space<vmem>>, vector<1x16xf32>,
              %get3A_657 = vector.shape_cast %get3A_656 : vector<1x16xf32> to vector<16xf32>
              %mul3A_658 = vector.broadcast %squeeze3A_653 : f32 to vector<16xf32>
              %mul3A_659 = arith.mulf %mul3A_658, %get3A_657 : vector<16xf32>
              %add3A_660 = arith.addf %add3A_651, %mul3A_659 : vector<16xf32>
              %swap3A_661 = arith.index_cast %add3A_625 : i32 to index
              %swap3A_662 = arith.index_cast %mul3A_270 : i32 to index
              %swap3A_663 = tpu.vector_load %arg38[%swap3A_661, %swap3A_662] {strides = array<i32>} : memref<32x96xf32, #tpu.memory_space<vmem>>, vector<1x16xf32>,
              %swap3A_664 = vector.shape_cast %swap3A_663 : vector<1x16xf32> to vector<16xf32>
              %swap3A_665 = vector.shape_cast %add3A_660 : vector<16xf32> to vector<1x16xf32>
              tpu.vector_store %arg38[%swap3A_661, %swap3A_662], %swap3A_665 {strides = array<i32>} : memref<32x96xf32, #tpu.memory_space<vmem>>, vector<1x16xf32>,
              %mul3A_666 = arith.constant 16 : i32
              %mul3A_667 = arith.muli %scan3A_247, %mul3A_666 : i32
              %add3A_668 = arith.constant 9 : i32
              %add3A_669 = arith.addi %mul3A_667, %add3A_668 : i32
              %slice3A_670 = vector.extract_strided_slice %get3A_252 {offsets = [9], sizes = [1], strides = [1]} : vector<16xf32> to vector<1xf32>
              %squeeze3A_671 = vector.extract %slice3A_670[0] : f32 from vector<1xf32>
              %get3A_672 = arith.index_cast %add3A_669 : i32 to index
              %get3A_673 = arith.index_cast %mul3A_270 : i32 to index
              %get3A_674 = tpu.vector_load %arg34[%get3A_672, %get3A_673] {strides = array<i32>} : memref<32x128xf32, #tpu.memory_space<vmem>>, vector<1x16xf32>,
              %get3A_675 = vector.shape_cast %get3A_674 : vector<1x16xf32> to vector<16xf32>
              %mul3A_676 = vector.broadcast %squeeze3A_671 : f32 to vector<16xf32>
              %mul3A_677 = arith.mulf %mul3A_676, %get3A_675 : vector<16xf32>
              %slice3A_678 = vector.extract_strided_slice %get3A_255 {offsets = [9], sizes = [1], strides = [1]} : vector<16xf32> to vector<1xf32>
              %squeeze3A_679 = vector.extract %slice3A_678[0] : f32 from vector<1xf32>
              %get3A_680 = arith.index_cast %add3A_669 : i32 to index
              %get3A_681 = arith.index_cast %mul3A_270 : i32 to index
              %get3A_682 = tpu.vector_load %arg35[%get3A_680, %get3A_681] {strides = array<i32>} : memref<32x128xf32, #tpu.memory_space<vmem>>, vector<1x16xf32>,
              %get3A_683 = vector.shape_cast %get3A_682 : vector<1x16xf32> to vector<16xf32>
              %mul3A_684 = vector.broadcast %squeeze3A_679 : f32 to vector<16xf32>
              %mul3A_685 = arith.mulf %mul3A_684, %get3A_683 : vector<16xf32>
              %add3A_686 = arith.addf %mul3A_677, %mul3A_685 : vector<16xf32>
              %slice3A_687 = vector.extract_strided_slice %get3A_258 {offsets = [9], sizes = [1], strides = [1]} : vector<16xf32> to vector<1xf32>
              %squeeze3A_688 = vector.extract %slice3A_687[0] : f32 from vector<1xf32>
              %get3A_689 = arith.index_cast %add3A_669 : i32 to index
              %get3A_690 = arith.index_cast %mul3A_270 : i32 to index
              %get3A_691 = tpu.vector_load %arg36[%get3A_689, %get3A_690] {strides = array<i32>} : memref<32x128xf32, #tpu.memory_space<vmem>>, vector<1x16xf32>,
              %get3A_692 = vector.shape_cast %get3A_691 : vector<1x16xf32> to vector<16xf32>
              %mul3A_693 = vector.broadcast %squeeze3A_688 : f32 to vector<16xf32>
              %mul3A_694 = arith.mulf %mul3A_693, %get3A_692 : vector<16xf32>
              %add3A_695 = arith.addf %add3A_686, %mul3A_694 : vector<16xf32>
              %slice3A_696 = vector.extract_strided_slice %get3A_261 {offsets = [9], sizes = [1], strides = [1]} : vector<16xf32> to vector<1xf32>
              %squeeze3A_697 = vector.extract %slice3A_696[0] : f32 from vector<1xf32>
              %get3A_698 = arith.index_cast %add3A_669 : i32 to index
              %get3A_699 = arith.index_cast %mul3A_270 : i32 to index
              %get3A_700 = tpu.vector_load %arg37[%get3A_698, %get3A_699] {strides = array<i32>} : memref<32x128xf32, #tpu.memory_space<vmem>>, vector<1x16xf32>,
              %get3A_701 = vector.shape_cast %get3A_700 : vector<1x16xf32> to vector<16xf32>
              %mul3A_702 = vector.broadcast %squeeze3A_697 : f32 to vector<16xf32>
              %mul3A_703 = arith.mulf %mul3A_702, %get3A_701 : vector<16xf32>
              %add3A_704 = arith.addf %add3A_695, %mul3A_703 : vector<16xf32>
              %swap3A_705 = arith.index_cast %add3A_669 : i32 to index
              %swap3A_706 = arith.index_cast %mul3A_270 : i32 to index
              %swap3A_707 = tpu.vector_load %arg38[%swap3A_705, %swap3A_706] {strides = array<i32>} : memref<32x96xf32, #tpu.memory_space<vmem>>, vector<1x16xf32>,
              %swap3A_708 = vector.shape_cast %swap3A_707 : vector<1x16xf32> to vector<16xf32>
              %swap3A_709 = vector.shape_cast %add3A_704 : vector<16xf32> to vector<1x16xf32>
              tpu.vector_store %arg38[%swap3A_705, %swap3A_706], %swap3A_709 {strides = array<i32>} : memref<32x96xf32, #tpu.memory_space<vmem>>, vector<1x16xf32>,
              %mul3A_710 = arith.constant 16 : i32
              %mul3A_711 = arith.muli %scan3A_247, %mul3A_710 : i32
              %add3A_712 = arith.constant 10 : i32
              %add3A_713 = arith.addi %mul3A_711, %add3A_712 : i32
              %slice3A_714 = vector.extract_strided_slice %get3A_252 {offsets = [10], sizes = [1], strides = [1]} : vector<16xf32> to vector<1xf32>
              %squeeze3A_715 = vector.extract %slice3A_714[0] : f32 from vector<1xf32>
              %get3A_716 = arith.index_cast %add3A_713 : i32 to index
              %get3A_717 = arith.index_cast %mul3A_270 : i32 to index
              %get3A_718 = tpu.vector_load %arg34[%get3A_716, %get3A_717] {strides = array<i32>} : memref<32x128xf32, #tpu.memory_space<vmem>>, vector<1x16xf32>,
              %get3A_719 = vector.shape_cast %get3A_718 : vector<1x16xf32> to vector<16xf32>
              %mul3A_720 = vector.broadcast %squeeze3A_715 : f32 to vector<16xf32>
              %mul3A_721 = arith.mulf %mul3A_720, %get3A_719 : vector<16xf32>
              %slice3A_722 = vector.extract_strided_slice %get3A_255 {offsets = [10], sizes = [1], strides = [1]} : vector<16xf32> to vector<1xf32>
              %squeeze3A_723 = vector.extract %slice3A_722[0] : f32 from vector<1xf32>
              %get3A_724 = arith.index_cast %add3A_713 : i32 to index
              %get3A_725 = arith.index_cast %mul3A_270 : i32 to index
              %get3A_726 = tpu.vector_load %arg35[%get3A_724, %get3A_725] {strides = array<i32>} : memref<32x128xf32, #tpu.memory_space<vmem>>, vector<1x16xf32>,
              %get3A_727 = vector.shape_cast %get3A_726 : vector<1x16xf32> to vector<16xf32>
              %mul3A_728 = vector.broadcast %squeeze3A_723 : f32 to vector<16xf32>
              %mul3A_729 = arith.mulf %mul3A_728, %get3A_727 : vector<16xf32>
              %add3A_730 = arith.addf %mul3A_721, %mul3A_729 : vector<16xf32>
              %slice3A_731 = vector.extract_strided_slice %get3A_258 {offsets = [10], sizes = [1], strides = [1]} : vector<16xf32> to vector<1xf32>
              %squeeze3A_732 = vector.extract %slice3A_731[0] : f32 from vector<1xf32>
              %get3A_733 = arith.index_cast %add3A_713 : i32 to index
              %get3A_734 = arith.index_cast %mul3A_270 : i32 to index
              %get3A_735 = tpu.vector_load %arg36[%get3A_733, %get3A_734] {strides = array<i32>} : memref<32x128xf32, #tpu.memory_space<vmem>>, vector<1x16xf32>,
              %get3A_736 = vector.shape_cast %get3A_735 : vector<1x16xf32> to vector<16xf32>
              %mul3A_737 = vector.broadcast %squeeze3A_732 : f32 to vector<16xf32>
              %mul3A_738 = arith.mulf %mul3A_737, %get3A_736 : vector<16xf32>
              %add3A_739 = arith.addf %add3A_730, %mul3A_738 : vector<16xf32>
              %slice3A_740 = vector.extract_strided_slice %get3A_261 {offsets = [10], sizes = [1], strides = [1]} : vector<16xf32> to vector<1xf32>
              %squeeze3A_741 = vector.extract %slice3A_740[0] : f32 from vector<1xf32>
              %get3A_742 = arith.index_cast %add3A_713 : i32 to index
              %get3A_743 = arith.index_cast %mul3A_270 : i32 to index
              %get3A_744 = tpu.vector_load %arg37[%get3A_742, %get3A_743] {strides = array<i32>} : memref<32x128xf32, #tpu.memory_space<vmem>>, vector<1x16xf32>,
              %get3A_745 = vector.shape_cast %get3A_744 : vector<1x16xf32> to vector<16xf32>
              %mul3A_746 = vector.broadcast %squeeze3A_741 : f32 to vector<16xf32>
              %mul3A_747 = arith.mulf %mul3A_746, %get3A_745 : vector<16xf32>
              %add3A_748 = arith.addf %add3A_739, %mul3A_747 : vector<16xf32>
              %swap3A_749 = arith.index_cast %add3A_713 : i32 to index
              %swap3A_750 = arith.index_cast %mul3A_270 : i32 to index
              %swap3A_751 = tpu.vector_load %arg38[%swap3A_749, %swap3A_750] {strides = array<i32>} : memref<32x96xf32, #tpu.memory_space<vmem>>, vector<1x16xf32>,
              %swap3A_752 = vector.shape_cast %swap3A_751 : vector<1x16xf32> to vector<16xf32>
              %swap3A_753 = vector.shape_cast %add3A_748 : vector<16xf32> to vector<1x16xf32>
              tpu.vector_store %arg38[%swap3A_749, %swap3A_750], %swap3A_753 {strides = array<i32>} : memref<32x96xf32, #tpu.memory_space<vmem>>, vector<1x16xf32>,
              %mul3A_754 = arith.constant 16 : i32
              %mul3A_755 = arith.muli %scan3A_247, %mul3A_754 : i32
              %add3A_756 = arith.constant 11 : i32
              %add3A_757 = arith.addi %mul3A_755, %add3A_756 : i32
              %slice3A_758 = vector.extract_strided_slice %get3A_252 {offsets = [11], sizes = [1], strides = [1]} : vector<16xf32> to vector<1xf32>
              %squeeze3A_759 = vector.extract %slice3A_758[0] : f32 from vector<1xf32>
              %get3A_760 = arith.index_cast %add3A_757 : i32 to index
              %get3A_761 = arith.index_cast %mul3A_270 : i32 to index
              %get3A_762 = tpu.vector_load %arg34[%get3A_760, %get3A_761] {strides = array<i32>} : memref<32x128xf32, #tpu.memory_space<vmem>>, vector<1x16xf32>,
              %get3A_763 = vector.shape_cast %get3A_762 : vector<1x16xf32> to vector<16xf32>
              %mul3A_764 = vector.broadcast %squeeze3A_759 : f32 to vector<16xf32>
              %mul3A_765 = arith.mulf %mul3A_764, %get3A_763 : vector<16xf32>
              %slice3A_766 = vector.extract_strided_slice %get3A_255 {offsets = [11], sizes = [1], strides = [1]} : vector<16xf32> to vector<1xf32>
              %squeeze3A_767 = vector.extract %slice3A_766[0] : f32 from vector<1xf32>
              %get3A_768 = arith.index_cast %add3A_757 : i32 to index
              %get3A_769 = arith.index_cast %mul3A_270 : i32 to index
              %get3A_770 = tpu.vector_load %arg35[%get3A_768, %get3A_769] {strides = array<i32>} : memref<32x128xf32, #tpu.memory_space<vmem>>, vector<1x16xf32>,
              %get3A_771 = vector.shape_cast %get3A_770 : vector<1x16xf32> to vector<16xf32>
              %mul3A_772 = vector.broadcast %squeeze3A_767 : f32 to vector<16xf32>
              %mul3A_773 = arith.mulf %mul3A_772, %get3A_771 : vector<16xf32>
              %add3A_774 = arith.addf %mul3A_765, %mul3A_773 : vector<16xf32>
              %slice3A_775 = vector.extract_strided_slice %get3A_258 {offsets = [11], sizes = [1], strides = [1]} : vector<16xf32> to vector<1xf32>
              %squeeze3A_776 = vector.extract %slice3A_775[0] : f32 from vector<1xf32>
              %get3A_777 = arith.index_cast %add3A_757 : i32 to index
              %get3A_778 = arith.index_cast %mul3A_270 : i32 to index
              %get3A_779 = tpu.vector_load %arg36[%get3A_777, %get3A_778] {strides = array<i32>} : memref<32x128xf32, #tpu.memory_space<vmem>>, vector<1x16xf32>,
              %get3A_780 = vector.shape_cast %get3A_779 : vector<1x16xf32> to vector<16xf32>
              %mul3A_781 = vector.broadcast %squeeze3A_776 : f32 to vector<16xf32>
              %mul3A_782 = arith.mulf %mul3A_781, %get3A_780 : vector<16xf32>
              %add3A_783 = arith.addf %add3A_774, %mul3A_782 : vector<16xf32>
              %slice3A_784 = vector.extract_strided_slice %get3A_261 {offsets = [11], sizes = [1], strides = [1]} : vector<16xf32> to vector<1xf32>
              %squeeze3A_785 = vector.extract %slice3A_784[0] : f32 from vector<1xf32>
              %get3A_786 = arith.index_cast %add3A_757 : i32 to index
              %get3A_787 = arith.index_cast %mul3A_270 : i32 to index
              %get3A_788 = tpu.vector_load %arg37[%get3A_786, %get3A_787] {strides = array<i32>} : memref<32x128xf32, #tpu.memory_space<vmem>>, vector<1x16xf32>,
              %get3A_789 = vector.shape_cast %get3A_788 : vector<1x16xf32> to vector<16xf32>
              %mul3A_790 = vector.broadcast %squeeze3A_785 : f32 to vector<16xf32>
              %mul3A_791 = arith.mulf %mul3A_790, %get3A_789 : vector<16xf32>
              %add3A_792 = arith.addf %add3A_783, %mul3A_791 : vector<16xf32>
              %swap3A_793 = arith.index_cast %add3A_757 : i32 to index
              %swap3A_794 = arith.index_cast %mul3A_270 : i32 to index
              %swap3A_795 = tpu.vector_load %arg38[%swap3A_793, %swap3A_794] {strides = array<i32>} : memref<32x96xf32, #tpu.memory_space<vmem>>, vector<1x16xf32>,
              %swap3A_796 = vector.shape_cast %swap3A_795 : vector<1x16xf32> to vector<16xf32>
              %swap3A_797 = vector.shape_cast %add3A_792 : vector<16xf32> to vector<1x16xf32>
              tpu.vector_store %arg38[%swap3A_793, %swap3A_794], %swap3A_797 {strides = array<i32>} : memref<32x96xf32, #tpu.memory_space<vmem>>, vector<1x16xf32>,
              %mul3A_798 = arith.constant 16 : i32
              %mul3A_799 = arith.muli %scan3A_247, %mul3A_798 : i32
              %add3A_800 = arith.constant 12 : i32
              %add3A_801 = arith.addi %mul3A_799, %add3A_800 : i32
              %slice3A_802 = vector.extract_strided_slice %get3A_252 {offsets = [12], sizes = [1], strides = [1]} : vector<16xf32> to vector<1xf32>
              %squeeze3A_803 = vector.extract %slice3A_802[0] : f32 from vector<1xf32>
              %get3A_804 = arith.index_cast %add3A_801 : i32 to index
              %get3A_805 = arith.index_cast %mul3A_270 : i32 to index
              %get3A_806 = tpu.vector_load %arg34[%get3A_804, %get3A_805] {strides = array<i32>} : memref<32x128xf32, #tpu.memory_space<vmem>>, vector<1x16xf32>,
              %get3A_807 = vector.shape_cast %get3A_806 : vector<1x16xf32> to vector<16xf32>
              %mul3A_808 = vector.broadcast %squeeze3A_803 : f32 to vector<16xf32>
              %mul3A_809 = arith.mulf %mul3A_808, %get3A_807 : vector<16xf32>
              %slice3A_810 = vector.extract_strided_slice %get3A_255 {offsets = [12], sizes = [1], strides = [1]} : vector<16xf32> to vector<1xf32>
              %squeeze3A_811 = vector.extract %slice3A_810[0] : f32 from vector<1xf32>
              %get3A_812 = arith.index_cast %add3A_801 : i32 to index
              %get3A_813 = arith.index_cast %mul3A_270 : i32 to index
              %get3A_814 = tpu.vector_load %arg35[%get3A_812, %get3A_813] {strides = array<i32>} : memref<32x128xf32, #tpu.memory_space<vmem>>, vector<1x16xf32>,
              %get3A_815 = vector.shape_cast %get3A_814 : vector<1x16xf32> to vector<16xf32>
              %mul3A_816 = vector.broadcast %squeeze3A_811 : f32 to vector<16xf32>
              %mul3A_817 = arith.mulf %mul3A_816, %get3A_815 : vector<16xf32>
              %add3A_818 = arith.addf %mul3A_809, %mul3A_817 : vector<16xf32>
              %slice3A_819 = vector.extract_strided_slice %get3A_258 {offsets = [12], sizes = [1], strides = [1]} : vector<16xf32> to vector<1xf32>
              %squeeze3A_820 = vector.extract %slice3A_819[0] : f32 from vector<1xf32>
              %get3A_821 = arith.index_cast %add3A_801 : i32 to index
              %get3A_822 = arith.index_cast %mul3A_270 : i32 to index
              %get3A_823 = tpu.vector_load %arg36[%get3A_821, %get3A_822] {strides = array<i32>} : memref<32x128xf32, #tpu.memory_space<vmem>>, vector<1x16xf32>,
              %get3A_824 = vector.shape_cast %get3A_823 : vector<1x16xf32> to vector<16xf32>
              %mul3A_825 = vector.broadcast %squeeze3A_820 : f32 to vector<16xf32>
              %mul3A_826 = arith.mulf %mul3A_825, %get3A_824 : vector<16xf32>
              %add3A_827 = arith.addf %add3A_818, %mul3A_826 : vector<16xf32>
              %slice3A_828 = vector.extract_strided_slice %get3A_261 {offsets = [12], sizes = [1], strides = [1]} : vector<16xf32> to vector<1xf32>
              %squeeze3A_829 = vector.extract %slice3A_828[0] : f32 from vector<1xf32>
              %get3A_830 = arith.index_cast %add3A_801 : i32 to index
              %get3A_831 = arith.index_cast %mul3A_270 : i32 to index
              %get3A_832 = tpu.vector_load %arg37[%get3A_830, %get3A_831] {strides = array<i32>} : memref<32x128xf32, #tpu.memory_space<vmem>>, vector<1x16xf32>,
              %get3A_833 = vector.shape_cast %get3A_832 : vector<1x16xf32> to vector<16xf32>
              %mul3A_834 = vector.broadcast %squeeze3A_829 : f32 to vector<16xf32>
              %mul3A_835 = arith.mulf %mul3A_834, %get3A_833 : vector<16xf32>
              %add3A_836 = arith.addf %add3A_827, %mul3A_835 : vector<16xf32>
              %swap3A_837 = arith.index_cast %add3A_801 : i32 to index
              %swap3A_838 = arith.index_cast %mul3A_270 : i32 to index
              %swap3A_839 = tpu.vector_load %arg38[%swap3A_837, %swap3A_838] {strides = array<i32>} : memref<32x96xf32, #tpu.memory_space<vmem>>, vector<1x16xf32>,
              %swap3A_840 = vector.shape_cast %swap3A_839 : vector<1x16xf32> to vector<16xf32>
              %swap3A_841 = vector.shape_cast %add3A_836 : vector<16xf32> to vector<1x16xf32>
              tpu.vector_store %arg38[%swap3A_837, %swap3A_838], %swap3A_841 {strides = array<i32>} : memref<32x96xf32, #tpu.memory_space<vmem>>, vector<1x16xf32>,
              %mul3A_842 = arith.constant 16 : i32
              %mul3A_843 = arith.muli %scan3A_247, %mul3A_842 : i32
              %add3A_844 = arith.constant 13 : i32
              %add3A_845 = arith.addi %mul3A_843, %add3A_844 : i32
              %slice3A_846 = vector.extract_strided_slice %get3A_252 {offsets = [13], sizes = [1], strides = [1]} : vector<16xf32> to vector<1xf32>
              %squeeze3A_847 = vector.extract %slice3A_846[0] : f32 from vector<1xf32>
              %get3A_848 = arith.index_cast %add3A_845 : i32 to index
              %get3A_849 = arith.index_cast %mul3A_270 : i32 to index
              %get3A_850 = tpu.vector_load %arg34[%get3A_848, %get3A_849] {strides = array<i32>} : memref<32x128xf32, #tpu.memory_space<vmem>>, vector<1x16xf32>,
              %get3A_851 = vector.shape_cast %get3A_850 : vector<1x16xf32> to vector<16xf32>
              %mul3A_852 = vector.broadcast %squeeze3A_847 : f32 to vector<16xf32>
              %mul3A_853 = arith.mulf %mul3A_852, %get3A_851 : vector<16xf32>
              %slice3A_854 = vector.extract_strided_slice %get3A_255 {offsets = [13], sizes = [1], strides = [1]} : vector<16xf32> to vector<1xf32>
              %squeeze3A_855 = vector.extract %slice3A_854[0] : f32 from vector<1xf32>
              %get3A_856 = arith.index_cast %add3A_845 : i32 to index
              %get3A_857 = arith.index_cast %mul3A_270 : i32 to index
              %get3A_858 = tpu.vector_load %arg35[%get3A_856, %get3A_857] {strides = array<i32>} : memref<32x128xf32, #tpu.memory_space<vmem>>, vector<1x16xf32>,
              %get3A_859 = vector.shape_cast %get3A_858 : vector<1x16xf32> to vector<16xf32>
              %mul3A_860 = vector.broadcast %squeeze3A_855 : f32 to vector<16xf32>
              %mul3A_861 = arith.mulf %mul3A_860, %get3A_859 : vector<16xf32>
              %add3A_862 = arith.addf %mul3A_853, %mul3A_861 : vector<16xf32>
              %slice3A_863 = vector.extract_strided_slice %get3A_258 {offsets = [13], sizes = [1], strides = [1]} : vector<16xf32> to vector<1xf32>
              %squeeze3A_864 = vector.extract %slice3A_863[0] : f32 from vector<1xf32>
              %get3A_865 = arith.index_cast %add3A_845 : i32 to index
              %get3A_866 = arith.index_cast %mul3A_270 : i32 to index
              %get3A_867 = tpu.vector_load %arg36[%get3A_865, %get3A_866] {strides = array<i32>} : memref<32x128xf32, #tpu.memory_space<vmem>>, vector<1x16xf32>,
              %get3A_868 = vector.shape_cast %get3A_867 : vector<1x16xf32> to vector<16xf32>
              %mul3A_869 = vector.broadcast %squeeze3A_864 : f32 to vector<16xf32>
              %mul3A_870 = arith.mulf %mul3A_869, %get3A_868 : vector<16xf32>
              %add3A_871 = arith.addf %add3A_862, %mul3A_870 : vector<16xf32>
              %slice3A_872 = vector.extract_strided_slice %get3A_261 {offsets = [13], sizes = [1], strides = [1]} : vector<16xf32> to vector<1xf32>
              %squeeze3A_873 = vector.extract %slice3A_872[0] : f32 from vector<1xf32>
              %get3A_874 = arith.index_cast %add3A_845 : i32 to index
              %get3A_875 = arith.index_cast %mul3A_270 : i32 to index
              %get3A_876 = tpu.vector_load %arg37[%get3A_874, %get3A_875] {strides = array<i32>} : memref<32x128xf32, #tpu.memory_space<vmem>>, vector<1x16xf32>,
              %get3A_877 = vector.shape_cast %get3A_876 : vector<1x16xf32> to vector<16xf32>
              %mul3A_878 = vector.broadcast %squeeze3A_873 : f32 to vector<16xf32>
              %mul3A_879 = arith.mulf %mul3A_878, %get3A_877 : vector<16xf32>
              %add3A_880 = arith.addf %add3A_871, %mul3A_879 : vector<16xf32>
              %swap3A_881 = arith.index_cast %add3A_845 : i32 to index
              %swap3A_882 = arith.index_cast %mul3A_270 : i32 to index
              %swap3A_883 = tpu.vector_load %arg38[%swap3A_881, %swap3A_882] {strides = array<i32>} : memref<32x96xf32, #tpu.memory_space<vmem>>, vector<1x16xf32>,
              %swap3A_884 = vector.shape_cast %swap3A_883 : vector<1x16xf32> to vector<16xf32>
              %swap3A_885 = vector.shape_cast %add3A_880 : vector<16xf32> to vector<1x16xf32>
              tpu.vector_store %arg38[%swap3A_881, %swap3A_882], %swap3A_885 {strides = array<i32>} : memref<32x96xf32, #tpu.memory_space<vmem>>, vector<1x16xf32>,
              %mul3A_886 = arith.constant 16 : i32
              %mul3A_887 = arith.muli %scan3A_247, %mul3A_886 : i32
              %add3A_888 = arith.constant 14 : i32
              %add3A_889 = arith.addi %mul3A_887, %add3A_888 : i32
              %slice3A_890 = vector.extract_strided_slice %get3A_252 {offsets = [14], sizes = [1], strides = [1]} : vector<16xf32> to vector<1xf32>
              %squeeze3A_891 = vector.extract %slice3A_890[0] : f32 from vector<1xf32>
              %get3A_892 = arith.index_cast %add3A_889 : i32 to index
              %get3A_893 = arith.index_cast %mul3A_270 : i32 to index
              %get3A_894 = tpu.vector_load %arg34[%get3A_892, %get3A_893] {strides = array<i32>} : memref<32x128xf32, #tpu.memory_space<vmem>>, vector<1x16xf32>,
              %get3A_895 = vector.shape_cast %get3A_894 : vector<1x16xf32> to vector<16xf32>
              %mul3A_896 = vector.broadcast %squeeze3A_891 : f32 to vector<16xf32>
              %mul3A_897 = arith.mulf %mul3A_896, %get3A_895 : vector<16xf32>
              %slice3A_898 = vector.extract_strided_slice %get3A_255 {offsets = [14], sizes = [1], strides = [1]} : vector<16xf32> to vector<1xf32>
              %squeeze3A_899 = vector.extract %slice3A_898[0] : f32 from vector<1xf32>
              %get3A_900 = arith.index_cast %add3A_889 : i32 to index
              %get3A_901 = arith.index_cast %mul3A_270 : i32 to index
              %get3A_902 = tpu.vector_load %arg35[%get3A_900, %get3A_901] {strides = array<i32>} : memref<32x128xf32, #tpu.memory_space<vmem>>, vector<1x16xf32>,
              %get3A_903 = vector.shape_cast %get3A_902 : vector<1x16xf32> to vector<16xf32>
              %mul3A_904 = vector.broadcast %squeeze3A_899 : f32 to vector<16xf32>
              %mul3A_905 = arith.mulf %mul3A_904, %get3A_903 : vector<16xf32>
              %add3A_906 = arith.addf %mul3A_897, %mul3A_905 : vector<16xf32>
              %slice3A_907 = vector.extract_strided_slice %get3A_258 {offsets = [14], sizes = [1], strides = [1]} : vector<16xf32> to vector<1xf32>
              %squeeze3A_908 = vector.extract %slice3A_907[0] : f32 from vector<1xf32>
              %get3A_909 = arith.index_cast %add3A_889 : i32 to index
              %get3A_910 = arith.index_cast %mul3A_270 : i32 to index
              %get3A_911 = tpu.vector_load %arg36[%get3A_909, %get3A_910] {strides = array<i32>} : memref<32x128xf32, #tpu.memory_space<vmem>>, vector<1x16xf32>,
              %get3A_912 = vector.shape_cast %get3A_911 : vector<1x16xf32> to vector<16xf32>
              %mul3A_913 = vector.broadcast %squeeze3A_908 : f32 to vector<16xf32>
              %mul3A_914 = arith.mulf %mul3A_913, %get3A_912 : vector<16xf32>
              %add3A_915 = arith.addf %add3A_906, %mul3A_914 : vector<16xf32>
              %slice3A_916 = vector.extract_strided_slice %get3A_261 {offsets = [14], sizes = [1], strides = [1]} : vector<16xf32> to vector<1xf32>
              %squeeze3A_917 = vector.extract %slice3A_916[0] : f32 from vector<1xf32>
              %get3A_918 = arith.index_cast %add3A_889 : i32 to index
              %get3A_919 = arith.index_cast %mul3A_270 : i32 to index
              %get3A_920 = tpu.vector_load %arg37[%get3A_918, %get3A_919] {strides = array<i32>} : memref<32x128xf32, #tpu.memory_space<vmem>>, vector<1x16xf32>,
              %get3A_921 = vector.shape_cast %get3A_920 : vector<1x16xf32> to vector<16xf32>
              %mul3A_922 = vector.broadcast %squeeze3A_917 : f32 to vector<16xf32>
              %mul3A_923 = arith.mulf %mul3A_922, %get3A_921 : vector<16xf32>
              %add3A_924 = arith.addf %add3A_915, %mul3A_923 : vector<16xf32>
              %swap3A_925 = arith.index_cast %add3A_889 : i32 to index
              %swap3A_926 = arith.index_cast %mul3A_270 : i32 to index
              %swap3A_927 = tpu.vector_load %arg38[%swap3A_925, %swap3A_926] {strides = array<i32>} : memref<32x96xf32, #tpu.memory_space<vmem>>, vector<1x16xf32>,
              %swap3A_928 = vector.shape_cast %swap3A_927 : vector<1x16xf32> to vector<16xf32>
              %swap3A_929 = vector.shape_cast %add3A_924 : vector<16xf32> to vector<1x16xf32>
              tpu.vector_store %arg38[%swap3A_925, %swap3A_926], %swap3A_929 {strides = array<i32>} : memref<32x96xf32, #tpu.memory_space<vmem>>, vector<1x16xf32>,
              %mul3A_930 = arith.constant 16 : i32
              %mul3A_931 = arith.muli %scan3A_247, %mul3A_930 : i32
              %add3A_932 = arith.constant 15 : i32
              %add3A_933 = arith.addi %mul3A_931, %add3A_932 : i32
              %slice3A_934 = vector.extract_strided_slice %get3A_252 {offsets = [15], sizes = [1], strides = [1]} : vector<16xf32> to vector<1xf32>
              %squeeze3A_935 = vector.extract %slice3A_934[0] : f32 from vector<1xf32>
              %get3A_936 = arith.index_cast %add3A_933 : i32 to index
              %get3A_937 = arith.index_cast %mul3A_270 : i32 to index
              %get3A_938 = tpu.vector_load %arg34[%get3A_936, %get3A_937] {strides = array<i32>} : memref<32x128xf32, #tpu.memory_space<vmem>>, vector<1x16xf32>,
              %get3A_939 = vector.shape_cast %get3A_938 : vector<1x16xf32> to vector<16xf32>
              %mul3A_940 = vector.broadcast %squeeze3A_935 : f32 to vector<16xf32>
              %mul3A_941 = arith.mulf %mul3A_940, %get3A_939 : vector<16xf32>
              %slice3A_942 = vector.extract_strided_slice %get3A_255 {offsets = [15], sizes = [1], strides = [1]} : vector<16xf32> to vector<1xf32>
              %squeeze3A_943 = vector.extract %slice3A_942[0] : f32 from vector<1xf32>
              %get3A_944 = arith.index_cast %add3A_933 : i32 to index
              %get3A_945 = arith.index_cast %mul3A_270 : i32 to index
              %get3A_946 = tpu.vector_load %arg35[%get3A_944, %get3A_945] {strides = array<i32>} : memref<32x128xf32, #tpu.memory_space<vmem>>, vector<1x16xf32>,
              %get3A_947 = vector.shape_cast %get3A_946 : vector<1x16xf32> to vector<16xf32>
              %mul3A_948 = vector.broadcast %squeeze3A_943 : f32 to vector<16xf32>
              %mul3A_949 = arith.mulf %mul3A_948, %get3A_947 : vector<16xf32>
              %add3A_950 = arith.addf %mul3A_941, %mul3A_949 : vector<16xf32>
              %slice3A_951 = vector.extract_strided_slice %get3A_258 {offsets = [15], sizes = [1], strides = [1]} : vector<16xf32> to vector<1xf32>
              %squeeze3A_952 = vector.extract %slice3A_951[0] : f32 from vector<1xf32>
              %get3A_953 = arith.index_cast %add3A_933 : i32 to index
              %get3A_954 = arith.index_cast %mul3A_270 : i32 to index
              %get3A_955 = tpu.vector_load %arg36[%get3A_953, %get3A_954] {strides = array<i32>} : memref<32x128xf32, #tpu.memory_space<vmem>>, vector<1x16xf32>,
              %get3A_956 = vector.shape_cast %get3A_955 : vector<1x16xf32> to vector<16xf32>
              %mul3A_957 = vector.broadcast %squeeze3A_952 : f32 to vector<16xf32>
              %mul3A_958 = arith.mulf %mul3A_957, %get3A_956 : vector<16xf32>
              %add3A_959 = arith.addf %add3A_950, %mul3A_958 : vector<16xf32>
              %slice3A_960 = vector.extract_strided_slice %get3A_261 {offsets = [15], sizes = [1], strides = [1]} : vector<16xf32> to vector<1xf32>
              %squeeze3A_961 = vector.extract %slice3A_960[0] : f32 from vector<1xf32>
              %get3A_962 = arith.index_cast %add3A_933 : i32 to index
              %get3A_963 = arith.index_cast %mul3A_270 : i32 to index
              %get3A_964 = tpu.vector_load %arg37[%get3A_962, %get3A_963] {strides = array<i32>} : memref<32x128xf32, #tpu.memory_space<vmem>>, vector<1x16xf32>,
              %get3A_965 = vector.shape_cast %get3A_964 : vector<1x16xf32> to vector<16xf32>
              %mul3A_966 = vector.broadcast %squeeze3A_961 : f32 to vector<16xf32>
              %mul3A_967 = arith.mulf %mul3A_966, %get3A_965 : vector<16xf32>
              %add3A_968 = arith.addf %add3A_959, %mul3A_967 : vector<16xf32>
              %swap3A_969 = arith.index_cast %add3A_933 : i32 to index
              %swap3A_970 = arith.index_cast %mul3A_270 : i32 to index
              %swap3A_971 = tpu.vector_load %arg38[%swap3A_969, %swap3A_970] {strides = array<i32>} : memref<32x96xf32, #tpu.memory_space<vmem>>, vector<1x16xf32>,
              %swap3A_972 = vector.shape_cast %swap3A_971 : vector<1x16xf32> to vector<16xf32>
              %swap3A_973 = vector.shape_cast %add3A_968 : vector<16xf32> to vector<1x16xf32>
              tpu.vector_store %arg38[%swap3A_969, %swap3A_970], %swap3A_973 {strides = array<i32>} : memref<32x96xf32, #tpu.memory_space<vmem>>, vector<1x16xf32>,
            }
            %scan3A_267 = arith.constant 6 : i32
          }
          %scan3A_246 = arith.constant 2 : i32
          "tpu.region"() ({
            %run_scoped3A = tpu.sem_alloc : memref<!tpu.dma_semaphore, #tpu.memory_space<semaphore_mem>>
            %dma_start3A_247 = arith.constant 0 : i32
            %dma_start3A_248 = tpu.memref_slice %arg7[%select_n3A, %add3A_222, %mul3A_240, %dma_start3A_247] : memref<8x224x224x96xf32, #tpu.memory_space<hbm>> -> memref<1x1x32x96xf32, #tpu.memory_space<hbm>>
            %dma_start3A_249 = tpu.memref_squeeze %dma_start3A_248 : memref<1x1x32x96xf32, #tpu.memory_space<hbm>> -> memref<32x96xf32, #tpu.memory_space<hbm>>
            %dma_start3A_250 = arith.constant 0 : i32
            %dma_start3A_251 = tpu.memref_slice %arg7[%select_n3A, %add3A_222, %mul3A_240, %dma_start3A_250] : memref<8x224x224x96xf32, #tpu.memory_space<hbm>> -> memref<1x1x32x96xf32, #tpu.memory_space<hbm>>
            %dma_start3A_252 = tpu.memref_squeeze %dma_start3A_251 : memref<1x1x32x96xf32, #tpu.memory_space<hbm>> -> memref<32x96xf32, #tpu.memory_space<hbm>>
            tpu.enqueue_dma source(%arg38 : memref<32x96xf32, #tpu.memory_space<vmem>>) target(%dma_start3A_252 : memref<32x96xf32, #tpu.memory_space<hbm>>) target_semaphore(%run_scoped3A : memref<!tpu.dma_semaphore, #tpu.memory_space<semaphore_mem>>)
            %dma_wait3A_253 = arith.constant 0 : i32
            %dma_wait3A_254 = tpu.memref_slice %arg7[%select_n3A, %add3A_222, %mul3A_240, %dma_wait3A_253] : memref<8x224x224x96xf32, #tpu.memory_space<hbm>> -> memref<1x1x32x96xf32, #tpu.memory_space<hbm>>
            %dma_wait3A_255 = tpu.memref_squeeze %dma_wait3A_254 : memref<1x1x32x96xf32, #tpu.memory_space<hbm>> -> memref<32x96xf32, #tpu.memory_space<hbm>>
            %dma_wait3A_256 = arith.constant 0 : i32
            %dma_wait3A_257 = tpu.memref_slice %arg7[%select_n3A, %add3A_222, %mul3A_240, %dma_wait3A_256] : memref<8x224x224x96xf32, #tpu.memory_space<hbm>> -> memref<1x1x32x96xf32, #tpu.memory_space<hbm>>
            %dma_wait3A_258 = tpu.memref_squeeze %dma_wait3A_257 : memref<1x1x32x96xf32, #tpu.memory_space<hbm>> -> memref<32x96xf32, #tpu.memory_space<hbm>>
            tpu.wait_dma2 semaphore(%run_scoped3A : memref<!tpu.dma_semaphore, #tpu.memory_space<semaphore_mem>>) src(%arg38 : memref<32x96xf32, #tpu.memory_space<vmem>>) dst(%dma_wait3A_258 : memref<32x96xf32, #tpu.memory_space<hbm>>)
            tpu.yield
          }) : () -> ()
        } else {
        }
      }
      %scan3A_158 = arith.constant 56 : i32
    }
    %scan3A_49 = arith.constant 7 : i32
    return
  }
}

module attributes {stable_mosaic.version = 14 : i64} {
  func.func @_mean_pad_body(%arg0: i32, %arg1: i32, %arg2: memref<1x32x224x96xf32, #tpu.memory_space<vmem>>, %arg3: memref<1x1x96xf32, #tpu.memory_space<vmem>>, %arg4: memref<7168x128xf32, #tpu.memory_space<vmem>>) attributes {dimension_semantics = [#tpu.dimension_semantics<arbitrary>, #tpu.dimension_semantics<arbitrary>], iteration_bounds = array<i64: 8, 7>, scalar_prefetch = 0 : i64, scratch_operands = 0 : i64, tpu.core_type = #tpu.core_type<tc>, window_params = [{transform_indices = @transform_0, window_bounds = array<i64: 1, 32, 224, 96>}, {transform_indices = @transform_1, window_bounds = array<i64: 1, 1, 96>}, {transform_indices = @transform_2, window_bounds = array<i64: 7168, 128>}]} {
    %get3A = arith.constant 0 : index
    %get3A_0 = arith.constant 0 : index
    %get3A_1 = arith.constant 0 : index
    %get3A_2 = arith.constant 0 : index
    %get3A_3 = vector.load %arg2[%get3A, %get3A_0, %get3A_1, %get3A_2] : memref<1x32x224x96xf32, #tpu.memory_space<vmem>>, vector<1x32x224x96xf32>
    %squeeze3A = vector.shape_cast %get3A_3 : vector<1x32x224x96xf32> to vector<32x224x96xf32>
    %reduce_sum3A = arith.constant dense<0.000000e+00> : vector<224x96xf32>
    %reduce_sum3A_4 = vector.multi_reduction <add>, %squeeze3A, %reduce_sum3A [0] : vector<32x224x96xf32> to vector<224x96xf32>
    %reduce_sum3A_5 = arith.constant dense<0.000000e+00> : vector<96xf32>
    %reduce_sum3A_6 = vector.multi_reduction <add>, %reduce_sum3A_4, %reduce_sum3A_5 [0] : vector<224x96xf32> to vector<96xf32>
    %mul3A = arith.constant 1.99298465E-5 : f32
    %mul3A_7 = vector.broadcast %mul3A : f32 to vector<96xf32>
    %mul3A_8 = arith.mulf %reduce_sum3A_6, %mul3A_7 : vector<96xf32>
    %reshape3A = vector.shape_cast %mul3A_8 : vector<96xf32> to vector<1x1x96xf32>
    %eq3A = arith.constant 0 : i32
    %eq3A_9 = arith.cmpi eq, %arg1, %eq3A : i32
    %convert_element_type3A = arith.extui %eq3A_9 : i1 to i32
    %cond3A = arith.constant 0 : i32
    %cond3A_10 = arith.cmpi ne, %convert_element_type3A, %cond3A : i32
    scf.if %cond3A_10 {
      %swap3A_19 = arith.constant 0 : index
      %swap3A_20 = arith.constant 0 : index
      %swap3A_21 = arith.constant 0 : index
      %swap3A_22 = vector.load %arg3[%swap3A_19, %swap3A_20, %swap3A_21] : memref<1x1x96xf32, #tpu.memory_space<vmem>>, vector<1x1x96xf32>
      tpu.vector_store %arg3[%swap3A_19, %swap3A_20, %swap3A_21], %reshape3A {strides = array<i32>} : memref<1x1x96xf32, #tpu.memory_space<vmem>>, vector<1x1x96xf32>,
    } else {
    }
    %gt3A = arith.constant 0 : i32
    %gt3A_11 = arith.cmpi sgt, %arg1, %gt3A : i32
    %convert_element_type3A_12 = arith.extui %gt3A_11 : i1 to i32
    %cond3A_13 = arith.constant 0 : i32
    %cond3A_14 = arith.cmpi ne, %convert_element_type3A_12, %cond3A_13 : i32
    scf.if %cond3A_14 {
      %get3A_19 = arith.constant 0 : index
      %get3A_20 = arith.constant 0 : index
      %get3A_21 = arith.constant 0 : index
      %get3A_22 = vector.load %arg3[%get3A_19, %get3A_20, %get3A_21] : memref<1x1x96xf32, #tpu.memory_space<vmem>>, vector<1x1x96xf32>
      %add3A = arith.addf %get3A_22, %reshape3A : vector<1x1x96xf32>
      %swap3A_23 = arith.constant 0 : index
      %swap3A_24 = arith.constant 0 : index
      %swap3A_25 = arith.constant 0 : index
      %swap3A_26 = vector.load %arg3[%swap3A_23, %swap3A_24, %swap3A_25] : memref<1x1x96xf32, #tpu.memory_space<vmem>>, vector<1x1x96xf32>
      tpu.vector_store %arg3[%swap3A_23, %swap3A_24, %swap3A_25], %add3A {strides = array<i32>} : memref<1x1x96xf32, #tpu.memory_space<vmem>>, vector<1x1x96xf32>,
    } else {
    }
    %broadcast_in_dim3A = arith.constant 0.000000e+00 : f32
    %broadcast_in_dim3A_15 = vector.broadcast %broadcast_in_dim3A : f32 to vector<1x32x224x32xf32>
    %concatenate3A = tpu.concatenate %get3A_3, %broadcast_in_dim3A_15 in 3 : vector<1x32x224x96xf32>, vector<1x32x224x32xf32> -> vector<1x32x224x128xf32>
    %reshape3A_16 = vector.shape_cast %concatenate3A : vector<1x32x224x128xf32> to vector<7168x128xf32>
    %swap3A = arith.constant 0 : index
    %swap3A_17 = arith.constant 0 : index
    %swap3A_18 = vector.load %arg4[%swap3A, %swap3A_17] : memref<7168x128xf32, #tpu.memory_space<vmem>>, vector<7168x128xf32>
    tpu.vector_store %arg4[%swap3A, %swap3A_17], %reshape3A_16 {strides = array<i32>} : memref<7168x128xf32, #tpu.memory_space<vmem>>, vector<7168x128xf32>,
    return
  }
  func.func @transform_0(%arg0: i32, %arg1: i32) -> (i32, i32, i32, i32) {
    %c0_i32 = arith.constant 0 : i32
    %c0_i32_0 = arith.constant 0 : i32
    %c0_i32_1 = arith.constant 0 : i32
    return %arg0, %arg1, %c0_i32, %c0_i32_0 : i32, i32, i32, i32
  }
  func.func @transform_1(%arg0: i32, %arg1: i32) -> (i32, i32, i32) {
    %c0_i32 = arith.constant 0 : i32
    %c0_i32_0 = arith.constant 0 : i32
    %c0_i32_1 = arith.constant 0 : i32
    return %arg0, %c0_i32, %c0_i32_0 : i32, i32, i32
  }
  func.func @transform_2(%arg0: i32, %arg1: i32) -> (i32, i32) {
    %mul3A = arith.constant 7 : i32
    %mul3A_0 = arith.muli %arg0, %mul3A : i32
    %add3A = arith.addi %mul3A_0, %arg1 : i32
    %c0_i32 = arith.constant 0 : i32
    %c0_i32_1 = arith.constant 0 : i32
    return %add3A, %c0_i32 : i32, i32
  }
}

module attributes {stable_mosaic.version = 14 : i64} {
  func.func @_theta_body(%arg0: memref<8x96xf32, #tpu.memory_space<vmem>>, %arg1: memref<96x6xf32, #tpu.memory_space<vmem>>, %arg2: memref<1x6xf32, #tpu.memory_space<vmem>>, %arg3: memref<1x224xf32, #tpu.memory_space<vmem>>, %arg4: memref<8x16xf32, #tpu.memory_space<vmem>>, %arg5: memref<8x224xf32, #tpu.memory_space<vmem>>, %arg6: memref<8x224xf32, #tpu.memory_space<vmem>>, %arg7: memref<8x224xf32, #tpu.memory_space<vmem>>, %arg8: memref<8x224xf32, #tpu.memory_space<vmem>>) attributes {dimension_semantics = [], scalar_prefetch = 0 : i64, scratch_operands = 0 : i64, tpu.core_type = #tpu.core_type<tc>} {
    %get3A = arith.constant 0 : index
    %get3A_0 = arith.constant 0 : index
    %get3A_1 = vector.load %arg0[%get3A, %get3A_0] : memref<8x96xf32, #tpu.memory_space<vmem>>, vector<8x96xf32>
    %get3A_2 = arith.constant 0 : index
    %get3A_3 = arith.constant 0 : index
    %get3A_4 = vector.load %arg1[%get3A_2, %get3A_3] : memref<96x6xf32, #tpu.memory_space<vmem>>, vector<96x6xf32>
    %dot_general3A = arith.constant dense<0.000000e+00> : vector<8x6xf32>
    %dot_general3A_5 = tpu.matmul %get3A_1, %get3A_4, %dot_general3A {dimension_numbers = #tpu.dot_dimension_numbers<[1], [0], [0], [1], [0, 0, 1, 1], [], []>, transpose_lhs_hint = false} : vector<8x96xf32>, vector<96x6xf32>, vector<8x6xf32> -> vector<8x6xf32>
    %get3A_6 = arith.constant 0 : index
    %get3A_7 = arith.constant 0 : index
    %get3A_8 = vector.load %arg2[%get3A_6, %get3A_7] : memref<1x6xf32, #tpu.memory_space<vmem>>, vector<1x6xf32>
    %add3A = vector.broadcast %get3A_8 : vector<1x6xf32> to vector<8x6xf32>
    %add3A_9 = arith.addf %dot_general3A_5, %add3A : vector<8x6xf32>
    %broadcast_in_dim3A = arith.constant 0.000000e+00 : f32
    %broadcast_in_dim3A_10 = vector.broadcast %broadcast_in_dim3A : f32 to vector<8x10xf32>
    %concatenate3A = tpu.concatenate %add3A_9, %broadcast_in_dim3A_10 in 1 : vector<8x6xf32>, vector<8x10xf32> -> vector<8x16xf32>
    %swap3A = arith.constant 0 : index
    %swap3A_11 = arith.constant 0 : index
    %swap3A_12 = vector.load %arg4[%swap3A, %swap3A_11] : memref<8x16xf32, #tpu.memory_space<vmem>>, vector<8x16xf32>
    tpu.vector_store %arg4[%swap3A, %swap3A_11], %concatenate3A {strides = array<i32>} : memref<8x16xf32, #tpu.memory_space<vmem>>, vector<8x16xf32>,
    %convert_element_type3A = arith.truncf %add3A_9 : vector<8x6xf32> to vector<8x6xbf16>
    %convert_element_type3A_13 = arith.extf %convert_element_type3A : vector<8x6xbf16> to vector<8x6xf32>
    %get3A_14 = arith.constant 0 : index
    %get3A_15 = arith.constant 0 : index
    %get3A_16 = vector.load %arg3[%get3A_14, %get3A_15] : memref<1x224xf32, #tpu.memory_space<vmem>>, vector<1x224xf32>
    %slice3A = vector.extract_strided_slice %convert_element_type3A_13 {offsets = [0, 0], sizes = [8, 1], strides = [1, 1]} : vector<8x6xf32> to vector<8x1xf32>
    %mul3A = vector.broadcast %slice3A : vector<8x1xf32> to vector<8x224xf32>
    %mul3A_17 = vector.broadcast %get3A_16 : vector<1x224xf32> to vector<8x224xf32>
    %mul3A_18 = arith.mulf %mul3A, %mul3A_17 : vector<8x224xf32>
    %slice3A_19 = vector.extract_strided_slice %convert_element_type3A_13 {offsets = [0, 2], sizes = [8, 1], strides = [1, 1]} : vector<8x6xf32> to vector<8x1xf32>
    %add3A_20 = arith.constant 1.000000e+00 : f32
    %add3A_21 = vector.broadcast %add3A_20 : f32 to vector<8x1xf32>
    %add3A_22 = arith.addf %slice3A_19, %add3A_21 : vector<8x1xf32>
    %add3A_23 = vector.broadcast %add3A_22 : vector<8x1xf32> to vector<8x224xf32>
    %add3A_24 = arith.addf %mul3A_18, %add3A_23 : vector<8x224xf32>
    %mul3A_25 = arith.constant 1.115000e+02 : f32
    %mul3A_26 = vector.broadcast %mul3A_25 : f32 to vector<8x224xf32>
    %mul3A_27 = arith.mulf %add3A_24, %mul3A_26 : vector<8x224xf32>
    %swap3A_28 = arith.constant 0 : index
    %swap3A_29 = arith.constant 0 : index
    %swap3A_30 = vector.load %arg5[%swap3A_28, %swap3A_29] : memref<8x224xf32, #tpu.memory_space<vmem>>, vector<8x224xf32>
    tpu.vector_store %arg5[%swap3A_28, %swap3A_29], %mul3A_27 {strides = array<i32>} : memref<8x224xf32, #tpu.memory_space<vmem>>, vector<8x224xf32>,
    %slice3A_31 = vector.extract_strided_slice %convert_element_type3A_13 {offsets = [0, 3], sizes = [8, 1], strides = [1, 1]} : vector<8x6xf32> to vector<8x1xf32>
    %mul3A_32 = vector.broadcast %slice3A_31 : vector<8x1xf32> to vector<8x224xf32>
    %mul3A_33 = vector.broadcast %get3A_16 : vector<1x224xf32> to vector<8x224xf32>
    %mul3A_34 = arith.mulf %mul3A_32, %mul3A_33 : vector<8x224xf32>
    %slice3A_35 = vector.extract_strided_slice %convert_element_type3A_13 {offsets = [0, 5], sizes = [8, 1], strides = [1, 1]} : vector<8x6xf32> to vector<8x1xf32>
    %add3A_36 = arith.constant 1.000000e+00 : f32
    %add3A_37 = vector.broadcast %add3A_36 : f32 to vector<8x1xf32>
    %add3A_38 = arith.addf %slice3A_35, %add3A_37 : vector<8x1xf32>
    %add3A_39 = vector.broadcast %add3A_38 : vector<8x1xf32> to vector<8x224xf32>
    %add3A_40 = arith.addf %mul3A_34, %add3A_39 : vector<8x224xf32>
    %mul3A_41 = arith.constant 1.115000e+02 : f32
    %mul3A_42 = vector.broadcast %mul3A_41 : f32 to vector<8x224xf32>
    %mul3A_43 = arith.mulf %add3A_40, %mul3A_42 : vector<8x224xf32>
    %swap3A_44 = arith.constant 0 : index
    %swap3A_45 = arith.constant 0 : index
    %swap3A_46 = vector.load %arg6[%swap3A_44, %swap3A_45] : memref<8x224xf32, #tpu.memory_space<vmem>>, vector<8x224xf32>
    tpu.vector_store %arg6[%swap3A_44, %swap3A_45], %mul3A_43 {strides = array<i32>} : memref<8x224xf32, #tpu.memory_space<vmem>>, vector<8x224xf32>,
    %slice3A_47 = vector.extract_strided_slice %convert_element_type3A_13 {offsets = [0, 1], sizes = [8, 1], strides = [1, 1]} : vector<8x6xf32> to vector<8x1xf32>
    %mul3A_48 = vector.broadcast %slice3A_47 : vector<8x1xf32> to vector<8x224xf32>
    %mul3A_49 = vector.broadcast %get3A_16 : vector<1x224xf32> to vector<8x224xf32>
    %mul3A_50 = arith.mulf %mul3A_48, %mul3A_49 : vector<8x224xf32>
    %mul3A_51 = arith.constant 1.115000e+02 : f32
    %mul3A_52 = vector.broadcast %mul3A_51 : f32 to vector<8x224xf32>
    %mul3A_53 = arith.mulf %mul3A_50, %mul3A_52 : vector<8x224xf32>
    %swap3A_54 = arith.constant 0 : index
    %swap3A_55 = arith.constant 0 : index
    %swap3A_56 = vector.load %arg7[%swap3A_54, %swap3A_55] : memref<8x224xf32, #tpu.memory_space<vmem>>, vector<8x224xf32>
    tpu.vector_store %arg7[%swap3A_54, %swap3A_55], %mul3A_53 {strides = array<i32>} : memref<8x224xf32, #tpu.memory_space<vmem>>, vector<8x224xf32>,
    %slice3A_57 = vector.extract_strided_slice %convert_element_type3A_13 {offsets = [0, 4], sizes = [8, 1], strides = [1, 1]} : vector<8x6xf32> to vector<8x1xf32>
    %mul3A_58 = vector.broadcast %slice3A_57 : vector<8x1xf32> to vector<8x224xf32>
    %mul3A_59 = vector.broadcast %get3A_16 : vector<1x224xf32> to vector<8x224xf32>
    %mul3A_60 = arith.mulf %mul3A_58, %mul3A_59 : vector<8x224xf32>
    %mul3A_61 = arith.constant 1.115000e+02 : f32
    %mul3A_62 = vector.broadcast %mul3A_61 : f32 to vector<8x224xf32>
    %mul3A_63 = arith.mulf %mul3A_60, %mul3A_62 : vector<8x224xf32>
    %swap3A_64 = arith.constant 0 : index
    %swap3A_65 = arith.constant 0 : index
    %swap3A_66 = vector.load %arg8[%swap3A_64, %swap3A_65] : memref<8x224xf32, #tpu.memory_space<vmem>>, vector<8x224xf32>
    tpu.vector_store %arg8[%swap3A_64, %swap3A_65], %mul3A_63 {strides = array<i32>} : memref<8x224xf32, #tpu.memory_space<vmem>>, vector<8x224xf32>,
    return
  }
}

</mosaic_0001>

<sc_bundles>
// kernel: kernel.5.cloned.1.call-start
scs
__scs_entry_jumppad:
0x0: {  	(pc) =	sbr.rel $0x88, $3  }
0x1: {  	(tag) =	ssettag $0x0;
	lr =	simm.s32 $0x1  }
0x2: {  	[smem:$0x3F9E] =	sst lr;
	_ =	strace $0xD0000000  }
0x3: {  	_ = 	snop  }
0x4: {  	_ = 	snop  }
0x5: {  	_ = 	snop  }
0x6: {  	_ = 	snop  }
0x7: {  	_ = 	snop  }
__scs_overlays_trampoline_lowered:
0x8: {  	[smem:$0x3FAD] =	sst s0  }
0x9: {  	[smem:$0x3FAE] =	sst s1  }
0xa: {  	[smem:$0x3FAF] =	sst s2  }
0xb: {  	[smem:$0x3FB0] =	sst s3  }
0xc: {  	[smem:$0x3FB1] =	sst s4  }
0xd: {  	[smem:$0x3FB2] =	sst s5  }
0xe: {  	[smem:$0x3FB3] =	sst s6  }
0xf: {  	[smem:$0x3FB4] =	sst s7  }
0x10: {  	[smem:$0x3FB5] =	sst s8  }
0x11: {  	[smem:$0x3FB6] =	sst s9;
	s0 =	simm.s32 @!p0 $0x0  }
0x12: {  	s1 =	sld [smem:$0x3F9C];
	s0 =	simm.s32 @p0 $0x1  }
0x13: {  	[smem:$0x3FB7] =	sst s0;
	s0 =	simm.s32 @!p1 $0x0  }
0x14: {  	s2 =	sld [smem:$0x3F9B];
	s0 =	simm.s32 @p1 $0x1  }
0x15: {  	[smem:$0x3FB8] =	sst s0;
	s0 =	simm.s32 @!p2 $0x0  }
0x16: {  	s3 =	sld [smem:$0x3FDB];
	s0 =	simm.s32 @p2 $0x1  }
0x17: {  	s4 =	simm.s32 $0x1BF5;
	[smem:$0x3FBA] =	sst s0  }
0x18: {  	s0 =	sld [smem:$0x3F9D];
	_ =	swait.ge [sflag:s4], $0x0  }
0x19: {  	s7 =	sld [smem:$0x3F9E]  }
0x1a: {  	s8 =	sadd.s32 $0xFFFFE003, lr  }
0x1b: {  	s9 =	sadd.s32 $0xFFFFFEF7, lr;
	s5 =	simm.s32 $0xFFFFFFFF;
	p2 =	slt.u32 s8, $0xFFFFF086  }
0x1c: {  	p1 =	slt.u32 s9, $0xF7A;
	s5 =	simm.s32 @!p2 $0x0  }
0x1d: {  	s5 =	simm.s32 @p1 $0x1;
	p0 =	seq.s32 s7, s2  }
0x1e: {  	s7 =	smul.u32 @!p0 $0xF7A, s2;
	p2 =	seq.s32 @!p0 s5, $0x0  }
0x1f: {  	s9 =	smul.u32 $0xF7A, s1;
	s8 =	simm.s32 @!p0 $0x1BF5;
	p2 =	por !p2, p0  }
0x20: {  	[sflag:s8] =	ssyncset.s32 @!p0 $0xFFFFF086;
	s6 =	sadd.s32 @!p0 s3, s7;
	s7 =	simm.s32 @!p0 $0x108  }
0x21: {  	s3 =	sadd.s32 s3, s9;
	s6 =	sadd.s32 @!p0 $0x88, s6;
	s7 =	simm.s32 @p2 $0x1082  }
0x22: {  	[simem:s7], [sflag:s8] =	dma.local @!p0 [hbm:s6], $0xF7A  }
0x23: {  	s9 =	sor.u32 $0xD0000000, s2;
	s6 =	simm.s32 $0x108;
	_ =	swait.ge @!p0 [sflag:s8], $0x0  }
0x24: {  	s3 =	sadd.s32 $0x88, s3;
	s6 =	simm.s32 @!p1 $0x1082;
	[sflag:s4] =	ssyncset.s32 $0xFFFFF086  }
0x25: {  	[simem:s6], [sflag:s4] =	dma.local [hbm:s3], $0xF7A  }
0x26: {  	[smem:$0x3F9E] =	sst s1;
	(tag) =	ssettag s2;
	_ =	strace s9  }
0x27: {  	s1 =	sld [smem:$0x3FAE]  }
0x28: {  	s2 =	sld [smem:$0x3FAF]  }
0x29: {  	s4 =	sld [smem:$0x3FB1]  }
0x2a: {  	p0 =	seq.s32 s5, $0x0;
	s5 =	sld [smem:$0x3FB2]  }
0x2b: {  	s6 =	sld [smem:$0x3FB3]  }
0x2c: {  	s7 =	sld [smem:$0x3FB4]  }
0x2d: {  	s3 =	simm.s32 $0x108;
	s8 =	sld [smem:$0x3FB5]  }
0x2e: {  	s3 =	simm.s32 @!p0 $0x1082;
	s9 =	sld [smem:$0x3FB6]  }
0x2f: {  	lr =	sadd.s32 s0, s3;
	s0 =	sld [smem:$0x3FAD]  }
0x30: {  	s3 =	sld [smem:$0x3FB0]  }
0x31: {  	[smem:$0x3FB9] =	sst s10  }
0x32: {  	s10 =	sld [smem:$0x3FB7];
	_ =	sdelay $0x3  }
0x33: {  	p0 =	seq.s32 s10, $0x1;
	s10 =	sld [smem:$0x3FB9];
	_ =	sdelay $0x3  }
0x34: {  	[smem:$0x3FB9] =	sst s10  }
0x35: {  	s10 =	sld [smem:$0x3FB8];
	_ =	sdelay $0x3  }
0x36: {  	p1 =	seq.s32 s10, $0x1;
	s10 =	sld [smem:$0x3FB9];
	_ =	sdelay $0x3  }
0x37: {  	[smem:$0x3FB9] =	sst s10  }
0x38: {  	s10 =	sld [smem:$0x3FBA]  }
0x39: {  	_ = 	snop;
	(pc) =	sbr.ind lr, $3  }
0x3a: {  	_ = 	snop  }
0x3b: {  	_ = 	snop  }
0x3c: {  	p2 =	seq.s32 s10, $0x1;
	s10 =	sld [smem:$0x3FB9]  }
0x3d: {  	_ =	shalt  }
0x3e: {  	_ =	shalt  }
0x3f: {  	_ =	shalt  }
0x40: {  	_ =	shalt  }
0x41: {  	_ =	shalt  }
0x42: {  	_ =	shalt  }
0x43: {  	_ =	shalt  }
0x44: {  	_ =	shalt  }
0x45: {  	_ =	shalt  }
0x46: {  	_ =	shalt  }
0x47: {  	_ =	shalt  }
0x48: {  	_ =	shalt  }
0x49: {  	_ =	shalt  }
0x4a: {  	_ =	shalt  }
0x4b: {  	_ =	shalt  }
0x4c: {  	_ =	shalt  }
0x4d: {  	_ =	shalt  }
0x4e: {  	_ =	shalt  }
0x4f: {  	_ =	shalt  }
0x50: {  	_ =	shalt  }
0x51: {  	_ =	shalt  }
0x52: {  	_ =	shalt  }
0x53: {  	_ =	shalt  }
0x54: {  	_ =	shalt  }
0x55: {  	_ =	shalt  }
0x56: {  	_ =	shalt  }
0x57: {  	_ =	shalt  }
0x58: {  	_ =	shalt  }
0x59: {  	_ =	shalt  }
0x5a: {  	_ =	shalt  }
0x5b: {  	_ =	shalt  }
0x5c: {  	_ =	shalt  }
0x5d: {  	_ =	shalt  }
0x5e: {  	_ =	shalt  }
0x5f: {  	_ =	shalt  }
0x60: {  	_ =	shalt  }
0x61: {  	_ =	shalt  }
0x62: {  	_ =	shalt  }
0x63: {  	_ =	shalt  }
0x64: {  	_ =	shalt  }
0x65: {  	_ =	shalt  }
0x66: {  	_ =	shalt  }
0x67: {  	_ =	shalt  }
0x68: {  	_ =	shalt  }
0x69: {  	_ =	shalt  }
0x6a: {  	_ =	shalt  }
0x6b: {  	_ =	shalt  }
0x6c: {  	_ =	shalt  }
0x6d: {  	_ =	shalt  }
0x6e: {  	_ =	shalt  }
0x6f: {  	_ =	shalt  }
0x70: {  	_ =	shalt  }
0x71: {  	_ =	shalt  }
0x72: {  	_ =	shalt  }
0x73: {  	_ =	shalt  }
0x74: {  	_ =	shalt  }
0x75: {  	_ =	shalt  }
0x76: {  	_ =	shalt  }
0x77: {  	_ =	shalt  }
0x78: {  	_ =	shalt  }
0x79: {  	_ =	shalt  }
0x7a: {  	_ =	shalt  }
0x7b: {  	_ =	shalt  }
0x7c: {  	_ =	shalt  }
0x7d: {  	_ =	shalt  }
0x7e: {  	_ =	shalt  }
0x7f: {  	_ =	shalt  }
0x80: {  	_ =	shalt  }
0x81: {  	_ =	shalt  }
0x82: {  	_ =	shalt  }
0x83: {  	_ =	shalt  }
0x84: {  	_ =	shalt  }
0x85: {  	_ =	shalt  }
0x86: {  	_ =	shalt  }
0x87: {  	_ =	shalt  }
.Lfunc_end0:
.L_simem_size_0:
called_computation_lowered:
.L_overlay_start_0:
0x88: {  	s2 =	sld [smem:$0x3FD9]  }
0x89: {  	s3 =	sld [smem:$0x3FFE];
	_ =	sdelay $0x1  }
0x8a: {  	s1 =	srdreg.scid  }
0x8b: {  	s0 =	sand.u32 $0x1, s1  }
0x8c: {  	s14 =	sshll.u32 s0, $0xA;
	s2 =	sadd.s32 s3, s2  }
0x8d: {  	s2 =	sadd.s32 s2, s14  }
0x8e: {  	[smem:$0x3FC5] =	sst s2  }
0x8f: {  	_ = 	snop  }
0x90: {  	s2 =	sld [smem:$0x3FD0];
	_ =	sdelay $0x2  }
0x91: {  	s15 =	simm.s32 $0xA;
	s4 =	simm.s32 $0x10  }
0x92: {  	[smem:s4], [sflag:s15] =	dma.local [hbm:s2], $0x1  }
0x93: {  	_ =	swait.eq [sflag:s15], $0x1  }
0x94: {  	[sflag:s15] =	ssyncset.done $0x0  }
0x95: {  	[sflag:s15] =	ssyncadd.s32 $0xFFFFFFFF  }
0x96: {  	s16 =	sld [smem:$0x10];
	(tm) =	ssettm $0x1  }
0x97: {  	s17 =	sld [smem:$0x3FFB];
	_ =	sdelay $0x3  }
0x98: {  	_ =	strace s17  }
0x99: {  	s3 =	sld [smem:$0x3FFC];
	_ =	sdelay $0x3  }
0x9a: {  	_ =	strace s3  }
0x9b: {  	s3 =	sld [smem:$0x3FFD];
	_ =	sdelay $0x3  }
0x9c: {  	_ =	strace s3  }
0x9d: {  	_ =	strace $0x8FFFFFFF  }
0x9e: {  	s18 =	sld [smem:$0x3FDB];
	_ =	sdelay $0x1  }
0x9f: {  	s19 =	simm.s32 $_scs_section_size  }
0xa0: {  	s5 =	simm.s32 $_size__tile_overlayer_lowered;
	s6 =	simm.s32 $_tile_overlayer_lowered  }
0xa1: {  	s22 =	simm.s32 $0x1BFF;
	s21 =	sshll.u32 s6, $0x1;
	s3 =	sadd.s32 s19, s18  }
0xa2: {  	s7 =	simm.s32 $0x0;
	s20 =	sshll.u32 s5, $0x1;
	s5 =	sadd.s32 s21, s3  }
0xa3: {  	[timem:s7], [sflag:s22] =	dma.local [hbm:s5], s20  }
0xa4: {  	_ =	swait.ge [sflag:s22], s20  }
0xa5: {  	s4 =	ssub.s32 $0x0, s20;
	[sflag:s22] =	ssyncset.done $0x0  }
0xa6: {  	[sflag:s22] =	ssyncadd.s32 s4;
	_ =	sdelay $0x1  }
0xa7: {  	s23 =	simm.s32 $0x1B8B  }
0xa8: {  	_ =	swait.ge [sflag:s23], $0x1  }
0xa9: {  	[sflag:s23] =	ssyncset.done $0x0  }
0xaa: {  	s25 =	simm.s32 $0x1B8E;
	s24 =	sld [smem:$0x3FFE];
	[sflag:s23] =	ssyncadd.s32 $0xFFFFFFFF  }
0xab: {  	s26 =	simm.s32 $execute0_lowered;
	[smem:$0x3FD2] =	sst s25  }
0xac: {  	s5 =	sshll.u32 s26, $0x1;
	_ =	strace $0x80000046;
	[dreg:$0x1] =	wrdreg $0xFFFFFFFF  }
0xad: {  	s28 =	simm.s32 $_size_execute0_lowered;
	s3 =	sadd.s32 s3, s5;
	[dreg:$0x0] =	wrdreg $0x0  }
0xae: {  	s5 =	sshll.u32 s28, $0x1;
	[dreg:$0x2] =	wrdreg s3  }
0xaf: {  	[dreg:$0x3] =	wrdreg s5  }
0xb0: {  	[dreg:$0x4] =	wrdreg $0xC0  }
0xb1: {  	_ =	task [dreg:s7], $0x5FFFF  }
0xb2: {  	[dreg:$0x1] =	wrdreg $0xFFFFFFFF  }
0xb3: {  	[dreg:$0x0] =	wrdreg $0x60  }
0xb4: {  	[dreg:$0x2] =	wrdreg s24  }
0xb5: {  	[dreg:$0x3] =	wrdreg s16  }
0xb6: {  	[dreg:$0x4] =	wrdreg $0x9  }
0xb7: {  	_ =	task.clear_ibuf [dreg:s7], $0x5FFFF;
	_ =	strace $0x90000046  }
0xb8: {  	s29 =	simm.s32 $0x9;
	_ =	strace $0x80000048  }
0xb9: {  	_ =	swait.ge [sflag:s29], $0x1  }
0xba: {  	[sflag:s29] =	ssyncadd.s32 $0xFFFFFFFF  }
0xbb: {  	_ =	strace $0x90000048  }
0xbc: {  	_ =	sfence  }
0xbd: {  	s30 =	sld [smem:$0x0];
	_ =	sdelay $0x2  }
0xbe: {  	s31 =	sshll.u32 s1, $0xD;
	s1 =	sshrl.u32 s1, $0x2  }
0xbf: {  	s3 =	sand.u32 $0x4000, s31;
	s1 =	sadd.s32 s1, s30  }
0xc0: {  	s0 =	sor.u32 s3, s0;
	s1 =	sshll.u32 s1, $0x11  }
0xc1: {  	s0 =	sor.u32 s1, s0  }
0xc2: {  	s0 =	sadd.s32 $0x8F2B, s0  }
0xc3: {  	[sflag:s0] =	ssyncadd.remote.s32 $0x1  }
0xc4: {  	_ =	sfence.sel $0xFFFF  }
0xc5: {  	[dreg:$0x0] =	wrdreg $0xFFFFFFFF;
	(pc) =	sbr.abs _section_cstart, $3  }
0xc6: {  	[dreg:$0x1] =	wrdreg $0xFFFFFFFF  }
0xc7: {  	_ =	task.clear_ibuf [dreg:s7], $0x2FFFF;
	_ =	strace $0x9FFFFFFF  }
0xc8: {  	(tm) =	ssettm $0x7FFFFFFF  }
0xc9: {  	_ =	shalt  }
tec
execute0_lowered:
.L_overlay_start_1:
0x0: {  	(tag) =	ssettag $0x1  }
0x1: {  	s3 =	stileid.u32  }
0x2: {  	s0 =	srdreg.scid;
	s2 =	rddreg [dreg:$0x0]  }
0x3: {  	s6 =	rddreg [dreg:$0x1];
	s12 =	simm.s32 $0x3;
	s16 =	simm.s32 $0x20  }
0x4: {  	s17 =	simm.s32 $0x1300;
	s18 =	simm.s32 $0x1B00;
	s19 =	simm.s32 $0x1380  }
0x5: {  	s20 =	simm.s32 $0x2B00;
	s21 =	simm.s32 $0x1400;
	s22 =	simm.s32 $0x3B00  }
0x6: {  	s23 =	simm.s32 $0x1480;
	s24 =	simm.s32 $0x4B00;
	s30 =	simm.s32 $0x1600  }
0x7: {  	s31 =	simm.s32 $0x7B00;
	s13 =	simm.s32 $0x1;
	s14 =	simm.s32 $0x9B00  }
0x8: {  	s15 =	simm.s32 $0x4;
	s1 =	sshll.u32 s3, $0x1;
	s7 =	sshrl.u32 s3, $0x1  }
0x9: {  	s0 =	sand.u32 $0x1, s0;
	s3 =	simm.s32 $0x0;
	s25 =	smul.u32 $0xE0, s7  }
0xa: {  	s1 =	sand.u32 $0x2, s1;
	[smem:$0x7FF] =	sst s3;
	s26 =	smul.u32 $0xC400, s7  }
0xb: {  	s1 =	sor.u32 s0, s1;
	_ =	strace $0x80000047;
	s0 =	ssub.s32 $0x2, s0  }
0xc: {  	s4 =	smul.u32 $0x38, s1;
	s1 =	sshrl.u32 s25, $0x3;
	s10 =	sshrl.u32 s0, $0x1  }
0xd: {  	s1 =	sadd.s32 s1, s2;
	s0 =	ssub.s32 s0, s10;
	s10 =	smul.u32 $0x620000, s7  }
0xe: {  	s7 =	simm.s32 $0x0;
	[dreg:$0x3] =	wrdreg s4;
	s5 =	sadd.s32 s25, s4  }
0xf: {  	s4 =	sadd.s32 $0x621000, s2;
	s29 =	sadd.s32 $0x1400, s1;
	s1 =	sadd.s32 $0x1600, s1  }
.Ltmp0:
0x10: {  	s0 =	smax.u32 s0, $0x1;
	[dreg:$0x6] =	wrdreg s29;
	(pc) =	sbr.rel .LBB2_1-.Ltmp0, $4  }
0x11: {  	s8 =	sshrl.u32 s5, $0x3;
	s5 =	sadd.s32 $0xC41000, s2;
	[dreg:$0x7] =	wrdreg s1  }
0x12: {  	[dreg:$0x8] =	wrdreg s0;
	s9 =	sadd.s32 s8, s2;
	s6 =	sadd.s32 s6, s8  }
0x13: {  	v0 =	vmov s26;
	s1 =	simm.s32 $0x1680;
	[dreg:$0x4] =	wrdreg s6;
	s28 =	sadd.s32 $0x1200, s9  }
0x14: {  	[tilespmem:$0x1FFF0] =	vst v0;
	s0 =	simm.s32 $0x8B00;
	s6 =	simm.s32 $0x2;
	[dreg:$0x5] =	wrdreg s28  }
.LBB2_37:
0x15: {  	s7 =	rddreg [dreg:$0x9]  }
0x16: {  	s2 =	rddreg [dreg:$0x8];
	s7 =	sadd.s32 $0x1, s7  }
0x17: {  	p0 =	sne.s32 s7, s2  }
.Ltmp1:
0x18: {  	_ = 	snop;
	(pc) =	sbr.rel @!p0 .LBB2_38-.Ltmp1, $1  }
0x19: {  	_ =	sdelay $0x3  }
.LBB2_1:
0x1a: {  	[dreg:$0x9] =	wrdreg s7  }
0x1b: {  	s2 =	rddreg [dreg:$0x4]  }
0x1c: {  	[tilespmem:s3], [sflag:$0x3] =	stream.linear.gather [hbm4b:s2+s3], $0x40, $0x38;
	[tilespmem:$0xAB00] =	vst v63  }
0x1d: {  	_ =	swait.ge [sflag:s12], $0x40  }
0x1e: {  	[sflag:s12] =	ssyncset.done $0x0  }
0x1f: {  	s11 =	simm.s32 $0x80;
	s9 =	rddreg [dreg:$0x5];
	[sflag:s12] =	ssyncadd.s32 $0xFFFFFFC0  }
0x20: {  	[tilespmem:s11], [sflag:$0x3] =	stream.linear.gather [hbm4b:s9+s3], $0x40, $0x38;
	[tilespmem:$0xAB00] =	vst v63  }
0x21: {  	_ =	swait.ge [sflag:s12], $0x40  }
0x22: {  	[sflag:s12] =	ssyncset.done $0x0  }
0x23: {  	s26 =	simm.s32 $0x100;
	s25 =	rddreg [dreg:$0x6];
	[sflag:s12] =	ssyncadd.s32 $0xFFFFFFC0  }
0x24: {  	[tilespmem:s26], [sflag:$0x3] =	stream.linear.gather [hbm4b:s25+s3], $0xE0, $0x38;
	[tilespmem:$0xAB00] =	vst v63  }
0x25: {  	_ =	swait.ge [sflag:s12], $0xE0  }
0x26: {  	s29 =	simm.s32 $0x200;
	[sflag:s12] =	ssyncset.done $0x0  }
.Ltmp2:
0x27: {  	s28 =	rddreg [dreg:$0x7];
	[sflag:s12] =	ssyncadd.s32 $0xFFFFFF20;
	(pc) =	sbr.rel .LBB2_2-.Ltmp2, $4  }
0x28: {  	[tilespmem:s29], [sflag:$0x3] =	stream.linear.gather [hbm4b:s28+s3], $0xE0, $0x38;
	[tilespmem:$0xAB00] =	vst v63  }
0x29: {  	_ =	swait.ge [sflag:s12], $0xE0  }
0x2a: {  	[sflag:s12] =	ssyncset.done $0x0  }
0x2b: {  	s8 =	simm.s32 $0x0;
	[sflag:s12] =	ssyncadd.s32 $0xFFFFFF20  }
.LBB2_36:
0x2c: {  	s8 =	sadd.s32 $0x1, s8  }
0x2d: {  	p0 =	sne.s32 s8, $0x7  }
.Ltmp3:
0x2e: {  	_ = 	snop;
	(pc) =	sbr.rel @!p0 .LBB2_37-.Ltmp3, $1  }
0x2f: {  	_ =	sdelay $0x3  }
.LBB2_2:
0x30: {  	s2 =	sshll.u32 s8, $0x3  }
0x31: {  	v0 =	vld [tilespmem:s2+$0x0]  }
0x32: {  	s11 =	simm.s32 $0x100  }
0x33: {  	v4 =	vld [tilespmem:s11+$0x0];
	_ =	sdelay $0x2  }
0x34: {  	v3 =	vbroadcast v0, $0x0  }
0x35: {  	s9 =	simm.s32 $0x0  }
0x36: {  	s29 =	sand.u32 $0x70, s9;
	s25 =	sand.u32 $0x400, s9;
	v4 =	vadd.f32 v4, v3  }
0x37: {  	v1 =	vld [tilespmem:s2+$0x80];
	s11 =	sor.u32 s29, s25  }
0x38: {  	s7 =	simm.s32 $0x200;
	[tilespmem:s11+$0x300] =	vst v4  }
0x39: {  	v4 =	vld [tilespmem:s7+$0x0];
	_ =	sdelay $0x2  }
0x3a: {  	v2 =	vbroadcast v1, $0x0;
	_ =	sdelay $0x1  }
0x3b: {  	v4 =	vadd.f32 v4, v2;
	_ =	sdelay $0x1  }
0x3c: {  	[tilespmem:s11+$0xB00] =	vst v4;
	s11 =	simm.s32 $0x110  }
0x3d: {  	s26 =	simm.s32 $0x20;
	s25 =	simm.s32 $0x10;
	v4 =	vld [tilespmem:s11+$0x0]  }
.LBB2_3:
0x3e: {  	p0 =	seq.s32 s26, $0xD0;
	_ =	sdelay $0x2  }
0x3f: {  	s9 =	sadd.s32 $0x80, s9  }
0x40: {  	s28 =	sand.u32 $0x70, s25;
	s25 =	smov.u32 s26;
	s29 =	sand.u32 $0x400, s9;
	v4 =	vadd.f32 v4, v3  }
0x41: {  	s28 =	sor.u32 s28, s29  }
0x42: {  	s7 =	sadd.s32 $0x10, s7;
	[tilespmem:s28+$0x300] =	vst v4  }
0x43: {  	v4 =	vld [tilespmem:s7+$0x0];
	_ =	sdelay $0x3  }
.Ltmp4:
0x44: {  	(pc) =	sbr.rel @!p0 .LBB2_3-.Ltmp4, $3  }
0x45: {  	v4 =	vadd.f32 v4, v2;
	_ =	sdelay $0x1  }
0x46: {  	s11 =	sadd.s32 $0x10, s11;
	[tilespmem:s28+$0xB00] =	vst v4  }
0x47: {  	s26 =	sadd.s32 $0x10, s26;
	v4 =	vld [tilespmem:s11+$0x0]  }
0x48: {  	_ =	sdelay $0x2  }
0x49: {  	s9 =	sadd.s32 $0x80, s9  }
0x4a: {  	s11 =	sand.u32 $0x70, s25;
	s9 =	sand.u32 $0x400, s9;
	v3 =	vadd.f32 v4, v3  }
0x4b: {  	s9 =	sor.u32 s11, s9  }
0x4c: {  	s7 =	sadd.s32 $0x10, s7;
	[tilespmem:s9+$0x300] =	vst v3  }
0x4d: {  	v3 =	vld [tilespmem:s7+$0x0];
	_ =	sdelay $0x4  }
0x4e: {  	v2 =	vadd.f32 v3, v2;
	_ =	sdelay $0x1  }
0x4f: {  	s28 =	simm.s32 $0x100;
	[tilespmem:s9+$0xB00] =	vst v2  }
0x50: {  	v4 =	vld [tilespmem:s28+$0x0];
	_ =	sdelay $0x2  }
0x51: {  	v3 =	vbroadcast v0, $0x1;
	s9 =	simm.s32 $0x0  }
0x52: {  	s29 =	sand.u32 $0x400, s9  }
0x53: {  	s11 =	sor.u32 s29, s9;
	v4 =	vadd.f32 v4, v3  }
0x54: {  	s11 =	sor.u32 $0x80, s11  }
0x55: {  	s7 =	simm.s32 $0x200;
	[tilespmem:s11+$0x300] =	vst v4  }
0x56: {  	v4 =	vld [tilespmem:s7+$0x0];
	_ =	sdelay $0x2  }
0x57: {  	v2 =	vbroadcast v1, $0x1;
	_ =	sdelay $0x1  }
0x58: {  	v4 =	vadd.f32 v4, v2;
	_ =	sdelay $0x1  }
0x59: {  	s25 =	simm.s32 $0x110;
	[tilespmem:s11+$0xB00] =	vst v4  }
0x5a: {  	s26 =	simm.s32 $0x20;
	s11 =	simm.s32 $0x10;
	v4 =	vld [tilespmem:s25+$0x0]  }
.LBB2_5:
0x5b: {  	p0 =	seq.s32 s26, $0xD0;
	_ =	sdelay $0x1  }
0x5c: {  	s9 =	sadd.s32 $0x80, s9  }
0x5d: {  	s28 =	sand.u32 $0x400, s9  }
0x5e: {  	s28 =	sor.u32 s28, s11;
	s11 =	smov.u32 s26;
	v4 =	vadd.f32 v4, v3  }
0x5f: {  	s28 =	sor.u32 $0x80, s28  }
0x60: {  	s7 =	sadd.s32 $0x10, s7;
	[tilespmem:s28+$0x300] =	vst v4  }
0x61: {  	v4 =	vld [tilespmem:s7+$0x0];
	_ =	sdelay $0x3  }
.Ltmp5:
0x62: {  	(pc) =	sbr.rel @!p0 .LBB2_5-.Ltmp5, $3  }
0x63: {  	v4 =	vadd.f32 v4, v2;
	_ =	sdelay $0x1  }
0x64: {  	s25 =	sadd.s32 $0x10, s25;
	[tilespmem:s28+$0xB00] =	vst v4  }
0x65: {  	s26 =	sadd.s32 $0x10, s26;
	v4 =	vld [tilespmem:s25+$0x0]  }
0x66: {  	_ =	sdelay $0x1  }
0x67: {  	s9 =	sadd.s32 $0x80, s9  }
0x68: {  	s9 =	sand.u32 $0x400, s9  }
0x69: {  	s9 =	sor.u32 s9, s11;
	v3 =	vadd.f32 v4, v3  }
0x6a: {  	s9 =	sor.u32 $0x80, s9  }
0x6b: {  	s7 =	sadd.s32 $0x10, s7;
	[tilespmem:s9+$0x300] =	vst v3  }
0x6c: {  	v3 =	vld [tilespmem:s7+$0x0];
	_ =	sdelay $0x4  }
0x6d: {  	v2 =	vadd.f32 v3, v2;
	_ =	sdelay $0x1  }
0x6e: {  	s28 =	simm.s32 $0x100;
	[tilespmem:s9+$0xB00] =	vst v2  }
0x6f: {  	v4 =	vld [tilespmem:s28+$0x0];
	_ =	sdelay $0x2  }
0x70: {  	v3 =	vbroadcast v0, $0x2  }
0x71: {  	s9 =	simm.s32 $0x0  }
0x72: {  	s29 =	sand.u32 $0x70, s9;
	s25 =	sand.u32 $0x400, s9;
	v4 =	vadd.f32 v4, v3  }
0x73: {  	s11 =	sor.u32 s25, s29  }
0x74: {  	s7 =	simm.s32 $0x200;
	[tilespmem:s11+$0x400] =	vst v4  }
0x75: {  	v4 =	vld [tilespmem:s7+$0x0];
	_ =	sdelay $0x2  }
0x76: {  	v2 =	vbroadcast v1, $0x2;
	_ =	sdelay $0x1  }
0x77: {  	v4 =	vadd.f32 v4, v2;
	_ =	sdelay $0x1  }
0x78: {  	[tilespmem:s11+$0xC00] =	vst v4;
	s11 =	simm.s32 $0x110  }
0x79: {  	s26 =	simm.s32 $0x20;
	s25 =	simm.s32 $0x10;
	v4 =	vld [tilespmem:s11+$0x0]  }
.LBB2_7:
0x7a: {  	p0 =	seq.s32 s26, $0xD0;
	_ =	sdelay $0x2  }
0x7b: {  	s9 =	sadd.s32 $0x80, s9  }
0x7c: {  	s28 =	sand.u32 $0x70, s25;
	s25 =	smov.u32 s26;
	s29 =	sand.u32 $0x400, s9;
	v4 =	vadd.f32 v4, v3  }
0x7d: {  	s28 =	sor.u32 s29, s28  }
0x7e: {  	s7 =	sadd.s32 $0x10, s7;
	[tilespmem:s28+$0x400] =	vst v4  }
0x7f: {  	v4 =	vld [tilespmem:s7+$0x0];
	_ =	sdelay $0x3  }
.Ltmp6:
0x80: {  	(pc) =	sbr.rel @!p0 .LBB2_7-.Ltmp6, $3  }
0x81: {  	v4 =	vadd.f32 v4, v2;
	_ =	sdelay $0x1  }
0x82: {  	s11 =	sadd.s32 $0x10, s11;
	[tilespmem:s28+$0xC00] =	vst v4  }
0x83: {  	s26 =	sadd.s32 $0x10, s26;
	v4 =	vld [tilespmem:s11+$0x0]  }
0x84: {  	_ =	sdelay $0x2  }
0x85: {  	s9 =	sadd.s32 $0x80, s9  }
0x86: {  	s11 =	sand.u32 $0x70, s25;
	s9 =	sand.u32 $0x400, s9;
	v3 =	vadd.f32 v4, v3  }
0x87: {  	s9 =	sor.u32 s9, s11  }
0x88: {  	s7 =	sadd.s32 $0x10, s7;
	[tilespmem:s9+$0x400] =	vst v3  }
0x89: {  	v3 =	vld [tilespmem:s7+$0x0];
	_ =	sdelay $0x4  }
0x8a: {  	v2 =	vadd.f32 v3, v2;
	_ =	sdelay $0x1  }
0x8b: {  	s28 =	simm.s32 $0x100;
	[tilespmem:s9+$0xC00] =	vst v2  }
0x8c: {  	v4 =	vld [tilespmem:s28+$0x0];
	_ =	sdelay $0x2  }
0x8d: {  	v3 =	vbroadcast v0, $0x3;
	s9 =	simm.s32 $0x0  }
0x8e: {  	s29 =	sand.u32 $0x400, s9  }
0x8f: {  	s11 =	sor.u32 s29, s9;
	v4 =	vadd.f32 v4, v3  }
0x90: {  	s11 =	sor.u32 $0x180, s11  }
0x91: {  	s7 =	simm.s32 $0x200;
	[tilespmem:s11+$0x300] =	vst v4  }
0x92: {  	v4 =	vld [tilespmem:s7+$0x0];
	_ =	sdelay $0x2  }
0x93: {  	v2 =	vbroadcast v1, $0x3;
	_ =	sdelay $0x1  }
0x94: {  	v4 =	vadd.f32 v4, v2;
	_ =	sdelay $0x1  }
0x95: {  	s25 =	simm.s32 $0x110;
	[tilespmem:s11+$0xB00] =	vst v4  }
0x96: {  	s26 =	simm.s32 $0x20;
	s11 =	simm.s32 $0x10;
	v4 =	vld [tilespmem:s25+$0x0]  }
.LBB2_9:
0x97: {  	p0 =	seq.s32 s26, $0xD0;
	_ =	sdelay $0x1  }
0x98: {  	s9 =	sadd.s32 $0x80, s9  }
0x99: {  	s28 =	sand.u32 $0x400, s9  }
0x9a: {  	s28 =	sor.u32 s28, s11;
	s11 =	smov.u32 s26;
	v4 =	vadd.f32 v4, v3  }
0x9b: {  	s28 =	sor.u32 $0x180, s28  }
0x9c: {  	s7 =	sadd.s32 $0x10, s7;
	[tilespmem:s28+$0x300] =	vst v4  }
0x9d: {  	v4 =	vld [tilespmem:s7+$0x0];
	_ =	sdelay $0x3  }
.Ltmp7:
0x9e: {  	(pc) =	sbr.rel @!p0 .LBB2_9-.Ltmp7, $3  }
0x9f: {  	v4 =	vadd.f32 v4, v2;
	_ =	sdelay $0x1  }
0xa0: {  	s25 =	sadd.s32 $0x10, s25;
	[tilespmem:s28+$0xB00] =	vst v4  }
0xa1: {  	s26 =	sadd.s32 $0x10, s26;
	v4 =	vld [tilespmem:s25+$0x0]  }
0xa2: {  	_ =	sdelay $0x1  }
0xa3: {  	s9 =	sadd.s32 $0x80, s9  }
0xa4: {  	s9 =	sand.u32 $0x400, s9  }
0xa5: {  	s9 =	sor.u32 s9, s11;
	v3 =	vadd.f32 v4, v3  }
0xa6: {  	s9 =	sor.u32 $0x180, s9  }
0xa7: {  	s7 =	sadd.s32 $0x10, s7;
	[tilespmem:s9+$0x300] =	vst v3  }
0xa8: {  	v3 =	vld [tilespmem:s7+$0x0];
	_ =	sdelay $0x4  }
0xa9: {  	v2 =	vadd.f32 v3, v2;
	_ =	sdelay $0x1  }
0xaa: {  	s28 =	simm.s32 $0x100;
	[tilespmem:s9+$0xB00] =	vst v2  }
0xab: {  	v4 =	vld [tilespmem:s28+$0x0];
	_ =	sdelay $0x2  }
0xac: {  	v3 =	vbroadcast v0, $0x4  }
0xad: {  	s9 =	simm.s32 $0x0  }
0xae: {  	s29 =	sand.u32 $0x70, s9;
	s25 =	sand.u32 $0x400, s9;
	v4 =	vadd.f32 v4, v3  }
0xaf: {  	s11 =	sor.u32 s25, s29  }
0xb0: {  	s7 =	simm.s32 $0x200;
	[tilespmem:s11+$0x500] =	vst v4  }
0xb1: {  	v4 =	vld [tilespmem:s7+$0x0];
	_ =	sdelay $0x2  }
0xb2: {  	v2 =	vbroadcast v1, $0x4;
	_ =	sdelay $0x1  }
0xb3: {  	v4 =	vadd.f32 v4, v2;
	_ =	sdelay $0x1  }
0xb4: {  	[tilespmem:s11+$0xD00] =	vst v4;
	s11 =	simm.s32 $0x110  }
0xb5: {  	s26 =	simm.s32 $0x20;
	s25 =	simm.s32 $0x10;
	v4 =	vld [tilespmem:s11+$0x0]  }
.LBB2_11:
0xb6: {  	p0 =	seq.s32 s26, $0xD0;
	_ =	sdelay $0x2  }
0xb7: {  	s9 =	sadd.s32 $0x80, s9  }
0xb8: {  	s28 =	sand.u32 $0x70, s25;
	s25 =	smov.u32 s26;
	s29 =	sand.u32 $0x400, s9;
	v4 =	vadd.f32 v4, v3  }
0xb9: {  	s28 =	sor.u32 s29, s28  }
0xba: {  	s7 =	sadd.s32 $0x10, s7;
	[tilespmem:s28+$0x500] =	vst v4  }
0xbb: {  	v4 =	vld [tilespmem:s7+$0x0];
	_ =	sdelay $0x3  }
.Ltmp8:
0xbc: {  	(pc) =	sbr.rel @!p0 .LBB2_11-.Ltmp8, $3  }
0xbd: {  	v4 =	vadd.f32 v4, v2;
	_ =	sdelay $0x1  }
0xbe: {  	s11 =	sadd.s32 $0x10, s11;
	[tilespmem:s28+$0xD00] =	vst v4  }
0xbf: {  	s26 =	sadd.s32 $0x10, s26;
	v4 =	vld [tilespmem:s11+$0x0]  }
0xc0: {  	_ =	sdelay $0x2  }
0xc1: {  	s9 =	sadd.s32 $0x80, s9  }
0xc2: {  	s11 =	sand.u32 $0x70, s25;
	s9 =	sand.u32 $0x400, s9;
	v3 =	vadd.f32 v4, v3  }
0xc3: {  	s9 =	sor.u32 s9, s11  }
0xc4: {  	s7 =	sadd.s32 $0x10, s7;
	[tilespmem:s9+$0x500] =	vst v3  }
0xc5: {  	v3 =	vld [tilespmem:s7+$0x0];
	_ =	sdelay $0x4  }
0xc6: {  	v2 =	vadd.f32 v3, v2;
	_ =	sdelay $0x1  }
0xc7: {  	s28 =	simm.s32 $0x100;
	[tilespmem:s9+$0xD00] =	vst v2  }
0xc8: {  	v4 =	vld [tilespmem:s28+$0x0];
	_ =	sdelay $0x2  }
0xc9: {  	v3 =	vbroadcast v0, $0x5;
	s9 =	simm.s32 $0x0  }
0xca: {  	s29 =	sand.u32 $0x400, s9  }
0xcb: {  	s11 =	sor.u32 s29, s9;
	v4 =	vadd.f32 v4, v3  }
0xcc: {  	s11 =	sor.u32 $0x280, s11  }
0xcd: {  	s7 =	simm.s32 $0x200;
	[tilespmem:s11+$0x300] =	vst v4  }
0xce: {  	v4 =	vld [tilespmem:s7+$0x0];
	_ =	sdelay $0x2  }
0xcf: {  	v2 =	vbroadcast v1, $0x5;
	_ =	sdelay $0x1  }
0xd0: {  	v4 =	vadd.f32 v4, v2;
	_ =	sdelay $0x1  }
0xd1: {  	s25 =	simm.s32 $0x110;
	[tilespmem:s11+$0xB00] =	vst v4  }
0xd2: {  	s26 =	simm.s32 $0x20;
	s11 =	simm.s32 $0x10;
	v4 =	vld [tilespmem:s25+$0x0]  }
.LBB2_13:
0xd3: {  	p0 =	seq.s32 s26, $0xD0;
	_ =	sdelay $0x1  }
0xd4: {  	s9 =	sadd.s32 $0x80, s9  }
0xd5: {  	s28 =	sand.u32 $0x400, s9  }
0xd6: {  	s28 =	sor.u32 s28, s11;
	s11 =	smov.u32 s26;
	v4 =	vadd.f32 v4, v3  }
0xd7: {  	s28 =	sor.u32 $0x280, s28  }
0xd8: {  	s7 =	sadd.s32 $0x10, s7;
	[tilespmem:s28+$0x300] =	vst v4  }
0xd9: {  	v4 =	vld [tilespmem:s7+$0x0];
	_ =	sdelay $0x3  }
.Ltmp9:
0xda: {  	(pc) =	sbr.rel @!p0 .LBB2_13-.Ltmp9, $3  }
0xdb: {  	v4 =	vadd.f32 v4, v2;
	_ =	sdelay $0x1  }
0xdc: {  	s25 =	sadd.s32 $0x10, s25;
	[tilespmem:s28+$0xB00] =	vst v4  }
0xdd: {  	s26 =	sadd.s32 $0x10, s26;
	v4 =	vld [tilespmem:s25+$0x0]  }
0xde: {  	_ =	sdelay $0x1  }
0xdf: {  	s9 =	sadd.s32 $0x80, s9  }
0xe0: {  	s9 =	sand.u32 $0x400, s9  }
0xe1: {  	s9 =	sor.u32 s9, s11;
	v3 =	vadd.f32 v4, v3  }
0xe2: {  	s9 =	sor.u32 $0x280, s9  }
0xe3: {  	s7 =	sadd.s32 $0x10, s7;
	[tilespmem:s9+$0x300] =	vst v3  }
0xe4: {  	v3 =	vld [tilespmem:s7+$0x0];
	_ =	sdelay $0x4  }
0xe5: {  	v2 =	vadd.f32 v3, v2;
	_ =	sdelay $0x1  }
0xe6: {  	s28 =	simm.s32 $0x100;
	[tilespmem:s9+$0xB00] =	vst v2  }
0xe7: {  	v4 =	vld [tilespmem:s28+$0x0];
	_ =	sdelay $0x2  }
0xe8: {  	v3 =	vbroadcast v0, $0x6  }
0xe9: {  	s9 =	simm.s32 $0x0  }
0xea: {  	s29 =	sand.u32 $0x70, s9;
	s25 =	sand.u32 $0x400, s9;
	v4 =	vadd.f32 v4, v3  }
0xeb: {  	s11 =	sor.u32 s25, s29  }
0xec: {  	s7 =	simm.s32 $0x200;
	[tilespmem:s11+$0x600] =	vst v4  }
0xed: {  	v4 =	vld [tilespmem:s7+$0x0];
	_ =	sdelay $0x2  }
0xee: {  	v2 =	vbroadcast v1, $0x6;
	_ =	sdelay $0x1  }
0xef: {  	v4 =	vadd.f32 v4, v2;
	_ =	sdelay $0x1  }
0xf0: {  	[tilespmem:s11+$0xE00] =	vst v4;
	s11 =	simm.s32 $0x110  }
0xf1: {  	s26 =	simm.s32 $0x20;
	s25 =	simm.s32 $0x10;
	v4 =	vld [tilespmem:s11+$0x0]  }
.LBB2_15:
0xf2: {  	p0 =	seq.s32 s26, $0xD0;
	_ =	sdelay $0x2  }
0xf3: {  	s9 =	sadd.s32 $0x80, s9  }
0xf4: {  	s28 =	sand.u32 $0x70, s25;
	s25 =	smov.u32 s26;
	s29 =	sand.u32 $0x400, s9;
	v4 =	vadd.f32 v4, v3  }
0xf5: {  	s28 =	sor.u32 s29, s28  }
0xf6: {  	s7 =	sadd.s32 $0x10, s7;
	[tilespmem:s28+$0x600] =	vst v4  }
0xf7: {  	v4 =	vld [tilespmem:s7+$0x0];
	_ =	sdelay $0x3  }
.Ltmp10:
0xf8: {  	(pc) =	sbr.rel @!p0 .LBB2_15-.Ltmp10, $3  }
0xf9: {  	v4 =	vadd.f32 v4, v2;
	_ =	sdelay $0x1  }
0xfa: {  	s11 =	sadd.s32 $0x10, s11;
	[tilespmem:s28+$0xE00] =	vst v4  }
0xfb: {  	s26 =	sadd.s32 $0x10, s26;
	v4 =	vld [tilespmem:s11+$0x0]  }
0xfc: {  	_ =	sdelay $0x2  }
0xfd: {  	s9 =	sadd.s32 $0x80, s9  }
0xfe: {  	s11 =	sand.u32 $0x70, s25;
	s9 =	sand.u32 $0x400, s9;
	v3 =	vadd.f32 v4, v3  }
0xff: {  	s9 =	sor.u32 s9, s11  }
0x100: {  	s7 =	sadd.s32 $0x10, s7;
	[tilespmem:s9+$0x600] =	vst v3  }
0x101: {  	v3 =	vld [tilespmem:s7+$0x0];
	_ =	sdelay $0x4  }
0x102: {  	v2 =	vadd.f32 v3, v2;
	_ =	sdelay $0x1  }
0x103: {  	s28 =	simm.s32 $0x100;
	[tilespmem:s9+$0xE00] =	vst v2  }
0x104: {  	v2 =	vbroadcast v0, $0x7;
	v0 =	vbroadcast v1, $0x7;
	v1 =	vld [tilespmem:s28+$0x0];
	_ =	sdelay $0x3  }
0x105: {  	s9 =	simm.s32 $0x0  }
0x106: {  	s29 =	sor.u32 s9, s9;
	v1 =	vadd.f32 v1, v2  }
0x107: {  	s11 =	sor.u32 $0x380, s29  }
0x108: {  	s7 =	simm.s32 $0x200;
	[tilespmem:s11+$0x300] =	vst v1  }
0x109: {  	v1 =	vld [tilespmem:s7+$0x0];
	_ =	sdelay $0x4  }
0x10a: {  	v1 =	vadd.f32 v1, v0;
	_ =	sdelay $0x1  }
0x10b: {  	s25 =	simm.s32 $0x110;
	[tilespmem:s11+$0xB00] =	vst v1  }
0x10c: {  	s26 =	simm.s32 $0x20;
	s11 =	simm.s32 $0x10;
	v1 =	vld [tilespmem:s25+$0x0]  }
.LBB2_17:
0x10d: {  	p0 =	sne.s32 s26, $0xD0;
	_ =	sdelay $0x2  }
0x10e: {  	s9 =	sadd.s32 $0x80, s9  }
0x10f: {  	s28 =	sor.u32 s9, s11;
	s11 =	smov.u32 s26;
	v1 =	vadd.f32 v1, v2  }
0x110: {  	s28 =	sor.u32 $0x380, s28  }
0x111: {  	s7 =	sadd.s32 $0x10, s7;
	[tilespmem:s28+$0x300] =	vst v1  }
0x112: {  	v1 =	vld [tilespmem:s7+$0x0];
	_ =	sdelay $0x3  }
.Ltmp11:
0x113: {  	(pc) =	sbr.rel @p0 .LBB2_17-.Ltmp11, $3  }
0x114: {  	v1 =	vadd.f32 v1, v0;
	_ =	sdelay $0x1  }
0x115: {  	s25 =	sadd.s32 $0x10, s25;
	[tilespmem:s28+$0xB00] =	vst v1  }
0x116: {  	s26 =	sadd.s32 $0x10, s26;
	v1 =	vld [tilespmem:s25+$0x0]  }
0x117: {  	_ =	sdelay $0x2  }
0x118: {  	s9 =	sadd.s32 $0x80, s9  }
0x119: {  	s9 =	sor.u32 s9, s11;
	v1 =	vadd.f32 v1, v2  }
0x11a: {  	s9 =	sor.u32 $0x380, s9  }
0x11b: {  	s7 =	sadd.s32 $0x10, s7;
	[tilespmem:s9+$0x300] =	vst v1  }
0x11c: {  	v1 =	vld [tilespmem:s7+$0x0];
	_ =	sdelay $0x4  }
0x11d: {  	v32 =	vld [tilespmem:$0xB00];
	v0 =	vadd.f32 v1, v0  }
0x11e: {  	v11 =	vld [tilespmem:$0xB10]  }
0x11f: {  	[tilespmem:s9+$0xB00] =	vst v0  }
0x120: {  	v0 =	vld [tilespmem:$0x300]  }
0x121: {  	v10 =	vld [tilespmem:$0x310];
	_ =	sdelay $0x1  }
0x122: {  	v15 =	vimm.s32 $0x0;
	v34 =	vtrunc.f32 v32;
	v41 =	vtrunc.f32 v11  }
0x123: {  	v5 =	vcvt.f32.s32 v34;
	vm6 =	vlt.f32 v32, v34;
	v13 =	vcvt.f32.s32 v41  }
0x124: {  	vm11 =	vlt.f32 v11, v41;
	v36 =	vsel vm6, $0xFFFFFFFF, v15;
	v33 =	vtrunc.f32 v0  }
0x125: {  	v39 =	vtrunc.f32 v10;
	v3 =	vcvt.f32.s32 v33;
	vm0 =	vlt.f32 v0, v33  }
0x126: {  	v40 =	vcvt.f32.s32 v39;
	vm10 =	vlt.f32 v10, v39;
	v4 =	vsel vm0, $0xFFFFFFFF, v15  }
0x127: {  	v44 =	vsel vm11, $0xFFFFFFFF, v15;
	v12 =	vsel vm10, $0xFFFFFFFF, v15;
	v35 =	vadd.s32 v3, v4  }
0x128: {  	v3 =	vadd.s32 v5, v36;
	v43 =	vadd.s32 v40, v12;
	v4 =	vadd.s32 $0x1, v35  }
0x129: {  	v5 =	vadd.s32 $0x1, v3;
	vm7 =	vgt.s32 v35, $0x0;
	vm9 =	vgt.s32 v3, $0x0  }
0x12a: {  	v12 =	vadd.s32 $0x1, v43;
	vm12 =	vgt.s32 v43, $0x0;
	vm1 =	vgt.s32 v4, $0x0  }
0x12b: {  	v2 =	vnsel vm7, $0x0, v35;
	vm8 =	vgt.s32 v5, $0x0;
	v3 =	vnsel vm9, $0x0, v3  }
0x12c: {  	vm13 =	vgt.s32 v12, $0x0;
	v4 =	vnsel vm1, $0x0, v4;
	v2 =	vmin.u32 v2, $0xDF  }
0x12d: {  	v14 =	vld [tilespmem:$0x1FFF0];
	v5 =	vnsel vm8, $0x0, v5;
	v3 =	vmin.u32 v3, $0xDF;
	v12 =	vnsel vm13, $0x0, v12  }
0x12e: {  	v4 =	vmin.u32 v4, $0xDF;
	v5 =	vmin.u32 v5, $0xDF;
	v8 =	vcvt.s32.f32 v2  }
0x12f: {  	v9 =	vcvt.s32.f32 v3;
	v2 =	vmul.u32 $0xE0, v2;
	v46 =	vmin.u32 v12, $0xDF  }
0x130: {  	v6 =	vcvt.s32.f32 v4;
	v7 =	vcvt.s32.f32 v5;
	v42 =	vmul.u32 $0xE0, v4  }
0x131: {  	v4 =	vnsel vm12, $0x0, v43;
	v49 =	vcvt.s32.f32 v46;
	v59 =	vmul.u32 $0xE0, v46  }
0x132: {  	v1 =	vsub.f32 v32, v9;
	v38 =	vadd.s32 v14, v2;
	v9 =	vadd.s32 v13, v44  }
0x133: {  	v51 =	vmin.u32 v4, $0xDF;
	v6 =	vsub.f32 v6, v0;
	v45 =	vadd.s32 v3, v38  }
0x134: {  	v7 =	vsub.f32 v7, v32;
	v2 =	vadd.s32 v14, v42;
	v50 =	vadd.s32 v5, v38;
	[tilespmem:$0x1300] =	vst v45  }
0x135: {  	v0 =	vsub.f32 v0, v8;
	v13 =	vadd.s32 $0x1, v9;
	[tilespmem:$0x1380] =	vst v50;
	v3 =	vadd.s32 v3, v2  }
0x136: {  	vm15 =	vgt.s32 v9, $0x0;
	v2 =	vadd.s32 v5, v2;
	v37 =	vmul.f32 v7, v6;
	[tilespmem:$0x1400] =	vst v3  }
0x137: {  	v53 =	vcvt.s32.f32 v51;
	vm14 =	vgt.s32 v13, $0x0;
	v6 =	vmul.f32 v1, v6;
	[tilespmem:$0x1480] =	vst v2  }
0x138: {  	v9 =	vnsel vm15, $0x0, v9;
	v7 =	vmul.f32 v7, v0;
	v0 =	vmul.f32 v1, v0;
	[tilespmem:$0x1700] =	vst v37  }
0x139: {  	v13 =	vnsel vm14, $0x0, v13;
	v48 =	vmin.u32 v9, $0xDF;
	v1 =	vmul.u32 $0xE0, v51;
	[tilespmem:$0x1780] =	vst v6  }
0x13a: {  	v2 =	vadd.s32 v14, v59;
	v47 =	vmin.u32 v13, $0xDF;
	v52 =	vcvt.s32.f32 v48;
	[tilespmem:$0x1800] =	vst v7  }
0x13b: {  	v9 =	vsub.f32 v49, v10;
	v62 =	vadd.s32 v48, v2;
	v13 =	vcvt.s32.f32 v47;
	[tilespmem:$0x1880] =	vst v0  }
0x13c: {  	v1 =	vadd.s32 v14, v1;
	[tilespmem:$0x1410] =	vst v62;
	v63 =	vadd.s32 v47, v2;
	v54 =	vsub.f32 v11, v52  }
0x13d: {  	v56 =	vsub.f32 v10, v53;
	v60 =	vadd.s32 v48, v1;
	[tilespmem:$0x1490] =	vst v63  }
0x13e: {  	v61 =	vadd.s32 v47, v1;
	v13 =	vsub.f32 v13, v11;
	[tilespmem:$0x1310] =	vst v60;
	v57 =	vmul.f32 v54, v9  }
0x13f: {  	[tilespmem:$0x1390] =	vst v61;
	v0 =	vmul.f32 v54, v56  }
0x140: {  	v55 =	vmul.f32 v13, v9;
	[tilespmem:$0x1790] =	vst v57  }
0x141: {  	v58 =	vmul.f32 v13, v56;
	[tilespmem:$0x1890] =	vst v0  }
0x142: {  	[tilespmem:$0x1710] =	vst v55  }
0x143: {  	[tilespmem:$0x1810] =	vst v58  }
0x144: {  	[tilespmem:s18], [sflag:$0x1] =	stream.indirect.gather [hbm4b:s4+s16], $0x80, s17, s16, $0xb8;
	[tilespmem:$0xAB00] =	vst v63  }
0x145: {  	_ = 	snop  }
0x146: {  	[tilespmem:s20], [sflag:$0x1] =	stream.indirect.gather [hbm4b:s4+s16], $0x80, s19, s16, $0xb8;
	[tilespmem:$0xAB00] =	vst v63  }
.Ltmp12:
0x147: {  	_ = 	snop;
	(pc) =	sbr.rel .LBB2_19-.Ltmp12, $4  }
0x148: {  	s29 =	rddreg [dreg:$0x3]  }
0x149: {  	[tilespmem:s22], [sflag:$0x1] =	stream.indirect.gather [hbm4b:s4+s16], $0x80, s21, s16, $0xb8;
	[tilespmem:$0xAB00] =	vst v63  }
0x14a: {  	s11 =	simm.s32 $0x0;
	s9 =	sadd.s32 s29, s2  }
0x14b: {  	[tilespmem:s24], [sflag:$0x1] =	stream.indirect.gather [hbm4b:s4+s16], $0x80, s23, s16, $0xb8;
	[tilespmem:$0xAB00] =	vst v63  }
.LBB2_35:
0x14c: {  	p0 =	sne.s32 s7, $0x38  }
.Ltmp13:
0x14d: {  	_ = 	snop;
	(pc) =	sbr.rel @!p0 .LBB2_36-.Ltmp13, $2  }
0x14e: {  	_ =	sdelay $0x2  }
0x14f: {  	s11 =	smov.u32 s7  }
.LBB2_19:
0x150: {  	s2 =	sand.u32 $0x1, s11  }
0x151: {  	p0 =	seq.s32 s2, $0x1  }
.Ltmp14:
0x152: {  	_ = 	snop;
	(pc) =	sbr.rel @p0 .LBB2_21-.Ltmp14, $2  }
0x153: {  	_ =	sdelay $0x2  }
0x154: {  	s7 =	sadd.s32 $0x1, s11  }
0x155: {  	s25 =	smul.u32 $0x25, s7;
	_ =	sdelay $0x1  }
0x156: {  	s25 =	sshrl.u32 s25, $0x8  }
0x157: {  	s26 =	ssub.s32 s7, s25  }
0x158: {  	s26 =	sand.u32 $0xFE, s26  }
0x159: {  	s26 =	sshrl.u32 s26, $0x1  }
0x15a: {  	s25 =	sadd.s32 s25, s26  }
0x15b: {  	s26 =	sand.u32 $0xFC, s25  }
0x15c: {  	s26 =	sshrl.u32 s26, $0x2  }
0x15d: {  	s26 =	smul.u32 $0x7, s26;
	_ =	sdelay $0x1  }
0x15e: {  	s26 =	ssub.s32 s7, s26  }
0x15f: {  	s28 =	sshll.u32 s25, $0x6;
	s29 =	sshll.u32 s26, $0x8  }
0x160: {  	s25 =	sshll.u32 s25, $0x5;
	s28 =	sand.u32 $0x800, s28;
	s29 =	sand.u32 $0x400, s29  }
0x161: {  	s25 =	sand.u32 $0x380, s25;
	s26 =	sshll.u32 s26, $0x5;
	s28 =	sor.u32 s29, s28  }
0x162: {  	s26 =	sand.u32 $0x60, s26;
	s25 =	sor.u32 s25, s28  }
0x163: {  	s25 =	sor.u32 s26, s25  }
0x164: {  	v0 =	vld [tilespmem:s25+$0x300]  }
0x165: {  	v1 =	vld [tilespmem:s25+$0xB00];
	_ =	sdelay $0x3  }
0x166: {  	v11 =	vimm.s32 $0x0;
	v2 =	vtrunc.f32 v0  }
0x167: {  	v4 =	vtrunc.f32 v1;
	v3 =	vcvt.f32.s32 v2;
	vm0 =	vlt.f32 v0, v2  }
0x168: {  	v37 =	vcvt.f32.s32 v4;
	vm1 =	vlt.f32 v1, v4;
	v38 =	vsel vm0, $0xFFFFFFFF, v11  }
0x169: {  	v5 =	vsel vm1, $0xFFFFFFFF, v11;
	v3 =	vadd.s32 v3, v38  }
0x16a: {  	v2 =	vadd.s32 v37, v5;
	v4 =	vadd.s32 $0x1, v3;
	vm6 =	vgt.s32 v3, $0x0  }
0x16b: {  	v10 =	vld [tilespmem:$0x1FFF0];
	v5 =	vadd.s32 $0x1, v2;
	vm9 =	vgt.s32 v2, $0x0;
	v3 =	vnsel vm6, $0x0, v3  }
0x16c: {  	vm7 =	vgt.s32 v4, $0x0;
	vm8 =	vgt.s32 v5, $0x0;
	v2 =	vnsel vm9, $0x0, v2  }
0x16d: {  	v4 =	vnsel vm7, $0x0, v4;
	v5 =	vnsel vm8, $0x0, v5;
	v3 =	vmin.u32 v3, $0xDF  }
0x16e: {  	v4 =	vmin.u32 v4, $0xDF;
	v9 =	vcvt.s32.f32 v3;
	v3 =	vmul.u32 $0xE0, v3  }
0x16f: {  	v2 =	vmin.u32 v2, $0xDF;
	v5 =	vmin.u32 v5, $0xDF;
	v6 =	vcvt.s32.f32 v4  }
0x170: {  	v7 =	vcvt.s32.f32 v5;
	v41 =	vmul.u32 $0xE0, v4;
	v40 =	vadd.s32 v10, v3  }
0x171: {  	v8 =	vcvt.s32.f32 v2;
	v6 =	vsub.f32 v6, v0;
	v42 =	vadd.s32 v2, v40  }
0x172: {  	v7 =	vsub.f32 v7, v1;
	v3 =	vadd.s32 v10, v41;
	v43 =	vadd.s32 v5, v40;
	[tilespmem:$0x1500] =	vst v42  }
0x173: {  	v1 =	vsub.f32 v1, v8;
	[tilespmem:$0x1580] =	vst v43;
	v44 =	vadd.s32 v2, v3  }
0x174: {  	v0 =	vsub.f32 v0, v9;
	v45 =	vadd.s32 v5, v3;
	v39 =	vmul.f32 v7, v6;
	[tilespmem:$0x1600] =	vst v44  }
0x175: {  	v6 =	vmul.f32 v1, v6;
	[tilespmem:$0x1680] =	vst v45  }
0x176: {  	v7 =	vmul.f32 v7, v0;
	[tilespmem:$0x1900] =	vst v39  }
0x177: {  	v0 =	vmul.f32 v1, v0;
	[tilespmem:$0x1980] =	vst v6  }
0x178: {  	[tilespmem:$0x1A00] =	vst v7  }
0x179: {  	[tilespmem:$0x1A80] =	vst v0  }
0x17a: {  	v0 =	vld [tilespmem:s25+$0x310]  }
0x17b: {  	v46 =	vld [tilespmem:s25+$0xB10];
	_ =	sdelay $0x3  }
0x17c: {  	v47 =	vtrunc.f32 v0  }
0x17d: {  	v49 =	vtrunc.f32 v46;
	v48 =	vcvt.f32.s32 v47;
	vm10 =	vlt.f32 v0, v47  }
0x17e: {  	v50 =	vcvt.f32.s32 v49;
	vm11 =	vlt.f32 v46, v49;
	v51 =	vsel vm10, $0xFFFFFFFF, v11  }
0x17f: {  	v52 =	vsel vm11, $0xFFFFFFFF, v11;
	v3 =	vadd.s32 v48, v51  }
0x180: {  	v2 =	vadd.s32 v50, v52;
	v4 =	vadd.s32 $0x1, v3;
	vm12 =	vgt.s32 v3, $0x0  }
0x181: {  	v5 =	vadd.s32 $0x1, v2;
	vm15 =	vgt.s32 v2, $0x0;
	v3 =	vnsel vm12, $0x0, v3  }
0x182: {  	vm13 =	vgt.s32 v4, $0x0;
	vm14 =	vgt.s32 v5, $0x0;
	v2 =	vnsel vm15, $0x0, v2  }
0x183: {  	v4 =	vnsel vm13, $0x0, v4;
	v5 =	vnsel vm14, $0x0, v5;
	v3 =	vmin.u32 v3, $0xDF  }
0x184: {  	v4 =	vmin.u32 v4, $0xDF;
	v56 =	vcvt.s32.f32 v3;
	v3 =	vmul.u32 $0xE0, v3  }
0x185: {  	v2 =	vmin.u32 v2, $0xDF;
	v5 =	vmin.u32 v5, $0xDF;
	v53 =	vcvt.s32.f32 v4  }
0x186: {  	v54 =	vcvt.s32.f32 v5;
	v59 =	vmul.u32 $0xE0, v4;
	v58 =	vadd.s32 v10, v3  }
0x187: {  	v55 =	vcvt.s32.f32 v2;
	v6 =	vsub.f32 v53, v0;
	v60 =	vadd.s32 v2, v58  }
0x188: {  	v7 =	vsub.f32 v54, v46;
	v3 =	vadd.s32 v10, v59;
	v61 =	vadd.s32 v5, v58;
	[tilespmem:$0x1510] =	vst v60  }
0x189: {  	v1 =	vsub.f32 v46, v55;
	[tilespmem:$0x1590] =	vst v61;
	v62 =	vadd.s32 v2, v3  }
0x18a: {  	v0 =	vsub.f32 v0, v56;
	v63 =	vadd.s32 v5, v3;
	v57 =	vmul.f32 v7, v6;
	[tilespmem:$0x1610] =	vst v62  }
0x18b: {  	v6 =	vmul.f32 v1, v6;
	[tilespmem:$0x1690] =	vst v63  }
0x18c: {  	v7 =	vmul.f32 v7, v0;
	[tilespmem:$0x1910] =	vst v57  }
0x18d: {  	v0 =	vmul.f32 v1, v0;
	[tilespmem:$0x1990] =	vst v6  }
0x18e: {  	[tilespmem:$0x1A10] =	vst v7  }
0x18f: {  	s29 =	simm.s32 $0x5B00;
	s28 =	simm.s32 $0x1500;
	[tilespmem:$0x1A90] =	vst v0  }
0x190: {  	[tilespmem:s29], [sflag:$0x2] =	stream.indirect.gather [hbm4b:s4+s16], $0x80, s28, s16, $0xb8;
	[tilespmem:$0xAB00] =	vst v63  }
0x191: {  	s28 =	simm.s32 $0x1580;
	s29 =	simm.s32 $0x6B00  }
0x192: {  	[tilespmem:s29], [sflag:$0x2] =	stream.indirect.gather [hbm4b:s4+s16], $0x80, s28, s16, $0xb8;
	[tilespmem:$0xAB00] =	vst v63  }
0x193: {  	_ = 	snop  }
0x194: {  	[tilespmem:s31], [sflag:$0x2] =	stream.indirect.gather [hbm4b:s4+s16], $0x80, s30, s16, $0xb8;
	[tilespmem:$0xAB00] =	vst v63  }
0x195: {  	_ = 	snop  }
0x196: {  	[tilespmem:s0], [sflag:$0x2] =	stream.indirect.gather [hbm4b:s4+s16], $0x80, s1, s16, $0xb8;
	[tilespmem:$0xAB00] =	vst v63  }
.LBB2_21:
0x197: {  	p1 =	seq.s32 s11, $0x37  }
0x198: {  	p1 =	por p1, !p0  }
.Ltmp15:
0x199: {  	_ = 	snop;
	(pc) =	sbr.rel @p1 .LBB2_23-.Ltmp15, $1  }
0x19a: {  	_ =	sdelay $0x3  }
0x19b: {  	s25 =	smulhi.u32 $0x24924925, s7;
	_ =	sdelay $0x1  }
0x19c: {  	s26 =	ssub.s32 s7, s25  }
0x19d: {  	s26 =	sshrl.u32 s26, $0x1  }
0x19e: {  	s25 =	sadd.s32 s25, s26  }
0x19f: {  	s26 =	sshrl.u32 s25, $0x2  }
0x1a0: {  	s26 =	smul.u32 $0x7, s26;
	_ =	sdelay $0x1  }
0x1a1: {  	s26 =	ssub.s32 s7, s26  }
0x1a2: {  	s28 =	sshll.u32 s25, $0x6;
	s29 =	sshll.u32 s26, $0x8  }
0x1a3: {  	s25 =	sshll.u32 s25, $0x5;
	s28 =	sand.u32 $0x1800, s28;
	s29 =	sand.u32 $0x400, s29  }
0x1a4: {  	s25 =	sand.u32 $0x380, s25;
	s26 =	sshll.u32 s26, $0x5;
	s28 =	sor.u32 s29, s28  }
0x1a5: {  	s26 =	sand.u32 $0x60, s26;
	s25 =	sor.u32 s25, s28  }
0x1a6: {  	s25 =	sor.u32 s26, s25  }
0x1a7: {  	v0 =	vld [tilespmem:s25+$0x300]  }
0x1a8: {  	v1 =	vld [tilespmem:s25+$0xB00];
	_ =	sdelay $0x3  }
0x1a9: {  	v11 =	vimm.s32 $0x0;
	v2 =	vtrunc.f32 v0  }
0x1aa: {  	v4 =	vtrunc.f32 v1;
	v3 =	vcvt.f32.s32 v2;
	vm0 =	vlt.f32 v0, v2  }
0x1ab: {  	v37 =	vcvt.f32.s32 v4;
	vm1 =	vlt.f32 v1, v4;
	v38 =	vsel vm0, $0xFFFFFFFF, v11  }
0x1ac: {  	v5 =	vsel vm1, $0xFFFFFFFF, v11;
	v3 =	vadd.s32 v3, v38  }
0x1ad: {  	v2 =	vadd.s32 v37, v5;
	v4 =	vadd.s32 $0x1, v3;
	vm6 =	vgt.s32 v3, $0x0  }
0x1ae: {  	v10 =	vld [tilespmem:$0x1FFF0];
	v5 =	vadd.s32 $0x1, v2;
	vm9 =	vgt.s32 v2, $0x0;
	v3 =	vnsel vm6, $0x0, v3  }
0x1af: {  	vm7 =	vgt.s32 v4, $0x0;
	vm8 =	vgt.s32 v5, $0x0;
	v2 =	vnsel vm9, $0x0, v2  }
0x1b0: {  	v4 =	vnsel vm7, $0x0, v4;
	v5 =	vnsel vm8, $0x0, v5;
	v3 =	vmin.u32 v3, $0xDF  }
0x1b1: {  	v4 =	vmin.u32 v4, $0xDF;
	v9 =	vcvt.s32.f32 v3;
	v3 =	vmul.u32 $0xE0, v3  }
0x1b2: {  	v2 =	vmin.u32 v2, $0xDF;
	v5 =	vmin.u32 v5, $0xDF;
	v6 =	vcvt.s32.f32 v4  }
0x1b3: {  	v7 =	vcvt.s32.f32 v5;
	v41 =	vmul.u32 $0xE0, v4;
	v40 =	vadd.s32 v10, v3  }
0x1b4: {  	v8 =	vcvt.s32.f32 v2;
	v6 =	vsub.f32 v6, v0;
	v42 =	vadd.s32 v2, v40  }
0x1b5: {  	v7 =	vsub.f32 v7, v1;
	v3 =	vadd.s32 v10, v41;
	v43 =	vadd.s32 v5, v40;
	[tilespmem:$0x1300] =	vst v42  }
0x1b6: {  	v1 =	vsub.f32 v1, v8;
	[tilespmem:$0x1380] =	vst v43;
	v44 =	vadd.s32 v2, v3  }
0x1b7: {  	v0 =	vsub.f32 v0, v9;
	v45 =	vadd.s32 v5, v3;
	v39 =	vmul.f32 v7, v6;
	[tilespmem:$0x1400] =	vst v44  }
0x1b8: {  	v6 =	vmul.f32 v1, v6;
	[tilespmem:$0x1480] =	vst v45  }
0x1b9: {  	v7 =	vmul.f32 v7, v0;
	[tilespmem:$0x1700] =	vst v39  }
0x1ba: {  	v0 =	vmul.f32 v1, v0;
	[tilespmem:$0x1780] =	vst v6  }
0x1bb: {  	[tilespmem:$0x1800] =	vst v7  }
0x1bc: {  	[tilespmem:$0x1880] =	vst v0  }
0x1bd: {  	v0 =	vld [tilespmem:s25+$0x310]  }
0x1be: {  	v46 =	vld [tilespmem:s25+$0xB10];
	_ =	sdelay $0x3  }
0x1bf: {  	v47 =	vtrunc.f32 v0  }
0x1c0: {  	v49 =	vtrunc.f32 v46;
	v48 =	vcvt.f32.s32 v47;
	vm10 =	vlt.f32 v0, v47  }
0x1c1: {  	v50 =	vcvt.f32.s32 v49;
	vm11 =	vlt.f32 v46, v49;
	v51 =	vsel vm10, $0xFFFFFFFF, v11  }
0x1c2: {  	v52 =	vsel vm11, $0xFFFFFFFF, v11;
	v3 =	vadd.s32 v48, v51  }
0x1c3: {  	v2 =	vadd.s32 v50, v52;
	v4 =	vadd.s32 $0x1, v3;
	vm12 =	vgt.s32 v3, $0x0  }
0x1c4: {  	v5 =	vadd.s32 $0x1, v2;
	vm15 =	vgt.s32 v2, $0x0;
	v3 =	vnsel vm12, $0x0, v3  }
0x1c5: {  	vm13 =	vgt.s32 v4, $0x0;
	vm14 =	vgt.s32 v5, $0x0;
	v2 =	vnsel vm15, $0x0, v2  }
0x1c6: {  	v4 =	vnsel vm13, $0x0, v4;
	v5 =	vnsel vm14, $0x0, v5;
	v3 =	vmin.u32 v3, $0xDF  }
0x1c7: {  	v4 =	vmin.u32 v4, $0xDF;
	v56 =	vcvt.s32.f32 v3;
	v3 =	vmul.u32 $0xE0, v3  }
0x1c8: {  	v2 =	vmin.u32 v2, $0xDF;
	v5 =	vmin.u32 v5, $0xDF;
	v53 =	vcvt.s32.f32 v4  }
0x1c9: {  	v54 =	vcvt.s32.f32 v5;
	v59 =	vmul.u32 $0xE0, v4;
	v58 =	vadd.s32 v10, v3  }
0x1ca: {  	v55 =	vcvt.s32.f32 v2;
	v6 =	vsub.f32 v53, v0;
	v60 =	vadd.s32 v2, v58  }
0x1cb: {  	v7 =	vsub.f32 v54, v46;
	v3 =	vadd.s32 v10, v59;
	v61 =	vadd.s32 v5, v58;
	[tilespmem:$0x1310] =	vst v60  }
0x1cc: {  	v1 =	vsub.f32 v46, v55;
	[tilespmem:$0x1390] =	vst v61;
	v62 =	vadd.s32 v2, v3  }
0x1cd: {  	v0 =	vsub.f32 v0, v56;
	v63 =	vadd.s32 v5, v3;
	v57 =	vmul.f32 v7, v6;
	[tilespmem:$0x1410] =	vst v62  }
0x1ce: {  	v6 =	vmul.f32 v1, v6;
	[tilespmem:$0x1490] =	vst v63  }
0x1cf: {  	v7 =	vmul.f32 v7, v0;
	[tilespmem:$0x1710] =	vst v57  }
0x1d0: {  	v0 =	vmul.f32 v1, v0;
	[tilespmem:$0x1790] =	vst v6  }
0x1d1: {  	[tilespmem:$0x1810] =	vst v7  }
0x1d2: {  	[tilespmem:$0x1890] =	vst v0  }
0x1d3: {  	[tilespmem:s18], [sflag:$0x1] =	stream.indirect.gather [hbm4b:s4+s16], $0x80, s17, s16, $0xb8;
	[tilespmem:$0xAB00] =	vst v63  }
0x1d4: {  	_ = 	snop  }
0x1d5: {  	[tilespmem:s20], [sflag:$0x1] =	stream.indirect.gather [hbm4b:s4+s16], $0x80, s19, s16, $0xb8;
	[tilespmem:$0xAB00] =	vst v63  }
0x1d6: {  	_ = 	snop  }
0x1d7: {  	[tilespmem:s22], [sflag:$0x1] =	stream.indirect.gather [hbm4b:s4+s16], $0x80, s21, s16, $0xb8;
	[tilespmem:$0xAB00] =	vst v63  }
0x1d8: {  	_ = 	snop  }
0x1d9: {  	[tilespmem:s24], [sflag:$0x1] =	stream.indirect.gather [hbm4b:s4+s16], $0x80, s23, s16, $0xb8;
	[tilespmem:$0xAB00] =	vst v63  }
.LBB2_23:
0x1da: {  	p1 =	sne.s32 s2, $0x0  }
.Ltmp16:
0x1db: {  	_ = 	snop;
	(pc) =	sbr.rel @p1 .LBB2_29-.Ltmp16, $1  }
0x1dc: {  	_ =	sdelay $0x3  }
0x1dd: {  	_ =	swait.ge [sflag:s13], $0x1000  }
0x1de: {  	[sflag:s13] =	ssyncset.done $0x0  }
0x1df: {  	[sflag:s13] =	ssyncadd.s32 $0xFFFFF000  }
0x1e0: {  	_ =	swait.ge [sflag:s13], $0x1000  }
0x1e1: {  	[sflag:s13] =	ssyncset.done $0x0  }
0x1e2: {  	[sflag:s13] =	ssyncadd.s32 $0xFFFFF000  }
0x1e3: {  	_ =	swait.ge [sflag:s13], $0x1000  }
0x1e4: {  	[sflag:s13] =	ssyncset.done $0x0  }
0x1e5: {  	[sflag:s13] =	ssyncadd.s32 $0xFFFFF000  }
0x1e6: {  	_ =	swait.ge [sflag:s13], $0x1000  }
0x1e7: {  	[sflag:s13] =	ssyncset.done $0x0  }
0x1e8: {  	s2 =	simm.s32 $0x0;
	p2 =	por $0x1, $0x1;
	[sflag:s13] =	ssyncadd.s32 $0xFFFFF000  }
.LBB2_25:
0x1e9: {  	s25 =	sshll.u32 s2, $0xB  }
0x1ea: {  	s25 =	sand.u32 $0x3FFFF800, s25  }
0x1eb: {  	s26 =	sadd.s32 $0x1B00, s25  }
0x1ec: {  	s28 =	sadd.s32 $0x2B00, s25;
	v2 =	vmov s26  }
0x1ed: {  	s26 =	sshll.u32 s2, $0x4;
	v3 =	vmov s28  }
0x1ee: {  	s28 =	sadd.s32 $0x3B00, s25;
	v0 =	vld [tilespmem:s26+$0x1700]  }
0x1ef: {  	v9 =	vld [tilespmem:s26+$0x1780];
	v4 =	vmov s28  }
0x1f0: {  	s29 =	sadd.s32 $0x4B00, s25;
	s2 =	simm.s32 $0x0;
	v10 =	vld [tilespmem:s26+$0x1800]  }
0x1f1: {  	v5 =	vmov s29;
	v6 =	vld.idx.msk [tilespmem:v2+s2+$0x0 ss:$0x1], $0xffff  }
0x1f2: {  	v7 =	vld.idx.msk [tilespmem:v3+s2+$0x0 ss:$0x1], $0xffff  }
0x1f3: {  	v1 =	vld [tilespmem:s26+$0x1880]  }
0x1f4: {  	v8 =	vld.idx.msk [tilespmem:v4+s2+$0x0 ss:$0x1], $0xffff  }
0x1f5: {  	v12 =	vbroadcast v0, $0x0;
	v13 =	vbroadcast v9, $0x0  }
0x1f6: {  	v11 =	vld.idx.msk [tilespmem:v5+s2+$0x0 ss:$0x1], $0xffff;
	v14 =	vbroadcast v10, $0x0  }
0x1f7: {  	v6 =	vmul.f32 v6, v12;
	v7 =	vmul.f32 v7, v13;
	_ =	sdelay $0x1  }
0x1f8: {  	s25 =	sadd.s32 $0x9F00, s25;
	[tilespmem:$0x1FF50] =	vst v12;
	v12 =	vbroadcast v1, $0x0;
	v8 =	vmul.f32 v8, v14;
	v7 =	vadd.f32 v7, v6  }
0x1f9: {  	v6 =	vmov s25  }
0x1fa: {  	v7 =	vadd.f32 v8, v7;
	v8 =	vmul.f32 v11, v12;
	_ =	sdelay $0x1  }
0x1fb: {  	v7 =	vadd.f32 v8, v7;
	_ =	sdelay $0x1  }
0x1fc: {  	[tilespmem:v6+s2+$0xFFFFFC00 ss:$0x1] =	vst.idx.msk $0xffff, v7  }
0x1fd: {  	v7 =	vld.idx.msk [tilespmem:v2+s2+$0x80 ss:$0x1], $0xffff  }
0x1fe: {  	v8 =	vld.idx.msk [tilespmem:v3+s2+$0x80 ss:$0x1], $0xffff;
	_ =	sdelay $0x1  }
0x1ff: {  	[tilespmem:$0x1FF60] =	vst v13;
	v11 =	vld.idx.msk [tilespmem:v4+s2+$0x80 ss:$0x1], $0xffff  }
0x200: {  	[tilespmem:$0x1FF70] =	vst v14;
	v13 =	vbroadcast v0, $0x1;
	v14 =	vbroadcast v9, $0x1  }
0x201: {  	v15 =	vbroadcast v10, $0x1;
	[tilespmem:$0x1FF80] =	vst v12;
	v12 =	vld.idx.msk [tilespmem:v5+s2+$0x80 ss:$0x1], $0xffff  }
0x202: {  	v7 =	vmul.f32 v7, v13;
	v8 =	vmul.f32 v8, v14;
	_ =	sdelay $0x1  }
0x203: {  	[tilespmem:$0x1FF90] =	vst v13;
	v13 =	vbroadcast v1, $0x1;
	v7 =	vadd.f32 v8, v7;
	v8 =	vmul.f32 v11, v15;
	_ =	sdelay $0x1  }
0x204: {  	v7 =	vadd.f32 v8, v7;
	v8 =	vmul.f32 v12, v13;
	_ =	sdelay $0x1  }
0x205: {  	v7 =	vadd.f32 v8, v7;
	_ =	sdelay $0x1  }
0x206: {  	[tilespmem:v6+s2+$0xFFFFFC80 ss:$0x1] =	vst.idx.msk $0xffff, v7  }
0x207: {  	v7 =	vld.idx.msk [tilespmem:v2+s2+$0x100 ss:$0x1], $0xffff  }
0x208: {  	v8 =	vld.idx.msk [tilespmem:v3+s2+$0x100 ss:$0x1], $0xffff;
	_ =	sdelay $0x1  }
0x209: {  	[tilespmem:$0x1FFA0] =	vst v14;
	v11 =	vld.idx.msk [tilespmem:v4+s2+$0x100 ss:$0x1], $0xffff  }
0x20a: {  	v14 =	vbroadcast v9, $0x2;
	[tilespmem:$0x1FFC0] =	vst v13;
	v13 =	vbroadcast v0, $0x2  }
0x20b: {  	[tilespmem:$0x1FFB0] =	vst v15;
	v15 =	vbroadcast v10, $0x2;
	v12 =	vld.idx.msk [tilespmem:v5+s2+$0x100 ss:$0x1], $0xffff  }
0x20c: {  	v7 =	vmul.f32 v7, v13;
	v8 =	vmul.f32 v8, v14;
	_ =	sdelay $0x1  }
0x20d: {  	[tilespmem:$0x1FFD0] =	vst v13;
	v13 =	vbroadcast v1, $0x2;
	v7 =	vadd.f32 v8, v7;
	v8 =	vmul.f32 v11, v15;
	_ =	sdelay $0x1  }
0x20e: {  	v7 =	vadd.f32 v8, v7;
	v8 =	vmul.f32 v12, v13;
	_ =	sdelay $0x1  }
0x20f: {  	v7 =	vadd.f32 v8, v7;
	_ =	sdelay $0x1  }
0x210: {  	[tilespmem:v6+s2+$0xFFFFFD00 ss:$0x1] =	vst.idx.msk $0xffff, v7  }
0x211: {  	v7 =	vld.idx.msk [tilespmem:v2+s2+$0x180 ss:$0x1], $0xffff  }
0x212: {  	v8 =	vld.idx.msk [tilespmem:v3+s2+$0x180 ss:$0x1], $0xffff;
	_ =	sdelay $0x1  }
0x213: {  	v11 =	vld.idx.msk [tilespmem:v4+s2+$0x180 ss:$0x1], $0xffff  }
0x214: {  	v19 =	vbroadcast v0, $0x3;
	v20 =	vbroadcast v9, $0x3  }
0x215: {  	v21 =	vbroadcast v10, $0x3;
	v12 =	vld.idx.msk [tilespmem:v5+s2+$0x180 ss:$0x1], $0xffff  }
0x216: {  	v7 =	vmul.f32 v7, v19;
	v8 =	vmul.f32 v8, v20;
	_ =	sdelay $0x1  }
0x217: {  	v22 =	vbroadcast v1, $0x3;
	v7 =	vadd.f32 v8, v7;
	v8 =	vmul.f32 v11, v21;
	_ =	sdelay $0x1  }
0x218: {  	v7 =	vadd.f32 v8, v7;
	v8 =	vmul.f32 v12, v22;
	_ =	sdelay $0x1  }
0x219: {  	v7 =	vadd.f32 v8, v7;
	_ =	sdelay $0x1  }
0x21a: {  	[tilespmem:v6+s2+$0xFFFFFD80 ss:$0x1] =	vst.idx.msk $0xffff, v7  }
0x21b: {  	v7 =	vld.idx.msk [tilespmem:v2+s2+$0x200 ss:$0x1], $0xffff  }
0x21c: {  	v8 =	vld.idx.msk [tilespmem:v3+s2+$0x200 ss:$0x1], $0xffff;
	_ =	sdelay $0x1  }
0x21d: {  	v11 =	vld.idx.msk [tilespmem:v4+s2+$0x200 ss:$0x1], $0xffff  }
0x21e: {  	v23 =	vbroadcast v0, $0x4;
	v24 =	vbroadcast v9, $0x4  }
0x21f: {  	v25 =	vbroadcast v10, $0x4;
	v12 =	vld.idx.msk [tilespmem:v5+s2+$0x200 ss:$0x1], $0xffff  }
0x220: {  	v7 =	vmul.f32 v7, v23;
	v8 =	vmul.f32 v8, v24;
	_ =	sdelay $0x1  }
0x221: {  	v26 =	vbroadcast v1, $0x4;
	v7 =	vadd.f32 v8, v7;
	v8 =	vmul.f32 v11, v25;
	_ =	sdelay $0x1  }
0x222: {  	v7 =	vadd.f32 v8, v7;
	v8 =	vmul.f32 v12, v26;
	_ =	sdelay $0x1  }
0x223: {  	v7 =	vadd.f32 v8, v7;
	_ =	sdelay $0x1  }
0x224: {  	[tilespmem:v6+s2+$0xFFFFFE00 ss:$0x1] =	vst.idx.msk $0xffff, v7  }
0x225: {  	v7 =	vld.idx.msk [tilespmem:v2+s2+$0x280 ss:$0x1], $0xffff  }
0x226: {  	v8 =	vld.idx.msk [tilespmem:v3+s2+$0x280 ss:$0x1], $0xffff;
	_ =	sdelay $0x1  }
0x227: {  	v11 =	vld.idx.msk [tilespmem:v4+s2+$0x280 ss:$0x1], $0xffff  }
0x228: {  	v27 =	vbroadcast v0, $0x5;
	v28 =	vbroadcast v9, $0x5  }
0x229: {  	v29 =	vbroadcast v10, $0x5;
	v12 =	vld.idx.msk [tilespmem:v5+s2+$0x280 ss:$0x1], $0xffff  }
0x22a: {  	v7 =	vmul.f32 v7, v27;
	v8 =	vmul.f32 v8, v28;
	_ =	sdelay $0x1  }
0x22b: {  	v30 =	vbroadcast v1, $0x5;
	v7 =	vadd.f32 v8, v7;
	v8 =	vmul.f32 v11, v29;
	_ =	sdelay $0x1  }
0x22c: {  	v7 =	vadd.f32 v8, v7;
	v8 =	vmul.f32 v12, v30;
	_ =	sdelay $0x1  }
0x22d: {  	v7 =	vadd.f32 v8, v7;
	_ =	sdelay $0x1  }
0x22e: {  	[tilespmem:v6+s2+$0xFFFFFE80 ss:$0x1] =	vst.idx.msk $0xffff, v7  }
0x22f: {  	v7 =	vld.idx.msk [tilespmem:v2+s2+$0x300 ss:$0x1], $0xffff  }
0x230: {  	v8 =	vld.idx.msk [tilespmem:v3+s2+$0x300 ss:$0x1], $0xffff;
	_ =	sdelay $0x1  }
0x231: {  	v11 =	vld.idx.msk [tilespmem:v4+s2+$0x300 ss:$0x1], $0xffff  }
0x232: {  	v31 =	vbroadcast v0, $0x6;
	v32 =	vbroadcast v9, $0x6  }
0x233: {  	v33 =	vbroadcast v10, $0x6;
	v12 =	vld.idx.msk [tilespmem:v5+s2+$0x300 ss:$0x1], $0xffff  }
0x234: {  	v7 =	vmul.f32 v7, v31;
	v8 =	vmul.f32 v8, v32;
	_ =	sdelay $0x1  }
0x235: {  	v34 =	vbroadcast v1, $0x6;
	v7 =	vadd.f32 v8, v7;
	v8 =	vmul.f32 v11, v33;
	_ =	sdelay $0x1  }
0x236: {  	v7 =	vadd.f32 v8, v7;
	v8 =	vmul.f32 v12, v34;
	_ =	sdelay $0x1  }
0x237: {  	v7 =	vadd.f32 v8, v7;
	_ =	sdelay $0x1  }
0x238: {  	[tilespmem:v6+s2+$0xFFFFFF00 ss:$0x1] =	vst.idx.msk $0xffff, v7  }
0x239: {  	v7 =	vld.idx.msk [tilespmem:v2+s2+$0x380 ss:$0x1], $0xffff  }
0x23a: {  	v8 =	vld.idx.msk [tilespmem:v3+s2+$0x380 ss:$0x1], $0xffff;
	_ =	sdelay $0x1  }
0x23b: {  	v11 =	vld.idx.msk [tilespmem:v4+s2+$0x380 ss:$0x1], $0xffff  }
0x23c: {  	v35 =	vbroadcast v0, $0x7;
	v36 =	vbroadcast v9, $0x7  }
0x23d: {  	v37 =	vbroadcast v10, $0x7;
	v12 =	vld.idx.msk [tilespmem:v5+s2+$0x380 ss:$0x1], $0xffff  }
0x23e: {  	v7 =	vmul.f32 v7, v35;
	v8 =	vmul.f32 v8, v36;
	_ =	sdelay $0x1  }
0x23f: {  	v38 =	vbroadcast v1, $0x7;
	v7 =	vadd.f32 v8, v7;
	v8 =	vmul.f32 v11, v37;
	_ =	sdelay $0x1  }
0x240: {  	v7 =	vadd.f32 v8, v7;
	v8 =	vmul.f32 v12, v38;
	_ =	sdelay $0x1  }
0x241: {  	v7 =	vadd.f32 v8, v7;
	_ =	sdelay $0x1  }
0x242: {  	[tilespmem:v6+s2+$0xFFFFFF80 ss:$0x1] =	vst.idx.msk $0xffff, v7  }
0x243: {  	v7 =	vld.idx.msk [tilespmem:v3+s2+$0x400 ss:$0x1], $0xffff  }
0x244: {  	v8 =	vld.idx.msk [tilespmem:v2+s2+$0x400 ss:$0x1], $0xffff;
	_ =	sdelay $0x1  }
0x245: {  	v11 =	vld.idx.msk [tilespmem:v4+s2+$0x400 ss:$0x1], $0xffff  }
0x246: {  	v39 =	vbroadcast v0, $0x8;
	v40 =	vbroadcast v9, $0x8  }
0x247: {  	v41 =	vbroadcast v10, $0x8;
	v12 =	vld.idx.msk [tilespmem:v5+s2+$0x400 ss:$0x1], $0xffff  }
0x248: {  	v7 =	vmul.f32 v7, v40;
	v8 =	vmul.f32 v8, v39;
	_ =	sdelay $0x1  }
0x249: {  	v42 =	vbroadcast v1, $0x8;
	v7 =	vadd.f32 v7, v8;
	v8 =	vmul.f32 v11, v41;
	_ =	sdelay $0x1  }
0x24a: {  	v7 =	vadd.f32 v8, v7;
	v8 =	vmul.f32 v12, v42;
	_ =	sdelay $0x1  }
0x24b: {  	v7 =	vadd.f32 v8, v7;
	_ =	sdelay $0x1  }
0x24c: {  	[tilespmem:v6+s2+$0x0 ss:$0x1] =	vst.idx.msk $0xffff, v7  }
0x24d: {  	v7 =	vld.idx.msk [tilespmem:v2+s2+$0x480 ss:$0x1], $0xffff  }
0x24e: {  	v8 =	vld.idx.msk [tilespmem:v3+s2+$0x480 ss:$0x1], $0xffff;
	_ =	sdelay $0x1  }
0x24f: {  	v11 =	vld.idx.msk [tilespmem:v4+s2+$0x480 ss:$0x1], $0xffff  }
0x250: {  	v43 =	vbroadcast v0, $0x9;
	v44 =	vbroadcast v9, $0x9  }
0x251: {  	v45 =	vbroadcast v10, $0x9;
	v12 =	vld.idx.msk [tilespmem:v5+s2+$0x480 ss:$0x1], $0xffff  }
0x252: {  	v7 =	vmul.f32 v7, v43;
	v8 =	vmul.f32 v8, v44;
	_ =	sdelay $0x1  }
0x253: {  	v46 =	vbroadcast v1, $0x9;
	v7 =	vadd.f32 v8, v7;
	v8 =	vmul.f32 v11, v45;
	_ =	sdelay $0x1  }
0x254: {  	v7 =	vadd.f32 v8, v7;
	v8 =	vmul.f32 v12, v46;
	_ =	sdelay $0x1  }
0x255: {  	v7 =	vadd.f32 v8, v7;
	_ =	sdelay $0x1  }
0x256: {  	[tilespmem:v6+s2+$0x80 ss:$0x1] =	vst.idx.msk $0xffff, v7  }
0x257: {  	v7 =	vld.idx.msk [tilespmem:v2+s2+$0x500 ss:$0x1], $0xffff  }
0x258: {  	v8 =	vld.idx.msk [tilespmem:v3+s2+$0x500 ss:$0x1], $0xffff;
	_ =	sdelay $0x1  }
0x259: {  	v11 =	vld.idx.msk [tilespmem:v4+s2+$0x500 ss:$0x1], $0xffff  }
0x25a: {  	v47 =	vbroadcast v0, $0xA;
	v48 =	vbroadcast v9, $0xA  }
0x25b: {  	v49 =	vbroadcast v10, $0xA;
	v12 =	vld.idx.msk [tilespmem:v5+s2+$0x500 ss:$0x1], $0xffff  }
0x25c: {  	v7 =	vmul.f32 v7, v47;
	v8 =	vmul.f32 v8, v48;
	_ =	sdelay $0x1  }
0x25d: {  	v50 =	vbroadcast v1, $0xA;
	v7 =	vadd.f32 v8, v7;
	v8 =	vmul.f32 v11, v49;
	_ =	sdelay $0x1  }
0x25e: {  	v7 =	vadd.f32 v8, v7;
	v8 =	vmul.f32 v12, v50;
	_ =	sdelay $0x1  }
0x25f: {  	v7 =	vadd.f32 v8, v7;
	_ =	sdelay $0x1  }
0x260: {  	[tilespmem:v6+s2+$0x100 ss:$0x1] =	vst.idx.msk $0xffff, v7  }
0x261: {  	v7 =	vld.idx.msk [tilespmem:v2+s2+$0x580 ss:$0x1], $0xffff  }
0x262: {  	v8 =	vld.idx.msk [tilespmem:v3+s2+$0x580 ss:$0x1], $0xffff;
	_ =	sdelay $0x1  }
0x263: {  	v11 =	vld.idx.msk [tilespmem:v4+s2+$0x580 ss:$0x1], $0xffff  }
0x264: {  	v51 =	vbroadcast v0, $0xB;
	v52 =	vbroadcast v9, $0xB  }
0x265: {  	v53 =	vbroadcast v10, $0xB;
	v12 =	vld.idx.msk [tilespmem:v5+s2+$0x580 ss:$0x1], $0xffff  }
0x266: {  	v7 =	vmul.f32 v7, v51;
	v8 =	vmul.f32 v8, v52;
	_ =	sdelay $0x1  }
0x267: {  	v54 =	vbroadcast v1, $0xB;
	v7 =	vadd.f32 v8, v7;
	v8 =	vmul.f32 v11, v53;
	_ =	sdelay $0x1  }
0x268: {  	v7 =	vadd.f32 v8, v7;
	v8 =	vmul.f32 v12, v54;
	_ =	sdelay $0x1  }
0x269: {  	v7 =	vadd.f32 v8, v7;
	_ =	sdelay $0x1  }
0x26a: {  	[tilespmem:v6+s2+$0x180 ss:$0x1] =	vst.idx.msk $0xffff, v7  }
0x26b: {  	v7 =	vld.idx.msk [tilespmem:v2+s2+$0x600 ss:$0x1], $0xffff  }
0x26c: {  	v8 =	vld.idx.msk [tilespmem:v3+s2+$0x600 ss:$0x1], $0xffff;
	_ =	sdelay $0x1  }
0x26d: {  	v11 =	vld.idx.msk [tilespmem:v4+s2+$0x600 ss:$0x1], $0xffff  }
0x26e: {  	v55 =	vbroadcast v0, $0xC;
	v56 =	vbroadcast v9, $0xC  }
0x26f: {  	v57 =	vbroadcast v10, $0xC;
	v12 =	vld.idx.msk [tilespmem:v5+s2+$0x600 ss:$0x1], $0xffff  }
0x270: {  	v7 =	vmul.f32 v7, v55;
	v8 =	vmul.f32 v8, v56;
	_ =	sdelay $0x1  }
0x271: {  	v58 =	vbroadcast v1, $0xC;
	v7 =	vadd.f32 v8, v7;
	v8 =	vmul.f32 v11, v57;
	_ =	sdelay $0x1  }
0x272: {  	v7 =	vadd.f32 v8, v7;
	v8 =	vmul.f32 v12, v58;
	_ =	sdelay $0x1  }
0x273: {  	v7 =	vadd.f32 v8, v7;
	_ =	sdelay $0x1  }
0x274: {  	[tilespmem:v6+s2+$0x200 ss:$0x1] =	vst.idx.msk $0xffff, v7  }
0x275: {  	v7 =	vld.idx.msk [tilespmem:v2+s2+$0x680 ss:$0x1], $0xffff  }
0x276: {  	v8 =	vld.idx.msk [tilespmem:v3+s2+$0x680 ss:$0x1], $0xffff;
	_ =	sdelay $0x1  }
0x277: {  	v11 =	vld.idx.msk [tilespmem:v4+s2+$0x680 ss:$0x1], $0xffff  }
0x278: {  	v59 =	vbroadcast v0, $0xD;
	v60 =	vbroadcast v9, $0xD  }
0x279: {  	v62 =	vbroadcast v10, $0xD;
	v12 =	vld.idx.msk [tilespmem:v5+s2+$0x680 ss:$0x1], $0xffff  }
0x27a: {  	v7 =	vmul.f32 v7, v59;
	v8 =	vmul.f32 v8, v60;
	_ =	sdelay $0x1  }
0x27b: {  	v11 =	vmul.f32 v11, v62;
	v8 =	vadd.f32 v8, v7;
	v7 =	vbroadcast v1, $0xD;
	_ =	sdelay $0x1  }
0x27c: {  	v8 =	vadd.f32 v11, v8;
	v11 =	vmul.f32 v12, v7;
	_ =	sdelay $0x1  }
0x27d: {  	v8 =	vadd.f32 v11, v8;
	_ =	sdelay $0x1  }
0x27e: {  	[tilespmem:v6+s2+$0x280 ss:$0x1] =	vst.idx.msk $0xffff, v8  }
0x27f: {  	v18 =	vmov v13;
	v13 =	vld.idx.msk [tilespmem:v2+s2+$0x700 ss:$0x1], $0xffff  }
0x280: {  	v17 =	vmov v15;
	v15 =	vld.idx.msk [tilespmem:v3+s2+$0x700 ss:$0x1], $0xffff  }
0x281: {  	v61 =	vbroadcast v0, $0xF;
	v63 =	vbroadcast v10, $0xF  }
0x282: {  	v11 =	vbroadcast v9, $0xE;
	v8 =	vbroadcast v0, $0xE  }
0x283: {  	v0 =	vbroadcast v9, $0xF;
	v9 =	vbroadcast v10, $0xE  }
0x284: {  	v10 =	vbroadcast v1, $0xE;
	v1 =	vbroadcast v1, $0xF;
	v12 =	vld.idx.msk [tilespmem:v4+s2+$0x700 ss:$0x1], $0xffff  }
0x285: {  	p1 =	por p2, p2;
	s25 =	simm.s32 $0x40;
	[tilespmem:$0x1FFE0] =	vst v14;
	v14 =	vmul.f32 v13, v8;
	v15 =	vmul.f32 v15, v11;
	v13 =	vld.idx.msk [tilespmem:v5+s2+$0x700 ss:$0x1], $0xffff  }
.LBB2_26:
0x286: {  	_ =	sdelay $0x2  }
0x287: {  	v14 =	vadd.f32 v15, v14;
	v12 =	vmul.f32 v12, v9;
	_ =	sdelay $0x1  }
0x288: {  	v13 =	vmul.f32 v13, v10;
	v12 =	vadd.f32 v12, v14;
	_ =	sdelay $0x1  }
0x289: {  	v12 =	vadd.f32 v13, v12;
	_ =	sdelay $0x1  }
0x28a: {  	[tilespmem:v6+s2+$0x300 ss:$0x1] =	vst.idx.msk $0xffff, v12  }
0x28b: {  	v12 =	vld.idx.msk [tilespmem:v3+s2+$0x780 ss:$0x1], $0xffff  }
0x28c: {  	v13 =	vld.idx.msk [tilespmem:v2+s2+$0x780 ss:$0x1], $0xffff;
	_ =	sdelay $0x1  }
0x28d: {  	v14 =	vld.idx.msk [tilespmem:v4+s2+$0x780 ss:$0x1], $0xffff;
	_ =	sdelay $0x1  }
0x28e: {  	v15 =	vld.idx.msk [tilespmem:v5+s2+$0x780 ss:$0x1], $0xffff  }
0x28f: {  	v12 =	vmul.f32 v12, v0;
	v13 =	vmul.f32 v13, v61;
	_ =	sdelay $0x1  }
0x290: {  	v12 =	vadd.f32 v12, v13;
	v13 =	vmul.f32 v14, v63;
	_ =	sdelay $0x1  }
0x291: {  	v12 =	vadd.f32 v13, v12;
	v13 =	vmul.f32 v15, v1;
	_ =	sdelay $0x1  }
0x292: {  	s26 =	smov.u32 s25;
	v12 =	vadd.f32 v13, v12  }
0x293: {  	s26 =	sshra.s32 s26, $0x2  }
0x294: {  	v16 =	vld [tilespmem:$0x1FF50];
	[tilespmem:v6+s2+$0x380 ss:$0x1] =	vst.idx.msk $0xffff, v12;
	s2 =	smov.u32 s26  }
0x295: {  	v12 =	vld.idx.msk [tilespmem:v2+s2+$0x0 ss:$0x1], $0xffff;
	_ =	sdelay $0x3  }
0x296: {  	v13 =	vld.idx.msk [tilespmem:v3+s2+$0x0 ss:$0x1], $0xffff  }
0x297: {  	v12 =	vmul.f32 v12, v16;
	v16 =	vld [tilespmem:$0x1FF60];
	_ =	sdelay $0x3  }
0x298: {  	v14 =	vld.idx.msk [tilespmem:v4+s2+$0x0 ss:$0x1], $0xffff  }
0x299: {  	v13 =	vmul.f32 v13, v16;
	v16 =	vld [tilespmem:$0x1FF70]  }
0x29a: {  	v15 =	vld.idx.msk [tilespmem:v5+s2+$0x0 ss:$0x1], $0xffff  }
0x29b: {  	v12 =	vadd.f32 v13, v12;
	v13 =	vld [tilespmem:$0x1FF80];
	_ =	sdelay $0x2  }
0x29c: {  	v14 =	vmul.f32 v14, v16;
	_ =	sdelay $0x1  }
0x29d: {  	v12 =	vadd.f32 v14, v12;
	v13 =	vmul.f32 v15, v13;
	_ =	sdelay $0x1  }
0x29e: {  	v12 =	vadd.f32 v13, v12;
	_ =	sdelay $0x1  }
0x29f: {  	v16 =	vld [tilespmem:$0x1FF90];
	[tilespmem:v6+s2+$0xFFFFFC00 ss:$0x1] =	vst.idx.msk $0xffff, v12  }
0x2a0: {  	v12 =	vld.idx.msk [tilespmem:v2+s2+$0x80 ss:$0x1], $0xffff;
	_ =	sdelay $0x3  }
0x2a1: {  	v13 =	vld.idx.msk [tilespmem:v3+s2+$0x80 ss:$0x1], $0xffff  }
0x2a2: {  	v12 =	vmul.f32 v12, v16;
	v16 =	vld [tilespmem:$0x1FFA0];
	_ =	sdelay $0x4  }
0x2a3: {  	v13 =	vmul.f32 v13, v16  }
0x2a4: {  	v14 =	vld.idx.msk [tilespmem:v4+s2+$0x80 ss:$0x1], $0xffff  }
0x2a5: {  	v12 =	vadd.f32 v13, v12;
	v13 =	vld [tilespmem:$0x1FFB0];
	_ =	sdelay $0x4  }
0x2a6: {  	v13 =	vmul.f32 v14, v13  }
0x2a7: {  	v15 =	vld.idx.msk [tilespmem:v5+s2+$0x80 ss:$0x1], $0xffff  }
0x2a8: {  	v12 =	vadd.f32 v13, v12;
	v13 =	vld [tilespmem:$0x1FFC0];
	_ =	sdelay $0x4  }
0x2a9: {  	v13 =	vmul.f32 v15, v13;
	_ =	sdelay $0x1  }
0x2aa: {  	v12 =	vadd.f32 v13, v12;
	_ =	sdelay $0x1  }
0x2ab: {  	v16 =	vld [tilespmem:$0x1FFD0];
	[tilespmem:v6+s2+$0xFFFFFC80 ss:$0x1] =	vst.idx.msk $0xffff, v12  }
0x2ac: {  	v12 =	vld.idx.msk [tilespmem:v2+s2+$0x100 ss:$0x1], $0xffff;
	_ =	sdelay $0x3  }
0x2ad: {  	v13 =	vld.idx.msk [tilespmem:v3+s2+$0x100 ss:$0x1], $0xffff  }
0x2ae: {  	v12 =	vmul.f32 v12, v16;
	v16 =	vld [tilespmem:$0x1FFE0];
	_ =	sdelay $0x1  }
0x2af: {  	v14 =	vld.idx.msk [tilespmem:v4+s2+$0x100 ss:$0x1], $0xffff;
	_ =	sdelay $0x1  }
0x2b0: {  	v15 =	vld.idx.msk [tilespmem:v5+s2+$0x100 ss:$0x1], $0xffff  }
0x2b1: {  	v13 =	vmul.f32 v13, v16;
	_ =	sdelay $0x1  }
0x2b2: {  	v12 =	vadd.f32 v13, v12;
	v13 =	vmul.f32 v14, v17;
	_ =	sdelay $0x1  }
0x2b3: {  	v12 =	vadd.f32 v13, v12;
	v13 =	vmul.f32 v15, v18;
	_ =	sdelay $0x1  }
0x2b4: {  	v12 =	vadd.f32 v13, v12;
	_ =	sdelay $0x1  }
0x2b5: {  	[tilespmem:v6+s2+$0xFFFFFD00 ss:$0x1] =	vst.idx.msk $0xffff, v12  }
0x2b6: {  	v12 =	vld.idx.msk [tilespmem:v2+s2+$0x180 ss:$0x1], $0xffff  }
0x2b7: {  	v13 =	vld.idx.msk [tilespmem:v3+s2+$0x180 ss:$0x1], $0xffff;
	_ =	sdelay $0x1  }
0x2b8: {  	v14 =	vld.idx.msk [tilespmem:v4+s2+$0x180 ss:$0x1], $0xffff;
	_ =	sdelay $0x1  }
0x2b9: {  	v15 =	vld.idx.msk [tilespmem:v5+s2+$0x180 ss:$0x1], $0xffff  }
0x2ba: {  	v12 =	vmul.f32 v12, v19;
	v13 =	vmul.f32 v13, v20;
	_ =	sdelay $0x1  }
0x2bb: {  	v12 =	vadd.f32 v13, v12;
	v13 =	vmul.f32 v14, v21;
	_ =	sdelay $0x1  }
0x2bc: {  	v12 =	vadd.f32 v13, v12;
	v13 =	vmul.f32 v15, v22;
	_ =	sdelay $0x1  }
0x2bd: {  	v12 =	vadd.f32 v13, v12;
	_ =	sdelay $0x1  }
0x2be: {  	[tilespmem:v6+s2+$0xFFFFFD80 ss:$0x1] =	vst.idx.msk $0xffff, v12  }
0x2bf: {  	v12 =	vld.idx.msk [tilespmem:v2+s2+$0x200 ss:$0x1], $0xffff  }
0x2c0: {  	v13 =	vld.idx.msk [tilespmem:v3+s2+$0x200 ss:$0x1], $0xffff;
	_ =	sdelay $0x1  }
0x2c1: {  	v14 =	vld.idx.msk [tilespmem:v4+s2+$0x200 ss:$0x1], $0xffff;
	_ =	sdelay $0x1  }
0x2c2: {  	v15 =	vld.idx.msk [tilespmem:v5+s2+$0x200 ss:$0x1], $0xffff  }
0x2c3: {  	v12 =	vmul.f32 v12, v23;
	v13 =	vmul.f32 v13, v24;
	_ =	sdelay $0x1  }
0x2c4: {  	v12 =	vadd.f32 v13, v12;
	v13 =	vmul.f32 v14, v25;
	_ =	sdelay $0x1  }
0x2c5: {  	v12 =	vadd.f32 v13, v12;
	v13 =	vmul.f32 v15, v26;
	_ =	sdelay $0x1  }
0x2c6: {  	v12 =	vadd.f32 v13, v12;
	_ =	sdelay $0x1  }
0x2c7: {  	[tilespmem:v6+s2+$0xFFFFFE00 ss:$0x1] =	vst.idx.msk $0xffff, v12  }
0x2c8: {  	v12 =	vld.idx.msk [tilespmem:v2+s2+$0x280 ss:$0x1], $0xffff  }
0x2c9: {  	v13 =	vld.idx.msk [tilespmem:v3+s2+$0x280 ss:$0x1], $0xffff;
	_ =	sdelay $0x1  }
0x2ca: {  	v15 =	vld.idx.msk [tilespmem:v4+s2+$0x280 ss:$0x1], $0xffff;
	_ =	sdelay $0x1  }
0x2cb: {  	v14 =	vld.idx.msk [tilespmem:v5+s2+$0x280 ss:$0x1], $0xffff  }
0x2cc: {  	v12 =	vmul.f32 v12, v27;
	v13 =	vmul.f32 v13, v28;
	_ =	sdelay $0x1  }
0x2cd: {  	v12 =	vadd.f32 v13, v12;
	v13 =	vmul.f32 v15, v29;
	_ =	sdelay $0x1  }
0x2ce: {  	v12 =	vadd.f32 v13, v12;
	v13 =	vmul.f32 v14, v30;
	_ =	sdelay $0x1  }
0x2cf: {  	v12 =	vadd.f32 v13, v12;
	_ =	sdelay $0x1  }
0x2d0: {  	[tilespmem:v6+s2+$0xFFFFFE80 ss:$0x1] =	vst.idx.msk $0xffff, v12  }
0x2d1: {  	v12 =	vld.idx.msk [tilespmem:v2+s2+$0x300 ss:$0x1], $0xffff  }
0x2d2: {  	v13 =	vld.idx.msk [tilespmem:v3+s2+$0x300 ss:$0x1], $0xffff;
	_ =	sdelay $0x1  }
0x2d3: {  	v14 =	vld.idx.msk [tilespmem:v4+s2+$0x300 ss:$0x1], $0xffff;
	_ =	sdelay $0x1  }
0x2d4: {  	v15 =	vld.idx.msk [tilespmem:v5+s2+$0x300 ss:$0x1], $0xffff  }
0x2d5: {  	v12 =	vmul.f32 v12, v31;
	v13 =	vmul.f32 v13, v32;
	_ =	sdelay $0x1  }
0x2d6: {  	v12 =	vadd.f32 v13, v12;
	v13 =	vmul.f32 v14, v33;
	_ =	sdelay $0x1  }
0x2d7: {  	v12 =	vadd.f32 v13, v12;
	v13 =	vmul.f32 v15, v34;
	_ =	sdelay $0x1  }
0x2d8: {  	v12 =	vadd.f32 v13, v12;
	_ =	sdelay $0x1  }
0x2d9: {  	[tilespmem:v6+s2+$0xFFFFFF00 ss:$0x1] =	vst.idx.msk $0xffff, v12  }
0x2da: {  	v12 =	vld.idx.msk [tilespmem:v2+s2+$0x380 ss:$0x1], $0xffff  }
0x2db: {  	v13 =	vld.idx.msk [tilespmem:v3+s2+$0x380 ss:$0x1], $0xffff;
	_ =	sdelay $0x1  }
0x2dc: {  	v14 =	vld.idx.msk [tilespmem:v4+s2+$0x380 ss:$0x1], $0xffff;
	_ =	sdelay $0x1  }
0x2dd: {  	v15 =	vld.idx.msk [tilespmem:v5+s2+$0x380 ss:$0x1], $0xffff  }
0x2de: {  	v12 =	vmul.f32 v12, v35;
	v13 =	vmul.f32 v13, v36;
	_ =	sdelay $0x1  }
0x2df: {  	v12 =	vadd.f32 v13, v12;
	v13 =	vmul.f32 v14, v37;
	_ =	sdelay $0x1  }
0x2e0: {  	v12 =	vadd.f32 v13, v12;
	v13 =	vmul.f32 v15, v38;
	_ =	sdelay $0x1  }
0x2e1: {  	v12 =	vadd.f32 v13, v12;
	_ =	sdelay $0x1  }
0x2e2: {  	[tilespmem:v6+s2+$0xFFFFFF80 ss:$0x1] =	vst.idx.msk $0xffff, v12  }
0x2e3: {  	v12 =	vld.idx.msk [tilespmem:v3+s2+$0x400 ss:$0x1], $0xffff  }
0x2e4: {  	v13 =	vld.idx.msk [tilespmem:v2+s2+$0x400 ss:$0x1], $0xffff;
	_ =	sdelay $0x1  }
0x2e5: {  	v14 =	vld.idx.msk [tilespmem:v4+s2+$0x400 ss:$0x1], $0xffff;
	_ =	sdelay $0x1  }
0x2e6: {  	v15 =	vld.idx.msk [tilespmem:v5+s2+$0x400 ss:$0x1], $0xffff  }
0x2e7: {  	v12 =	vmul.f32 v12, v40;
	v13 =	vmul.f32 v13, v39;
	_ =	sdelay $0x1  }
0x2e8: {  	v12 =	vadd.f32 v12, v13;
	v13 =	vmul.f32 v14, v41;
	_ =	sdelay $0x1  }
0x2e9: {  	v12 =	vadd.f32 v13, v12;
	v13 =	vmul.f32 v15, v42;
	_ =	sdelay $0x1  }
0x2ea: {  	v12 =	vadd.f32 v13, v12;
	_ =	sdelay $0x1  }
0x2eb: {  	[tilespmem:v6+s2+$0x0 ss:$0x1] =	vst.idx.msk $0xffff, v12  }
0x2ec: {  	v12 =	vld.idx.msk [tilespmem:v2+s2+$0x480 ss:$0x1], $0xffff  }
0x2ed: {  	v13 =	vld.idx.msk [tilespmem:v3+s2+$0x480 ss:$0x1], $0xffff;
	_ =	sdelay $0x1  }
0x2ee: {  	v14 =	vld.idx.msk [tilespmem:v4+s2+$0x480 ss:$0x1], $0xffff;
	_ =	sdelay $0x1  }
0x2ef: {  	v15 =	vld.idx.msk [tilespmem:v5+s2+$0x480 ss:$0x1], $0xffff  }
0x2f0: {  	v12 =	vmul.f32 v12, v43;
	v13 =	vmul.f32 v13, v44;
	_ =	sdelay $0x1  }
0x2f1: {  	v12 =	vadd.f32 v13, v12;
	v13 =	vmul.f32 v14, v45;
	_ =	sdelay $0x1  }
0x2f2: {  	v12 =	vadd.f32 v13, v12;
	v13 =	vmul.f32 v15, v46;
	_ =	sdelay $0x1  }
0x2f3: {  	v12 =	vadd.f32 v13, v12;
	_ =	sdelay $0x1  }
0x2f4: {  	[tilespmem:v6+s2+$0x80 ss:$0x1] =	vst.idx.msk $0xffff, v12  }
0x2f5: {  	v12 =	vld.idx.msk [tilespmem:v2+s2+$0x500 ss:$0x1], $0xffff  }
0x2f6: {  	v13 =	vld.idx.msk [tilespmem:v3+s2+$0x500 ss:$0x1], $0xffff;
	_ =	sdelay $0x1  }
0x2f7: {  	v14 =	vld.idx.msk [tilespmem:v4+s2+$0x500 ss:$0x1], $0xffff;
	_ =	sdelay $0x1  }
0x2f8: {  	v15 =	vld.idx.msk [tilespmem:v5+s2+$0x500 ss:$0x1], $0xffff  }
0x2f9: {  	v12 =	vmul.f32 v12, v47;
	v13 =	vmul.f32 v13, v48;
	_ =	sdelay $0x1  }
0x2fa: {  	v12 =	vadd.f32 v13, v12;
	v13 =	vmul.f32 v14, v49;
	_ =	sdelay $0x1  }
0x2fb: {  	v12 =	vadd.f32 v13, v12;
	v13 =	vmul.f32 v15, v50;
	_ =	sdelay $0x1  }
0x2fc: {  	v12 =	vadd.f32 v13, v12;
	_ =	sdelay $0x1  }
0x2fd: {  	[tilespmem:v6+s2+$0x100 ss:$0x1] =	vst.idx.msk $0xffff, v12  }
0x2fe: {  	v12 =	vld.idx.msk [tilespmem:v2+s2+$0x580 ss:$0x1], $0xffff  }
0x2ff: {  	v13 =	vld.idx.msk [tilespmem:v3+s2+$0x580 ss:$0x1], $0xffff;
	_ =	sdelay $0x1  }
0x300: {  	v14 =	vld.idx.msk [tilespmem:v4+s2+$0x580 ss:$0x1], $0xffff;
	_ =	sdelay $0x1  }
0x301: {  	v15 =	vld.idx.msk [tilespmem:v5+s2+$0x580 ss:$0x1], $0xffff  }
0x302: {  	v12 =	vmul.f32 v12, v51;
	v13 =	vmul.f32 v13, v52;
	_ =	sdelay $0x1  }
0x303: {  	v12 =	vadd.f32 v13, v12;
	v13 =	vmul.f32 v14, v53;
	_ =	sdelay $0x1  }
0x304: {  	v12 =	vadd.f32 v13, v12;
	v13 =	vmul.f32 v15, v54;
	_ =	sdelay $0x1  }
0x305: {  	v12 =	vadd.f32 v13, v12;
	_ =	sdelay $0x1  }
0x306: {  	[tilespmem:v6+s2+$0x180 ss:$0x1] =	vst.idx.msk $0xffff, v12  }
0x307: {  	v12 =	vld.idx.msk [tilespmem:v2+s2+$0x600 ss:$0x1], $0xffff  }
0x308: {  	v13 =	vld.idx.msk [tilespmem:v3+s2+$0x600 ss:$0x1], $0xffff;
	_ =	sdelay $0x1  }
0x309: {  	v14 =	vld.idx.msk [tilespmem:v4+s2+$0x600 ss:$0x1], $0xffff;
	_ =	sdelay $0x1  }
0x30a: {  	v15 =	vld.idx.msk [tilespmem:v5+s2+$0x600 ss:$0x1], $0xffff  }
0x30b: {  	v12 =	vmul.f32 v12, v55;
	v13 =	vmul.f32 v13, v56;
	_ =	sdelay $0x1  }
0x30c: {  	v12 =	vadd.f32 v13, v12;
	v13 =	vmul.f32 v14, v57;
	_ =	sdelay $0x1  }
0x30d: {  	v12 =	vadd.f32 v13, v12;
	v13 =	vmul.f32 v15, v58;
	_ =	sdelay $0x1  }
0x30e: {  	v12 =	vadd.f32 v13, v12;
	_ =	sdelay $0x1  }
0x30f: {  	[tilespmem:v6+s2+$0x200 ss:$0x1] =	vst.idx.msk $0xffff, v12  }
0x310: {  	v12 =	vld.idx.msk [tilespmem:v2+s2+$0x680 ss:$0x1], $0xffff  }
0x311: {  	v13 =	vld.idx.msk [tilespmem:v3+s2+$0x680 ss:$0x1], $0xffff;
	_ =	sdelay $0x1  }
0x312: {  	v14 =	vld.idx.msk [tilespmem:v4+s2+$0x680 ss:$0x1], $0xffff;
	_ =	sdelay $0x1  }
0x313: {  	v15 =	vld.idx.msk [tilespmem:v5+s2+$0x680 ss:$0x1], $0xffff  }
0x314: {  	v12 =	vmul.f32 v12, v59;
	v13 =	vmul.f32 v13, v60;
	_ =	sdelay $0x1  }
0x315: {  	v12 =	vadd.f32 v13, v12;
	v13 =	vmul.f32 v14, v62;
	_ =	sdelay $0x1  }
0x316: {  	v12 =	vadd.f32 v13, v12;
	v13 =	vmul.f32 v15, v7;
	_ =	sdelay $0x1  }
0x317: {  	v12 =	vadd.f32 v13, v12;
	_ =	sdelay $0x1  }
0x318: {  	[tilespmem:v6+s2+$0x280 ss:$0x1] =	vst.idx.msk $0xffff, v12  }
0x319: {  	v14 =	vld.idx.msk [tilespmem:v2+s2+$0x700 ss:$0x1], $0xffff  }
0x31a: {  	p2 =	sne.s32 s25, $0x140;
	v15 =	vld.idx.msk [tilespmem:v3+s2+$0x700 ss:$0x1], $0xffff  }
.Ltmp17:
0x31b: {  	_ = 	snop;
	(pc) =	sbr.rel @p2 .LBB2_26-.Ltmp17, $3  }
0x31c: {  	_ =	sdelay $0x1  }
0x31d: {  	v12 =	vld.idx.msk [tilespmem:v4+s2+$0x700 ss:$0x1], $0xffff  }
0x31e: {  	s25 =	sadd.s32 $0x40, s25;
	v13 =	vld.idx.msk [tilespmem:v5+s2+$0x700 ss:$0x1], $0xffff;
	v14 =	vmul.f32 v14, v8;
	v15 =	vmul.f32 v15, v11  }
0x31f: {  	_ =	sdelay $0x2  }
0x320: {  	v7 =	vadd.f32 v15, v14;
	v8 =	vmul.f32 v12, v9;
	_ =	sdelay $0x1  }
0x321: {  	v62 =	vmul.f32 v13, v10;
	v7 =	vadd.f32 v8, v7;
	_ =	sdelay $0x1  }
0x322: {  	v7 =	vadd.f32 v62, v7;
	_ =	sdelay $0x1  }
0x323: {  	[tilespmem:v6+s2+$0x300 ss:$0x1] =	vst.idx.msk $0xffff, v7  }
0x324: {  	v3 =	vld.idx.msk [tilespmem:v3+s2+$0x780 ss:$0x1], $0xffff  }
0x325: {  	v2 =	vld.idx.msk [tilespmem:v2+s2+$0x780 ss:$0x1], $0xffff;
	_ =	sdelay $0x1  }
0x326: {  	v4 =	vld.idx.msk [tilespmem:v4+s2+$0x780 ss:$0x1], $0xffff;
	_ =	sdelay $0x1  }
0x327: {  	v5 =	vld.idx.msk [tilespmem:v5+s2+$0x780 ss:$0x1], $0xffff  }
0x328: {  	v0 =	vmul.f32 v3, v0;
	v2 =	vmul.f32 v2, v61;
	_ =	sdelay $0x1  }
0x329: {  	v63 =	vmul.f32 v4, v63;
	v0 =	vadd.f32 v0, v2;
	_ =	sdelay $0x1  }
.Ltmp18:
0x32a: {  	v1 =	vmul.f32 v5, v1;
	v0 =	vadd.f32 v63, v0;
	(pc) =	sbr.rel @p1 .LBB2_25-.Ltmp18, $3  }
0x32b: {  	_ = 	snop  }
0x32c: {  	v0 =	vadd.f32 v1, v0;
	_ =	sdelay $0x1  }
0x32d: {  	p2 =	por $0x0, $0x0;
	[tilespmem:v6+s2+$0x380 ss:$0x1] =	vst.idx.msk $0xffff, v0;
	s2 =	simm.s32 $0x1  }
0x32e: {  	s2 =	smulhi.u32 $0x24924925, s11;
	_ =	sdelay $0x1  }
0x32f: {  	s25 =	ssub.s32 s11, s2  }
0x330: {  	s25 =	sshrl.u32 s25, $0x1  }
0x331: {  	s2 =	sadd.s32 s2, s25  }
0x332: {  	s2 =	sshrl.u32 s2, $0x2  }
0x333: {  	s29 =	smul.u32 $0x7, s2;
	_ =	sdelay $0x1  }
0x334: {  	s2 =	sadd.s32 s2, s9;
	s25 =	ssub.s32 s11, s29  }
0x335: {  	s2 =	smul.u32 $0x7000, s2;
	s25 =	sshll.u32 s25, $0xC  }
0x336: {  	s25 =	sor.u32 s10, s25  }
0x337: {  	s2 =	sadd.s32 s2, s25  }
0x338: {  	s2 =	sshrl.u32 s2, $0x3  }
0x339: {  	s2 =	sadd.s32 s5, s2  }
0x33a: {  	[hbm4b:s2+s3] =	stream.linear.scatter [tilespmem:s14], [sflag:$0x4], $0x1000, $0x38;
	[tilespmem:$0xAB00] =	vst v63  }
0x33b: {  	_ =	swait.ge [sflag:s15], $0x1000  }
0x33c: {  	[sflag:s15] =	ssyncset.done $0x0  }
0x33d: {  	[sflag:s15] =	ssyncadd.s32 $0xFFFFF000  }
.LBB2_29:
.Ltmp19:
0x33e: {  	(pc) =	sbr.rel @!p0 .LBB2_35-.Ltmp19, $1  }
0x33f: {  	_ =	sdelay $0x3  }
0x340: {  	_ =	swait.ge [sflag:s6], $0x1000  }
0x341: {  	[sflag:s6] =	ssyncset.done $0x0  }
0x342: {  	[sflag:s6] =	ssyncadd.s32 $0xFFFFF000  }
0x343: {  	_ =	swait.ge [sflag:s6], $0x1000  }
0x344: {  	[sflag:s6] =	ssyncset.done $0x0  }
0x345: {  	[sflag:s6] =	ssyncadd.s32 $0xFFFFF000  }
0x346: {  	_ =	swait.ge [sflag:s6], $0x1000  }
0x347: {  	[sflag:s6] =	ssyncset.done $0x0  }
0x348: {  	[sflag:s6] =	ssyncadd.s32 $0xFFFFF000  }
0x349: {  	_ =	swait.ge [sflag:s6], $0x1000  }
0x34a: {  	[sflag:s6] =	ssyncset.done $0x0  }
0x34b: {  	s2 =	simm.s32 $0x0;
	p1 =	por $0x1, $0x1;
	[sflag:s6] =	ssyncadd.s32 $0xFFFFF000  }
.LBB2_31:
0x34c: {  	s25 =	sshll.u32 s2, $0xB  }
0x34d: {  	s25 =	sand.u32 $0x3FFFF800, s25  }
0x34e: {  	s26 =	sadd.s32 $0x5B00, s25  }
0x34f: {  	s28 =	sadd.s32 $0x6B00, s25;
	v2 =	vmov s26  }
0x350: {  	s26 =	sshll.u32 s2, $0x4;
	v3 =	vmov s28  }
0x351: {  	s28 =	sadd.s32 $0x7B00, s25;
	v0 =	vld [tilespmem:s26+$0x1900]  }
0x352: {  	v1 =	vld [tilespmem:s26+$0x1980];
	v4 =	vmov s28  }
0x353: {  	s29 =	sadd.s32 $0x8B00, s25;
	s2 =	simm.s32 $0x0;
	v10 =	vld [tilespmem:s26+$0x1A00]  }
0x354: {  	v5 =	vmov s29;
	v6 =	vld.idx.msk [tilespmem:v2+s2+$0x0 ss:$0x1], $0xffff  }
0x355: {  	v7 =	vld.idx.msk [tilespmem:v3+s2+$0x0 ss:$0x1], $0xffff  }
0x356: {  	v63 =	vld [tilespmem:s26+$0x1A80]  }
0x357: {  	v8 =	vld.idx.msk [tilespmem:v4+s2+$0x0 ss:$0x1], $0xffff  }
0x358: {  	v11 =	vbroadcast v0, $0x0;
	v12 =	vbroadcast v1, $0x0  }
0x359: {  	v9 =	vld.idx.msk [tilespmem:v5+s2+$0x0 ss:$0x1], $0xffff;
	v13 =	vbroadcast v10, $0x0  }
0x35a: {  	v6 =	vmul.f32 v6, v11;
	v7 =	vmul.f32 v7, v12;
	_ =	sdelay $0x1  }
0x35b: {  	s25 =	sadd.s32 $0x9F00, s25;
	[tilespmem:$0x1FEB0] =	vst v11;
	v11 =	vbroadcast v63, $0x0;
	v8 =	vmul.f32 v8, v13;
	v7 =	vadd.f32 v7, v6  }
0x35c: {  	v6 =	vmov s25  }
0x35d: {  	v7 =	vadd.f32 v8, v7;
	v8 =	vmul.f32 v9, v11;
	_ =	sdelay $0x1  }
0x35e: {  	v7 =	vadd.f32 v8, v7;
	_ =	sdelay $0x1  }
0x35f: {  	[tilespmem:v6+s2+$0xFFFFFC00 ss:$0x1] =	vst.idx.msk $0xffff, v7  }
0x360: {  	v7 =	vld.idx.msk [tilespmem:v2+s2+$0x80 ss:$0x1], $0xffff  }
0x361: {  	v8 =	vld.idx.msk [tilespmem:v3+s2+$0x80 ss:$0x1], $0xffff;
	_ =	sdelay $0x1  }
0x362: {  	[tilespmem:$0x1FEC0] =	vst v12;
	v9 =	vld.idx.msk [tilespmem:v4+s2+$0x80 ss:$0x1], $0xffff  }
0x363: {  	[tilespmem:$0x1FED0] =	vst v13;
	v12 =	vbroadcast v0, $0x1;
	v13 =	vbroadcast v1, $0x1  }
0x364: {  	v14 =	vbroadcast v10, $0x1;
	[tilespmem:$0x1FEE0] =	vst v11;
	v11 =	vld.idx.msk [tilespmem:v5+s2+$0x80 ss:$0x1], $0xffff  }
0x365: {  	v7 =	vmul.f32 v7, v12;
	v8 =	vmul.f32 v8, v13;
	_ =	sdelay $0x1  }
0x366: {  	[tilespmem:$0x1FEF0] =	vst v12;
	v12 =	vbroadcast v63, $0x1;
	v7 =	vadd.f32 v8, v7;
	v8 =	vmul.f32 v9, v14;
	_ =	sdelay $0x1  }
0x367: {  	v7 =	vadd.f32 v8, v7;
	v8 =	vmul.f32 v11, v12;
	_ =	sdelay $0x1  }
0x368: {  	v7 =	vadd.f32 v8, v7;
	_ =	sdelay $0x1  }
0x369: {  	[tilespmem:v6+s2+$0xFFFFFC80 ss:$0x1] =	vst.idx.msk $0xffff, v7  }
0x36a: {  	v7 =	vld.idx.msk [tilespmem:v2+s2+$0x100 ss:$0x1], $0xffff  }
0x36b: {  	v8 =	vld.idx.msk [tilespmem:v3+s2+$0x100 ss:$0x1], $0xffff;
	_ =	sdelay $0x1  }
0x36c: {  	[tilespmem:$0x1FF00] =	vst v13;
	v9 =	vld.idx.msk [tilespmem:v4+s2+$0x100 ss:$0x1], $0xffff  }
0x36d: {  	v13 =	vbroadcast v1, $0x2;
	[tilespmem:$0x1FF20] =	vst v12;
	v12 =	vbroadcast v0, $0x2  }
0x36e: {  	[tilespmem:$0x1FF10] =	vst v14;
	v14 =	vbroadcast v10, $0x2;
	v11 =	vld.idx.msk [tilespmem:v5+s2+$0x100 ss:$0x1], $0xffff  }
0x36f: {  	v7 =	vmul.f32 v7, v12;
	v8 =	vmul.f32 v8, v13;
	_ =	sdelay $0x1  }
0x370: {  	[tilespmem:$0x1FF30] =	vst v12;
	v12 =	vbroadcast v63, $0x2;
	v7 =	vadd.f32 v8, v7;
	v8 =	vmul.f32 v9, v14;
	_ =	sdelay $0x1  }
0x371: {  	v7 =	vadd.f32 v8, v7;
	v8 =	vmul.f32 v11, v12;
	_ =	sdelay $0x1  }
0x372: {  	v7 =	vadd.f32 v8, v7;
	_ =	sdelay $0x1  }
0x373: {  	[tilespmem:v6+s2+$0xFFFFFD00 ss:$0x1] =	vst.idx.msk $0xffff, v7  }
0x374: {  	v7 =	vld.idx.msk [tilespmem:v2+s2+$0x180 ss:$0x1], $0xffff  }
0x375: {  	v8 =	vld.idx.msk [tilespmem:v3+s2+$0x180 ss:$0x1], $0xffff;
	_ =	sdelay $0x1  }
0x376: {  	v9 =	vld.idx.msk [tilespmem:v4+s2+$0x180 ss:$0x1], $0xffff  }
0x377: {  	v19 =	vbroadcast v0, $0x3;
	v20 =	vbroadcast v1, $0x3  }
0x378: {  	v21 =	vbroadcast v10, $0x3;
	v11 =	vld.idx.msk [tilespmem:v5+s2+$0x180 ss:$0x1], $0xffff  }
0x379: {  	v7 =	vmul.f32 v7, v19;
	v8 =	vmul.f32 v8, v20;
	_ =	sdelay $0x1  }
0x37a: {  	v22 =	vbroadcast v63, $0x3;
	v7 =	vadd.f32 v8, v7;
	v8 =	vmul.f32 v9, v21;
	_ =	sdelay $0x1  }
0x37b: {  	v7 =	vadd.f32 v8, v7;
	v8 =	vmul.f32 v11, v22;
	_ =	sdelay $0x1  }
0x37c: {  	v7 =	vadd.f32 v8, v7;
	_ =	sdelay $0x1  }
0x37d: {  	[tilespmem:v6+s2+$0xFFFFFD80 ss:$0x1] =	vst.idx.msk $0xffff, v7  }
0x37e: {  	v7 =	vld.idx.msk [tilespmem:v2+s2+$0x200 ss:$0x1], $0xffff  }
0x37f: {  	v8 =	vld.idx.msk [tilespmem:v3+s2+$0x200 ss:$0x1], $0xffff;
	_ =	sdelay $0x1  }
0x380: {  	v9 =	vld.idx.msk [tilespmem:v4+s2+$0x200 ss:$0x1], $0xffff  }
0x381: {  	v23 =	vbroadcast v0, $0x4;
	v24 =	vbroadcast v1, $0x4  }
0x382: {  	v25 =	vbroadcast v10, $0x4;
	v11 =	vld.idx.msk [tilespmem:v5+s2+$0x200 ss:$0x1], $0xffff  }
0x383: {  	v7 =	vmul.f32 v7, v23;
	v8 =	vmul.f32 v8, v24;
	_ =	sdelay $0x1  }
0x384: {  	v26 =	vbroadcast v63, $0x4;
	v7 =	vadd.f32 v8, v7;
	v8 =	vmul.f32 v9, v25;
	_ =	sdelay $0x1  }
0x385: {  	v7 =	vadd.f32 v8, v7;
	v8 =	vmul.f32 v11, v26;
	_ =	sdelay $0x1  }
0x386: {  	v7 =	vadd.f32 v8, v7;
	_ =	sdelay $0x1  }
0x387: {  	[tilespmem:v6+s2+$0xFFFFFE00 ss:$0x1] =	vst.idx.msk $0xffff, v7  }
0x388: {  	v7 =	vld.idx.msk [tilespmem:v2+s2+$0x280 ss:$0x1], $0xffff  }
0x389: {  	v8 =	vld.idx.msk [tilespmem:v3+s2+$0x280 ss:$0x1], $0xffff;
	_ =	sdelay $0x1  }
0x38a: {  	v9 =	vld.idx.msk [tilespmem:v4+s2+$0x280 ss:$0x1], $0xffff  }
0x38b: {  	v27 =	vbroadcast v0, $0x5;
	v28 =	vbroadcast v1, $0x5  }
0x38c: {  	v29 =	vbroadcast v10, $0x5;
	v11 =	vld.idx.msk [tilespmem:v5+s2+$0x280 ss:$0x1], $0xffff  }
0x38d: {  	v7 =	vmul.f32 v7, v27;
	v8 =	vmul.f32 v8, v28;
	_ =	sdelay $0x1  }
0x38e: {  	v30 =	vbroadcast v63, $0x5;
	v7 =	vadd.f32 v8, v7;
	v8 =	vmul.f32 v9, v29;
	_ =	sdelay $0x1  }
0x38f: {  	v7 =	vadd.f32 v8, v7;
	v8 =	vmul.f32 v11, v30;
	_ =	sdelay $0x1  }
0x390: {  	v7 =	vadd.f32 v8, v7;
	_ =	sdelay $0x1  }
0x391: {  	[tilespmem:v6+s2+$0xFFFFFE80 ss:$0x1] =	vst.idx.msk $0xffff, v7  }
0x392: {  	v7 =	vld.idx.msk [tilespmem:v2+s2+$0x300 ss:$0x1], $0xffff  }
0x393: {  	v8 =	vld.idx.msk [tilespmem:v3+s2+$0x300 ss:$0x1], $0xffff;
	_ =	sdelay $0x1  }
0x394: {  	v9 =	vld.idx.msk [tilespmem:v4+s2+$0x300 ss:$0x1], $0xffff  }
0x395: {  	v31 =	vbroadcast v0, $0x6;
	v32 =	vbroadcast v1, $0x6  }
0x396: {  	v33 =	vbroadcast v10, $0x6;
	v11 =	vld.idx.msk [tilespmem:v5+s2+$0x300 ss:$0x1], $0xffff  }
0x397: {  	v7 =	vmul.f32 v7, v31;
	v8 =	vmul.f32 v8, v32;
	_ =	sdelay $0x1  }
0x398: {  	v34 =	vbroadcast v63, $0x6;
	v7 =	vadd.f32 v8, v7;
	v8 =	vmul.f32 v9, v33;
	_ =	sdelay $0x1  }
0x399: {  	v7 =	vadd.f32 v8, v7;
	v8 =	vmul.f32 v11, v34;
	_ =	sdelay $0x1  }
0x39a: {  	v7 =	vadd.f32 v8, v7;
	_ =	sdelay $0x1  }
0x39b: {  	[tilespmem:v6+s2+$0xFFFFFF00 ss:$0x1] =	vst.idx.msk $0xffff, v7  }
0x39c: {  	v7 =	vld.idx.msk [tilespmem:v2+s2+$0x380 ss:$0x1], $0xffff  }
0x39d: {  	v8 =	vld.idx.msk [tilespmem:v3+s2+$0x380 ss:$0x1], $0xffff;
	_ =	sdelay $0x1  }
0x39e: {  	v9 =	vld.idx.msk [tilespmem:v4+s2+$0x380 ss:$0x1], $0xffff  }
0x39f: {  	v35 =	vbroadcast v0, $0x7;
	v36 =	vbroadcast v1, $0x7  }
0x3a0: {  	v37 =	vbroadcast v10, $0x7;
	v11 =	vld.idx.msk [tilespmem:v5+s2+$0x380 ss:$0x1], $0xffff  }
0x3a1: {  	v7 =	vmul.f32 v7, v35;
	v8 =	vmul.f32 v8, v36;
	_ =	sdelay $0x1  }
0x3a2: {  	v38 =	vbroadcast v63, $0x7;
	v7 =	vadd.f32 v8, v7;
	v8 =	vmul.f32 v9, v37;
	_ =	sdelay $0x1  }
0x3a3: {  	v7 =	vadd.f32 v8, v7;
	v8 =	vmul.f32 v11, v38;
	_ =	sdelay $0x1  }
0x3a4: {  	v7 =	vadd.f32 v8, v7;
	_ =	sdelay $0x1  }
0x3a5: {  	[tilespmem:v6+s2+$0xFFFFFF80 ss:$0x1] =	vst.idx.msk $0xffff, v7  }
0x3a6: {  	v7 =	vld.idx.msk [tilespmem:v3+s2+$0x400 ss:$0x1], $0xffff  }
0x3a7: {  	v8 =	vld.idx.msk [tilespmem:v2+s2+$0x400 ss:$0x1], $0xffff;
	_ =	sdelay $0x1  }
0x3a8: {  	v9 =	vld.idx.msk [tilespmem:v4+s2+$0x400 ss:$0x1], $0xffff  }
0x3a9: {  	v39 =	vbroadcast v0, $0x8;
	v40 =	vbroadcast v1, $0x8  }
0x3aa: {  	v41 =	vbroadcast v10, $0x8;
	v11 =	vld.idx.msk [tilespmem:v5+s2+$0x400 ss:$0x1], $0xffff  }
0x3ab: {  	v7 =	vmul.f32 v7, v40;
	v8 =	vmul.f32 v8, v39;
	_ =	sdelay $0x1  }
0x3ac: {  	v42 =	vbroadcast v63, $0x8;
	v7 =	vadd.f32 v7, v8;
	v8 =	vmul.f32 v9, v41;
	_ =	sdelay $0x1  }
0x3ad: {  	v7 =	vadd.f32 v8, v7;
	v8 =	vmul.f32 v11, v42;
	_ =	sdelay $0x1  }
0x3ae: {  	v7 =	vadd.f32 v8, v7;
	_ =	sdelay $0x1  }
0x3af: {  	[tilespmem:v6+s2+$0x0 ss:$0x1] =	vst.idx.msk $0xffff, v7  }
0x3b0: {  	v7 =	vld.idx.msk [tilespmem:v2+s2+$0x480 ss:$0x1], $0xffff  }
0x3b1: {  	v8 =	vld.idx.msk [tilespmem:v3+s2+$0x480 ss:$0x1], $0xffff;
	_ =	sdelay $0x1  }
0x3b2: {  	v9 =	vld.idx.msk [tilespmem:v4+s2+$0x480 ss:$0x1], $0xffff  }
0x3b3: {  	v43 =	vbroadcast v0, $0x9;
	v44 =	vbroadcast v1, $0x9  }
0x3b4: {  	v45 =	vbroadcast v10, $0x9;
	v11 =	vld.idx.msk [tilespmem:v5+s2+$0x480 ss:$0x1], $0xffff  }
0x3b5: {  	v7 =	vmul.f32 v7, v43;
	v8 =	vmul.f32 v8, v44;
	_ =	sdelay $0x1  }
0x3b6: {  	v46 =	vbroadcast v63, $0x9;
	v7 =	vadd.f32 v8, v7;
	v8 =	vmul.f32 v9, v45;
	_ =	sdelay $0x1  }
0x3b7: {  	v7 =	vadd.f32 v8, v7;
	v8 =	vmul.f32 v11, v46;
	_ =	sdelay $0x1  }
0x3b8: {  	v7 =	vadd.f32 v8, v7;
	_ =	sdelay $0x1  }
0x3b9: {  	[tilespmem:v6+s2+$0x80 ss:$0x1] =	vst.idx.msk $0xffff, v7  }
0x3ba: {  	v7 =	vld.idx.msk [tilespmem:v2+s2+$0x500 ss:$0x1], $0xffff  }
0x3bb: {  	v8 =	vld.idx.msk [tilespmem:v3+s2+$0x500 ss:$0x1], $0xffff;
	_ =	sdelay $0x1  }
0x3bc: {  	v9 =	vld.idx.msk [tilespmem:v4+s2+$0x500 ss:$0x1], $0xffff  }
0x3bd: {  	v47 =	vbroadcast v0, $0xA;
	v48 =	vbroadcast v1, $0xA  }
0x3be: {  	v49 =	vbroadcast v10, $0xA;
	v11 =	vld.idx.msk [tilespmem:v5+s2+$0x500 ss:$0x1], $0xffff  }
0x3bf: {  	v7 =	vmul.f32 v7, v47;
	v8 =	vmul.f32 v8, v48;
	_ =	sdelay $0x1  }
0x3c0: {  	v50 =	vbroadcast v63, $0xA;
	v7 =	vadd.f32 v8, v7;
	v8 =	vmul.f32 v9, v49;
	_ =	sdelay $0x1  }
0x3c1: {  	v7 =	vadd.f32 v8, v7;
	v8 =	vmul.f32 v11, v50;
	_ =	sdelay $0x1  }
0x3c2: {  	v7 =	vadd.f32 v8, v7;
	_ =	sdelay $0x1  }
0x3c3: {  	[tilespmem:v6+s2+$0x100 ss:$0x1] =	vst.idx.msk $0xffff, v7  }
0x3c4: {  	v7 =	vld.idx.msk [tilespmem:v2+s2+$0x580 ss:$0x1], $0xffff  }
0x3c5: {  	v8 =	vld.idx.msk [tilespmem:v3+s2+$0x580 ss:$0x1], $0xffff;
	_ =	sdelay $0x1  }
0x3c6: {  	v9 =	vld.idx.msk [tilespmem:v4+s2+$0x580 ss:$0x1], $0xffff  }
0x3c7: {  	v51 =	vbroadcast v0, $0xB;
	v52 =	vbroadcast v1, $0xB  }
0x3c8: {  	v53 =	vbroadcast v10, $0xB;
	v11 =	vld.idx.msk [tilespmem:v5+s2+$0x580 ss:$0x1], $0xffff  }
0x3c9: {  	v7 =	vmul.f32 v7, v51;
	v8 =	vmul.f32 v8, v52;
	_ =	sdelay $0x1  }
0x3ca: {  	v54 =	vbroadcast v63, $0xB;
	v7 =	vadd.f32 v8, v7;
	v8 =	vmul.f32 v9, v53;
	_ =	sdelay $0x1  }
0x3cb: {  	v7 =	vadd.f32 v8, v7;
	v8 =	vmul.f32 v11, v54;
	_ =	sdelay $0x1  }
0x3cc: {  	v7 =	vadd.f32 v8, v7;
	_ =	sdelay $0x1  }
0x3cd: {  	[tilespmem:v6+s2+$0x180 ss:$0x1] =	vst.idx.msk $0xffff, v7  }
0x3ce: {  	v7 =	vld.idx.msk [tilespmem:v2+s2+$0x600 ss:$0x1], $0xffff  }
0x3cf: {  	v8 =	vld.idx.msk [tilespmem:v3+s2+$0x600 ss:$0x1], $0xffff;
	_ =	sdelay $0x1  }
0x3d0: {  	v9 =	vld.idx.msk [tilespmem:v4+s2+$0x600 ss:$0x1], $0xffff  }
0x3d1: {  	v55 =	vbroadcast v0, $0xC;
	v56 =	vbroadcast v1, $0xC  }
0x3d2: {  	v57 =	vbroadcast v10, $0xC;
	v11 =	vld.idx.msk [tilespmem:v5+s2+$0x600 ss:$0x1], $0xffff  }
0x3d3: {  	v7 =	vmul.f32 v7, v55;
	v8 =	vmul.f32 v8, v56;
	_ =	sdelay $0x1  }
0x3d4: {  	v58 =	vbroadcast v63, $0xC;
	v7 =	vadd.f32 v8, v7;
	v8 =	vmul.f32 v9, v57;
	_ =	sdelay $0x1  }
0x3d5: {  	v7 =	vadd.f32 v8, v7;
	v8 =	vmul.f32 v11, v58;
	_ =	sdelay $0x1  }
0x3d6: {  	v7 =	vadd.f32 v8, v7;
	_ =	sdelay $0x1  }
0x3d7: {  	[tilespmem:v6+s2+$0x200 ss:$0x1] =	vst.idx.msk $0xffff, v7  }
0x3d8: {  	v7 =	vld.idx.msk [tilespmem:v2+s2+$0x680 ss:$0x1], $0xffff  }
0x3d9: {  	v8 =	vld.idx.msk [tilespmem:v3+s2+$0x680 ss:$0x1], $0xffff;
	_ =	sdelay $0x1  }
0x3da: {  	v9 =	vld.idx.msk [tilespmem:v4+s2+$0x680 ss:$0x1], $0xffff  }
0x3db: {  	v59 =	vbroadcast v0, $0xD;
	v60 =	vbroadcast v1, $0xD  }
0x3dc: {  	v62 =	vbroadcast v10, $0xD;
	v11 =	vld.idx.msk [tilespmem:v5+s2+$0x680 ss:$0x1], $0xffff  }
0x3dd: {  	v7 =	vmul.f32 v7, v59;
	v8 =	vmul.f32 v8, v60;
	_ =	sdelay $0x1  }
0x3de: {  	v9 =	vmul.f32 v9, v62;
	v8 =	vadd.f32 v8, v7;
	v7 =	vbroadcast v63, $0xD;
	_ =	sdelay $0x1  }
0x3df: {  	v8 =	vadd.f32 v9, v8;
	v9 =	vmul.f32 v11, v7;
	_ =	sdelay $0x1  }
0x3e0: {  	v8 =	vadd.f32 v9, v8;
	_ =	sdelay $0x1  }
0x3e1: {  	[tilespmem:v6+s2+$0x280 ss:$0x1] =	vst.idx.msk $0xffff, v8  }
0x3e2: {  	[tilespmem:$0x1FF40] =	vst v13;
	v13 =	vld.idx.msk [tilespmem:v2+s2+$0x700 ss:$0x1], $0xffff  }
0x3e3: {  	v15 =	vld.idx.msk [tilespmem:v3+s2+$0x700 ss:$0x1], $0xffff  }
0x3e4: {  	v61 =	vbroadcast v0, $0xF;
	v11 =	vbroadcast v1, $0xE  }
0x3e5: {  	v9 =	vbroadcast v10, $0xE;
	v8 =	vbroadcast v0, $0xE  }
0x3e6: {  	v0 =	vbroadcast v1, $0xF;
	v1 =	vbroadcast v10, $0xF  }
0x3e7: {  	v18 =	vmov v12;
	v10 =	vbroadcast v63, $0xE;
	v63 =	vbroadcast v63, $0xF;
	v12 =	vld.idx.msk [tilespmem:v4+s2+$0x700 ss:$0x1], $0xffff  }
0x3e8: {  	p0 =	por p1, p1;
	s25 =	simm.s32 $0x40;
	v17 =	vmov v14;
	v14 =	vmul.f32 v13, v8;
	v15 =	vmul.f32 v15, v11;
	v13 =	vld.idx.msk [tilespmem:v5+s2+$0x700 ss:$0x1], $0xffff  }
.LBB2_32:
0x3e9: {  	_ =	sdelay $0x2  }
0x3ea: {  	v14 =	vadd.f32 v15, v14;
	v12 =	vmul.f32 v12, v9;
	_ =	sdelay $0x1  }
0x3eb: {  	v13 =	vmul.f32 v13, v10;
	v12 =	vadd.f32 v12, v14;
	_ =	sdelay $0x1  }
0x3ec: {  	v12 =	vadd.f32 v13, v12;
	_ =	sdelay $0x1  }
0x3ed: {  	[tilespmem:v6+s2+$0x300 ss:$0x1] =	vst.idx.msk $0xffff, v12  }
0x3ee: {  	v12 =	vld.idx.msk [tilespmem:v3+s2+$0x780 ss:$0x1], $0xffff  }
0x3ef: {  	v13 =	vld.idx.msk [tilespmem:v2+s2+$0x780 ss:$0x1], $0xffff;
	_ =	sdelay $0x1  }
0x3f0: {  	v14 =	vld.idx.msk [tilespmem:v4+s2+$0x780 ss:$0x1], $0xffff;
	_ =	sdelay $0x1  }
0x3f1: {  	v15 =	vld.idx.msk [tilespmem:v5+s2+$0x780 ss:$0x1], $0xffff  }
0x3f2: {  	v12 =	vmul.f32 v12, v0;
	v13 =	vmul.f32 v13, v61;
	_ =	sdelay $0x1  }
0x3f3: {  	v12 =	vadd.f32 v12, v13;
	v13 =	vmul.f32 v14, v1;
	_ =	sdelay $0x1  }
0x3f4: {  	v12 =	vadd.f32 v13, v12;
	v13 =	vmul.f32 v15, v63;
	_ =	sdelay $0x1  }
0x3f5: {  	s26 =	smov.u32 s25;
	v12 =	vadd.f32 v13, v12  }
0x3f6: {  	s26 =	sshra.s32 s26, $0x2  }
0x3f7: {  	v16 =	vld [tilespmem:$0x1FEB0];
	[tilespmem:v6+s2+$0x380 ss:$0x1] =	vst.idx.msk $0xffff, v12;
	s2 =	smov.u32 s26  }
0x3f8: {  	v12 =	vld.idx.msk [tilespmem:v2+s2+$0x0 ss:$0x1], $0xffff;
	_ =	sdelay $0x3  }
0x3f9: {  	v13 =	vld.idx.msk [tilespmem:v3+s2+$0x0 ss:$0x1], $0xffff  }
0x3fa: {  	v12 =	vmul.f32 v12, v16;
	v16 =	vld [tilespmem:$0x1FEC0];
	_ =	sdelay $0x3  }
0x3fb: {  	v14 =	vld.idx.msk [tilespmem:v4+s2+$0x0 ss:$0x1], $0xffff  }
0x3fc: {  	v13 =	vmul.f32 v13, v16;
	v16 =	vld [tilespmem:$0x1FED0]  }
0x3fd: {  	v15 =	vld.idx.msk [tilespmem:v5+s2+$0x0 ss:$0x1], $0xffff  }
0x3fe: {  	v12 =	vadd.f32 v13, v12;
	v13 =	vld [tilespmem:$0x1FEE0];
	_ =	sdelay $0x2  }
0x3ff: {  	v14 =	vmul.f32 v14, v16;
	_ =	sdelay $0x1  }
0x400: {  	v12 =	vadd.f32 v14, v12;
	v13 =	vmul.f32 v15, v13;
	_ =	sdelay $0x1  }
0x401: {  	v12 =	vadd.f32 v13, v12;
	_ =	sdelay $0x1  }
0x402: {  	v16 =	vld [tilespmem:$0x1FEF0];
	[tilespmem:v6+s2+$0xFFFFFC00 ss:$0x1] =	vst.idx.msk $0xffff, v12  }
0x403: {  	v12 =	vld.idx.msk [tilespmem:v2+s2+$0x80 ss:$0x1], $0xffff;
	_ =	sdelay $0x3  }
0x404: {  	v13 =	vld.idx.msk [tilespmem:v3+s2+$0x80 ss:$0x1], $0xffff  }
0x405: {  	v12 =	vmul.f32 v12, v16;
	v16 =	vld [tilespmem:$0x1FF00];
	_ =	sdelay $0x4  }
0x406: {  	v13 =	vmul.f32 v13, v16  }
0x407: {  	v14 =	vld.idx.msk [tilespmem:v4+s2+$0x80 ss:$0x1], $0xffff  }
0x408: {  	v12 =	vadd.f32 v13, v12;
	v13 =	vld [tilespmem:$0x1FF10];
	_ =	sdelay $0x4  }
0x409: {  	v13 =	vmul.f32 v14, v13  }
0x40a: {  	v15 =	vld.idx.msk [tilespmem:v5+s2+$0x80 ss:$0x1], $0xffff  }
0x40b: {  	v12 =	vadd.f32 v13, v12;
	v13 =	vld [tilespmem:$0x1FF20];
	_ =	sdelay $0x4  }
0x40c: {  	v13 =	vmul.f32 v15, v13;
	_ =	sdelay $0x1  }
0x40d: {  	v12 =	vadd.f32 v13, v12;
	_ =	sdelay $0x1  }
0x40e: {  	v16 =	vld [tilespmem:$0x1FF30];
	[tilespmem:v6+s2+$0xFFFFFC80 ss:$0x1] =	vst.idx.msk $0xffff, v12  }
0x40f: {  	v12 =	vld.idx.msk [tilespmem:v2+s2+$0x100 ss:$0x1], $0xffff;
	_ =	sdelay $0x3  }
0x410: {  	v13 =	vld.idx.msk [tilespmem:v3+s2+$0x100 ss:$0x1], $0xffff  }
0x411: {  	v12 =	vmul.f32 v12, v16;
	v16 =	vld [tilespmem:$0x1FF40];
	_ =	sdelay $0x1  }
0x412: {  	v14 =	vld.idx.msk [tilespmem:v4+s2+$0x100 ss:$0x1], $0xffff;
	_ =	sdelay $0x1  }
0x413: {  	v15 =	vld.idx.msk [tilespmem:v5+s2+$0x100 ss:$0x1], $0xffff  }
0x414: {  	v13 =	vmul.f32 v13, v16;
	_ =	sdelay $0x1  }
0x415: {  	v12 =	vadd.f32 v13, v12;
	v13 =	vmul.f32 v14, v17;
	_ =	sdelay $0x1  }
0x416: {  	v12 =	vadd.f32 v13, v12;
	v13 =	vmul.f32 v15, v18;
	_ =	sdelay $0x1  }
0x417: {  	v12 =	vadd.f32 v13, v12;
	_ =	sdelay $0x1  }
0x418: {  	[tilespmem:v6+s2+$0xFFFFFD00 ss:$0x1] =	vst.idx.msk $0xffff, v12  }
0x419: {  	v12 =	vld.idx.msk [tilespmem:v2+s2+$0x180 ss:$0x1], $0xffff  }
0x41a: {  	v13 =	vld.idx.msk [tilespmem:v3+s2+$0x180 ss:$0x1], $0xffff;
	_ =	sdelay $0x1  }
0x41b: {  	v14 =	vld.idx.msk [tilespmem:v4+s2+$0x180 ss:$0x1], $0xffff;
	_ =	sdelay $0x1  }
0x41c: {  	v15 =	vld.idx.msk [tilespmem:v5+s2+$0x180 ss:$0x1], $0xffff  }
0x41d: {  	v12 =	vmul.f32 v12, v19;
	v13 =	vmul.f32 v13, v20;
	_ =	sdelay $0x1  }
0x41e: {  	v12 =	vadd.f32 v13, v12;
	v13 =	vmul.f32 v14, v21;
	_ =	sdelay $0x1  }
0x41f: {  	v12 =	vadd.f32 v13, v12;
	v13 =	vmul.f32 v15, v22;
	_ =	sdelay $0x1  }
0x420: {  	v12 =	vadd.f32 v13, v12;
	_ =	sdelay $0x1  }
0x421: {  	[tilespmem:v6+s2+$0xFFFFFD80 ss:$0x1] =	vst.idx.msk $0xffff, v12  }
0x422: {  	v12 =	vld.idx.msk [tilespmem:v2+s2+$0x200 ss:$0x1], $0xffff  }
0x423: {  	v13 =	vld.idx.msk [tilespmem:v3+s2+$0x200 ss:$0x1], $0xffff;
	_ =	sdelay $0x1  }
0x424: {  	v14 =	vld.idx.msk [tilespmem:v4+s2+$0x200 ss:$0x1], $0xffff;
	_ =	sdelay $0x1  }
0x425: {  	v15 =	vld.idx.msk [tilespmem:v5+s2+$0x200 ss:$0x1], $0xffff  }
0x426: {  	v12 =	vmul.f32 v12, v23;
	v13 =	vmul.f32 v13, v24;
	_ =	sdelay $0x1  }
0x427: {  	v12 =	vadd.f32 v13, v12;
	v13 =	vmul.f32 v14, v25;
	_ =	sdelay $0x1  }
0x428: {  	v12 =	vadd.f32 v13, v12;
	v13 =	vmul.f32 v15, v26;
	_ =	sdelay $0x1  }
0x429: {  	v12 =	vadd.f32 v13, v12;
	_ =	sdelay $0x1  }
0x42a: {  	[tilespmem:v6+s2+$0xFFFFFE00 ss:$0x1] =	vst.idx.msk $0xffff, v12  }
0x42b: {  	v12 =	vld.idx.msk [tilespmem:v2+s2+$0x280 ss:$0x1], $0xffff  }
0x42c: {  	v13 =	vld.idx.msk [tilespmem:v3+s2+$0x280 ss:$0x1], $0xffff;
	_ =	sdelay $0x1  }
0x42d: {  	v15 =	vld.idx.msk [tilespmem:v4+s2+$0x280 ss:$0x1], $0xffff;
	_ =	sdelay $0x1  }
0x42e: {  	v14 =	vld.idx.msk [tilespmem:v5+s2+$0x280 ss:$0x1], $0xffff  }
0x42f: {  	v12 =	vmul.f32 v12, v27;
	v13 =	vmul.f32 v13, v28;
	_ =	sdelay $0x1  }
0x430: {  	v12 =	vadd.f32 v13, v12;
	v13 =	vmul.f32 v15, v29;
	_ =	sdelay $0x1  }
0x431: {  	v12 =	vadd.f32 v13, v12;
	v13 =	vmul.f32 v14, v30;
	_ =	sdelay $0x1  }
0x432: {  	v12 =	vadd.f32 v13, v12;
	_ =	sdelay $0x1  }
0x433: {  	[tilespmem:v6+s2+$0xFFFFFE80 ss:$0x1] =	vst.idx.msk $0xffff, v12  }
0x434: {  	v12 =	vld.idx.msk [tilespmem:v2+s2+$0x300 ss:$0x1], $0xffff  }
0x435: {  	v13 =	vld.idx.msk [tilespmem:v3+s2+$0x300 ss:$0x1], $0xffff;
	_ =	sdelay $0x1  }
0x436: {  	v14 =	vld.idx.msk [tilespmem:v4+s2+$0x300 ss:$0x1], $0xffff;
	_ =	sdelay $0x1  }
0x437: {  	v15 =	vld.idx.msk [tilespmem:v5+s2+$0x300 ss:$0x1], $0xffff  }
0x438: {  	v12 =	vmul.f32 v12, v31;
	v13 =	vmul.f32 v13, v32;
	_ =	sdelay $0x1  }
0x439: {  	v12 =	vadd.f32 v13, v12;
	v13 =	vmul.f32 v14, v33;
	_ =	sdelay $0x1  }
0x43a: {  	v12 =	vadd.f32 v13, v12;
	v13 =	vmul.f32 v15, v34;
	_ =	sdelay $0x1  }
0x43b: {  	v12 =	vadd.f32 v13, v12;
	_ =	sdelay $0x1  }
0x43c: {  	[tilespmem:v6+s2+$0xFFFFFF00 ss:$0x1] =	vst.idx.msk $0xffff, v12  }
0x43d: {  	v12 =	vld.idx.msk [tilespmem:v2+s2+$0x380 ss:$0x1], $0xffff  }
0x43e: {  	v13 =	vld.idx.msk [tilespmem:v3+s2+$0x380 ss:$0x1], $0xffff;
	_ =	sdelay $0x1  }
0x43f: {  	v14 =	vld.idx.msk [tilespmem:v4+s2+$0x380 ss:$0x1], $0xffff;
	_ =	sdelay $0x1  }
0x440: {  	v15 =	vld.idx.msk [tilespmem:v5+s2+$0x380 ss:$0x1], $0xffff  }
0x441: {  	v12 =	vmul.f32 v12, v35;
	v13 =	vmul.f32 v13, v36;
	_ =	sdelay $0x1  }
0x442: {  	v12 =	vadd.f32 v13, v12;
	v13 =	vmul.f32 v14, v37;
	_ =	sdelay $0x1  }
0x443: {  	v12 =	vadd.f32 v13, v12;
	v13 =	vmul.f32 v15, v38;
	_ =	sdelay $0x1  }
0x444: {  	v12 =	vadd.f32 v13, v12;
	_ =	sdelay $0x1  }
0x445: {  	[tilespmem:v6+s2+$0xFFFFFF80 ss:$0x1] =	vst.idx.msk $0xffff, v12  }
0x446: {  	v12 =	vld.idx.msk [tilespmem:v3+s2+$0x400 ss:$0x1], $0xffff  }
0x447: {  	v13 =	vld.idx.msk [tilespmem:v2+s2+$0x400 ss:$0x1], $0xffff;
	_ =	sdelay $0x1  }
0x448: {  	v14 =	vld.idx.msk [tilespmem:v4+s2+$0x400 ss:$0x1], $0xffff;
	_ =	sdelay $0x1  }
0x449: {  	v15 =	vld.idx.msk [tilespmem:v5+s2+$0x400 ss:$0x1], $0xffff  }
0x44a: {  	v12 =	vmul.f32 v12, v40;
	v13 =	vmul.f32 v13, v39;
	_ =	sdelay $0x1  }
0x44b: {  	v12 =	vadd.f32 v12, v13;
	v13 =	vmul.f32 v14, v41;
	_ =	sdelay $0x1  }
0x44c: {  	v12 =	vadd.f32 v13, v12;
	v13 =	vmul.f32 v15, v42;
	_ =	sdelay $0x1  }
0x44d: {  	v12 =	vadd.f32 v13, v12;
	_ =	sdelay $0x1  }
0x44e: {  	[tilespmem:v6+s2+$0x0 ss:$0x1] =	vst.idx.msk $0xffff, v12  }
0x44f: {  	v12 =	vld.idx.msk [tilespmem:v2+s2+$0x480 ss:$0x1], $0xffff  }
0x450: {  	v13 =	vld.idx.msk [tilespmem:v3+s2+$0x480 ss:$0x1], $0xffff;
	_ =	sdelay $0x1  }
0x451: {  	v14 =	vld.idx.msk [tilespmem:v4+s2+$0x480 ss:$0x1], $0xffff;
	_ =	sdelay $0x1  }
0x452: {  	v15 =	vld.idx.msk [tilespmem:v5+s2+$0x480 ss:$0x1], $0xffff  }
0x453: {  	v12 =	vmul.f32 v12, v43;
	v13 =	vmul.f32 v13, v44;
	_ =	sdelay $0x1  }
0x454: {  	v12 =	vadd.f32 v13, v12;
	v13 =	vmul.f32 v14, v45;
	_ =	sdelay $0x1  }
0x455: {  	v12 =	vadd.f32 v13, v12;
	v13 =	vmul.f32 v15, v46;
	_ =	sdelay $0x1  }
0x456: {  	v12 =	vadd.f32 v13, v12;
	_ =	sdelay $0x1  }
0x457: {  	[tilespmem:v6+s2+$0x80 ss:$0x1] =	vst.idx.msk $0xffff, v12  }
0x458: {  	v12 =	vld.idx.msk [tilespmem:v2+s2+$0x500 ss:$0x1], $0xffff  }
0x459: {  	v13 =	vld.idx.msk [tilespmem:v3+s2+$0x500 ss:$0x1], $0xffff;
	_ =	sdelay $0x1  }
0x45a: {  	v14 =	vld.idx.msk [tilespmem:v4+s2+$0x500 ss:$0x1], $0xffff;
	_ =	sdelay $0x1  }
0x45b: {  	v15 =	vld.idx.msk [tilespmem:v5+s2+$0x500 ss:$0x1], $0xffff  }
0x45c: {  	v12 =	vmul.f32 v12, v47;
	v13 =	vmul.f32 v13, v48;
	_ =	sdelay $0x1  }
0x45d: {  	v12 =	vadd.f32 v13, v12;
	v13 =	vmul.f32 v14, v49;
	_ =	sdelay $0x1  }
0x45e: {  	v12 =	vadd.f32 v13, v12;
	v13 =	vmul.f32 v15, v50;
	_ =	sdelay $0x1  }
0x45f: {  	v12 =	vadd.f32 v13, v12;
	_ =	sdelay $0x1  }
0x460: {  	[tilespmem:v6+s2+$0x100 ss:$0x1] =	vst.idx.msk $0xffff, v12  }
0x461: {  	v12 =	vld.idx.msk [tilespmem:v2+s2+$0x580 ss:$0x1], $0xffff  }
0x462: {  	v13 =	vld.idx.msk [tilespmem:v3+s2+$0x580 ss:$0x1], $0xffff;
	_ =	sdelay $0x1  }
0x463: {  	v14 =	vld.idx.msk [tilespmem:v4+s2+$0x580 ss:$0x1], $0xffff;
	_ =	sdelay $0x1  }
0x464: {  	v15 =	vld.idx.msk [tilespmem:v5+s2+$0x580 ss:$0x1], $0xffff  }
0x465: {  	v12 =	vmul.f32 v12, v51;
	v13 =	vmul.f32 v13, v52;
	_ =	sdelay $0x1  }
0x466: {  	v12 =	vadd.f32 v13, v12;
	v13 =	vmul.f32 v14, v53;
	_ =	sdelay $0x1  }
0x467: {  	v12 =	vadd.f32 v13, v12;
	v13 =	vmul.f32 v15, v54;
	_ =	sdelay $0x1  }
0x468: {  	v12 =	vadd.f32 v13, v12;
	_ =	sdelay $0x1  }
0x469: {  	[tilespmem:v6+s2+$0x180 ss:$0x1] =	vst.idx.msk $0xffff, v12  }
0x46a: {  	v12 =	vld.idx.msk [tilespmem:v2+s2+$0x600 ss:$0x1], $0xffff  }
0x46b: {  	v13 =	vld.idx.msk [tilespmem:v3+s2+$0x600 ss:$0x1], $0xffff;
	_ =	sdelay $0x1  }
0x46c: {  	v14 =	vld.idx.msk [tilespmem:v4+s2+$0x600 ss:$0x1], $0xffff;
	_ =	sdelay $0x1  }
0x46d: {  	v15 =	vld.idx.msk [tilespmem:v5+s2+$0x600 ss:$0x1], $0xffff  }
0x46e: {  	v12 =	vmul.f32 v12, v55;
	v13 =	vmul.f32 v13, v56;
	_ =	sdelay $0x1  }
0x46f: {  	v12 =	vadd.f32 v13, v12;
	v13 =	vmul.f32 v14, v57;
	_ =	sdelay $0x1  }
0x470: {  	v12 =	vadd.f32 v13, v12;
	v13 =	vmul.f32 v15, v58;
	_ =	sdelay $0x1  }
0x471: {  	v12 =	vadd.f32 v13, v12;
	_ =	sdelay $0x1  }
0x472: {  	[tilespmem:v6+s2+$0x200 ss:$0x1] =	vst.idx.msk $0xffff, v12  }
0x473: {  	v12 =	vld.idx.msk [tilespmem:v2+s2+$0x680 ss:$0x1], $0xffff  }
0x474: {  	v13 =	vld.idx.msk [tilespmem:v3+s2+$0x680 ss:$0x1], $0xffff;
	_ =	sdelay $0x1  }
0x475: {  	v14 =	vld.idx.msk [tilespmem:v4+s2+$0x680 ss:$0x1], $0xffff;
	_ =	sdelay $0x1  }
0x476: {  	v15 =	vld.idx.msk [tilespmem:v5+s2+$0x680 ss:$0x1], $0xffff  }
0x477: {  	v12 =	vmul.f32 v12, v59;
	v13 =	vmul.f32 v13, v60;
	_ =	sdelay $0x1  }
0x478: {  	v12 =	vadd.f32 v13, v12;
	v13 =	vmul.f32 v14, v62;
	_ =	sdelay $0x1  }
0x479: {  	v12 =	vadd.f32 v13, v12;
	v13 =	vmul.f32 v15, v7;
	_ =	sdelay $0x1  }
0x47a: {  	v12 =	vadd.f32 v13, v12;
	_ =	sdelay $0x1  }
0x47b: {  	[tilespmem:v6+s2+$0x280 ss:$0x1] =	vst.idx.msk $0xffff, v12  }
0x47c: {  	v14 =	vld.idx.msk [tilespmem:v2+s2+$0x700 ss:$0x1], $0xffff  }
0x47d: {  	p1 =	sne.s32 s25, $0x140;
	v15 =	vld.idx.msk [tilespmem:v3+s2+$0x700 ss:$0x1], $0xffff  }
.Ltmp20:
0x47e: {  	_ = 	snop;
	(pc) =	sbr.rel @p1 .LBB2_32-.Ltmp20, $3  }
0x47f: {  	_ =	sdelay $0x1  }
0x480: {  	v12 =	vld.idx.msk [tilespmem:v4+s2+$0x700 ss:$0x1], $0xffff  }
0x481: {  	s25 =	sadd.s32 $0x40, s25;
	v13 =	vld.idx.msk [tilespmem:v5+s2+$0x700 ss:$0x1], $0xffff;
	v14 =	vmul.f32 v14, v8;
	v15 =	vmul.f32 v15, v11  }
0x482: {  	_ =	sdelay $0x2  }
0x483: {  	v7 =	vadd.f32 v15, v14;
	v8 =	vmul.f32 v12, v9;
	_ =	sdelay $0x1  }
0x484: {  	v62 =	vmul.f32 v13, v10;
	v7 =	vadd.f32 v8, v7;
	_ =	sdelay $0x1  }
0x485: {  	v7 =	vadd.f32 v62, v7;
	_ =	sdelay $0x1  }
0x486: {  	[tilespmem:v6+s2+$0x300 ss:$0x1] =	vst.idx.msk $0xffff, v7  }
0x487: {  	v3 =	vld.idx.msk [tilespmem:v3+s2+$0x780 ss:$0x1], $0xffff  }
0x488: {  	v2 =	vld.idx.msk [tilespmem:v2+s2+$0x780 ss:$0x1], $0xffff;
	_ =	sdelay $0x1  }
0x489: {  	v4 =	vld.idx.msk [tilespmem:v4+s2+$0x780 ss:$0x1], $0xffff;
	_ =	sdelay $0x1  }
0x48a: {  	v5 =	vld.idx.msk [tilespmem:v5+s2+$0x780 ss:$0x1], $0xffff  }
0x48b: {  	v0 =	vmul.f32 v3, v0;
	v2 =	vmul.f32 v2, v61;
	_ =	sdelay $0x1  }
0x48c: {  	v1 =	vmul.f32 v4, v1;
	v0 =	vadd.f32 v0, v2;
	_ =	sdelay $0x1  }
.Ltmp21:
0x48d: {  	v63 =	vmul.f32 v5, v63;
	v0 =	vadd.f32 v1, v0;
	(pc) =	sbr.rel @p0 .LBB2_31-.Ltmp21, $3  }
0x48e: {  	_ = 	snop  }
0x48f: {  	v0 =	vadd.f32 v63, v0;
	_ =	sdelay $0x1  }
0x490: {  	p1 =	por $0x0, $0x0;
	[tilespmem:v6+s2+$0x380 ss:$0x1] =	vst.idx.msk $0xffff, v0;
	s2 =	simm.s32 $0x1  }
0x491: {  	s2 =	smulhi.u32 $0x24924925, s11;
	_ =	sdelay $0x1  }
0x492: {  	s25 =	ssub.s32 s11, s2  }
0x493: {  	s25 =	sshrl.u32 s25, $0x1  }
0x494: {  	s2 =	sadd.s32 s2, s25  }
0x495: {  	s2 =	sshrl.u32 s2, $0x2  }
0x496: {  	s28 =	smul.u32 $0x7, s2;
	_ =	sdelay $0x1  }
0x497: {  	s2 =	sadd.s32 s2, s9;
	s29 =	ssub.s32 s11, s28  }
0x498: {  	s2 =	smul.u32 $0x7000, s2;
	s11 =	sshll.u32 s29, $0xC  }
0x499: {  	s11 =	sor.u32 s10, s11  }
0x49a: {  	s2 =	sadd.s32 s2, s11  }
0x49b: {  	s2 =	sshrl.u32 s2, $0x3  }
.Ltmp22:
0x49c: {  	s2 =	sadd.s32 s5, s2;
	(pc) =	sbr.rel .LBB2_35-.Ltmp22, $4  }
0x49d: {  	[hbm4b:s2+s3] =	stream.linear.scatter [tilespmem:s14], [sflag:$0x3], $0x1000, $0x38;
	[tilespmem:$0xAB00] =	vst v63  }
0x49e: {  	_ =	swait.ge [sflag:s12], $0x1000  }
0x49f: {  	[sflag:s12] =	ssyncset.done $0x0  }
0x4a0: {  	[sflag:s12] =	ssyncadd.s32 $0xFFFFF000  }
.LBB2_38:
0x4a1: {  	_ =	sfence.sel $0x180000  }
0x4a2: {  	[bflag:$0x0] =	sbarrier.arrive $0xFFFF  }
0x4a3: {  	_ =	strace $0x90000047  }
0x4a4: {  	s0 =	stileid.u32;
	[bflag:$0x2] =	sbarrier.arrive $0xFFFF  }
0x4a5: {  	p0 =	sne.s32 s0, $0x0;
	s0 =	rddreg [dreg:$0x2]  }
0x4a6: {  	s0 =	sadd.s32 @!p0 $0x100000, s0  }
0x4a7: {  	[sflag:s0] =	ssyncadd.tile.s32 @!p0 $0x1;
	_ =	shalt  }
.Lfunc_end2:
_tile_overlayer_lowered:
.L_overlay_start_2:
0x4a8: {  	(tag) =	ssettag $0x2  }
0x4a9: {  	s0 =	rddreg [dreg:$0x0];
	s2 =	stileid.u32  }
0x4aa: {  	s1 =	rddreg [dreg:$0x1];
	p0 =	sne.s32 s2, $0x0  }
0x4ab: {  	s3 =	rddreg [dreg:$0x2];
	[bflag:$0x3] =	sbarrier.arrive $0xFFFF;
	s2 =	simm.s32 @!p0 $0x1C03  }
0x4ac: {  	[timem:s3], [sflag:s2] =	dma.local @!p0 [hbm:s0], s1  }
0x4ad: {  	s0 =	simm.s32 @!p0 $0x3  }
0x4ae: {  	_ =	swait.ge @!p0 [sflag:s0], s1  }
0x4af: {  	s1 =	ssub.s32 @!p0 $0x0, s1;
	[sflag:s0] =	ssyncset.done @!p0 $0x0  }
0x4b0: {  	[sflag:s0] =	ssyncadd.s32 @!p0 s1  }
0x4b1: {  	[bflag:$0x3] =	sbarrier.arrive $0xFFFF  }
0x4b2: {  	_ =	shalt  }

</sc_bundles>
